<compile_context>
chip_gen: v7x
topology: tpu7x:2x2x1
jax: 0.10.2.dev20260603
libtpu: 0.0.44.dev20260713+nightly
codegen_flags: <defaults>
</compile_context>

<pallas_src>
import functools

import jax
import jax.numpy as jnp
from jax import lax
from jax.experimental import pallas as pl
from jax.experimental.pallas import tpu as pltpu
from jax.experimental.pallas import tpu_sc as plsc

NC = 2
NS = 16
NW = NC * NS
LANES = 16
GRID_R = 64


@functools.partial(jax.jit, static_argnums=(9, 10, 11))
def _sc_loss(e0, e1, refx, refy, refz, gridf, vxh, vyh, vzh, N, C, CV):
    E = e0.shape[0]
    EPT = E // NW
    NCH = EPT // C
    NPAIR = (NCH - 1) // 2
    NP = CV * NW
    RPT = NP // NS
    BLK = 224
    assert RPT % BLK == 0
    NBLK = RPT // BLK

    mesh = plsc.VectorSubcoreMesh(
        core_axis_name="c", subcore_axis_name="s",
        num_cores=NC, num_subcores=NS)

    W = 8

    def edge_set():
        return (
            [pltpu.VMEM((C,), jnp.int32) for _ in range(2)]
            + [pltpu.VMEM((C, W), jnp.float32) for _ in range(2)]
            + [pltpu.VMEM((C,), jnp.float32) for _ in range(3)]
        )

    scratch = edge_set() + edge_set()
    scratch += [pltpu.VMEM((BLK,), jnp.float32) for _ in range(6)]
    scratch += [pltpu.VMEM((BLK, W), jnp.float32) for _ in range(2)]
    H = CV // 2
    Q = CV // 4
    scratch += [pltpu.VMEM((H,), jnp.float32) for _ in range(6)]
    scratch += [pltpu.VMEM((Q,), jnp.int32) for _ in range(8)]
    scratch += [pltpu.VMEM((Q,), jnp.float32) for _ in range(8)]
    scratch += [
        pltpu.VMEM((LANES,), jnp.float32),
        pltpu.SemaphoreType.DMA,
        pltpu.SemaphoreType.DMA,
        pltpu.SemaphoreType.DMA,
        pltpu.SemaphoreType.DMA,
        pltpu.SemaphoreType.DMA,
    ]

    @functools.partial(
        pl.kernel,
        out_type=(jax.ShapeDtypeStruct((NW, LANES), jnp.float32),
                  jax.ShapeDtypeStruct((NP, W), jnp.float32)),
        mesh=mesh,
        scratch_types=scratch,
        compiler_params=pltpu.CompilerParams(
            needs_layout_passes=False, use_tc_tiling_on_sc=False),
    )
    def k(e0_h, e1_h, rx_h, ry_h, rz_h, gridf_h, vx_h, vy_h, vz_h,
          out_h, tab_h, *scr):
        bufA = scr[0:7]
        bufB = scr[7:14]
        bsets = (scr[14:17], scr[17:20])
        stags = scr[20:22]
        vh = scr[22:28]
        cidx = scr[28:36]
        cval = scr[36:44]
        acc_v = scr[44]
        semG, semI, semC, semB, semB2 = scr[45:50]

        sid = lax.axis_index("s")
        wid = sid * NC + lax.axis_index("c")
        iot = lax.iota(jnp.int32, LANES)
        colx = iot * 0
        coly = colx + 1
        colz = colx + 2
        eb = wid * EPT

        eb = wid * EPT
        vb = wid * CV
        pltpu.async_copy(e0_h.at[pl.ds(eb, C)], bufA[0], semI)
        pltpu.async_copy(e1_h.at[pl.ds(eb, C)], bufA[1], semI)
        cvl = [
            pltpu.async_copy(vx_h.at[pl.ds(vb, H)], vh[0], semC),
            pltpu.async_copy(vy_h.at[pl.ds(vb, H)], vh[1], semC),
            pltpu.async_copy(vz_h.at[pl.ds(vb, H)], vh[2], semC),
            pltpu.async_copy(vx_h.at[pl.ds(vb + H, H)], vh[3], semC),
            pltpu.async_copy(vy_h.at[pl.ds(vb + H, H)], vh[4], semC),
            pltpu.async_copy(vz_h.at[pl.ds(vb + H, H)], vh[5], semC),
        ]

        tbase = sid * RPT

        def bfire_loads(p, b):
            rb = tbase + b * BLK
            pltpu.async_copy(vx_h.at[pl.ds(rb, BLK)], bsets[p][0], semB)
            pltpu.async_copy(vy_h.at[pl.ds(rb, BLK)], bsets[p][1], semB)
            pltpu.async_copy(vz_h.at[pl.ds(rb, BLK)], bsets[p][2], semB)

        def bwait_loads(p):
            for r in range(3):
                pltpu.make_async_copy(
                    vx_h.at[pl.ds(0, BLK)], bsets[p][r], semB).wait()

        bfire_loads(0, 0)
        bfire_loads(1, 1)

        def build_pair(j, carry):
            for p in range(2):
                b = 2 * j + p
                bvx, bvy, bvz = bsets[p]
                stag = stags[p]
                bwait_loads(p)

                @pl.when(j > 0)
                def _():
                    pltpu.make_async_copy(
                        stag, tab_h.at[pl.ds(tbase, BLK)], semB2).wait()

                def grp(g, c):
                    sl = pl.ds(g * LANES, LANES)
                    srow = g * LANES + iot
                    plsc.store_scatter(stag, [srow, colx], bvx[sl])
                    plsc.store_scatter(stag, [srow, coly], bvy[sl])
                    plsc.store_scatter(stag, [srow, colz], bvz[sl])
                    return c

                lax.fori_loop(0, BLK // LANES, grp, 0)
                pltpu.async_copy(stag, tab_h.at[pl.ds(tbase + b * BLK, BLK)],
                                 semB2)

                @pl.when(b + 2 < NBLK)
                def _():
                    bfire_loads(p, b + 2)
            return carry

        assert NBLK % 2 == 0
        lax.fori_loop(0, NBLK // 2, build_pair, 0)
        for p in range(2):
            pltpu.make_async_copy(
                stags[p], tab_h.at[pl.ds(tbase, BLK)], semB2).wait()
        plsc.subcore_barrier()

        def fire_idx(buf, base):
            pltpu.async_copy(e0_h.at[pl.ds(base, C)], buf[0], semI)
            pltpu.async_copy(e1_h.at[pl.ds(base, C)], buf[1], semI)

        def wait_idx(buf):
            pltpu.make_async_copy(e0_h.at[pl.ds(0, C)], buf[0], semI).wait()
            pltpu.make_async_copy(e1_h.at[pl.ds(0, C)], buf[1], semI).wait()

        def fire_gathers(buf, base):
            pltpu.async_copy(tab_h.at[buf[0]], buf[2], semG)
            pltpu.async_copy(tab_h.at[buf[1]], buf[3], semG)
            sl = pl.ds(base, C)
            pltpu.async_copy(rx_h.at[sl], buf[4], semG)
            pltpu.async_copy(ry_h.at[sl], buf[5], semG)
            pltpu.async_copy(rz_h.at[sl], buf[6], semG)

        def wait_gathers(buf):
            for j in (2, 3):
                pltpu.make_async_copy(tab_h.at[buf[0]], buf[j], semG).wait()
            for j in (4, 5, 6):
                pltpu.make_async_copy(rx_h.at[pl.ds(0, C)], buf[j], semG).wait()

        def compute(buf, acc):
            r0, r1 = buf[2], buf[3]

            def grp(g, a):
                s = pl.ds(g * LANES, LANES)
                row = g * LANES + iot
                dx = (plsc.load_gather(r0, [row, colx])
                      - plsc.load_gather(r1, [row, colx]) - buf[4][s])
                dy = (plsc.load_gather(r0, [row, coly])
                      - plsc.load_gather(r1, [row, coly]) - buf[5][s])
                dz = (plsc.load_gather(r0, [row, colz])
                      - plsc.load_gather(r1, [row, colz]) - buf[6][s])
                return a + (dx * dx + dy * dy + dz * dz)

            return lax.fori_loop(0, C // LANES, grp, acc)

        for cp in cvl:
            cp.wait()

        def prep(p):
            u = jnp.minimum(
                jnp.maximum((p + 1.0) * 0.5 * float(GRID_R - 1), 0.0),
                float(GRID_R - 1) - 1e-4)
            i0 = u.astype(jnp.int32)
            return i0, u - i0.astype(jnp.float32)

        def vprep(half, qp, g, carry):
            sl = pl.ds(g * LANES, LANES)
            src = pl.ds(qp * Q + g * LANES, LANES)
            x0, fx = prep(vh[3 * half + 0][src])
            y0, fy = prep(vh[3 * half + 1][src])
            z0, fz = prep(vh[3 * half + 2][src])
            b = x0 * (GRID_R * GRID_R) + y0 * GRID_R + z0
            cidx[0][sl] = b
            cidx[1][sl] = b + 1
            cidx[2][sl] = b + GRID_R
            cidx[3][sl] = b + GRID_R + 1
            cidx[4][sl] = b + GRID_R * GRID_R
            cidx[5][sl] = b + GRID_R * GRID_R + 1
            cidx[6][sl] = b + GRID_R * GRID_R + GRID_R
            cidx[7][sl] = b + GRID_R * GRID_R + GRID_R + 1
            return carry

        def fire_corners(half, qp):
            lax.fori_loop(0, Q // LANES, functools.partial(vprep, half, qp), 0)
            for j in range(8):
                pltpu.async_copy(gridf_h.at[cidx[j]], cval[j], semC)

        fire_corners(0, 0)

        wait_idx(bufA)
        fire_gathers(bufA, eb)
        wait_gathers(bufA)
        acc = compute(bufA, jnp.zeros((LANES,), jnp.float32))
        if NCH > 1:
            fire_idx(bufA, eb + C)
            wait_idx(bufA)
            fire_gathers(bufA, eb + C)

        def pair(j, acc):
            baseA = eb + (2 * j + 1) * C
            baseB = baseA + C
            fire_idx(bufB, baseB)
            wait_idx(bufB)
            fire_gathers(bufB, baseB)
            wait_gathers(bufA)
            acc = compute(bufA, acc)

            @pl.when(j + 1 < NPAIR)
            def _():
                fire_idx(bufA, baseB + C)
                wait_idx(bufA)
                fire_gathers(bufA, baseB + C)

            wait_gathers(bufB)
            return compute(bufB, acc)

        acc = lax.fori_loop(0, NPAIR, pair, acc)

        def vgrp(half, qp, g, a):
            sl = pl.ds(g * LANES, LANES)
            src = pl.ds(qp * Q + g * LANES, LANES)
            _, fx = prep(vh[3 * half + 0][src])
            _, fy = prep(vh[3 * half + 1][src])
            _, fz = prep(vh[3 * half + 2][src])
            c00 = cval[0][sl] * (1 - fx) + cval[4][sl] * fx
            c10 = cval[2][sl] * (1 - fx) + cval[6][sl] * fx
            c01 = cval[1][sl] * (1 - fx) + cval[5][sl] * fx
            c11 = cval[3][sl] * (1 - fx) + cval[7][sl] * fx
            c0 = c00 * (1 - fy) + c10 * fy
            c1 = c01 * (1 - fy) + c11 * fy
            d = c0 * (1 - fz) + c1 * fz
            vid = vb + half * H + qp * Q + g * LANES + iot
            dm = jnp.where(vid < N, d, 0.0)
            return a + dm * dm

        def drain_corners(half, qp, a):
            for j in range(8):
                pltpu.make_async_copy(gridf_h.at[cidx[j]], cval[j], semC).wait()
            return lax.fori_loop(0, Q // LANES,
                                 functools.partial(vgrp, half, qp), a)

        acc = drain_corners(0, 0, acc)
        for half, qp in ((0, 1), (1, 0), (1, 1)):
            fire_corners(half, qp)
            acc = drain_corners(half, qp, acc)

        acc_v[...] = acc
        pltpu.sync_copy(acc_v, out_h.at[wid])

    return k(e0, e1, refx, refy, refz, gridf, vxh, vyh, vzh)[0]


def kernel(src_V, src_E, dist_grid, ref_edge_vec):
    N = src_V.shape[0]
    E = src_E.shape[0]
    assert E % NW == 0
    ept = E // NW
    C = 16
    for cand in range(16, 2049, 16):
        if ept % cand == 0 and (ept // cand) % 2 == 1:
            C = cand
    align = LANES * NW
    NP = ((N + align - 1) // align) * align
    CV = NP // NW

    e0 = src_E[:, 0]
    e1 = src_E[:, 1]
    refx = ref_edge_vec[:, 0]
    refy = ref_edge_vec[:, 1]
    refz = ref_edge_vec[:, 2]
    gridf = dist_grid.reshape(-1)
    pad = NP - N
    vx = jnp.pad(src_V[:, 0], (0, pad))
    vy = jnp.pad(src_V[:, 1], (0, pad))
    vz = jnp.pad(src_V[:, 2], (0, pad))

    out = _sc_loss(e0, e1, refx, refy, refz, gridf, vx, vy, vz, N, C, CV)
    return 0.5 * jnp.sum(out)

# --- scband reference (transcript-rebuilt; emitter-appended) ---
"""Pipeline reference for scband-graph-deform-layer-68831145886213 (READ-ONLY COPY).

The authoritative reference and input builder live on the scoring server;
editing this copy changes nothing except your own understanding.
"""

import jax, jax.numpy as jnp
import numpy as np

R = 64  # distance-field grid resolution (from pyDeform.InitializeDeformTemplate(tar_V, tar_F, 0, 64))


def _trilinear(grid, pts):
    # grid: [R, R, R] scalar distance field over [-1, 1]^3; pts: [N, 3]
    Rm1 = R - 1
    u = jnp.clip((pts + 1.0) * 0.5 * Rm1, 0.0, Rm1 - 1e-4)
    i0 = jnp.floor(u).astype(jnp.int32)
    f = u - i0.astype(jnp.float32)
    i1 = i0 + 1
    g = grid.reshape(-1)

    def gat(ix, iy, iz):
        return jnp.take(g, ix * (R * R) + iy * R + iz)

    x0, y0, z0 = i0[:, 0], i0[:, 1], i0[:, 2]
    x1, y1, z1 = i1[:, 0], i1[:, 1], i1[:, 2]
    fx, fy, fz = f[:, 0], f[:, 1], f[:, 2]
    c00 = gat(x0, y0, z0) * (1 - fx) + gat(x1, y0, z0) * fx
    c10 = gat(x0, y1, z0) * (1 - fx) + gat(x1, y1, z0) * fx
    c01 = gat(x0, y0, z1) * (1 - fx) + gat(x1, y0, z1) * fx
    c11 = gat(x0, y1, z1) * (1 - fx) + gat(x1, y1, z1) * fx
    c0 = c00 * (1 - fy) + c10 * fy
    c1 = c01 * (1 - fy) + c11 * fy
    return c0 * (1 - fz) + c1 * fz


def setup_inputs(seed: int = 0) -> dict:
    key = jax.random.key(seed)
    k1, k2, k3 = jax.random.split(key, 3)
    N = 100000
    E = 1600000
    src_V = jax.random.normal(k1, (N, 3), dtype=jnp.float32)
    src_E = jax.random.randint(k2, (E, 2), 0, N, dtype=jnp.int32)
    # dist_grid stands in for the target-mesh distance field built by
    # pyDeform.InitializeDeformTemplate(tar_V, tar_F, 0, 64): analytic unit-sphere
    # unsigned distance field sampled on a 64^3 grid over [-1, 1]^3.
    lin = jnp.linspace(-1.0, 1.0, R)
    gx, gy, gz = jnp.meshgrid(lin, lin, lin, indexing='ij')
    dist_grid = jnp.abs(jnp.sqrt(gx * gx + gy * gy + gz * gz) - 0.5).astype(jnp.float32)
    # ref_edge_vec stands in for pyDeform.StoreGraphInformation(src_V, src_E):
    # reference (rest-state) edge vectors of the deformation graph.
    ref_V = src_V + 0.1 * jax.random.normal(k3, (N, 3), dtype=jnp.float32)
    ref_edge_vec = ref_V[src_E[:, 0]] - ref_V[src_E[:, 1]]
    return {"src_V": src_V, "src_E": src_E, "dist_grid": dist_grid, "ref_edge_vec": ref_edge_vec}


def reference(src_V, src_E, dist_grid, ref_edge_vec):
    # lossD = pyDeform.DistanceFieldLoss_forward(src_V) * 0.5
    d = _trilinear(dist_grid, src_V)
    lossD = 0.5 * d * d
    # lossR = pyDeform.GraphEdgeLoss_forward(src_V, src_E) * 0.5
    ev = src_V[src_E[:, 0]] - src_V[src_E[:, 1]]
    diff = ev - ref_edge_vec
    lossR = 0.5 * jnp.sum(diff * diff, axis=-1)
    return lossD.sum() + lossR.sum()

if __name__ == "__main__":
    import jax
    _d = setup_inputs()
    print(jax.jit(kernel)(*tuple(_d.values())))

</pallas_src>

<mosaic_0001>
#map = affine_map<(d0, d1) -> (0)>
#map1 = affine_map<(d0, d1) -> (0, 0)>
module attributes {stable_mosaic.version = 14 : i64} {
  func.func @k(%arg0: i32, %arg1: i32, %arg2: memref<1600000xi32, #tpu.memory_space<hbm>>, %arg3: memref<1600000xi32, #tpu.memory_space<hbm>>, %arg4: memref<1600000xf32, #tpu.memory_space<hbm>>, %arg5: memref<1600000xf32, #tpu.memory_space<hbm>>, %arg6: memref<1600000xf32, #tpu.memory_space<hbm>>, %arg7: memref<262144xf32, #tpu.memory_space<hbm>>, %arg8: memref<100352xf32, #tpu.memory_space<hbm>>, %arg9: memref<100352xf32, #tpu.memory_space<hbm>>, %arg10: memref<100352xf32, #tpu.memory_space<hbm>>, %arg11: memref<32x16xf32, #tpu.memory_space<hbm>>, %arg12: memref<100352x8xf32, #tpu.memory_space<hbm>>, %arg13: memref<2000xi32, #tpu.memory_space<vmem>>, %arg14: memref<2000xi32, #tpu.memory_space<vmem>>, %arg15: memref<2000x8xf32, #tpu.memory_space<vmem>>, %arg16: memref<2000x8xf32, #tpu.memory_space<vmem>>, %arg17: memref<2000xf32, #tpu.memory_space<vmem>>, %arg18: memref<2000xf32, #tpu.memory_space<vmem>>, %arg19: memref<2000xf32, #tpu.memory_space<vmem>>, %arg20: memref<2000xi32, #tpu.memory_space<vmem>>, %arg21: memref<2000xi32, #tpu.memory_space<vmem>>, %arg22: memref<2000x8xf32, #tpu.memory_space<vmem>>, %arg23: memref<2000x8xf32, #tpu.memory_space<vmem>>, %arg24: memref<2000xf32, #tpu.memory_space<vmem>>, %arg25: memref<2000xf32, #tpu.memory_space<vmem>>, %arg26: memref<2000xf32, #tpu.memory_space<vmem>>, %arg27: memref<224xf32, #tpu.memory_space<vmem>>, %arg28: memref<224xf32, #tpu.memory_space<vmem>>, %arg29: memref<224xf32, #tpu.memory_space<vmem>>, %arg30: memref<224xf32, #tpu.memory_space<vmem>>, %arg31: memref<224xf32, #tpu.memory_space<vmem>>, %arg32: memref<224xf32, #tpu.memory_space<vmem>>, %arg33: memref<224x8xf32, #tpu.memory_space<vmem>>, %arg34: memref<224x8xf32, #tpu.memory_space<vmem>>, %arg35: memref<1568xf32, #tpu.memory_space<vmem>>, %arg36: memref<1568xf32, #tpu.memory_space<vmem>>, %arg37: memref<1568xf32, #tpu.memory_space<vmem>>, %arg38: memref<1568xf32, #tpu.memory_space<vmem>>, %arg39: memref<1568xf32, #tpu.memory_space<vmem>>, %arg40: memref<1568xf32, #tpu.memory_space<vmem>>, %arg41: memref<784xi32, #tpu.memory_space<vmem>>, %arg42: memref<784xi32, #tpu.memory_space<vmem>>, %arg43: memref<784xi32, #tpu.memory_space<vmem>>, %arg44: memref<784xi32, #tpu.memory_space<vmem>>, %arg45: memref<784xi32, #tpu.memory_space<vmem>>, %arg46: memref<784xi32, #tpu.memory_space<vmem>>, %arg47: memref<784xi32, #tpu.memory_space<vmem>>, %arg48: memref<784xi32, #tpu.memory_space<vmem>>, %arg49: memref<784xf32, #tpu.memory_space<vmem>>, %arg50: memref<784xf32, #tpu.memory_space<vmem>>, %arg51: memref<784xf32, #tpu.memory_space<vmem>>, %arg52: memref<784xf32, #tpu.memory_space<vmem>>, %arg53: memref<784xf32, #tpu.memory_space<vmem>>, %arg54: memref<784xf32, #tpu.memory_space<vmem>>, %arg55: memref<784xf32, #tpu.memory_space<vmem>>, %arg56: memref<784xf32, #tpu.memory_space<vmem>>, %arg57: memref<16xf32, #tpu.memory_space<vmem>>, %arg58: memref<!tpu.dma_semaphore, #tpu.memory_space<semaphore_mem>>, %arg59: memref<!tpu.dma_semaphore, #tpu.memory_space<semaphore_mem>>, %arg60: memref<!tpu.dma_semaphore, #tpu.memory_space<semaphore_mem>>, %arg61: memref<!tpu.dma_semaphore, #tpu.memory_space<semaphore_mem>>, %arg62: memref<!tpu.dma_semaphore, #tpu.memory_space<semaphore_mem>>) attributes {dimension_semantics = [#tpu.dimension_semantics<core_parallel>, #tpu.dimension_semantics<subcore_parallel>], iteration_bounds = array<i64: 2, 16>, scalar_prefetch = 0 : i64, scratch_operands = 50 : i64, tpu.core_type = #tpu.core_type<sc_vector_subcore>, window_params = [{transform_indices = #map}, {transform_indices = #map}, {transform_indices = #map}, {transform_indices = #map}, {transform_indices = #map}, {transform_indices = #map}, {transform_indices = #map}, {transform_indices = #map}, {transform_indices = #map}, {transform_indices = #map1}, {transform_indices = #map1}]} {
    %mul3A = arith.constant 2 : i32
    %mul3A_0 = arith.muli %arg1, %mul3A : i32
    %add3A = arith.addi %mul3A_0, %arg0 : i32
    %iota3A = tpu.iota {dimensions = array<i32: 0>} : vector<16xi32>
    %mul3A_1 = arith.constant 0 : i32
    %mul3A_2 = vector.broadcast %mul3A_1 : i32 to vector<16xi32>
    %mul3A_3 = arith.muli %iota3A, %mul3A_2 : vector<16xi32>
    %add3A_4 = arith.constant 1 : i32
    %add3A_5 = vector.broadcast %add3A_4 : i32 to vector<16xi32>
    %add3A_6 = arith.addi %mul3A_3, %add3A_5 : vector<16xi32>
    %add3A_7 = arith.constant 2 : i32
    %add3A_8 = vector.broadcast %add3A_7 : i32 to vector<16xi32>
    %add3A_9 = arith.addi %mul3A_3, %add3A_8 : vector<16xi32>
    %mul3A_10 = arith.constant 50000 : i32
    %mul3A_11 = arith.muli %add3A, %mul3A_10 : i32
    %mul3A_12 = arith.constant 50000 : i32
    %mul3A_13 = arith.muli %add3A, %mul3A_12 : i32
    %mul3A_14 = arith.constant 3136 : i32
    %mul3A_15 = arith.muli %add3A, %mul3A_14 : i32
    %dma_start3A = tpu.memref_slice %arg2[%mul3A_13] : memref<1600000xi32, #tpu.memory_space<hbm>> -> memref<2000xi32, #tpu.memory_space<hbm>>
    %dma_start3A_16 = tpu.memref_slice %arg2[%mul3A_13] : memref<1600000xi32, #tpu.memory_space<hbm>> -> memref<2000xi32, #tpu.memory_space<hbm>>
    tpu.enqueue_dma source(%dma_start3A_16 : memref<2000xi32, #tpu.memory_space<hbm>>) target(%arg13 : memref<2000xi32, #tpu.memory_space<vmem>>) target_semaphore(%arg59 : memref<!tpu.dma_semaphore, #tpu.memory_space<semaphore_mem>>)
    %dma_start3A_17 = tpu.memref_slice %arg3[%mul3A_13] : memref<1600000xi32, #tpu.memory_space<hbm>> -> memref<2000xi32, #tpu.memory_space<hbm>>
    %dma_start3A_18 = tpu.memref_slice %arg3[%mul3A_13] : memref<1600000xi32, #tpu.memory_space<hbm>> -> memref<2000xi32, #tpu.memory_space<hbm>>
    tpu.enqueue_dma source(%dma_start3A_18 : memref<2000xi32, #tpu.memory_space<hbm>>) target(%arg14 : memref<2000xi32, #tpu.memory_space<vmem>>) target_semaphore(%arg59 : memref<!tpu.dma_semaphore, #tpu.memory_space<semaphore_mem>>)
    %dma_start3A_19 = tpu.memref_slice %arg8[%mul3A_15] : memref<100352xf32, #tpu.memory_space<hbm>> -> memref<1568xf32, #tpu.memory_space<hbm>>
    %dma_start3A_20 = tpu.memref_slice %arg8[%mul3A_15] : memref<100352xf32, #tpu.memory_space<hbm>> -> memref<1568xf32, #tpu.memory_space<hbm>>
    tpu.enqueue_dma source(%dma_start3A_20 : memref<1568xf32, #tpu.memory_space<hbm>>) target(%arg35 : memref<1568xf32, #tpu.memory_space<vmem>>) target_semaphore(%arg60 : memref<!tpu.dma_semaphore, #tpu.memory_space<semaphore_mem>>)
    %dma_start3A_21 = tpu.memref_slice %arg9[%mul3A_15] : memref<100352xf32, #tpu.memory_space<hbm>> -> memref<1568xf32, #tpu.memory_space<hbm>>
    %dma_start3A_22 = tpu.memref_slice %arg9[%mul3A_15] : memref<100352xf32, #tpu.memory_space<hbm>> -> memref<1568xf32, #tpu.memory_space<hbm>>
    tpu.enqueue_dma source(%dma_start3A_22 : memref<1568xf32, #tpu.memory_space<hbm>>) target(%arg36 : memref<1568xf32, #tpu.memory_space<vmem>>) target_semaphore(%arg60 : memref<!tpu.dma_semaphore, #tpu.memory_space<semaphore_mem>>)
    %dma_start3A_23 = tpu.memref_slice %arg10[%mul3A_15] : memref<100352xf32, #tpu.memory_space<hbm>> -> memref<1568xf32, #tpu.memory_space<hbm>>
    %dma_start3A_24 = tpu.memref_slice %arg10[%mul3A_15] : memref<100352xf32, #tpu.memory_space<hbm>> -> memref<1568xf32, #tpu.memory_space<hbm>>
    tpu.enqueue_dma source(%dma_start3A_24 : memref<1568xf32, #tpu.memory_space<hbm>>) target(%arg37 : memref<1568xf32, #tpu.memory_space<vmem>>) target_semaphore(%arg60 : memref<!tpu.dma_semaphore, #tpu.memory_space<semaphore_mem>>)
    %add3A_25 = arith.constant 1568 : i32
    %add3A_26 = arith.addi %mul3A_15, %add3A_25 : i32
    %dma_start3A_27 = tpu.memref_slice %arg8[%add3A_26] : memref<100352xf32, #tpu.memory_space<hbm>> -> memref<1568xf32, #tpu.memory_space<hbm>>
    %dma_start3A_28 = tpu.memref_slice %arg8[%add3A_26] : memref<100352xf32, #tpu.memory_space<hbm>> -> memref<1568xf32, #tpu.memory_space<hbm>>
    tpu.enqueue_dma source(%dma_start3A_28 : memref<1568xf32, #tpu.memory_space<hbm>>) target(%arg38 : memref<1568xf32, #tpu.memory_space<vmem>>) target_semaphore(%arg60 : memref<!tpu.dma_semaphore, #tpu.memory_space<semaphore_mem>>)
    %add3A_29 = arith.constant 1568 : i32
    %add3A_30 = arith.addi %mul3A_15, %add3A_29 : i32
    %dma_start3A_31 = tpu.memref_slice %arg9[%add3A_30] : memref<100352xf32, #tpu.memory_space<hbm>> -> memref<1568xf32, #tpu.memory_space<hbm>>
    %dma_start3A_32 = tpu.memref_slice %arg9[%add3A_30] : memref<100352xf32, #tpu.memory_space<hbm>> -> memref<1568xf32, #tpu.memory_space<hbm>>
    tpu.enqueue_dma source(%dma_start3A_32 : memref<1568xf32, #tpu.memory_space<hbm>>) target(%arg39 : memref<1568xf32, #tpu.memory_space<vmem>>) target_semaphore(%arg60 : memref<!tpu.dma_semaphore, #tpu.memory_space<semaphore_mem>>)
    %add3A_33 = arith.constant 1568 : i32
    %add3A_34 = arith.addi %mul3A_15, %add3A_33 : i32
    %dma_start3A_35 = tpu.memref_slice %arg10[%add3A_34] : memref<100352xf32, #tpu.memory_space<hbm>> -> memref<1568xf32, #tpu.memory_space<hbm>>
    %dma_start3A_36 = tpu.memref_slice %arg10[%add3A_34] : memref<100352xf32, #tpu.memory_space<hbm>> -> memref<1568xf32, #tpu.memory_space<hbm>>
    tpu.enqueue_dma source(%dma_start3A_36 : memref<1568xf32, #tpu.memory_space<hbm>>) target(%arg40 : memref<1568xf32, #tpu.memory_space<vmem>>) target_semaphore(%arg60 : memref<!tpu.dma_semaphore, #tpu.memory_space<semaphore_mem>>)
    %mul3A_37 = arith.constant 6272 : i32
    %mul3A_38 = arith.muli %arg1, %mul3A_37 : i32
    %add3A_39 = arith.constant 0 : i32
    %add3A_40 = arith.addi %mul3A_38, %add3A_39 : i32
    %dma_start3A_41 = tpu.memref_slice %arg8[%add3A_40] : memref<100352xf32, #tpu.memory_space<hbm>> -> memref<224xf32, #tpu.memory_space<hbm>>
    %dma_start3A_42 = tpu.memref_slice %arg8[%add3A_40] : memref<100352xf32, #tpu.memory_space<hbm>> -> memref<224xf32, #tpu.memory_space<hbm>>
    tpu.enqueue_dma source(%dma_start3A_42 : memref<224xf32, #tpu.memory_space<hbm>>) target(%arg27 : memref<224xf32, #tpu.memory_space<vmem>>) target_semaphore(%arg61 : memref<!tpu.dma_semaphore, #tpu.memory_space<semaphore_mem>>)
    %dma_start3A_43 = tpu.memref_slice %arg9[%add3A_40] : memref<100352xf32, #tpu.memory_space<hbm>> -> memref<224xf32, #tpu.memory_space<hbm>>
    %dma_start3A_44 = tpu.memref_slice %arg9[%add3A_40] : memref<100352xf32, #tpu.memory_space<hbm>> -> memref<224xf32, #tpu.memory_space<hbm>>
    tpu.enqueue_dma source(%dma_start3A_44 : memref<224xf32, #tpu.memory_space<hbm>>) target(%arg28 : memref<224xf32, #tpu.memory_space<vmem>>) target_semaphore(%arg61 : memref<!tpu.dma_semaphore, #tpu.memory_space<semaphore_mem>>)
    %dma_start3A_45 = tpu.memref_slice %arg10[%add3A_40] : memref<100352xf32, #tpu.memory_space<hbm>> -> memref<224xf32, #tpu.memory_space<hbm>>
    %dma_start3A_46 = tpu.memref_slice %arg10[%add3A_40] : memref<100352xf32, #tpu.memory_space<hbm>> -> memref<224xf32, #tpu.memory_space<hbm>>
    tpu.enqueue_dma source(%dma_start3A_46 : memref<224xf32, #tpu.memory_space<hbm>>) target(%arg29 : memref<224xf32, #tpu.memory_space<vmem>>) target_semaphore(%arg61 : memref<!tpu.dma_semaphore, #tpu.memory_space<semaphore_mem>>)
    %add3A_47 = arith.constant 224 : i32
    %add3A_48 = arith.addi %mul3A_38, %add3A_47 : i32
    %dma_start3A_49 = tpu.memref_slice %arg8[%add3A_48] : memref<100352xf32, #tpu.memory_space<hbm>> -> memref<224xf32, #tpu.memory_space<hbm>>
    %dma_start3A_50 = tpu.memref_slice %arg8[%add3A_48] : memref<100352xf32, #tpu.memory_space<hbm>> -> memref<224xf32, #tpu.memory_space<hbm>>
    tpu.enqueue_dma source(%dma_start3A_50 : memref<224xf32, #tpu.memory_space<hbm>>) target(%arg30 : memref<224xf32, #tpu.memory_space<vmem>>) target_semaphore(%arg61 : memref<!tpu.dma_semaphore, #tpu.memory_space<semaphore_mem>>)
    %dma_start3A_51 = tpu.memref_slice %arg9[%add3A_48] : memref<100352xf32, #tpu.memory_space<hbm>> -> memref<224xf32, #tpu.memory_space<hbm>>
    %dma_start3A_52 = tpu.memref_slice %arg9[%add3A_48] : memref<100352xf32, #tpu.memory_space<hbm>> -> memref<224xf32, #tpu.memory_space<hbm>>
    tpu.enqueue_dma source(%dma_start3A_52 : memref<224xf32, #tpu.memory_space<hbm>>) target(%arg31 : memref<224xf32, #tpu.memory_space<vmem>>) target_semaphore(%arg61 : memref<!tpu.dma_semaphore, #tpu.memory_space<semaphore_mem>>)
    %dma_start3A_53 = tpu.memref_slice %arg10[%add3A_48] : memref<100352xf32, #tpu.memory_space<hbm>> -> memref<224xf32, #tpu.memory_space<hbm>>
    %dma_start3A_54 = tpu.memref_slice %arg10[%add3A_48] : memref<100352xf32, #tpu.memory_space<hbm>> -> memref<224xf32, #tpu.memory_space<hbm>>
    tpu.enqueue_dma source(%dma_start3A_54 : memref<224xf32, #tpu.memory_space<hbm>>) target(%arg32 : memref<224xf32, #tpu.memory_space<vmem>>) target_semaphore(%arg61 : memref<!tpu.dma_semaphore, #tpu.memory_space<semaphore_mem>>)
    %scan3A = arith.constant 0 : i32
    %scan3A_55 = arith.constant 0 : i32
    %scan3A_56 = arith.constant 14 : i32
    %scan3A_57 = arith.addi %scan3A_55, %scan3A_56 : i32
    %scan3A_58 = arith.constant 1 : i32
    scf.for %scan3A_335 = %scan3A_55 to %scan3A_57 step %scan3A_58  : i32 {
      %mul3A_336 = arith.constant 2 : i32
      %mul3A_337 = arith.muli %mul3A_336, %scan3A_335 : i32
      %add3A_338 = arith.constant 0 : i32
      %add3A_339 = arith.addi %mul3A_337, %add3A_338 : i32
      %dma_wait3A_340 = arith.constant 0 : i32
      %dma_wait3A_341 = tpu.memref_slice %arg8[%dma_wait3A_340] : memref<100352xf32, #tpu.memory_space<hbm>> -> memref<224xf32, #tpu.memory_space<hbm>>
      %dma_wait3A_342 = arith.constant 0 : i32
      %dma_wait3A_343 = tpu.memref_slice %arg8[%dma_wait3A_342] : memref<100352xf32, #tpu.memory_space<hbm>> -> memref<224xf32, #tpu.memory_space<hbm>>
      tpu.wait_dma2 semaphore(%arg61 : memref<!tpu.dma_semaphore, #tpu.memory_space<semaphore_mem>>) src(%dma_wait3A_343 : memref<224xf32, #tpu.memory_space<hbm>>) dst(%arg27 : memref<224xf32, #tpu.memory_space<vmem>>)
      %dma_wait3A_344 = arith.constant 0 : i32
      %dma_wait3A_345 = tpu.memref_slice %arg8[%dma_wait3A_344] : memref<100352xf32, #tpu.memory_space<hbm>> -> memref<224xf32, #tpu.memory_space<hbm>>
      %dma_wait3A_346 = arith.constant 0 : i32
      %dma_wait3A_347 = tpu.memref_slice %arg8[%dma_wait3A_346] : memref<100352xf32, #tpu.memory_space<hbm>> -> memref<224xf32, #tpu.memory_space<hbm>>
      tpu.wait_dma2 semaphore(%arg61 : memref<!tpu.dma_semaphore, #tpu.memory_space<semaphore_mem>>) src(%dma_wait3A_347 : memref<224xf32, #tpu.memory_space<hbm>>) dst(%arg28 : memref<224xf32, #tpu.memory_space<vmem>>)
      %dma_wait3A_348 = arith.constant 0 : i32
      %dma_wait3A_349 = tpu.memref_slice %arg8[%dma_wait3A_348] : memref<100352xf32, #tpu.memory_space<hbm>> -> memref<224xf32, #tpu.memory_space<hbm>>
      %dma_wait3A_350 = arith.constant 0 : i32
      %dma_wait3A_351 = tpu.memref_slice %arg8[%dma_wait3A_350] : memref<100352xf32, #tpu.memory_space<hbm>> -> memref<224xf32, #tpu.memory_space<hbm>>
      tpu.wait_dma2 semaphore(%arg61 : memref<!tpu.dma_semaphore, #tpu.memory_space<semaphore_mem>>) src(%dma_wait3A_351 : memref<224xf32, #tpu.memory_space<hbm>>) dst(%arg29 : memref<224xf32, #tpu.memory_space<vmem>>)
      %gt3A = arith.constant 0 : i32
      %gt3A_352 = arith.cmpi sgt, %scan3A_335, %gt3A : i32
      %convert_element_type3A = arith.extui %gt3A_352 : i1 to i32
      %cond3A = arith.constant 0 : i32
      %cond3A_353 = arith.cmpi ne, %convert_element_type3A, %cond3A : i32
      scf.if %cond3A_353 {
        %dma_wait3A_414 = arith.constant 0 : i32
        %dma_wait3A_415 = tpu.memref_slice %arg12[%mul3A_38, %dma_wait3A_414] : memref<100352x8xf32, #tpu.memory_space<hbm>> -> memref<224x8xf32, #tpu.memory_space<hbm>>
        %dma_wait3A_416 = arith.constant 0 : i32
        %dma_wait3A_417 = tpu.memref_slice %arg12[%mul3A_38, %dma_wait3A_416] : memref<100352x8xf32, #tpu.memory_space<hbm>> -> memref<224x8xf32, #tpu.memory_space<hbm>>
        tpu.wait_dma2 semaphore(%arg62 : memref<!tpu.dma_semaphore, #tpu.memory_space<semaphore_mem>>) src(%arg33 : memref<224x8xf32, #tpu.memory_space<vmem>>) dst(%dma_wait3A_417 : memref<224x8xf32, #tpu.memory_space<hbm>>)
      } else {
      }
      %scan3A_354 = arith.constant 0 : i32
      %scan3A_355 = arith.constant 0 : i32
      %scan3A_356 = arith.constant 14 : i32
      %scan3A_357 = arith.addi %scan3A_355, %scan3A_356 : i32
      %scan3A_358 = arith.constant 1 : i32
      scf.for %scan3A_414 = %scan3A_355 to %scan3A_357 step %scan3A_358  : i32 {
        %mul3A_415 = arith.constant 16 : i32
        %mul3A_416 = arith.muli %scan3A_414, %mul3A_415 : i32
        %mul3A_417 = arith.constant 16 : i32
        %mul3A_418 = arith.muli %scan3A_414, %mul3A_417 : i32
        %add3A_419 = vector.broadcast %mul3A_418 : i32 to vector<16xi32>
        %add3A_420 = arith.addi %add3A_419, %iota3A : vector<16xi32>
        %get3A = arith.index_cast %mul3A_416 : i32 to index
        %get3A_421 = tpu.vector_load %arg27[%get3A] {strides = array<i32>} : memref<224xf32, #tpu.memory_space<vmem>>, vector<16xf32>,
        tpu.vector_store_idx %arg33[%add3A_420, %mul3A_3], %get3A_421 : memref<224x8xf32, #tpu.memory_space<vmem>>[vector<16xi32>, vector<16xi32>], vector<16xf32>,
        %get3A_422 = arith.index_cast %mul3A_416 : i32 to index
        %get3A_423 = tpu.vector_load %arg28[%get3A_422] {strides = array<i32>} : memref<224xf32, #tpu.memory_space<vmem>>, vector<16xf32>,
        tpu.vector_store_idx %arg33[%add3A_420, %add3A_6], %get3A_423 : memref<224x8xf32, #tpu.memory_space<vmem>>[vector<16xi32>, vector<16xi32>], vector<16xf32>,
        %get3A_424 = arith.index_cast %mul3A_416 : i32 to index
        %get3A_425 = tpu.vector_load %arg29[%get3A_424] {strides = array<i32>} : memref<224xf32, #tpu.memory_space<vmem>>, vector<16xf32>,
        tpu.vector_store_idx %arg33[%add3A_420, %add3A_9], %get3A_425 : memref<224x8xf32, #tpu.memory_space<vmem>>[vector<16xi32>, vector<16xi32>], vector<16xf32>,
      }
      %scan3A_359 = arith.constant 14 : i32
      %mul3A_360 = arith.constant 224 : i32
      %mul3A_361 = arith.muli %add3A_339, %mul3A_360 : i32
      %add3A_362 = arith.addi %mul3A_38, %mul3A_361 : i32
      %dma_start3A_363 = arith.constant 0 : i32
      %dma_start3A_364 = tpu.memref_slice %arg12[%add3A_362, %dma_start3A_363] : memref<100352x8xf32, #tpu.memory_space<hbm>> -> memref<224x8xf32, #tpu.memory_space<hbm>>
      %dma_start3A_365 = arith.constant 0 : i32
      %dma_start3A_366 = tpu.memref_slice %arg12[%add3A_362, %dma_start3A_365] : memref<100352x8xf32, #tpu.memory_space<hbm>> -> memref<224x8xf32, #tpu.memory_space<hbm>>
      tpu.enqueue_dma source(%arg33 : memref<224x8xf32, #tpu.memory_space<vmem>>) target(%dma_start3A_366 : memref<224x8xf32, #tpu.memory_space<hbm>>) target_semaphore(%arg62 : memref<!tpu.dma_semaphore, #tpu.memory_space<semaphore_mem>>)
      %add3A_367 = arith.constant 2 : i32
      %add3A_368 = arith.addi %add3A_339, %add3A_367 : i32
      %lt3A = arith.constant 28 : i32
      %lt3A_369 = arith.cmpi slt, %add3A_368, %lt3A : i32
      %convert_element_type3A_370 = arith.extui %lt3A_369 : i1 to i32
      %cond3A_371 = arith.constant 0 : i32
      %cond3A_372 = arith.cmpi ne, %convert_element_type3A_370, %cond3A_371 : i32
      scf.if %cond3A_372 {
        %add3A_414 = arith.constant 2 : i32
        %add3A_415 = arith.addi %add3A_339, %add3A_414 : i32
        %mul3A_416 = arith.constant 224 : i32
        %mul3A_417 = arith.muli %add3A_415, %mul3A_416 : i32
        %add3A_418 = arith.addi %mul3A_38, %mul3A_417 : i32
        %dma_start3A_419 = tpu.memref_slice %arg8[%add3A_418] : memref<100352xf32, #tpu.memory_space<hbm>> -> memref<224xf32, #tpu.memory_space<hbm>>
        %dma_start3A_420 = tpu.memref_slice %arg8[%add3A_418] : memref<100352xf32, #tpu.memory_space<hbm>> -> memref<224xf32, #tpu.memory_space<hbm>>
        tpu.enqueue_dma source(%dma_start3A_420 : memref<224xf32, #tpu.memory_space<hbm>>) target(%arg27 : memref<224xf32, #tpu.memory_space<vmem>>) target_semaphore(%arg61 : memref<!tpu.dma_semaphore, #tpu.memory_space<semaphore_mem>>)
        %dma_start3A_421 = tpu.memref_slice %arg9[%add3A_418] : memref<100352xf32, #tpu.memory_space<hbm>> -> memref<224xf32, #tpu.memory_space<hbm>>
        %dma_start3A_422 = tpu.memref_slice %arg9[%add3A_418] : memref<100352xf32, #tpu.memory_space<hbm>> -> memref<224xf32, #tpu.memory_space<hbm>>
        tpu.enqueue_dma source(%dma_start3A_422 : memref<224xf32, #tpu.memory_space<hbm>>) target(%arg28 : memref<224xf32, #tpu.memory_space<vmem>>) target_semaphore(%arg61 : memref<!tpu.dma_semaphore, #tpu.memory_space<semaphore_mem>>)
        %dma_start3A_423 = tpu.memref_slice %arg10[%add3A_418] : memref<100352xf32, #tpu.memory_space<hbm>> -> memref<224xf32, #tpu.memory_space<hbm>>
        %dma_start3A_424 = tpu.memref_slice %arg10[%add3A_418] : memref<100352xf32, #tpu.memory_space<hbm>> -> memref<224xf32, #tpu.memory_space<hbm>>
        tpu.enqueue_dma source(%dma_start3A_424 : memref<224xf32, #tpu.memory_space<hbm>>) target(%arg29 : memref<224xf32, #tpu.memory_space<vmem>>) target_semaphore(%arg61 : memref<!tpu.dma_semaphore, #tpu.memory_space<semaphore_mem>>)
      } else {
      }
      %mul3A_373 = arith.constant 2 : i32
      %mul3A_374 = arith.muli %mul3A_373, %scan3A_335 : i32
      %add3A_375 = arith.constant 1 : i32
      %add3A_376 = arith.addi %mul3A_374, %add3A_375 : i32
      %dma_wait3A_377 = arith.constant 0 : i32
      %dma_wait3A_378 = tpu.memref_slice %arg8[%dma_wait3A_377] : memref<100352xf32, #tpu.memory_space<hbm>> -> memref<224xf32, #tpu.memory_space<hbm>>
      %dma_wait3A_379 = arith.constant 0 : i32
      %dma_wait3A_380 = tpu.memref_slice %arg8[%dma_wait3A_379] : memref<100352xf32, #tpu.memory_space<hbm>> -> memref<224xf32, #tpu.memory_space<hbm>>
      tpu.wait_dma2 semaphore(%arg61 : memref<!tpu.dma_semaphore, #tpu.memory_space<semaphore_mem>>) src(%dma_wait3A_380 : memref<224xf32, #tpu.memory_space<hbm>>) dst(%arg30 : memref<224xf32, #tpu.memory_space<vmem>>)
      %dma_wait3A_381 = arith.constant 0 : i32
      %dma_wait3A_382 = tpu.memref_slice %arg8[%dma_wait3A_381] : memref<100352xf32, #tpu.memory_space<hbm>> -> memref<224xf32, #tpu.memory_space<hbm>>
      %dma_wait3A_383 = arith.constant 0 : i32
      %dma_wait3A_384 = tpu.memref_slice %arg8[%dma_wait3A_383] : memref<100352xf32, #tpu.memory_space<hbm>> -> memref<224xf32, #tpu.memory_space<hbm>>
      tpu.wait_dma2 semaphore(%arg61 : memref<!tpu.dma_semaphore, #tpu.memory_space<semaphore_mem>>) src(%dma_wait3A_384 : memref<224xf32, #tpu.memory_space<hbm>>) dst(%arg31 : memref<224xf32, #tpu.memory_space<vmem>>)
      %dma_wait3A_385 = arith.constant 0 : i32
      %dma_wait3A_386 = tpu.memref_slice %arg8[%dma_wait3A_385] : memref<100352xf32, #tpu.memory_space<hbm>> -> memref<224xf32, #tpu.memory_space<hbm>>
      %dma_wait3A_387 = arith.constant 0 : i32
      %dma_wait3A_388 = tpu.memref_slice %arg8[%dma_wait3A_387] : memref<100352xf32, #tpu.memory_space<hbm>> -> memref<224xf32, #tpu.memory_space<hbm>>
      tpu.wait_dma2 semaphore(%arg61 : memref<!tpu.dma_semaphore, #tpu.memory_space<semaphore_mem>>) src(%dma_wait3A_388 : memref<224xf32, #tpu.memory_space<hbm>>) dst(%arg32 : memref<224xf32, #tpu.memory_space<vmem>>)
      %gt3A_389 = arith.constant 0 : i32
      %gt3A_390 = arith.cmpi sgt, %scan3A_335, %gt3A_389 : i32
      %convert_element_type3A_391 = arith.extui %gt3A_390 : i1 to i32
      %cond3A_392 = arith.constant 0 : i32
      %cond3A_393 = arith.cmpi ne, %convert_element_type3A_391, %cond3A_392 : i32
      scf.if %cond3A_393 {
        %dma_wait3A_414 = arith.constant 0 : i32
        %dma_wait3A_415 = tpu.memref_slice %arg12[%mul3A_38, %dma_wait3A_414] : memref<100352x8xf32, #tpu.memory_space<hbm>> -> memref<224x8xf32, #tpu.memory_space<hbm>>
        %dma_wait3A_416 = arith.constant 0 : i32
        %dma_wait3A_417 = tpu.memref_slice %arg12[%mul3A_38, %dma_wait3A_416] : memref<100352x8xf32, #tpu.memory_space<hbm>> -> memref<224x8xf32, #tpu.memory_space<hbm>>
        tpu.wait_dma2 semaphore(%arg62 : memref<!tpu.dma_semaphore, #tpu.memory_space<semaphore_mem>>) src(%arg34 : memref<224x8xf32, #tpu.memory_space<vmem>>) dst(%dma_wait3A_417 : memref<224x8xf32, #tpu.memory_space<hbm>>)
      } else {
      }
      %scan3A_394 = arith.constant 0 : i32
      %scan3A_395 = arith.constant 0 : i32
      %scan3A_396 = arith.constant 14 : i32
      %scan3A_397 = arith.addi %scan3A_395, %scan3A_396 : i32
      %scan3A_398 = arith.constant 1 : i32
      scf.for %scan3A_414 = %scan3A_395 to %scan3A_397 step %scan3A_398  : i32 {
        %mul3A_415 = arith.constant 16 : i32
        %mul3A_416 = arith.muli %scan3A_414, %mul3A_415 : i32
        %mul3A_417 = arith.constant 16 : i32
        %mul3A_418 = arith.muli %scan3A_414, %mul3A_417 : i32
        %add3A_419 = vector.broadcast %mul3A_418 : i32 to vector<16xi32>
        %add3A_420 = arith.addi %add3A_419, %iota3A : vector<16xi32>
        %get3A = arith.index_cast %mul3A_416 : i32 to index
        %get3A_421 = tpu.vector_load %arg30[%get3A] {strides = array<i32>} : memref<224xf32, #tpu.memory_space<vmem>>, vector<16xf32>,
        tpu.vector_store_idx %arg34[%add3A_420, %mul3A_3], %get3A_421 : memref<224x8xf32, #tpu.memory_space<vmem>>[vector<16xi32>, vector<16xi32>], vector<16xf32>,
        %get3A_422 = arith.index_cast %mul3A_416 : i32 to index
        %get3A_423 = tpu.vector_load %arg31[%get3A_422] {strides = array<i32>} : memref<224xf32, #tpu.memory_space<vmem>>, vector<16xf32>,
        tpu.vector_store_idx %arg34[%add3A_420, %add3A_6], %get3A_423 : memref<224x8xf32, #tpu.memory_space<vmem>>[vector<16xi32>, vector<16xi32>], vector<16xf32>,
        %get3A_424 = arith.index_cast %mul3A_416 : i32 to index
        %get3A_425 = tpu.vector_load %arg32[%get3A_424] {strides = array<i32>} : memref<224xf32, #tpu.memory_space<vmem>>, vector<16xf32>,
        tpu.vector_store_idx %arg34[%add3A_420, %add3A_9], %get3A_425 : memref<224x8xf32, #tpu.memory_space<vmem>>[vector<16xi32>, vector<16xi32>], vector<16xf32>,
      }
      %scan3A_399 = arith.constant 14 : i32
      %mul3A_400 = arith.constant 224 : i32
      %mul3A_401 = arith.muli %add3A_376, %mul3A_400 : i32
      %add3A_402 = arith.addi %mul3A_38, %mul3A_401 : i32
      %dma_start3A_403 = arith.constant 0 : i32
      %dma_start3A_404 = tpu.memref_slice %arg12[%add3A_402, %dma_start3A_403] : memref<100352x8xf32, #tpu.memory_space<hbm>> -> memref<224x8xf32, #tpu.memory_space<hbm>>
      %dma_start3A_405 = arith.constant 0 : i32
      %dma_start3A_406 = tpu.memref_slice %arg12[%add3A_402, %dma_start3A_405] : memref<100352x8xf32, #tpu.memory_space<hbm>> -> memref<224x8xf32, #tpu.memory_space<hbm>>
      tpu.enqueue_dma source(%arg34 : memref<224x8xf32, #tpu.memory_space<vmem>>) target(%dma_start3A_406 : memref<224x8xf32, #tpu.memory_space<hbm>>) target_semaphore(%arg62 : memref<!tpu.dma_semaphore, #tpu.memory_space<semaphore_mem>>)
      %add3A_407 = arith.constant 2 : i32
      %add3A_408 = arith.addi %add3A_376, %add3A_407 : i32
      %lt3A_409 = arith.constant 28 : i32
      %lt3A_410 = arith.cmpi slt, %add3A_408, %lt3A_409 : i32
      %convert_element_type3A_411 = arith.extui %lt3A_410 : i1 to i32
      %cond3A_412 = arith.constant 0 : i32
      %cond3A_413 = arith.cmpi ne, %convert_element_type3A_411, %cond3A_412 : i32
      scf.if %cond3A_413 {
        %add3A_414 = arith.constant 2 : i32
        %add3A_415 = arith.addi %add3A_376, %add3A_414 : i32
        %mul3A_416 = arith.constant 224 : i32
        %mul3A_417 = arith.muli %add3A_415, %mul3A_416 : i32
        %add3A_418 = arith.addi %mul3A_38, %mul3A_417 : i32
        %dma_start3A_419 = tpu.memref_slice %arg8[%add3A_418] : memref<100352xf32, #tpu.memory_space<hbm>> -> memref<224xf32, #tpu.memory_space<hbm>>
        %dma_start3A_420 = tpu.memref_slice %arg8[%add3A_418] : memref<100352xf32, #tpu.memory_space<hbm>> -> memref<224xf32, #tpu.memory_space<hbm>>
        tpu.enqueue_dma source(%dma_start3A_420 : memref<224xf32, #tpu.memory_space<hbm>>) target(%arg30 : memref<224xf32, #tpu.memory_space<vmem>>) target_semaphore(%arg61 : memref<!tpu.dma_semaphore, #tpu.memory_space<semaphore_mem>>)
        %dma_start3A_421 = tpu.memref_slice %arg9[%add3A_418] : memref<100352xf32, #tpu.memory_space<hbm>> -> memref<224xf32, #tpu.memory_space<hbm>>
        %dma_start3A_422 = tpu.memref_slice %arg9[%add3A_418] : memref<100352xf32, #tpu.memory_space<hbm>> -> memref<224xf32, #tpu.memory_space<hbm>>
        tpu.enqueue_dma source(%dma_start3A_422 : memref<224xf32, #tpu.memory_space<hbm>>) target(%arg31 : memref<224xf32, #tpu.memory_space<vmem>>) target_semaphore(%arg61 : memref<!tpu.dma_semaphore, #tpu.memory_space<semaphore_mem>>)
        %dma_start3A_423 = tpu.memref_slice %arg10[%add3A_418] : memref<100352xf32, #tpu.memory_space<hbm>> -> memref<224xf32, #tpu.memory_space<hbm>>
        %dma_start3A_424 = tpu.memref_slice %arg10[%add3A_418] : memref<100352xf32, #tpu.memory_space<hbm>> -> memref<224xf32, #tpu.memory_space<hbm>>
        tpu.enqueue_dma source(%dma_start3A_424 : memref<224xf32, #tpu.memory_space<hbm>>) target(%arg32 : memref<224xf32, #tpu.memory_space<vmem>>) target_semaphore(%arg61 : memref<!tpu.dma_semaphore, #tpu.memory_space<semaphore_mem>>)
      } else {
      }
    }
    %scan3A_59 = arith.constant 14 : i32
    %dma_wait3A = arith.constant 0 : i32
    %dma_wait3A_60 = tpu.memref_slice %arg12[%mul3A_38, %dma_wait3A] : memref<100352x8xf32, #tpu.memory_space<hbm>> -> memref<224x8xf32, #tpu.memory_space<hbm>>
    %dma_wait3A_61 = arith.constant 0 : i32
    %dma_wait3A_62 = tpu.memref_slice %arg12[%mul3A_38, %dma_wait3A_61] : memref<100352x8xf32, #tpu.memory_space<hbm>> -> memref<224x8xf32, #tpu.memory_space<hbm>>
    tpu.wait_dma2 semaphore(%arg62 : memref<!tpu.dma_semaphore, #tpu.memory_space<semaphore_mem>>) src(%arg33 : memref<224x8xf32, #tpu.memory_space<vmem>>) dst(%dma_wait3A_62 : memref<224x8xf32, #tpu.memory_space<hbm>>)
    %dma_wait3A_63 = arith.constant 0 : i32
    %dma_wait3A_64 = tpu.memref_slice %arg12[%mul3A_38, %dma_wait3A_63] : memref<100352x8xf32, #tpu.memory_space<hbm>> -> memref<224x8xf32, #tpu.memory_space<hbm>>
    %dma_wait3A_65 = arith.constant 0 : i32
    %dma_wait3A_66 = tpu.memref_slice %arg12[%mul3A_38, %dma_wait3A_65] : memref<100352x8xf32, #tpu.memory_space<hbm>> -> memref<224x8xf32, #tpu.memory_space<hbm>>
    tpu.wait_dma2 semaphore(%arg62 : memref<!tpu.dma_semaphore, #tpu.memory_space<semaphore_mem>>) src(%arg34 : memref<224x8xf32, #tpu.memory_space<vmem>>) dst(%dma_wait3A_66 : memref<224x8xf32, #tpu.memory_space<hbm>>)
    %barrier3A = arith.constant 0 : index
    tpu.barrier barrier_id(%barrier3A)
    %dma_wait3A_67 = tpu.memref_slice %arg8[%mul3A_15] : memref<100352xf32, #tpu.memory_space<hbm>> -> memref<1568xf32, #tpu.memory_space<hbm>>
    %dma_wait3A_68 = tpu.memref_slice %arg8[%mul3A_15] : memref<100352xf32, #tpu.memory_space<hbm>> -> memref<1568xf32, #tpu.memory_space<hbm>>
    tpu.wait_dma2 semaphore(%arg60 : memref<!tpu.dma_semaphore, #tpu.memory_space<semaphore_mem>>) src(%dma_wait3A_68 : memref<1568xf32, #tpu.memory_space<hbm>>) dst(%arg35 : memref<1568xf32, #tpu.memory_space<vmem>>)
    %dma_wait3A_69 = tpu.memref_slice %arg9[%mul3A_15] : memref<100352xf32, #tpu.memory_space<hbm>> -> memref<1568xf32, #tpu.memory_space<hbm>>
    %dma_wait3A_70 = tpu.memref_slice %arg9[%mul3A_15] : memref<100352xf32, #tpu.memory_space<hbm>> -> memref<1568xf32, #tpu.memory_space<hbm>>
    tpu.wait_dma2 semaphore(%arg60 : memref<!tpu.dma_semaphore, #tpu.memory_space<semaphore_mem>>) src(%dma_wait3A_70 : memref<1568xf32, #tpu.memory_space<hbm>>) dst(%arg36 : memref<1568xf32, #tpu.memory_space<vmem>>)
    %dma_wait3A_71 = tpu.memref_slice %arg10[%mul3A_15] : memref<100352xf32, #tpu.memory_space<hbm>> -> memref<1568xf32, #tpu.memory_space<hbm>>
    %dma_wait3A_72 = tpu.memref_slice %arg10[%mul3A_15] : memref<100352xf32, #tpu.memory_space<hbm>> -> memref<1568xf32, #tpu.memory_space<hbm>>
    tpu.wait_dma2 semaphore(%arg60 : memref<!tpu.dma_semaphore, #tpu.memory_space<semaphore_mem>>) src(%dma_wait3A_72 : memref<1568xf32, #tpu.memory_space<hbm>>) dst(%arg37 : memref<1568xf32, #tpu.memory_space<vmem>>)
    %dma_wait3A_73 = tpu.memref_slice %arg8[%add3A_26] : memref<100352xf32, #tpu.memory_space<hbm>> -> memref<1568xf32, #tpu.memory_space<hbm>>
    %dma_wait3A_74 = tpu.memref_slice %arg8[%add3A_26] : memref<100352xf32, #tpu.memory_space<hbm>> -> memref<1568xf32, #tpu.memory_space<hbm>>
    tpu.wait_dma2 semaphore(%arg60 : memref<!tpu.dma_semaphore, #tpu.memory_space<semaphore_mem>>) src(%dma_wait3A_74 : memref<1568xf32, #tpu.memory_space<hbm>>) dst(%arg38 : memref<1568xf32, #tpu.memory_space<vmem>>)
    %dma_wait3A_75 = tpu.memref_slice %arg9[%add3A_30] : memref<100352xf32, #tpu.memory_space<hbm>> -> memref<1568xf32, #tpu.memory_space<hbm>>
    %dma_wait3A_76 = tpu.memref_slice %arg9[%add3A_30] : memref<100352xf32, #tpu.memory_space<hbm>> -> memref<1568xf32, #tpu.memory_space<hbm>>
    tpu.wait_dma2 semaphore(%arg60 : memref<!tpu.dma_semaphore, #tpu.memory_space<semaphore_mem>>) src(%dma_wait3A_76 : memref<1568xf32, #tpu.memory_space<hbm>>) dst(%arg39 : memref<1568xf32, #tpu.memory_space<vmem>>)
    %dma_wait3A_77 = tpu.memref_slice %arg10[%add3A_34] : memref<100352xf32, #tpu.memory_space<hbm>> -> memref<1568xf32, #tpu.memory_space<hbm>>
    %dma_wait3A_78 = tpu.memref_slice %arg10[%add3A_34] : memref<100352xf32, #tpu.memory_space<hbm>> -> memref<1568xf32, #tpu.memory_space<hbm>>
    tpu.wait_dma2 semaphore(%arg60 : memref<!tpu.dma_semaphore, #tpu.memory_space<semaphore_mem>>) src(%dma_wait3A_78 : memref<1568xf32, #tpu.memory_space<hbm>>) dst(%arg40 : memref<1568xf32, #tpu.memory_space<vmem>>)
    %scan3A_79 = arith.constant 0 : i32
    %scan3A_80 = arith.constant 0 : i32
    %scan3A_81 = arith.constant 49 : i32
    %scan3A_82 = arith.addi %scan3A_80, %scan3A_81 : i32
    %scan3A_83 = arith.constant 1 : i32
    scf.for %scan3A_335 = %scan3A_80 to %scan3A_82 step %scan3A_83  : i32 {
      %mul3A_336 = arith.constant 16 : i32
      %mul3A_337 = arith.muli %scan3A_335, %mul3A_336 : i32
      %mul3A_338 = arith.constant 16 : i32
      %mul3A_339 = arith.muli %scan3A_335, %mul3A_338 : i32
      %add3A_340 = arith.constant 0 : i32
      %add3A_341 = arith.addi %add3A_340, %mul3A_339 : i32
      %get3A = arith.index_cast %add3A_341 : i32 to index
      %get3A_342 = tpu.vector_load %arg35[%get3A] {strides = array<i32>} : memref<1568xf32, #tpu.memory_space<vmem>>, vector<16xf32>,
      %add3A_343 = arith.constant 1.000000e+00 : f32
      %add3A_344 = vector.broadcast %add3A_343 : f32 to vector<16xf32>
      %add3A_345 = arith.addf %get3A_342, %add3A_344 : vector<16xf32>
      %mul3A_346 = arith.constant 5.000000e-01 : f32
      %mul3A_347 = vector.broadcast %mul3A_346 : f32 to vector<16xf32>
      %mul3A_348 = arith.mulf %add3A_345, %mul3A_347 : vector<16xf32>
      %mul3A_349 = arith.constant 6.300000e+01 : f32
      %mul3A_350 = vector.broadcast %mul3A_349 : f32 to vector<16xf32>
      %mul3A_351 = arith.mulf %mul3A_348, %mul3A_350 : vector<16xf32>
      %max3A = arith.constant 0.000000e+00 : f32
      %max3A_352 = vector.broadcast %max3A : f32 to vector<16xf32>
      %max3A_353 = arith.maximumf %mul3A_351, %max3A_352 : vector<16xf32>
      %min3A = arith.constant 6.299990e+01 : f32
      %min3A_354 = vector.broadcast %min3A : f32 to vector<16xf32>
      %min3A_355 = arith.minimumf %max3A_353, %min3A_354 : vector<16xf32>
      %convert_element_type3A = arith.fptosi %min3A_355 : vector<16xf32> to vector<16xi32>
      %convert_element_type3A_356 = arith.sitofp %convert_element_type3A : vector<16xi32> to vector<16xf32>
      %sub3A = arith.subf %min3A_355, %convert_element_type3A_356 : vector<16xf32>
      %get3A_357 = arith.index_cast %add3A_341 : i32 to index
      %get3A_358 = tpu.vector_load %arg36[%get3A_357] {strides = array<i32>} : memref<1568xf32, #tpu.memory_space<vmem>>, vector<16xf32>,
      %add3A_359 = arith.constant 1.000000e+00 : f32
      %add3A_360 = vector.broadcast %add3A_359 : f32 to vector<16xf32>
      %add3A_361 = arith.addf %get3A_358, %add3A_360 : vector<16xf32>
      %mul3A_362 = arith.constant 5.000000e-01 : f32
      %mul3A_363 = vector.broadcast %mul3A_362 : f32 to vector<16xf32>
      %mul3A_364 = arith.mulf %add3A_361, %mul3A_363 : vector<16xf32>
      %mul3A_365 = arith.constant 6.300000e+01 : f32
      %mul3A_366 = vector.broadcast %mul3A_365 : f32 to vector<16xf32>
      %mul3A_367 = arith.mulf %mul3A_364, %mul3A_366 : vector<16xf32>
      %max3A_368 = arith.constant 0.000000e+00 : f32
      %max3A_369 = vector.broadcast %max3A_368 : f32 to vector<16xf32>
      %max3A_370 = arith.maximumf %mul3A_367, %max3A_369 : vector<16xf32>
      %min3A_371 = arith.constant 6.299990e+01 : f32
      %min3A_372 = vector.broadcast %min3A_371 : f32 to vector<16xf32>
      %min3A_373 = arith.minimumf %max3A_370, %min3A_372 : vector<16xf32>
      %convert_element_type3A_374 = arith.fptosi %min3A_373 : vector<16xf32> to vector<16xi32>
      %convert_element_type3A_375 = arith.sitofp %convert_element_type3A_374 : vector<16xi32> to vector<16xf32>
      %sub3A_376 = arith.subf %min3A_373, %convert_element_type3A_375 : vector<16xf32>
      %get3A_377 = arith.index_cast %add3A_341 : i32 to index
      %get3A_378 = tpu.vector_load %arg37[%get3A_377] {strides = array<i32>} : memref<1568xf32, #tpu.memory_space<vmem>>, vector<16xf32>,
      %add3A_379 = arith.constant 1.000000e+00 : f32
      %add3A_380 = vector.broadcast %add3A_379 : f32 to vector<16xf32>
      %add3A_381 = arith.addf %get3A_378, %add3A_380 : vector<16xf32>
      %mul3A_382 = arith.constant 5.000000e-01 : f32
      %mul3A_383 = vector.broadcast %mul3A_382 : f32 to vector<16xf32>
      %mul3A_384 = arith.mulf %add3A_381, %mul3A_383 : vector<16xf32>
      %mul3A_385 = arith.constant 6.300000e+01 : f32
      %mul3A_386 = vector.broadcast %mul3A_385 : f32 to vector<16xf32>
      %mul3A_387 = arith.mulf %mul3A_384, %mul3A_386 : vector<16xf32>
      %max3A_388 = arith.constant 0.000000e+00 : f32
      %max3A_389 = vector.broadcast %max3A_388 : f32 to vector<16xf32>
      %max3A_390 = arith.maximumf %mul3A_387, %max3A_389 : vector<16xf32>
      %min3A_391 = arith.constant 6.299990e+01 : f32
      %min3A_392 = vector.broadcast %min3A_391 : f32 to vector<16xf32>
      %min3A_393 = arith.minimumf %max3A_390, %min3A_392 : vector<16xf32>
      %convert_element_type3A_394 = arith.fptosi %min3A_393 : vector<16xf32> to vector<16xi32>
      %convert_element_type3A_395 = arith.sitofp %convert_element_type3A_394 : vector<16xi32> to vector<16xf32>
      %sub3A_396 = arith.subf %min3A_393, %convert_element_type3A_395 : vector<16xf32>
      %mul3A_397 = arith.constant 4096 : i32
      %mul3A_398 = vector.broadcast %mul3A_397 : i32 to vector<16xi32>
      %mul3A_399 = arith.muli %convert_element_type3A, %mul3A_398 : vector<16xi32>
      %mul3A_400 = arith.constant 64 : i32
      %mul3A_401 = vector.broadcast %mul3A_400 : i32 to vector<16xi32>
      %mul3A_402 = arith.muli %convert_element_type3A_374, %mul3A_401 : vector<16xi32>
      %add3A_403 = arith.addi %mul3A_399, %mul3A_402 : vector<16xi32>
      %add3A_404 = arith.addi %add3A_403, %convert_element_type3A_394 : vector<16xi32>
      %swap3A_405 = arith.index_cast %mul3A_337 : i32 to index
      %swap3A_406 = tpu.vector_load %arg41[%swap3A_405] {strides = array<i32>} : memref<784xi32, #tpu.memory_space<vmem>>, vector<16xi32>,
      tpu.vector_store %arg41[%swap3A_405], %add3A_404 {strides = array<i32>} : memref<784xi32, #tpu.memory_space<vmem>>, vector<16xi32>,
      %add3A_407 = arith.constant 1 : i32
      %add3A_408 = vector.broadcast %add3A_407 : i32 to vector<16xi32>
      %add3A_409 = arith.addi %add3A_404, %add3A_408 : vector<16xi32>
      %swap3A_410 = arith.index_cast %mul3A_337 : i32 to index
      %swap3A_411 = tpu.vector_load %arg42[%swap3A_410] {strides = array<i32>} : memref<784xi32, #tpu.memory_space<vmem>>, vector<16xi32>,
      tpu.vector_store %arg42[%swap3A_410], %add3A_409 {strides = array<i32>} : memref<784xi32, #tpu.memory_space<vmem>>, vector<16xi32>,
      %add3A_412 = arith.constant 64 : i32
      %add3A_413 = vector.broadcast %add3A_412 : i32 to vector<16xi32>
      %add3A_414 = arith.addi %add3A_404, %add3A_413 : vector<16xi32>
      %swap3A_415 = arith.index_cast %mul3A_337 : i32 to index
      %swap3A_416 = tpu.vector_load %arg43[%swap3A_415] {strides = array<i32>} : memref<784xi32, #tpu.memory_space<vmem>>, vector<16xi32>,
      tpu.vector_store %arg43[%swap3A_415], %add3A_414 {strides = array<i32>} : memref<784xi32, #tpu.memory_space<vmem>>, vector<16xi32>,
      %add3A_417 = arith.constant 64 : i32
      %add3A_418 = vector.broadcast %add3A_417 : i32 to vector<16xi32>
      %add3A_419 = arith.addi %add3A_404, %add3A_418 : vector<16xi32>
      %add3A_420 = arith.constant 1 : i32
      %add3A_421 = vector.broadcast %add3A_420 : i32 to vector<16xi32>
      %add3A_422 = arith.addi %add3A_419, %add3A_421 : vector<16xi32>
      %swap3A_423 = arith.index_cast %mul3A_337 : i32 to index
      %swap3A_424 = tpu.vector_load %arg44[%swap3A_423] {strides = array<i32>} : memref<784xi32, #tpu.memory_space<vmem>>, vector<16xi32>,
      tpu.vector_store %arg44[%swap3A_423], %add3A_422 {strides = array<i32>} : memref<784xi32, #tpu.memory_space<vmem>>, vector<16xi32>,
      %add3A_425 = arith.constant 4096 : i32
      %add3A_426 = vector.broadcast %add3A_425 : i32 to vector<16xi32>
      %add3A_427 = arith.addi %add3A_404, %add3A_426 : vector<16xi32>
      %swap3A_428 = arith.index_cast %mul3A_337 : i32 to index
      %swap3A_429 = tpu.vector_load %arg45[%swap3A_428] {strides = array<i32>} : memref<784xi32, #tpu.memory_space<vmem>>, vector<16xi32>,
      tpu.vector_store %arg45[%swap3A_428], %add3A_427 {strides = array<i32>} : memref<784xi32, #tpu.memory_space<vmem>>, vector<16xi32>,
      %add3A_430 = arith.constant 4096 : i32
      %add3A_431 = vector.broadcast %add3A_430 : i32 to vector<16xi32>
      %add3A_432 = arith.addi %add3A_404, %add3A_431 : vector<16xi32>
      %add3A_433 = arith.constant 1 : i32
      %add3A_434 = vector.broadcast %add3A_433 : i32 to vector<16xi32>
      %add3A_435 = arith.addi %add3A_432, %add3A_434 : vector<16xi32>
      %swap3A_436 = arith.index_cast %mul3A_337 : i32 to index
      %swap3A_437 = tpu.vector_load %arg46[%swap3A_436] {strides = array<i32>} : memref<784xi32, #tpu.memory_space<vmem>>, vector<16xi32>,
      tpu.vector_store %arg46[%swap3A_436], %add3A_435 {strides = array<i32>} : memref<784xi32, #tpu.memory_space<vmem>>, vector<16xi32>,
      %add3A_438 = arith.constant 4096 : i32
      %add3A_439 = vector.broadcast %add3A_438 : i32 to vector<16xi32>
      %add3A_440 = arith.addi %add3A_404, %add3A_439 : vector<16xi32>
      %add3A_441 = arith.constant 64 : i32
      %add3A_442 = vector.broadcast %add3A_441 : i32 to vector<16xi32>
      %add3A_443 = arith.addi %add3A_440, %add3A_442 : vector<16xi32>
      %swap3A_444 = arith.index_cast %mul3A_337 : i32 to index
      %swap3A_445 = tpu.vector_load %arg47[%swap3A_444] {strides = array<i32>} : memref<784xi32, #tpu.memory_space<vmem>>, vector<16xi32>,
      tpu.vector_store %arg47[%swap3A_444], %add3A_443 {strides = array<i32>} : memref<784xi32, #tpu.memory_space<vmem>>, vector<16xi32>,
      %add3A_446 = arith.constant 4096 : i32
      %add3A_447 = vector.broadcast %add3A_446 : i32 to vector<16xi32>
      %add3A_448 = arith.addi %add3A_404, %add3A_447 : vector<16xi32>
      %add3A_449 = arith.constant 64 : i32
      %add3A_450 = vector.broadcast %add3A_449 : i32 to vector<16xi32>
      %add3A_451 = arith.addi %add3A_448, %add3A_450 : vector<16xi32>
      %add3A_452 = arith.constant 1 : i32
      %add3A_453 = vector.broadcast %add3A_452 : i32 to vector<16xi32>
      %add3A_454 = arith.addi %add3A_451, %add3A_453 : vector<16xi32>
      %swap3A_455 = arith.index_cast %mul3A_337 : i32 to index
      %swap3A_456 = tpu.vector_load %arg48[%swap3A_455] {strides = array<i32>} : memref<784xi32, #tpu.memory_space<vmem>>, vector<16xi32>,
      tpu.vector_store %arg48[%swap3A_455], %add3A_454 {strides = array<i32>} : memref<784xi32, #tpu.memory_space<vmem>>, vector<16xi32>,
    }
    %scan3A_84 = arith.constant 49 : i32
    %dma_start3A_85 = arith.constant 0 : i32
    %dma_start3A_86 = tpu.memref_slice %arg7[%dma_start3A_85] : memref<262144xf32, #tpu.memory_space<hbm>> -> memref<262144xf32, #tpu.memory_space<hbm>>
    tpu.enqueue_indirect_dma source(%dma_start3A_86 : memref<262144xf32, #tpu.memory_space<hbm>>) target(%arg49 : memref<784xf32, #tpu.memory_space<vmem>>) offsets(%arg41 : memref<784xi32, #tpu.memory_space<vmem>>) semaphore(%arg60 : memref<!tpu.dma_semaphore, #tpu.memory_space<semaphore_mem>>)
    %dma_start3A_87 = arith.constant 0 : i32
    %dma_start3A_88 = tpu.memref_slice %arg7[%dma_start3A_87] : memref<262144xf32, #tpu.memory_space<hbm>> -> memref<262144xf32, #tpu.memory_space<hbm>>
    tpu.enqueue_indirect_dma source(%dma_start3A_88 : memref<262144xf32, #tpu.memory_space<hbm>>) target(%arg50 : memref<784xf32, #tpu.memory_space<vmem>>) offsets(%arg42 : memref<784xi32, #tpu.memory_space<vmem>>) semaphore(%arg60 : memref<!tpu.dma_semaphore, #tpu.memory_space<semaphore_mem>>)
    %dma_start3A_89 = arith.constant 0 : i32
    %dma_start3A_90 = tpu.memref_slice %arg7[%dma_start3A_89] : memref<262144xf32, #tpu.memory_space<hbm>> -> memref<262144xf32, #tpu.memory_space<hbm>>
    tpu.enqueue_indirect_dma source(%dma_start3A_90 : memref<262144xf32, #tpu.memory_space<hbm>>) target(%arg51 : memref<784xf32, #tpu.memory_space<vmem>>) offsets(%arg43 : memref<784xi32, #tpu.memory_space<vmem>>) semaphore(%arg60 : memref<!tpu.dma_semaphore, #tpu.memory_space<semaphore_mem>>)
    %dma_start3A_91 = arith.constant 0 : i32
    %dma_start3A_92 = tpu.memref_slice %arg7[%dma_start3A_91] : memref<262144xf32, #tpu.memory_space<hbm>> -> memref<262144xf32, #tpu.memory_space<hbm>>
    tpu.enqueue_indirect_dma source(%dma_start3A_92 : memref<262144xf32, #tpu.memory_space<hbm>>) target(%arg52 : memref<784xf32, #tpu.memory_space<vmem>>) offsets(%arg44 : memref<784xi32, #tpu.memory_space<vmem>>) semaphore(%arg60 : memref<!tpu.dma_semaphore, #tpu.memory_space<semaphore_mem>>)
    %dma_start3A_93 = arith.constant 0 : i32
    %dma_start3A_94 = tpu.memref_slice %arg7[%dma_start3A_93] : memref<262144xf32, #tpu.memory_space<hbm>> -> memref<262144xf32, #tpu.memory_space<hbm>>
    tpu.enqueue_indirect_dma source(%dma_start3A_94 : memref<262144xf32, #tpu.memory_space<hbm>>) target(%arg53 : memref<784xf32, #tpu.memory_space<vmem>>) offsets(%arg45 : memref<784xi32, #tpu.memory_space<vmem>>) semaphore(%arg60 : memref<!tpu.dma_semaphore, #tpu.memory_space<semaphore_mem>>)
    %dma_start3A_95 = arith.constant 0 : i32
    %dma_start3A_96 = tpu.memref_slice %arg7[%dma_start3A_95] : memref<262144xf32, #tpu.memory_space<hbm>> -> memref<262144xf32, #tpu.memory_space<hbm>>
    tpu.enqueue_indirect_dma source(%dma_start3A_96 : memref<262144xf32, #tpu.memory_space<hbm>>) target(%arg54 : memref<784xf32, #tpu.memory_space<vmem>>) offsets(%arg46 : memref<784xi32, #tpu.memory_space<vmem>>) semaphore(%arg60 : memref<!tpu.dma_semaphore, #tpu.memory_space<semaphore_mem>>)
    %dma_start3A_97 = arith.constant 0 : i32
    %dma_start3A_98 = tpu.memref_slice %arg7[%dma_start3A_97] : memref<262144xf32, #tpu.memory_space<hbm>> -> memref<262144xf32, #tpu.memory_space<hbm>>
    tpu.enqueue_indirect_dma source(%dma_start3A_98 : memref<262144xf32, #tpu.memory_space<hbm>>) target(%arg55 : memref<784xf32, #tpu.memory_space<vmem>>) offsets(%arg47 : memref<784xi32, #tpu.memory_space<vmem>>) semaphore(%arg60 : memref<!tpu.dma_semaphore, #tpu.memory_space<semaphore_mem>>)
    %dma_start3A_99 = arith.constant 0 : i32
    %dma_start3A_100 = tpu.memref_slice %arg7[%dma_start3A_99] : memref<262144xf32, #tpu.memory_space<hbm>> -> memref<262144xf32, #tpu.memory_space<hbm>>
    tpu.enqueue_indirect_dma source(%dma_start3A_100 : memref<262144xf32, #tpu.memory_space<hbm>>) target(%arg56 : memref<784xf32, #tpu.memory_space<vmem>>) offsets(%arg48 : memref<784xi32, #tpu.memory_space<vmem>>) semaphore(%arg60 : memref<!tpu.dma_semaphore, #tpu.memory_space<semaphore_mem>>)
    %dma_wait3A_101 = arith.constant 0 : i32
    %dma_wait3A_102 = tpu.memref_slice %arg2[%dma_wait3A_101] : memref<1600000xi32, #tpu.memory_space<hbm>> -> memref<2000xi32, #tpu.memory_space<hbm>>
    %dma_wait3A_103 = arith.constant 0 : i32
    %dma_wait3A_104 = tpu.memref_slice %arg2[%dma_wait3A_103] : memref<1600000xi32, #tpu.memory_space<hbm>> -> memref<2000xi32, #tpu.memory_space<hbm>>
    tpu.wait_dma2 semaphore(%arg59 : memref<!tpu.dma_semaphore, #tpu.memory_space<semaphore_mem>>) src(%dma_wait3A_104 : memref<2000xi32, #tpu.memory_space<hbm>>) dst(%arg13 : memref<2000xi32, #tpu.memory_space<vmem>>)
    %dma_wait3A_105 = arith.constant 0 : i32
    %dma_wait3A_106 = tpu.memref_slice %arg3[%dma_wait3A_105] : memref<1600000xi32, #tpu.memory_space<hbm>> -> memref<2000xi32, #tpu.memory_space<hbm>>
    %dma_wait3A_107 = arith.constant 0 : i32
    %dma_wait3A_108 = tpu.memref_slice %arg3[%dma_wait3A_107] : memref<1600000xi32, #tpu.memory_space<hbm>> -> memref<2000xi32, #tpu.memory_space<hbm>>
    tpu.wait_dma2 semaphore(%arg59 : memref<!tpu.dma_semaphore, #tpu.memory_space<semaphore_mem>>) src(%dma_wait3A_108 : memref<2000xi32, #tpu.memory_space<hbm>>) dst(%arg14 : memref<2000xi32, #tpu.memory_space<vmem>>)
    %dma_start3A_109 = arith.constant 0 : i32
    %dma_start3A_110 = arith.constant 0 : i32
    %dma_start3A_111 = tpu.memref_slice %arg12[%dma_start3A_109, %dma_start3A_110] : memref<100352x8xf32, #tpu.memory_space<hbm>> -> memref<100352x8xf32, #tpu.memory_space<hbm>>
    tpu.enqueue_indirect_dma source(%dma_start3A_111 : memref<100352x8xf32, #tpu.memory_space<hbm>>) target(%arg15 : memref<2000x8xf32, #tpu.memory_space<vmem>>) offsets(%arg13 : memref<2000xi32, #tpu.memory_space<vmem>>) semaphore(%arg58 : memref<!tpu.dma_semaphore, #tpu.memory_space<semaphore_mem>>)
    %dma_start3A_112 = arith.constant 0 : i32
    %dma_start3A_113 = arith.constant 0 : i32
    %dma_start3A_114 = tpu.memref_slice %arg12[%dma_start3A_112, %dma_start3A_113] : memref<100352x8xf32, #tpu.memory_space<hbm>> -> memref<100352x8xf32, #tpu.memory_space<hbm>>
    tpu.enqueue_indirect_dma source(%dma_start3A_114 : memref<100352x8xf32, #tpu.memory_space<hbm>>) target(%arg16 : memref<2000x8xf32, #tpu.memory_space<vmem>>) offsets(%arg14 : memref<2000xi32, #tpu.memory_space<vmem>>) semaphore(%arg58 : memref<!tpu.dma_semaphore, #tpu.memory_space<semaphore_mem>>)
    %dma_start3A_115 = tpu.memref_slice %arg4[%mul3A_13] : memref<1600000xf32, #tpu.memory_space<hbm>> -> memref<2000xf32, #tpu.memory_space<hbm>>
    %dma_start3A_116 = tpu.memref_slice %arg4[%mul3A_13] : memref<1600000xf32, #tpu.memory_space<hbm>> -> memref<2000xf32, #tpu.memory_space<hbm>>
    tpu.enqueue_dma source(%dma_start3A_116 : memref<2000xf32, #tpu.memory_space<hbm>>) target(%arg17 : memref<2000xf32, #tpu.memory_space<vmem>>) target_semaphore(%arg58 : memref<!tpu.dma_semaphore, #tpu.memory_space<semaphore_mem>>)
    %dma_start3A_117 = tpu.memref_slice %arg5[%mul3A_13] : memref<1600000xf32, #tpu.memory_space<hbm>> -> memref<2000xf32, #tpu.memory_space<hbm>>
    %dma_start3A_118 = tpu.memref_slice %arg5[%mul3A_13] : memref<1600000xf32, #tpu.memory_space<hbm>> -> memref<2000xf32, #tpu.memory_space<hbm>>
    tpu.enqueue_dma source(%dma_start3A_118 : memref<2000xf32, #tpu.memory_space<hbm>>) target(%arg18 : memref<2000xf32, #tpu.memory_space<vmem>>) target_semaphore(%arg58 : memref<!tpu.dma_semaphore, #tpu.memory_space<semaphore_mem>>)
    %dma_start3A_119 = tpu.memref_slice %arg6[%mul3A_13] : memref<1600000xf32, #tpu.memory_space<hbm>> -> memref<2000xf32, #tpu.memory_space<hbm>>
    %dma_start3A_120 = tpu.memref_slice %arg6[%mul3A_13] : memref<1600000xf32, #tpu.memory_space<hbm>> -> memref<2000xf32, #tpu.memory_space<hbm>>
    tpu.enqueue_dma source(%dma_start3A_120 : memref<2000xf32, #tpu.memory_space<hbm>>) target(%arg19 : memref<2000xf32, #tpu.memory_space<vmem>>) target_semaphore(%arg58 : memref<!tpu.dma_semaphore, #tpu.memory_space<semaphore_mem>>)
    %dma_wait3A_121 = arith.constant 0 : i32
    %dma_wait3A_122 = arith.constant 0 : i32
    %dma_wait3A_123 = tpu.memref_slice %arg12[%dma_wait3A_121, %dma_wait3A_122] : memref<100352x8xf32, #tpu.memory_space<hbm>> -> memref<100352x8xf32, #tpu.memory_space<hbm>>
    tpu.wait_indirect_dma semaphore(%arg58 : memref<!tpu.dma_semaphore, #tpu.memory_space<semaphore_mem>>) src(%dma_wait3A_123 : memref<100352x8xf32, #tpu.memory_space<hbm>>) dst(%arg15 : memref<2000x8xf32, #tpu.memory_space<vmem>>)
    %dma_wait3A_124 = arith.constant 0 : i32
    %dma_wait3A_125 = arith.constant 0 : i32
    %dma_wait3A_126 = tpu.memref_slice %arg12[%dma_wait3A_124, %dma_wait3A_125] : memref<100352x8xf32, #tpu.memory_space<hbm>> -> memref<100352x8xf32, #tpu.memory_space<hbm>>
    tpu.wait_indirect_dma semaphore(%arg58 : memref<!tpu.dma_semaphore, #tpu.memory_space<semaphore_mem>>) src(%dma_wait3A_126 : memref<100352x8xf32, #tpu.memory_space<hbm>>) dst(%arg16 : memref<2000x8xf32, #tpu.memory_space<vmem>>)
    %dma_wait3A_127 = arith.constant 0 : i32
    %dma_wait3A_128 = tpu.memref_slice %arg4[%dma_wait3A_127] : memref<1600000xf32, #tpu.memory_space<hbm>> -> memref<2000xf32, #tpu.memory_space<hbm>>
    %dma_wait3A_129 = arith.constant 0 : i32
    %dma_wait3A_130 = tpu.memref_slice %arg4[%dma_wait3A_129] : memref<1600000xf32, #tpu.memory_space<hbm>> -> memref<2000xf32, #tpu.memory_space<hbm>>
    tpu.wait_dma2 semaphore(%arg58 : memref<!tpu.dma_semaphore, #tpu.memory_space<semaphore_mem>>) src(%dma_wait3A_130 : memref<2000xf32, #tpu.memory_space<hbm>>) dst(%arg17 : memref<2000xf32, #tpu.memory_space<vmem>>)
    %dma_wait3A_131 = arith.constant 0 : i32
    %dma_wait3A_132 = tpu.memref_slice %arg4[%dma_wait3A_131] : memref<1600000xf32, #tpu.memory_space<hbm>> -> memref<2000xf32, #tpu.memory_space<hbm>>
    %dma_wait3A_133 = arith.constant 0 : i32
    %dma_wait3A_134 = tpu.memref_slice %arg4[%dma_wait3A_133] : memref<1600000xf32, #tpu.memory_space<hbm>> -> memref<2000xf32, #tpu.memory_space<hbm>>
    tpu.wait_dma2 semaphore(%arg58 : memref<!tpu.dma_semaphore, #tpu.memory_space<semaphore_mem>>) src(%dma_wait3A_134 : memref<2000xf32, #tpu.memory_space<hbm>>) dst(%arg18 : memref<2000xf32, #tpu.memory_space<vmem>>)
    %dma_wait3A_135 = arith.constant 0 : i32
    %dma_wait3A_136 = tpu.memref_slice %arg4[%dma_wait3A_135] : memref<1600000xf32, #tpu.memory_space<hbm>> -> memref<2000xf32, #tpu.memory_space<hbm>>
    %dma_wait3A_137 = arith.constant 0 : i32
    %dma_wait3A_138 = tpu.memref_slice %arg4[%dma_wait3A_137] : memref<1600000xf32, #tpu.memory_space<hbm>> -> memref<2000xf32, #tpu.memory_space<hbm>>
    tpu.wait_dma2 semaphore(%arg58 : memref<!tpu.dma_semaphore, #tpu.memory_space<semaphore_mem>>) src(%dma_wait3A_138 : memref<2000xf32, #tpu.memory_space<hbm>>) dst(%arg19 : memref<2000xf32, #tpu.memory_space<vmem>>)
    %broadcast_in_dim3A = arith.constant 0.000000e+00 : f32
    %broadcast_in_dim3A_139 = vector.broadcast %broadcast_in_dim3A : f32 to vector<16xf32>
    %scan3A_140 = arith.constant 0 : i32
    %scan3A_141 = arith.constant 125 : i32
    %scan3A_142 = arith.addi %scan3A_140, %scan3A_141 : i32
    %scan3A_143 = arith.constant 1 : i32
    %scan3A_144 = scf.for %scan3A_335 = %scan3A_140 to %scan3A_142 step %scan3A_143 iter_args(%scan3A_336 = %broadcast_in_dim3A_139) -> (vector<16xf32>)  : i32 {
      %mul3A_337 = arith.constant 16 : i32
      %mul3A_338 = arith.muli %scan3A_335, %mul3A_337 : i32
      %mul3A_339 = arith.constant 16 : i32
      %mul3A_340 = arith.muli %scan3A_335, %mul3A_339 : i32
      %add3A_341 = vector.broadcast %mul3A_340 : i32 to vector<16xi32>
      %add3A_342 = arith.addi %add3A_341, %iota3A : vector<16xi32>
      %gather3A = tpu.vector_load_idx %arg15[%add3A_342, %mul3A_3] : memref<2000x8xf32, #tpu.memory_space<vmem>>[vector<16xi32>, vector<16xi32>], vector<16xf32>,
      %gather3A_343 = tpu.vector_load_idx %arg16[%add3A_342, %mul3A_3] : memref<2000x8xf32, #tpu.memory_space<vmem>>[vector<16xi32>, vector<16xi32>], vector<16xf32>,
      %sub3A = arith.subf %gather3A, %gather3A_343 : vector<16xf32>
      %get3A = arith.index_cast %mul3A_338 : i32 to index
      %get3A_344 = tpu.vector_load %arg17[%get3A] {strides = array<i32>} : memref<2000xf32, #tpu.memory_space<vmem>>, vector<16xf32>,
      %sub3A_345 = arith.subf %sub3A, %get3A_344 : vector<16xf32>
      %gather3A_346 = tpu.vector_load_idx %arg15[%add3A_342, %add3A_6] : memref<2000x8xf32, #tpu.memory_space<vmem>>[vector<16xi32>, vector<16xi32>], vector<16xf32>,
      %gather3A_347 = tpu.vector_load_idx %arg16[%add3A_342, %add3A_6] : memref<2000x8xf32, #tpu.memory_space<vmem>>[vector<16xi32>, vector<16xi32>], vector<16xf32>,
      %sub3A_348 = arith.subf %gather3A_346, %gather3A_347 : vector<16xf32>
      %get3A_349 = arith.index_cast %mul3A_338 : i32 to index
      %get3A_350 = tpu.vector_load %arg18[%get3A_349] {strides = array<i32>} : memref<2000xf32, #tpu.memory_space<vmem>>, vector<16xf32>,
      %sub3A_351 = arith.subf %sub3A_348, %get3A_350 : vector<16xf32>
      %gather3A_352 = tpu.vector_load_idx %arg15[%add3A_342, %add3A_9] : memref<2000x8xf32, #tpu.memory_space<vmem>>[vector<16xi32>, vector<16xi32>], vector<16xf32>,
      %gather3A_353 = tpu.vector_load_idx %arg16[%add3A_342, %add3A_9] : memref<2000x8xf32, #tpu.memory_space<vmem>>[vector<16xi32>, vector<16xi32>], vector<16xf32>,
      %sub3A_354 = arith.subf %gather3A_352, %gather3A_353 : vector<16xf32>
      %get3A_355 = arith.index_cast %mul3A_338 : i32 to index
      %get3A_356 = tpu.vector_load %arg19[%get3A_355] {strides = array<i32>} : memref<2000xf32, #tpu.memory_space<vmem>>, vector<16xf32>,
      %sub3A_357 = arith.subf %sub3A_354, %get3A_356 : vector<16xf32>
      %mul3A_358 = arith.mulf %sub3A_345, %sub3A_345 : vector<16xf32>
      %mul3A_359 = arith.mulf %sub3A_351, %sub3A_351 : vector<16xf32>
      %add3A_360 = arith.addf %mul3A_358, %mul3A_359 : vector<16xf32>
      %mul3A_361 = arith.mulf %sub3A_357, %sub3A_357 : vector<16xf32>
      %add3A_362 = arith.addf %add3A_360, %mul3A_361 : vector<16xf32>
      %add3A_363 = arith.addf %scan3A_336, %add3A_362 : vector<16xf32>
      scf.yield %add3A_363 : vector<16xf32>
    }
    %scan3A_145 = arith.constant 125 : i32
    %add3A_146 = arith.constant 2000 : i32
    %add3A_147 = arith.addi %mul3A_13, %add3A_146 : i32
    %dma_start3A_148 = tpu.memref_slice %arg2[%add3A_147] : memref<1600000xi32, #tpu.memory_space<hbm>> -> memref<2000xi32, #tpu.memory_space<hbm>>
    %dma_start3A_149 = tpu.memref_slice %arg2[%add3A_147] : memref<1600000xi32, #tpu.memory_space<hbm>> -> memref<2000xi32, #tpu.memory_space<hbm>>
    tpu.enqueue_dma source(%dma_start3A_149 : memref<2000xi32, #tpu.memory_space<hbm>>) target(%arg13 : memref<2000xi32, #tpu.memory_space<vmem>>) target_semaphore(%arg59 : memref<!tpu.dma_semaphore, #tpu.memory_space<semaphore_mem>>)
    %dma_start3A_150 = tpu.memref_slice %arg3[%add3A_147] : memref<1600000xi32, #tpu.memory_space<hbm>> -> memref<2000xi32, #tpu.memory_space<hbm>>
    %dma_start3A_151 = tpu.memref_slice %arg3[%add3A_147] : memref<1600000xi32, #tpu.memory_space<hbm>> -> memref<2000xi32, #tpu.memory_space<hbm>>
    tpu.enqueue_dma source(%dma_start3A_151 : memref<2000xi32, #tpu.memory_space<hbm>>) target(%arg14 : memref<2000xi32, #tpu.memory_space<vmem>>) target_semaphore(%arg59 : memref<!tpu.dma_semaphore, #tpu.memory_space<semaphore_mem>>)
    %dma_wait3A_152 = arith.constant 0 : i32
    %dma_wait3A_153 = tpu.memref_slice %arg2[%dma_wait3A_152] : memref<1600000xi32, #tpu.memory_space<hbm>> -> memref<2000xi32, #tpu.memory_space<hbm>>
    %dma_wait3A_154 = arith.constant 0 : i32
    %dma_wait3A_155 = tpu.memref_slice %arg2[%dma_wait3A_154] : memref<1600000xi32, #tpu.memory_space<hbm>> -> memref<2000xi32, #tpu.memory_space<hbm>>
    tpu.wait_dma2 semaphore(%arg59 : memref<!tpu.dma_semaphore, #tpu.memory_space<semaphore_mem>>) src(%dma_wait3A_155 : memref<2000xi32, #tpu.memory_space<hbm>>) dst(%arg13 : memref<2000xi32, #tpu.memory_space<vmem>>)
    %dma_wait3A_156 = arith.constant 0 : i32
    %dma_wait3A_157 = tpu.memref_slice %arg3[%dma_wait3A_156] : memref<1600000xi32, #tpu.memory_space<hbm>> -> memref<2000xi32, #tpu.memory_space<hbm>>
    %dma_wait3A_158 = arith.constant 0 : i32
    %dma_wait3A_159 = tpu.memref_slice %arg3[%dma_wait3A_158] : memref<1600000xi32, #tpu.memory_space<hbm>> -> memref<2000xi32, #tpu.memory_space<hbm>>
    tpu.wait_dma2 semaphore(%arg59 : memref<!tpu.dma_semaphore, #tpu.memory_space<semaphore_mem>>) src(%dma_wait3A_159 : memref<2000xi32, #tpu.memory_space<hbm>>) dst(%arg14 : memref<2000xi32, #tpu.memory_space<vmem>>)
    %add3A_160 = arith.constant 2000 : i32
    %add3A_161 = arith.addi %mul3A_13, %add3A_160 : i32
    %dma_start3A_162 = arith.constant 0 : i32
    %dma_start3A_163 = arith.constant 0 : i32
    %dma_start3A_164 = tpu.memref_slice %arg12[%dma_start3A_162, %dma_start3A_163] : memref<100352x8xf32, #tpu.memory_space<hbm>> -> memref<100352x8xf32, #tpu.memory_space<hbm>>
    tpu.enqueue_indirect_dma source(%dma_start3A_164 : memref<100352x8xf32, #tpu.memory_space<hbm>>) target(%arg15 : memref<2000x8xf32, #tpu.memory_space<vmem>>) offsets(%arg13 : memref<2000xi32, #tpu.memory_space<vmem>>) semaphore(%arg58 : memref<!tpu.dma_semaphore, #tpu.memory_space<semaphore_mem>>)
    %dma_start3A_165 = arith.constant 0 : i32
    %dma_start3A_166 = arith.constant 0 : i32
    %dma_start3A_167 = tpu.memref_slice %arg12[%dma_start3A_165, %dma_start3A_166] : memref<100352x8xf32, #tpu.memory_space<hbm>> -> memref<100352x8xf32, #tpu.memory_space<hbm>>
    tpu.enqueue_indirect_dma source(%dma_start3A_167 : memref<100352x8xf32, #tpu.memory_space<hbm>>) target(%arg16 : memref<2000x8xf32, #tpu.memory_space<vmem>>) offsets(%arg14 : memref<2000xi32, #tpu.memory_space<vmem>>) semaphore(%arg58 : memref<!tpu.dma_semaphore, #tpu.memory_space<semaphore_mem>>)
    %dma_start3A_168 = tpu.memref_slice %arg4[%add3A_161] : memref<1600000xf32, #tpu.memory_space<hbm>> -> memref<2000xf32, #tpu.memory_space<hbm>>
    %dma_start3A_169 = tpu.memref_slice %arg4[%add3A_161] : memref<1600000xf32, #tpu.memory_space<hbm>> -> memref<2000xf32, #tpu.memory_space<hbm>>
    tpu.enqueue_dma source(%dma_start3A_169 : memref<2000xf32, #tpu.memory_space<hbm>>) target(%arg17 : memref<2000xf32, #tpu.memory_space<vmem>>) target_semaphore(%arg58 : memref<!tpu.dma_semaphore, #tpu.memory_space<semaphore_mem>>)
    %dma_start3A_170 = tpu.memref_slice %arg5[%add3A_161] : memref<1600000xf32, #tpu.memory_space<hbm>> -> memref<2000xf32, #tpu.memory_space<hbm>>
    %dma_start3A_171 = tpu.memref_slice %arg5[%add3A_161] : memref<1600000xf32, #tpu.memory_space<hbm>> -> memref<2000xf32, #tpu.memory_space<hbm>>
    tpu.enqueue_dma source(%dma_start3A_171 : memref<2000xf32, #tpu.memory_space<hbm>>) target(%arg18 : memref<2000xf32, #tpu.memory_space<vmem>>) target_semaphore(%arg58 : memref<!tpu.dma_semaphore, #tpu.memory_space<semaphore_mem>>)
    %dma_start3A_172 = tpu.memref_slice %arg6[%add3A_161] : memref<1600000xf32, #tpu.memory_space<hbm>> -> memref<2000xf32, #tpu.memory_space<hbm>>
    %dma_start3A_173 = tpu.memref_slice %arg6[%add3A_161] : memref<1600000xf32, #tpu.memory_space<hbm>> -> memref<2000xf32, #tpu.memory_space<hbm>>
    tpu.enqueue_dma source(%dma_start3A_173 : memref<2000xf32, #tpu.memory_space<hbm>>) target(%arg19 : memref<2000xf32, #tpu.memory_space<vmem>>) target_semaphore(%arg58 : memref<!tpu.dma_semaphore, #tpu.memory_space<semaphore_mem>>)
    %scan3A_174 = arith.constant 0 : i32
    %scan3A_175 = arith.constant 12 : i32
    %scan3A_176 = arith.addi %scan3A_174, %scan3A_175 : i32
    %scan3A_177 = arith.constant 1 : i32
    %scan3A_178 = scf.for %scan3A_335 = %scan3A_174 to %scan3A_176 step %scan3A_177 iter_args(%scan3A_336 = %scan3A_144) -> (vector<16xf32>)  : i32 {
      %mul3A_337 = arith.constant 2 : i32
      %mul3A_338 = arith.muli %mul3A_337, %scan3A_335 : i32
      %add3A_339 = arith.constant 1 : i32
      %add3A_340 = arith.addi %mul3A_338, %add3A_339 : i32
      %mul3A_341 = arith.constant 2000 : i32
      %mul3A_342 = arith.muli %add3A_340, %mul3A_341 : i32
      %add3A_343 = arith.addi %mul3A_13, %mul3A_342 : i32
      %add3A_344 = arith.constant 2000 : i32
      %add3A_345 = arith.addi %add3A_343, %add3A_344 : i32
      %dma_start3A_346 = tpu.memref_slice %arg2[%add3A_345] : memref<1600000xi32, #tpu.memory_space<hbm>> -> memref<2000xi32, #tpu.memory_space<hbm>>
      %dma_start3A_347 = tpu.memref_slice %arg2[%add3A_345] : memref<1600000xi32, #tpu.memory_space<hbm>> -> memref<2000xi32, #tpu.memory_space<hbm>>
      tpu.enqueue_dma source(%dma_start3A_347 : memref<2000xi32, #tpu.memory_space<hbm>>) target(%arg20 : memref<2000xi32, #tpu.memory_space<vmem>>) target_semaphore(%arg59 : memref<!tpu.dma_semaphore, #tpu.memory_space<semaphore_mem>>)
      %dma_start3A_348 = tpu.memref_slice %arg3[%add3A_345] : memref<1600000xi32, #tpu.memory_space<hbm>> -> memref<2000xi32, #tpu.memory_space<hbm>>
      %dma_start3A_349 = tpu.memref_slice %arg3[%add3A_345] : memref<1600000xi32, #tpu.memory_space<hbm>> -> memref<2000xi32, #tpu.memory_space<hbm>>
      tpu.enqueue_dma source(%dma_start3A_349 : memref<2000xi32, #tpu.memory_space<hbm>>) target(%arg21 : memref<2000xi32, #tpu.memory_space<vmem>>) target_semaphore(%arg59 : memref<!tpu.dma_semaphore, #tpu.memory_space<semaphore_mem>>)
      %dma_wait3A_350 = arith.constant 0 : i32
      %dma_wait3A_351 = tpu.memref_slice %arg2[%dma_wait3A_350] : memref<1600000xi32, #tpu.memory_space<hbm>> -> memref<2000xi32, #tpu.memory_space<hbm>>
      %dma_wait3A_352 = arith.constant 0 : i32
      %dma_wait3A_353 = tpu.memref_slice %arg2[%dma_wait3A_352] : memref<1600000xi32, #tpu.memory_space<hbm>> -> memref<2000xi32, #tpu.memory_space<hbm>>
      tpu.wait_dma2 semaphore(%arg59 : memref<!tpu.dma_semaphore, #tpu.memory_space<semaphore_mem>>) src(%dma_wait3A_353 : memref<2000xi32, #tpu.memory_space<hbm>>) dst(%arg20 : memref<2000xi32, #tpu.memory_space<vmem>>)
      %dma_wait3A_354 = arith.constant 0 : i32
      %dma_wait3A_355 = tpu.memref_slice %arg3[%dma_wait3A_354] : memref<1600000xi32, #tpu.memory_space<hbm>> -> memref<2000xi32, #tpu.memory_space<hbm>>
      %dma_wait3A_356 = arith.constant 0 : i32
      %dma_wait3A_357 = tpu.memref_slice %arg3[%dma_wait3A_356] : memref<1600000xi32, #tpu.memory_space<hbm>> -> memref<2000xi32, #tpu.memory_space<hbm>>
      tpu.wait_dma2 semaphore(%arg59 : memref<!tpu.dma_semaphore, #tpu.memory_space<semaphore_mem>>) src(%dma_wait3A_357 : memref<2000xi32, #tpu.memory_space<hbm>>) dst(%arg21 : memref<2000xi32, #tpu.memory_space<vmem>>)
      %dma_start3A_358 = arith.constant 0 : i32
      %dma_start3A_359 = arith.constant 0 : i32
      %dma_start3A_360 = tpu.memref_slice %arg12[%dma_start3A_358, %dma_start3A_359] : memref<100352x8xf32, #tpu.memory_space<hbm>> -> memref<100352x8xf32, #tpu.memory_space<hbm>>
      tpu.enqueue_indirect_dma source(%dma_start3A_360 : memref<100352x8xf32, #tpu.memory_space<hbm>>) target(%arg22 : memref<2000x8xf32, #tpu.memory_space<vmem>>) offsets(%arg20 : memref<2000xi32, #tpu.memory_space<vmem>>) semaphore(%arg58 : memref<!tpu.dma_semaphore, #tpu.memory_space<semaphore_mem>>)
      %dma_start3A_361 = arith.constant 0 : i32
      %dma_start3A_362 = arith.constant 0 : i32
      %dma_start3A_363 = tpu.memref_slice %arg12[%dma_start3A_361, %dma_start3A_362] : memref<100352x8xf32, #tpu.memory_space<hbm>> -> memref<100352x8xf32, #tpu.memory_space<hbm>>
      tpu.enqueue_indirect_dma source(%dma_start3A_363 : memref<100352x8xf32, #tpu.memory_space<hbm>>) target(%arg23 : memref<2000x8xf32, #tpu.memory_space<vmem>>) offsets(%arg21 : memref<2000xi32, #tpu.memory_space<vmem>>) semaphore(%arg58 : memref<!tpu.dma_semaphore, #tpu.memory_space<semaphore_mem>>)
      %dma_start3A_364 = tpu.memref_slice %arg4[%add3A_345] : memref<1600000xf32, #tpu.memory_space<hbm>> -> memref<2000xf32, #tpu.memory_space<hbm>>
      %dma_start3A_365 = tpu.memref_slice %arg4[%add3A_345] : memref<1600000xf32, #tpu.memory_space<hbm>> -> memref<2000xf32, #tpu.memory_space<hbm>>
      tpu.enqueue_dma source(%dma_start3A_365 : memref<2000xf32, #tpu.memory_space<hbm>>) target(%arg24 : memref<2000xf32, #tpu.memory_space<vmem>>) target_semaphore(%arg58 : memref<!tpu.dma_semaphore, #tpu.memory_space<semaphore_mem>>)
      %dma_start3A_366 = tpu.memref_slice %arg5[%add3A_345] : memref<1600000xf32, #tpu.memory_space<hbm>> -> memref<2000xf32, #tpu.memory_space<hbm>>
      %dma_start3A_367 = tpu.memref_slice %arg5[%add3A_345] : memref<1600000xf32, #tpu.memory_space<hbm>> -> memref<2000xf32, #tpu.memory_space<hbm>>
      tpu.enqueue_dma source(%dma_start3A_367 : memref<2000xf32, #tpu.memory_space<hbm>>) target(%arg25 : memref<2000xf32, #tpu.memory_space<vmem>>) target_semaphore(%arg58 : memref<!tpu.dma_semaphore, #tpu.memory_space<semaphore_mem>>)
      %dma_start3A_368 = tpu.memref_slice %arg6[%add3A_345] : memref<1600000xf32, #tpu.memory_space<hbm>> -> memref<2000xf32, #tpu.memory_space<hbm>>
      %dma_start3A_369 = tpu.memref_slice %arg6[%add3A_345] : memref<1600000xf32, #tpu.memory_space<hbm>> -> memref<2000xf32, #tpu.memory_space<hbm>>
      tpu.enqueue_dma source(%dma_start3A_369 : memref<2000xf32, #tpu.memory_space<hbm>>) target(%arg26 : memref<2000xf32, #tpu.memory_space<vmem>>) target_semaphore(%arg58 : memref<!tpu.dma_semaphore, #tpu.memory_space<semaphore_mem>>)
      %dma_wait3A_370 = arith.constant 0 : i32
      %dma_wait3A_371 = arith.constant 0 : i32
      %dma_wait3A_372 = tpu.memref_slice %arg12[%dma_wait3A_370, %dma_wait3A_371] : memref<100352x8xf32, #tpu.memory_space<hbm>> -> memref<100352x8xf32, #tpu.memory_space<hbm>>
      tpu.wait_indirect_dma semaphore(%arg58 : memref<!tpu.dma_semaphore, #tpu.memory_space<semaphore_mem>>) src(%dma_wait3A_372 : memref<100352x8xf32, #tpu.memory_space<hbm>>) dst(%arg15 : memref<2000x8xf32, #tpu.memory_space<vmem>>)
      %dma_wait3A_373 = arith.constant 0 : i32
      %dma_wait3A_374 = arith.constant 0 : i32
      %dma_wait3A_375 = tpu.memref_slice %arg12[%dma_wait3A_373, %dma_wait3A_374] : memref<100352x8xf32, #tpu.memory_space<hbm>> -> memref<100352x8xf32, #tpu.memory_space<hbm>>
      tpu.wait_indirect_dma semaphore(%arg58 : memref<!tpu.dma_semaphore, #tpu.memory_space<semaphore_mem>>) src(%dma_wait3A_375 : memref<100352x8xf32, #tpu.memory_space<hbm>>) dst(%arg16 : memref<2000x8xf32, #tpu.memory_space<vmem>>)
      %dma_wait3A_376 = arith.constant 0 : i32
      %dma_wait3A_377 = tpu.memref_slice %arg4[%dma_wait3A_376] : memref<1600000xf32, #tpu.memory_space<hbm>> -> memref<2000xf32, #tpu.memory_space<hbm>>
      %dma_wait3A_378 = arith.constant 0 : i32
      %dma_wait3A_379 = tpu.memref_slice %arg4[%dma_wait3A_378] : memref<1600000xf32, #tpu.memory_space<hbm>> -> memref<2000xf32, #tpu.memory_space<hbm>>
      tpu.wait_dma2 semaphore(%arg58 : memref<!tpu.dma_semaphore, #tpu.memory_space<semaphore_mem>>) src(%dma_wait3A_379 : memref<2000xf32, #tpu.memory_space<hbm>>) dst(%arg17 : memref<2000xf32, #tpu.memory_space<vmem>>)
      %dma_wait3A_380 = arith.constant 0 : i32
      %dma_wait3A_381 = tpu.memref_slice %arg4[%dma_wait3A_380] : memref<1600000xf32, #tpu.memory_space<hbm>> -> memref<2000xf32, #tpu.memory_space<hbm>>
      %dma_wait3A_382 = arith.constant 0 : i32
      %dma_wait3A_383 = tpu.memref_slice %arg4[%dma_wait3A_382] : memref<1600000xf32, #tpu.memory_space<hbm>> -> memref<2000xf32, #tpu.memory_space<hbm>>
      tpu.wait_dma2 semaphore(%arg58 : memref<!tpu.dma_semaphore, #tpu.memory_space<semaphore_mem>>) src(%dma_wait3A_383 : memref<2000xf32, #tpu.memory_space<hbm>>) dst(%arg18 : memref<2000xf32, #tpu.memory_space<vmem>>)
      %dma_wait3A_384 = arith.constant 0 : i32
      %dma_wait3A_385 = tpu.memref_slice %arg4[%dma_wait3A_384] : memref<1600000xf32, #tpu.memory_space<hbm>> -> memref<2000xf32, #tpu.memory_space<hbm>>
      %dma_wait3A_386 = arith.constant 0 : i32
      %dma_wait3A_387 = tpu.memref_slice %arg4[%dma_wait3A_386] : memref<1600000xf32, #tpu.memory_space<hbm>> -> memref<2000xf32, #tpu.memory_space<hbm>>
      tpu.wait_dma2 semaphore(%arg58 : memref<!tpu.dma_semaphore, #tpu.memory_space<semaphore_mem>>) src(%dma_wait3A_387 : memref<2000xf32, #tpu.memory_space<hbm>>) dst(%arg19 : memref<2000xf32, #tpu.memory_space<vmem>>)
      %scan3A_388 = arith.constant 0 : i32
      %scan3A_389 = arith.constant 125 : i32
      %scan3A_390 = arith.addi %scan3A_388, %scan3A_389 : i32
      %scan3A_391 = arith.constant 1 : i32
      %scan3A_392 = scf.for %scan3A_422 = %scan3A_388 to %scan3A_390 step %scan3A_391 iter_args(%scan3A_423 = %scan3A_336) -> (vector<16xf32>)  : i32 {
        %mul3A_424 = arith.constant 16 : i32
        %mul3A_425 = arith.muli %scan3A_422, %mul3A_424 : i32
        %mul3A_426 = arith.constant 16 : i32
        %mul3A_427 = arith.muli %scan3A_422, %mul3A_426 : i32
        %add3A_428 = vector.broadcast %mul3A_427 : i32 to vector<16xi32>
        %add3A_429 = arith.addi %add3A_428, %iota3A : vector<16xi32>
        %gather3A = tpu.vector_load_idx %arg15[%add3A_429, %mul3A_3] : memref<2000x8xf32, #tpu.memory_space<vmem>>[vector<16xi32>, vector<16xi32>], vector<16xf32>,
        %gather3A_430 = tpu.vector_load_idx %arg16[%add3A_429, %mul3A_3] : memref<2000x8xf32, #tpu.memory_space<vmem>>[vector<16xi32>, vector<16xi32>], vector<16xf32>,
        %sub3A = arith.subf %gather3A, %gather3A_430 : vector<16xf32>
        %get3A = arith.index_cast %mul3A_425 : i32 to index
        %get3A_431 = tpu.vector_load %arg17[%get3A] {strides = array<i32>} : memref<2000xf32, #tpu.memory_space<vmem>>, vector<16xf32>,
        %sub3A_432 = arith.subf %sub3A, %get3A_431 : vector<16xf32>
        %gather3A_433 = tpu.vector_load_idx %arg15[%add3A_429, %add3A_6] : memref<2000x8xf32, #tpu.memory_space<vmem>>[vector<16xi32>, vector<16xi32>], vector<16xf32>,
        %gather3A_434 = tpu.vector_load_idx %arg16[%add3A_429, %add3A_6] : memref<2000x8xf32, #tpu.memory_space<vmem>>[vector<16xi32>, vector<16xi32>], vector<16xf32>,
        %sub3A_435 = arith.subf %gather3A_433, %gather3A_434 : vector<16xf32>
        %get3A_436 = arith.index_cast %mul3A_425 : i32 to index
        %get3A_437 = tpu.vector_load %arg18[%get3A_436] {strides = array<i32>} : memref<2000xf32, #tpu.memory_space<vmem>>, vector<16xf32>,
        %sub3A_438 = arith.subf %sub3A_435, %get3A_437 : vector<16xf32>
        %gather3A_439 = tpu.vector_load_idx %arg15[%add3A_429, %add3A_9] : memref<2000x8xf32, #tpu.memory_space<vmem>>[vector<16xi32>, vector<16xi32>], vector<16xf32>,
        %gather3A_440 = tpu.vector_load_idx %arg16[%add3A_429, %add3A_9] : memref<2000x8xf32, #tpu.memory_space<vmem>>[vector<16xi32>, vector<16xi32>], vector<16xf32>,
        %sub3A_441 = arith.subf %gather3A_439, %gather3A_440 : vector<16xf32>
        %get3A_442 = arith.index_cast %mul3A_425 : i32 to index
        %get3A_443 = tpu.vector_load %arg19[%get3A_442] {strides = array<i32>} : memref<2000xf32, #tpu.memory_space<vmem>>, vector<16xf32>,
        %sub3A_444 = arith.subf %sub3A_441, %get3A_443 : vector<16xf32>
        %mul3A_445 = arith.mulf %sub3A_432, %sub3A_432 : vector<16xf32>
        %mul3A_446 = arith.mulf %sub3A_438, %sub3A_438 : vector<16xf32>
        %add3A_447 = arith.addf %mul3A_445, %mul3A_446 : vector<16xf32>
        %mul3A_448 = arith.mulf %sub3A_444, %sub3A_444 : vector<16xf32>
        %add3A_449 = arith.addf %add3A_447, %mul3A_448 : vector<16xf32>
        %add3A_450 = arith.addf %scan3A_423, %add3A_449 : vector<16xf32>
        scf.yield %add3A_450 : vector<16xf32>
      }
      %scan3A_393 = arith.constant 125 : i32
      %add3A_394 = arith.constant 1 : i32
      %add3A_395 = arith.addi %scan3A_335, %add3A_394 : i32
      %lt3A = arith.constant 12 : i32
      %lt3A_396 = arith.cmpi slt, %add3A_395, %lt3A : i32
      %convert_element_type3A = arith.extui %lt3A_396 : i1 to i32
      %cond3A = arith.constant 0 : i32
      %cond3A_397 = arith.cmpi ne, %convert_element_type3A, %cond3A : i32
      scf.if %cond3A_397 {
        %add3A_422 = arith.constant 2000 : i32
        %add3A_423 = arith.addi %add3A_345, %add3A_422 : i32
        %dma_start3A_424 = tpu.memref_slice %arg2[%add3A_423] : memref<1600000xi32, #tpu.memory_space<hbm>> -> memref<2000xi32, #tpu.memory_space<hbm>>
        %dma_start3A_425 = tpu.memref_slice %arg2[%add3A_423] : memref<1600000xi32, #tpu.memory_space<hbm>> -> memref<2000xi32, #tpu.memory_space<hbm>>
        tpu.enqueue_dma source(%dma_start3A_425 : memref<2000xi32, #tpu.memory_space<hbm>>) target(%arg13 : memref<2000xi32, #tpu.memory_space<vmem>>) target_semaphore(%arg59 : memref<!tpu.dma_semaphore, #tpu.memory_space<semaphore_mem>>)
        %dma_start3A_426 = tpu.memref_slice %arg3[%add3A_423] : memref<1600000xi32, #tpu.memory_space<hbm>> -> memref<2000xi32, #tpu.memory_space<hbm>>
        %dma_start3A_427 = tpu.memref_slice %arg3[%add3A_423] : memref<1600000xi32, #tpu.memory_space<hbm>> -> memref<2000xi32, #tpu.memory_space<hbm>>
        tpu.enqueue_dma source(%dma_start3A_427 : memref<2000xi32, #tpu.memory_space<hbm>>) target(%arg14 : memref<2000xi32, #tpu.memory_space<vmem>>) target_semaphore(%arg59 : memref<!tpu.dma_semaphore, #tpu.memory_space<semaphore_mem>>)
        %dma_wait3A_428 = arith.constant 0 : i32
        %dma_wait3A_429 = tpu.memref_slice %arg2[%dma_wait3A_428] : memref<1600000xi32, #tpu.memory_space<hbm>> -> memref<2000xi32, #tpu.memory_space<hbm>>
        %dma_wait3A_430 = arith.constant 0 : i32
        %dma_wait3A_431 = tpu.memref_slice %arg2[%dma_wait3A_430] : memref<1600000xi32, #tpu.memory_space<hbm>> -> memref<2000xi32, #tpu.memory_space<hbm>>
        tpu.wait_dma2 semaphore(%arg59 : memref<!tpu.dma_semaphore, #tpu.memory_space<semaphore_mem>>) src(%dma_wait3A_431 : memref<2000xi32, #tpu.memory_space<hbm>>) dst(%arg13 : memref<2000xi32, #tpu.memory_space<vmem>>)
        %dma_wait3A_432 = arith.constant 0 : i32
        %dma_wait3A_433 = tpu.memref_slice %arg3[%dma_wait3A_432] : memref<1600000xi32, #tpu.memory_space<hbm>> -> memref<2000xi32, #tpu.memory_space<hbm>>
        %dma_wait3A_434 = arith.constant 0 : i32
        %dma_wait3A_435 = tpu.memref_slice %arg3[%dma_wait3A_434] : memref<1600000xi32, #tpu.memory_space<hbm>> -> memref<2000xi32, #tpu.memory_space<hbm>>
        tpu.wait_dma2 semaphore(%arg59 : memref<!tpu.dma_semaphore, #tpu.memory_space<semaphore_mem>>) src(%dma_wait3A_435 : memref<2000xi32, #tpu.memory_space<hbm>>) dst(%arg14 : memref<2000xi32, #tpu.memory_space<vmem>>)
        %add3A_436 = arith.constant 2000 : i32
        %add3A_437 = arith.addi %add3A_345, %add3A_436 : i32
        %dma_start3A_438 = arith.constant 0 : i32
        %dma_start3A_439 = arith.constant 0 : i32
        %dma_start3A_440 = tpu.memref_slice %arg12[%dma_start3A_438, %dma_start3A_439] : memref<100352x8xf32, #tpu.memory_space<hbm>> -> memref<100352x8xf32, #tpu.memory_space<hbm>>
        tpu.enqueue_indirect_dma source(%dma_start3A_440 : memref<100352x8xf32, #tpu.memory_space<hbm>>) target(%arg15 : memref<2000x8xf32, #tpu.memory_space<vmem>>) offsets(%arg13 : memref<2000xi32, #tpu.memory_space<vmem>>) semaphore(%arg58 : memref<!tpu.dma_semaphore, #tpu.memory_space<semaphore_mem>>)
        %dma_start3A_441 = arith.constant 0 : i32
        %dma_start3A_442 = arith.constant 0 : i32
        %dma_start3A_443 = tpu.memref_slice %arg12[%dma_start3A_441, %dma_start3A_442] : memref<100352x8xf32, #tpu.memory_space<hbm>> -> memref<100352x8xf32, #tpu.memory_space<hbm>>
        tpu.enqueue_indirect_dma source(%dma_start3A_443 : memref<100352x8xf32, #tpu.memory_space<hbm>>) target(%arg16 : memref<2000x8xf32, #tpu.memory_space<vmem>>) offsets(%arg14 : memref<2000xi32, #tpu.memory_space<vmem>>) semaphore(%arg58 : memref<!tpu.dma_semaphore, #tpu.memory_space<semaphore_mem>>)
        %dma_start3A_444 = tpu.memref_slice %arg4[%add3A_437] : memref<1600000xf32, #tpu.memory_space<hbm>> -> memref<2000xf32, #tpu.memory_space<hbm>>
        %dma_start3A_445 = tpu.memref_slice %arg4[%add3A_437] : memref<1600000xf32, #tpu.memory_space<hbm>> -> memref<2000xf32, #tpu.memory_space<hbm>>
        tpu.enqueue_dma source(%dma_start3A_445 : memref<2000xf32, #tpu.memory_space<hbm>>) target(%arg17 : memref<2000xf32, #tpu.memory_space<vmem>>) target_semaphore(%arg58 : memref<!tpu.dma_semaphore, #tpu.memory_space<semaphore_mem>>)
        %dma_start3A_446 = tpu.memref_slice %arg5[%add3A_437] : memref<1600000xf32, #tpu.memory_space<hbm>> -> memref<2000xf32, #tpu.memory_space<hbm>>
        %dma_start3A_447 = tpu.memref_slice %arg5[%add3A_437] : memref<1600000xf32, #tpu.memory_space<hbm>> -> memref<2000xf32, #tpu.memory_space<hbm>>
        tpu.enqueue_dma source(%dma_start3A_447 : memref<2000xf32, #tpu.memory_space<hbm>>) target(%arg18 : memref<2000xf32, #tpu.memory_space<vmem>>) target_semaphore(%arg58 : memref<!tpu.dma_semaphore, #tpu.memory_space<semaphore_mem>>)
        %dma_start3A_448 = tpu.memref_slice %arg6[%add3A_437] : memref<1600000xf32, #tpu.memory_space<hbm>> -> memref<2000xf32, #tpu.memory_space<hbm>>
        %dma_start3A_449 = tpu.memref_slice %arg6[%add3A_437] : memref<1600000xf32, #tpu.memory_space<hbm>> -> memref<2000xf32, #tpu.memory_space<hbm>>
        tpu.enqueue_dma source(%dma_start3A_449 : memref<2000xf32, #tpu.memory_space<hbm>>) target(%arg19 : memref<2000xf32, #tpu.memory_space<vmem>>) target_semaphore(%arg58 : memref<!tpu.dma_semaphore, #tpu.memory_space<semaphore_mem>>)
      } else {
      }
      %dma_wait3A_398 = arith.constant 0 : i32
      %dma_wait3A_399 = arith.constant 0 : i32
      %dma_wait3A_400 = tpu.memref_slice %arg12[%dma_wait3A_398, %dma_wait3A_399] : memref<100352x8xf32, #tpu.memory_space<hbm>> -> memref<100352x8xf32, #tpu.memory_space<hbm>>
      tpu.wait_indirect_dma semaphore(%arg58 : memref<!tpu.dma_semaphore, #tpu.memory_space<semaphore_mem>>) src(%dma_wait3A_400 : memref<100352x8xf32, #tpu.memory_space<hbm>>) dst(%arg22 : memref<2000x8xf32, #tpu.memory_space<vmem>>)
      %dma_wait3A_401 = arith.constant 0 : i32
      %dma_wait3A_402 = arith.constant 0 : i32
      %dma_wait3A_403 = tpu.memref_slice %arg12[%dma_wait3A_401, %dma_wait3A_402] : memref<100352x8xf32, #tpu.memory_space<hbm>> -> memref<100352x8xf32, #tpu.memory_space<hbm>>
      tpu.wait_indirect_dma semaphore(%arg58 : memref<!tpu.dma_semaphore, #tpu.memory_space<semaphore_mem>>) src(%dma_wait3A_403 : memref<100352x8xf32, #tpu.memory_space<hbm>>) dst(%arg23 : memref<2000x8xf32, #tpu.memory_space<vmem>>)
      %dma_wait3A_404 = arith.constant 0 : i32
      %dma_wait3A_405 = tpu.memref_slice %arg4[%dma_wait3A_404] : memref<1600000xf32, #tpu.memory_space<hbm>> -> memref<2000xf32, #tpu.memory_space<hbm>>
      %dma_wait3A_406 = arith.constant 0 : i32
      %dma_wait3A_407 = tpu.memref_slice %arg4[%dma_wait3A_406] : memref<1600000xf32, #tpu.memory_space<hbm>> -> memref<2000xf32, #tpu.memory_space<hbm>>
      tpu.wait_dma2 semaphore(%arg58 : memref<!tpu.dma_semaphore, #tpu.memory_space<semaphore_mem>>) src(%dma_wait3A_407 : memref<2000xf32, #tpu.memory_space<hbm>>) dst(%arg24 : memref<2000xf32, #tpu.memory_space<vmem>>)
      %dma_wait3A_408 = arith.constant 0 : i32
      %dma_wait3A_409 = tpu.memref_slice %arg4[%dma_wait3A_408] : memref<1600000xf32, #tpu.memory_space<hbm>> -> memref<2000xf32, #tpu.memory_space<hbm>>
      %dma_wait3A_410 = arith.constant 0 : i32
      %dma_wait3A_411 = tpu.memref_slice %arg4[%dma_wait3A_410] : memref<1600000xf32, #tpu.memory_space<hbm>> -> memref<2000xf32, #tpu.memory_space<hbm>>
      tpu.wait_dma2 semaphore(%arg58 : memref<!tpu.dma_semaphore, #tpu.memory_space<semaphore_mem>>) src(%dma_wait3A_411 : memref<2000xf32, #tpu.memory_space<hbm>>) dst(%arg25 : memref<2000xf32, #tpu.memory_space<vmem>>)
      %dma_wait3A_412 = arith.constant 0 : i32
      %dma_wait3A_413 = tpu.memref_slice %arg4[%dma_wait3A_412] : memref<1600000xf32, #tpu.memory_space<hbm>> -> memref<2000xf32, #tpu.memory_space<hbm>>
      %dma_wait3A_414 = arith.constant 0 : i32
      %dma_wait3A_415 = tpu.memref_slice %arg4[%dma_wait3A_414] : memref<1600000xf32, #tpu.memory_space<hbm>> -> memref<2000xf32, #tpu.memory_space<hbm>>
      tpu.wait_dma2 semaphore(%arg58 : memref<!tpu.dma_semaphore, #tpu.memory_space<semaphore_mem>>) src(%dma_wait3A_415 : memref<2000xf32, #tpu.memory_space<hbm>>) dst(%arg26 : memref<2000xf32, #tpu.memory_space<vmem>>)
      %scan3A_416 = arith.constant 0 : i32
      %scan3A_417 = arith.constant 125 : i32
      %scan3A_418 = arith.addi %scan3A_416, %scan3A_417 : i32
      %scan3A_419 = arith.constant 1 : i32
      %scan3A_420 = scf.for %scan3A_422 = %scan3A_416 to %scan3A_418 step %scan3A_419 iter_args(%scan3A_423 = %scan3A_392) -> (vector<16xf32>)  : i32 {
        %mul3A_424 = arith.constant 16 : i32
        %mul3A_425 = arith.muli %scan3A_422, %mul3A_424 : i32
        %mul3A_426 = arith.constant 16 : i32
        %mul3A_427 = arith.muli %scan3A_422, %mul3A_426 : i32
        %add3A_428 = vector.broadcast %mul3A_427 : i32 to vector<16xi32>
        %add3A_429 = arith.addi %add3A_428, %iota3A : vector<16xi32>
        %gather3A = tpu.vector_load_idx %arg22[%add3A_429, %mul3A_3] : memref<2000x8xf32, #tpu.memory_space<vmem>>[vector<16xi32>, vector<16xi32>], vector<16xf32>,
        %gather3A_430 = tpu.vector_load_idx %arg23[%add3A_429, %mul3A_3] : memref<2000x8xf32, #tpu.memory_space<vmem>>[vector<16xi32>, vector<16xi32>], vector<16xf32>,
        %sub3A = arith.subf %gather3A, %gather3A_430 : vector<16xf32>
        %get3A = arith.index_cast %mul3A_425 : i32 to index
        %get3A_431 = tpu.vector_load %arg24[%get3A] {strides = array<i32>} : memref<2000xf32, #tpu.memory_space<vmem>>, vector<16xf32>,
        %sub3A_432 = arith.subf %sub3A, %get3A_431 : vector<16xf32>
        %gather3A_433 = tpu.vector_load_idx %arg22[%add3A_429, %add3A_6] : memref<2000x8xf32, #tpu.memory_space<vmem>>[vector<16xi32>, vector<16xi32>], vector<16xf32>,
        %gather3A_434 = tpu.vector_load_idx %arg23[%add3A_429, %add3A_6] : memref<2000x8xf32, #tpu.memory_space<vmem>>[vector<16xi32>, vector<16xi32>], vector<16xf32>,
        %sub3A_435 = arith.subf %gather3A_433, %gather3A_434 : vector<16xf32>
        %get3A_436 = arith.index_cast %mul3A_425 : i32 to index
        %get3A_437 = tpu.vector_load %arg25[%get3A_436] {strides = array<i32>} : memref<2000xf32, #tpu.memory_space<vmem>>, vector<16xf32>,
        %sub3A_438 = arith.subf %sub3A_435, %get3A_437 : vector<16xf32>
        %gather3A_439 = tpu.vector_load_idx %arg22[%add3A_429, %add3A_9] : memref<2000x8xf32, #tpu.memory_space<vmem>>[vector<16xi32>, vector<16xi32>], vector<16xf32>,
        %gather3A_440 = tpu.vector_load_idx %arg23[%add3A_429, %add3A_9] : memref<2000x8xf32, #tpu.memory_space<vmem>>[vector<16xi32>, vector<16xi32>], vector<16xf32>,
        %sub3A_441 = arith.subf %gather3A_439, %gather3A_440 : vector<16xf32>
        %get3A_442 = arith.index_cast %mul3A_425 : i32 to index
        %get3A_443 = tpu.vector_load %arg26[%get3A_442] {strides = array<i32>} : memref<2000xf32, #tpu.memory_space<vmem>>, vector<16xf32>,
        %sub3A_444 = arith.subf %sub3A_441, %get3A_443 : vector<16xf32>
        %mul3A_445 = arith.mulf %sub3A_432, %sub3A_432 : vector<16xf32>
        %mul3A_446 = arith.mulf %sub3A_438, %sub3A_438 : vector<16xf32>
        %add3A_447 = arith.addf %mul3A_445, %mul3A_446 : vector<16xf32>
        %mul3A_448 = arith.mulf %sub3A_444, %sub3A_444 : vector<16xf32>
        %add3A_449 = arith.addf %add3A_447, %mul3A_448 : vector<16xf32>
        %add3A_450 = arith.addf %scan3A_423, %add3A_449 : vector<16xf32>
        scf.yield %add3A_450 : vector<16xf32>
      }
      %scan3A_421 = arith.constant 125 : i32
      scf.yield %scan3A_420 : vector<16xf32>
    }
    %scan3A_179 = arith.constant 12 : i32
    %dma_wait3A_180 = arith.constant 0 : i32
    %dma_wait3A_181 = tpu.memref_slice %arg7[%dma_wait3A_180] : memref<262144xf32, #tpu.memory_space<hbm>> -> memref<262144xf32, #tpu.memory_space<hbm>>
    tpu.wait_indirect_dma semaphore(%arg60 : memref<!tpu.dma_semaphore, #tpu.memory_space<semaphore_mem>>) src(%dma_wait3A_181 : memref<262144xf32, #tpu.memory_space<hbm>>) dst(%arg49 : memref<784xf32, #tpu.memory_space<vmem>>)
    %dma_wait3A_182 = arith.constant 0 : i32
    %dma_wait3A_183 = tpu.memref_slice %arg7[%dma_wait3A_182] : memref<262144xf32, #tpu.memory_space<hbm>> -> memref<262144xf32, #tpu.memory_space<hbm>>
    tpu.wait_indirect_dma semaphore(%arg60 : memref<!tpu.dma_semaphore, #tpu.memory_space<semaphore_mem>>) src(%dma_wait3A_183 : memref<262144xf32, #tpu.memory_space<hbm>>) dst(%arg50 : memref<784xf32, #tpu.memory_space<vmem>>)
    %dma_wait3A_184 = arith.constant 0 : i32
    %dma_wait3A_185 = tpu.memref_slice %arg7[%dma_wait3A_184] : memref<262144xf32, #tpu.memory_space<hbm>> -> memref<262144xf32, #tpu.memory_space<hbm>>
    tpu.wait_indirect_dma semaphore(%arg60 : memref<!tpu.dma_semaphore, #tpu.memory_space<semaphore_mem>>) src(%dma_wait3A_185 : memref<262144xf32, #tpu.memory_space<hbm>>) dst(%arg51 : memref<784xf32, #tpu.memory_space<vmem>>)
    %dma_wait3A_186 = arith.constant 0 : i32
    %dma_wait3A_187 = tpu.memref_slice %arg7[%dma_wait3A_186] : memref<262144xf32, #tpu.memory_space<hbm>> -> memref<262144xf32, #tpu.memory_space<hbm>>
    tpu.wait_indirect_dma semaphore(%arg60 : memref<!tpu.dma_semaphore, #tpu.memory_space<semaphore_mem>>) src(%dma_wait3A_187 : memref<262144xf32, #tpu.memory_space<hbm>>) dst(%arg52 : memref<784xf32, #tpu.memory_space<vmem>>)
    %dma_wait3A_188 = arith.constant 0 : i32
    %dma_wait3A_189 = tpu.memref_slice %arg7[%dma_wait3A_188] : memref<262144xf32, #tpu.memory_space<hbm>> -> memref<262144xf32, #tpu.memory_space<hbm>>
    tpu.wait_indirect_dma semaphore(%arg60 : memref<!tpu.dma_semaphore, #tpu.memory_space<semaphore_mem>>) src(%dma_wait3A_189 : memref<262144xf32, #tpu.memory_space<hbm>>) dst(%arg53 : memref<784xf32, #tpu.memory_space<vmem>>)
    %dma_wait3A_190 = arith.constant 0 : i32
    %dma_wait3A_191 = tpu.memref_slice %arg7[%dma_wait3A_190] : memref<262144xf32, #tpu.memory_space<hbm>> -> memref<262144xf32, #tpu.memory_space<hbm>>
    tpu.wait_indirect_dma semaphore(%arg60 : memref<!tpu.dma_semaphore, #tpu.memory_space<semaphore_mem>>) src(%dma_wait3A_191 : memref<262144xf32, #tpu.memory_space<hbm>>) dst(%arg54 : memref<784xf32, #tpu.memory_space<vmem>>)
    %dma_wait3A_192 = arith.constant 0 : i32
    %dma_wait3A_193 = tpu.memref_slice %arg7[%dma_wait3A_192] : memref<262144xf32, #tpu.memory_space<hbm>> -> memref<262144xf32, #tpu.memory_space<hbm>>
    tpu.wait_indirect_dma semaphore(%arg60 : memref<!tpu.dma_semaphore, #tpu.memory_space<semaphore_mem>>) src(%dma_wait3A_193 : memref<262144xf32, #tpu.memory_space<hbm>>) dst(%arg55 : memref<784xf32, #tpu.memory_space<vmem>>)
    %dma_wait3A_194 = arith.constant 0 : i32
    %dma_wait3A_195 = tpu.memref_slice %arg7[%dma_wait3A_194] : memref<262144xf32, #tpu.memory_space<hbm>> -> memref<262144xf32, #tpu.memory_space<hbm>>
    tpu.wait_indirect_dma semaphore(%arg60 : memref<!tpu.dma_semaphore, #tpu.memory_space<semaphore_mem>>) src(%dma_wait3A_195 : memref<262144xf32, #tpu.memory_space<hbm>>) dst(%arg56 : memref<784xf32, #tpu.memory_space<vmem>>)
    %scan3A_196 = arith.constant 0 : i32
    %scan3A_197 = arith.constant 49 : i32
    %scan3A_198 = arith.addi %scan3A_196, %scan3A_197 : i32
    %scan3A_199 = arith.constant 1 : i32
    %scan3A_200 = scf.for %scan3A_335 = %scan3A_196 to %scan3A_198 step %scan3A_199 iter_args(%scan3A_336 = %scan3A_178) -> (vector<16xf32>)  : i32 {
      %mul3A_337 = arith.constant 16 : i32
      %mul3A_338 = arith.muli %scan3A_335, %mul3A_337 : i32
      %mul3A_339 = arith.constant 16 : i32
      %mul3A_340 = arith.muli %scan3A_335, %mul3A_339 : i32
      %add3A_341 = arith.constant 0 : i32
      %add3A_342 = arith.addi %add3A_341, %mul3A_340 : i32
      %get3A = arith.index_cast %add3A_342 : i32 to index
      %get3A_343 = tpu.vector_load %arg35[%get3A] {strides = array<i32>} : memref<1568xf32, #tpu.memory_space<vmem>>, vector<16xf32>,
      %add3A_344 = arith.constant 1.000000e+00 : f32
      %add3A_345 = vector.broadcast %add3A_344 : f32 to vector<16xf32>
      %add3A_346 = arith.addf %get3A_343, %add3A_345 : vector<16xf32>
      %mul3A_347 = arith.constant 5.000000e-01 : f32
      %mul3A_348 = vector.broadcast %mul3A_347 : f32 to vector<16xf32>
      %mul3A_349 = arith.mulf %add3A_346, %mul3A_348 : vector<16xf32>
      %mul3A_350 = arith.constant 6.300000e+01 : f32
      %mul3A_351 = vector.broadcast %mul3A_350 : f32 to vector<16xf32>
      %mul3A_352 = arith.mulf %mul3A_349, %mul3A_351 : vector<16xf32>
      %max3A = arith.constant 0.000000e+00 : f32
      %max3A_353 = vector.broadcast %max3A : f32 to vector<16xf32>
      %max3A_354 = arith.maximumf %mul3A_352, %max3A_353 : vector<16xf32>
      %min3A = arith.constant 6.299990e+01 : f32
      %min3A_355 = vector.broadcast %min3A : f32 to vector<16xf32>
      %min3A_356 = arith.minimumf %max3A_354, %min3A_355 : vector<16xf32>
      %convert_element_type3A = arith.fptosi %min3A_356 : vector<16xf32> to vector<16xi32>
      %convert_element_type3A_357 = arith.sitofp %convert_element_type3A : vector<16xi32> to vector<16xf32>
      %sub3A = arith.subf %min3A_356, %convert_element_type3A_357 : vector<16xf32>
      %get3A_358 = arith.index_cast %add3A_342 : i32 to index
      %get3A_359 = tpu.vector_load %arg36[%get3A_358] {strides = array<i32>} : memref<1568xf32, #tpu.memory_space<vmem>>, vector<16xf32>,
      %add3A_360 = arith.constant 1.000000e+00 : f32
      %add3A_361 = vector.broadcast %add3A_360 : f32 to vector<16xf32>
      %add3A_362 = arith.addf %get3A_359, %add3A_361 : vector<16xf32>
      %mul3A_363 = arith.constant 5.000000e-01 : f32
      %mul3A_364 = vector.broadcast %mul3A_363 : f32 to vector<16xf32>
      %mul3A_365 = arith.mulf %add3A_362, %mul3A_364 : vector<16xf32>
      %mul3A_366 = arith.constant 6.300000e+01 : f32
      %mul3A_367 = vector.broadcast %mul3A_366 : f32 to vector<16xf32>
      %mul3A_368 = arith.mulf %mul3A_365, %mul3A_367 : vector<16xf32>
      %max3A_369 = arith.constant 0.000000e+00 : f32
      %max3A_370 = vector.broadcast %max3A_369 : f32 to vector<16xf32>
      %max3A_371 = arith.maximumf %mul3A_368, %max3A_370 : vector<16xf32>
      %min3A_372 = arith.constant 6.299990e+01 : f32
      %min3A_373 = vector.broadcast %min3A_372 : f32 to vector<16xf32>
      %min3A_374 = arith.minimumf %max3A_371, %min3A_373 : vector<16xf32>
      %convert_element_type3A_375 = arith.fptosi %min3A_374 : vector<16xf32> to vector<16xi32>
      %convert_element_type3A_376 = arith.sitofp %convert_element_type3A_375 : vector<16xi32> to vector<16xf32>
      %sub3A_377 = arith.subf %min3A_374, %convert_element_type3A_376 : vector<16xf32>
      %get3A_378 = arith.index_cast %add3A_342 : i32 to index
      %get3A_379 = tpu.vector_load %arg37[%get3A_378] {strides = array<i32>} : memref<1568xf32, #tpu.memory_space<vmem>>, vector<16xf32>,
      %add3A_380 = arith.constant 1.000000e+00 : f32
      %add3A_381 = vector.broadcast %add3A_380 : f32 to vector<16xf32>
      %add3A_382 = arith.addf %get3A_379, %add3A_381 : vector<16xf32>
      %mul3A_383 = arith.constant 5.000000e-01 : f32
      %mul3A_384 = vector.broadcast %mul3A_383 : f32 to vector<16xf32>
      %mul3A_385 = arith.mulf %add3A_382, %mul3A_384 : vector<16xf32>
      %mul3A_386 = arith.constant 6.300000e+01 : f32
      %mul3A_387 = vector.broadcast %mul3A_386 : f32 to vector<16xf32>
      %mul3A_388 = arith.mulf %mul3A_385, %mul3A_387 : vector<16xf32>
      %max3A_389 = arith.constant 0.000000e+00 : f32
      %max3A_390 = vector.broadcast %max3A_389 : f32 to vector<16xf32>
      %max3A_391 = arith.maximumf %mul3A_388, %max3A_390 : vector<16xf32>
      %min3A_392 = arith.constant 6.299990e+01 : f32
      %min3A_393 = vector.broadcast %min3A_392 : f32 to vector<16xf32>
      %min3A_394 = arith.minimumf %max3A_391, %min3A_393 : vector<16xf32>
      %convert_element_type3A_395 = arith.fptosi %min3A_394 : vector<16xf32> to vector<16xi32>
      %convert_element_type3A_396 = arith.sitofp %convert_element_type3A_395 : vector<16xi32> to vector<16xf32>
      %sub3A_397 = arith.subf %min3A_394, %convert_element_type3A_396 : vector<16xf32>
      %get3A_398 = arith.index_cast %mul3A_338 : i32 to index
      %get3A_399 = tpu.vector_load %arg49[%get3A_398] {strides = array<i32>} : memref<784xf32, #tpu.memory_space<vmem>>, vector<16xf32>,
      %sub3A_400 = arith.constant 1.000000e+00 : f32
      %sub3A_401 = vector.broadcast %sub3A_400 : f32 to vector<16xf32>
      %sub3A_402 = arith.subf %sub3A_401, %sub3A : vector<16xf32>
      %mul3A_403 = arith.mulf %get3A_399, %sub3A_402 : vector<16xf32>
      %get3A_404 = arith.index_cast %mul3A_338 : i32 to index
      %get3A_405 = tpu.vector_load %arg53[%get3A_404] {strides = array<i32>} : memref<784xf32, #tpu.memory_space<vmem>>, vector<16xf32>,
      %mul3A_406 = arith.mulf %get3A_405, %sub3A : vector<16xf32>
      %add3A_407 = arith.addf %mul3A_403, %mul3A_406 : vector<16xf32>
      %get3A_408 = arith.index_cast %mul3A_338 : i32 to index
      %get3A_409 = tpu.vector_load %arg51[%get3A_408] {strides = array<i32>} : memref<784xf32, #tpu.memory_space<vmem>>, vector<16xf32>,
      %sub3A_410 = arith.constant 1.000000e+00 : f32
      %sub3A_411 = vector.broadcast %sub3A_410 : f32 to vector<16xf32>
      %sub3A_412 = arith.subf %sub3A_411, %sub3A : vector<16xf32>
      %mul3A_413 = arith.mulf %get3A_409, %sub3A_412 : vector<16xf32>
      %get3A_414 = arith.index_cast %mul3A_338 : i32 to index
      %get3A_415 = tpu.vector_load %arg55[%get3A_414] {strides = array<i32>} : memref<784xf32, #tpu.memory_space<vmem>>, vector<16xf32>,
      %mul3A_416 = arith.mulf %get3A_415, %sub3A : vector<16xf32>
      %add3A_417 = arith.addf %mul3A_413, %mul3A_416 : vector<16xf32>
      %get3A_418 = arith.index_cast %mul3A_338 : i32 to index
      %get3A_419 = tpu.vector_load %arg50[%get3A_418] {strides = array<i32>} : memref<784xf32, #tpu.memory_space<vmem>>, vector<16xf32>,
      %sub3A_420 = arith.constant 1.000000e+00 : f32
      %sub3A_421 = vector.broadcast %sub3A_420 : f32 to vector<16xf32>
      %sub3A_422 = arith.subf %sub3A_421, %sub3A : vector<16xf32>
      %mul3A_423 = arith.mulf %get3A_419, %sub3A_422 : vector<16xf32>
      %get3A_424 = arith.index_cast %mul3A_338 : i32 to index
      %get3A_425 = tpu.vector_load %arg54[%get3A_424] {strides = array<i32>} : memref<784xf32, #tpu.memory_space<vmem>>, vector<16xf32>,
      %mul3A_426 = arith.mulf %get3A_425, %sub3A : vector<16xf32>
      %add3A_427 = arith.addf %mul3A_423, %mul3A_426 : vector<16xf32>
      %get3A_428 = arith.index_cast %mul3A_338 : i32 to index
      %get3A_429 = tpu.vector_load %arg52[%get3A_428] {strides = array<i32>} : memref<784xf32, #tpu.memory_space<vmem>>, vector<16xf32>,
      %sub3A_430 = arith.constant 1.000000e+00 : f32
      %sub3A_431 = vector.broadcast %sub3A_430 : f32 to vector<16xf32>
      %sub3A_432 = arith.subf %sub3A_431, %sub3A : vector<16xf32>
      %mul3A_433 = arith.mulf %get3A_429, %sub3A_432 : vector<16xf32>
      %get3A_434 = arith.index_cast %mul3A_338 : i32 to index
      %get3A_435 = tpu.vector_load %arg56[%get3A_434] {strides = array<i32>} : memref<784xf32, #tpu.memory_space<vmem>>, vector<16xf32>,
      %mul3A_436 = arith.mulf %get3A_435, %sub3A : vector<16xf32>
      %add3A_437 = arith.addf %mul3A_433, %mul3A_436 : vector<16xf32>
      %sub3A_438 = arith.constant 1.000000e+00 : f32
      %sub3A_439 = vector.broadcast %sub3A_438 : f32 to vector<16xf32>
      %sub3A_440 = arith.subf %sub3A_439, %sub3A_377 : vector<16xf32>
      %mul3A_441 = arith.mulf %add3A_407, %sub3A_440 : vector<16xf32>
      %mul3A_442 = arith.mulf %add3A_417, %sub3A_377 : vector<16xf32>
      %add3A_443 = arith.addf %mul3A_441, %mul3A_442 : vector<16xf32>
      %sub3A_444 = arith.constant 1.000000e+00 : f32
      %sub3A_445 = vector.broadcast %sub3A_444 : f32 to vector<16xf32>
      %sub3A_446 = arith.subf %sub3A_445, %sub3A_377 : vector<16xf32>
      %mul3A_447 = arith.mulf %add3A_427, %sub3A_446 : vector<16xf32>
      %mul3A_448 = arith.mulf %add3A_437, %sub3A_377 : vector<16xf32>
      %add3A_449 = arith.addf %mul3A_447, %mul3A_448 : vector<16xf32>
      %sub3A_450 = arith.constant 1.000000e+00 : f32
      %sub3A_451 = vector.broadcast %sub3A_450 : f32 to vector<16xf32>
      %sub3A_452 = arith.subf %sub3A_451, %sub3A_397 : vector<16xf32>
      %mul3A_453 = arith.mulf %add3A_443, %sub3A_452 : vector<16xf32>
      %mul3A_454 = arith.mulf %add3A_449, %sub3A_397 : vector<16xf32>
      %add3A_455 = arith.addf %mul3A_453, %mul3A_454 : vector<16xf32>
      %add3A_456 = arith.constant 0 : i32
      %add3A_457 = arith.addi %mul3A_15, %add3A_456 : i32
      %add3A_458 = arith.constant 0 : i32
      %add3A_459 = arith.addi %add3A_457, %add3A_458 : i32
      %mul3A_460 = arith.constant 16 : i32
      %mul3A_461 = arith.muli %scan3A_335, %mul3A_460 : i32
      %add3A_462 = arith.addi %add3A_459, %mul3A_461 : i32
      %add3A_463 = vector.broadcast %add3A_462 : i32 to vector<16xi32>
      %add3A_464 = arith.addi %add3A_463, %iota3A : vector<16xi32>
      %lt3A = arith.constant 100000 : i32
      %lt3A_465 = vector.broadcast %lt3A : i32 to vector<16xi32>
      %lt3A_466 = arith.cmpi slt, %add3A_464, %lt3A_465 : vector<16xi32>
      %jit3A = arith.constant 0.000000e+00 : f32
      %broadcast_in_dim3A_467 = vector.broadcast %jit3A : f32 to vector<16xf32>
      %select_n3A = arith.select %lt3A_466, %add3A_455, %broadcast_in_dim3A_467 : vector<16xi1>, vector<16xf32>
      %mul3A_468 = arith.mulf %select_n3A, %select_n3A : vector<16xf32>
      %add3A_469 = arith.addf %scan3A_336, %mul3A_468 : vector<16xf32>
      scf.yield %add3A_469 : vector<16xf32>
    }
    %scan3A_201 = arith.constant 49 : i32
    %scan3A_202 = arith.constant 0 : i32
    %scan3A_203 = arith.constant 0 : i32
    %scan3A_204 = arith.constant 49 : i32
    %scan3A_205 = arith.addi %scan3A_203, %scan3A_204 : i32
    %scan3A_206 = arith.constant 1 : i32
    scf.for %scan3A_335 = %scan3A_203 to %scan3A_205 step %scan3A_206  : i32 {
      %mul3A_336 = arith.constant 16 : i32
      %mul3A_337 = arith.muli %scan3A_335, %mul3A_336 : i32
      %mul3A_338 = arith.constant 16 : i32
      %mul3A_339 = arith.muli %scan3A_335, %mul3A_338 : i32
      %add3A_340 = arith.constant 784 : i32
      %add3A_341 = arith.addi %add3A_340, %mul3A_339 : i32
      %get3A = arith.index_cast %add3A_341 : i32 to index
      %get3A_342 = tpu.vector_load %arg35[%get3A] {strides = array<i32>} : memref<1568xf32, #tpu.memory_space<vmem>>, vector<16xf32>,
      %add3A_343 = arith.constant 1.000000e+00 : f32
      %add3A_344 = vector.broadcast %add3A_343 : f32 to vector<16xf32>
      %add3A_345 = arith.addf %get3A_342, %add3A_344 : vector<16xf32>
      %mul3A_346 = arith.constant 5.000000e-01 : f32
      %mul3A_347 = vector.broadcast %mul3A_346 : f32 to vector<16xf32>
      %mul3A_348 = arith.mulf %add3A_345, %mul3A_347 : vector<16xf32>
      %mul3A_349 = arith.constant 6.300000e+01 : f32
      %mul3A_350 = vector.broadcast %mul3A_349 : f32 to vector<16xf32>
      %mul3A_351 = arith.mulf %mul3A_348, %mul3A_350 : vector<16xf32>
      %max3A = arith.constant 0.000000e+00 : f32
      %max3A_352 = vector.broadcast %max3A : f32 to vector<16xf32>
      %max3A_353 = arith.maximumf %mul3A_351, %max3A_352 : vector<16xf32>
      %min3A = arith.constant 6.299990e+01 : f32
      %min3A_354 = vector.broadcast %min3A : f32 to vector<16xf32>
      %min3A_355 = arith.minimumf %max3A_353, %min3A_354 : vector<16xf32>
      %convert_element_type3A = arith.fptosi %min3A_355 : vector<16xf32> to vector<16xi32>
      %convert_element_type3A_356 = arith.sitofp %convert_element_type3A : vector<16xi32> to vector<16xf32>
      %sub3A = arith.subf %min3A_355, %convert_element_type3A_356 : vector<16xf32>
      %get3A_357 = arith.index_cast %add3A_341 : i32 to index
      %get3A_358 = tpu.vector_load %arg36[%get3A_357] {strides = array<i32>} : memref<1568xf32, #tpu.memory_space<vmem>>, vector<16xf32>,
      %add3A_359 = arith.constant 1.000000e+00 : f32
      %add3A_360 = vector.broadcast %add3A_359 : f32 to vector<16xf32>
      %add3A_361 = arith.addf %get3A_358, %add3A_360 : vector<16xf32>
      %mul3A_362 = arith.constant 5.000000e-01 : f32
      %mul3A_363 = vector.broadcast %mul3A_362 : f32 to vector<16xf32>
      %mul3A_364 = arith.mulf %add3A_361, %mul3A_363 : vector<16xf32>
      %mul3A_365 = arith.constant 6.300000e+01 : f32
      %mul3A_366 = vector.broadcast %mul3A_365 : f32 to vector<16xf32>
      %mul3A_367 = arith.mulf %mul3A_364, %mul3A_366 : vector<16xf32>
      %max3A_368 = arith.constant 0.000000e+00 : f32
      %max3A_369 = vector.broadcast %max3A_368 : f32 to vector<16xf32>
      %max3A_370 = arith.maximumf %mul3A_367, %max3A_369 : vector<16xf32>
      %min3A_371 = arith.constant 6.299990e+01 : f32
      %min3A_372 = vector.broadcast %min3A_371 : f32 to vector<16xf32>
      %min3A_373 = arith.minimumf %max3A_370, %min3A_372 : vector<16xf32>
      %convert_element_type3A_374 = arith.fptosi %min3A_373 : vector<16xf32> to vector<16xi32>
      %convert_element_type3A_375 = arith.sitofp %convert_element_type3A_374 : vector<16xi32> to vector<16xf32>
      %sub3A_376 = arith.subf %min3A_373, %convert_element_type3A_375 : vector<16xf32>
      %get3A_377 = arith.index_cast %add3A_341 : i32 to index
      %get3A_378 = tpu.vector_load %arg37[%get3A_377] {strides = array<i32>} : memref<1568xf32, #tpu.memory_space<vmem>>, vector<16xf32>,
      %add3A_379 = arith.constant 1.000000e+00 : f32
      %add3A_380 = vector.broadcast %add3A_379 : f32 to vector<16xf32>
      %add3A_381 = arith.addf %get3A_378, %add3A_380 : vector<16xf32>
      %mul3A_382 = arith.constant 5.000000e-01 : f32
      %mul3A_383 = vector.broadcast %mul3A_382 : f32 to vector<16xf32>
      %mul3A_384 = arith.mulf %add3A_381, %mul3A_383 : vector<16xf32>
      %mul3A_385 = arith.constant 6.300000e+01 : f32
      %mul3A_386 = vector.broadcast %mul3A_385 : f32 to vector<16xf32>
      %mul3A_387 = arith.mulf %mul3A_384, %mul3A_386 : vector<16xf32>
      %max3A_388 = arith.constant 0.000000e+00 : f32
      %max3A_389 = vector.broadcast %max3A_388 : f32 to vector<16xf32>
      %max3A_390 = arith.maximumf %mul3A_387, %max3A_389 : vector<16xf32>
      %min3A_391 = arith.constant 6.299990e+01 : f32
      %min3A_392 = vector.broadcast %min3A_391 : f32 to vector<16xf32>
      %min3A_393 = arith.minimumf %max3A_390, %min3A_392 : vector<16xf32>
      %convert_element_type3A_394 = arith.fptosi %min3A_393 : vector<16xf32> to vector<16xi32>
      %convert_element_type3A_395 = arith.sitofp %convert_element_type3A_394 : vector<16xi32> to vector<16xf32>
      %sub3A_396 = arith.subf %min3A_393, %convert_element_type3A_395 : vector<16xf32>
      %mul3A_397 = arith.constant 4096 : i32
      %mul3A_398 = vector.broadcast %mul3A_397 : i32 to vector<16xi32>
      %mul3A_399 = arith.muli %convert_element_type3A, %mul3A_398 : vector<16xi32>
      %mul3A_400 = arith.constant 64 : i32
      %mul3A_401 = vector.broadcast %mul3A_400 : i32 to vector<16xi32>
      %mul3A_402 = arith.muli %convert_element_type3A_374, %mul3A_401 : vector<16xi32>
      %add3A_403 = arith.addi %mul3A_399, %mul3A_402 : vector<16xi32>
      %add3A_404 = arith.addi %add3A_403, %convert_element_type3A_394 : vector<16xi32>
      %swap3A_405 = arith.index_cast %mul3A_337 : i32 to index
      %swap3A_406 = tpu.vector_load %arg41[%swap3A_405] {strides = array<i32>} : memref<784xi32, #tpu.memory_space<vmem>>, vector<16xi32>,
      tpu.vector_store %arg41[%swap3A_405], %add3A_404 {strides = array<i32>} : memref<784xi32, #tpu.memory_space<vmem>>, vector<16xi32>,
      %add3A_407 = arith.constant 1 : i32
      %add3A_408 = vector.broadcast %add3A_407 : i32 to vector<16xi32>
      %add3A_409 = arith.addi %add3A_404, %add3A_408 : vector<16xi32>
      %swap3A_410 = arith.index_cast %mul3A_337 : i32 to index
      %swap3A_411 = tpu.vector_load %arg42[%swap3A_410] {strides = array<i32>} : memref<784xi32, #tpu.memory_space<vmem>>, vector<16xi32>,
      tpu.vector_store %arg42[%swap3A_410], %add3A_409 {strides = array<i32>} : memref<784xi32, #tpu.memory_space<vmem>>, vector<16xi32>,
      %add3A_412 = arith.constant 64 : i32
      %add3A_413 = vector.broadcast %add3A_412 : i32 to vector<16xi32>
      %add3A_414 = arith.addi %add3A_404, %add3A_413 : vector<16xi32>
      %swap3A_415 = arith.index_cast %mul3A_337 : i32 to index
      %swap3A_416 = tpu.vector_load %arg43[%swap3A_415] {strides = array<i32>} : memref<784xi32, #tpu.memory_space<vmem>>, vector<16xi32>,
      tpu.vector_store %arg43[%swap3A_415], %add3A_414 {strides = array<i32>} : memref<784xi32, #tpu.memory_space<vmem>>, vector<16xi32>,
      %add3A_417 = arith.constant 64 : i32
      %add3A_418 = vector.broadcast %add3A_417 : i32 to vector<16xi32>
      %add3A_419 = arith.addi %add3A_404, %add3A_418 : vector<16xi32>
      %add3A_420 = arith.constant 1 : i32
      %add3A_421 = vector.broadcast %add3A_420 : i32 to vector<16xi32>
      %add3A_422 = arith.addi %add3A_419, %add3A_421 : vector<16xi32>
      %swap3A_423 = arith.index_cast %mul3A_337 : i32 to index
      %swap3A_424 = tpu.vector_load %arg44[%swap3A_423] {strides = array<i32>} : memref<784xi32, #tpu.memory_space<vmem>>, vector<16xi32>,
      tpu.vector_store %arg44[%swap3A_423], %add3A_422 {strides = array<i32>} : memref<784xi32, #tpu.memory_space<vmem>>, vector<16xi32>,
      %add3A_425 = arith.constant 4096 : i32
      %add3A_426 = vector.broadcast %add3A_425 : i32 to vector<16xi32>
      %add3A_427 = arith.addi %add3A_404, %add3A_426 : vector<16xi32>
      %swap3A_428 = arith.index_cast %mul3A_337 : i32 to index
      %swap3A_429 = tpu.vector_load %arg45[%swap3A_428] {strides = array<i32>} : memref<784xi32, #tpu.memory_space<vmem>>, vector<16xi32>,
      tpu.vector_store %arg45[%swap3A_428], %add3A_427 {strides = array<i32>} : memref<784xi32, #tpu.memory_space<vmem>>, vector<16xi32>,
      %add3A_430 = arith.constant 4096 : i32
      %add3A_431 = vector.broadcast %add3A_430 : i32 to vector<16xi32>
      %add3A_432 = arith.addi %add3A_404, %add3A_431 : vector<16xi32>
      %add3A_433 = arith.constant 1 : i32
      %add3A_434 = vector.broadcast %add3A_433 : i32 to vector<16xi32>
      %add3A_435 = arith.addi %add3A_432, %add3A_434 : vector<16xi32>
      %swap3A_436 = arith.index_cast %mul3A_337 : i32 to index
      %swap3A_437 = tpu.vector_load %arg46[%swap3A_436] {strides = array<i32>} : memref<784xi32, #tpu.memory_space<vmem>>, vector<16xi32>,
      tpu.vector_store %arg46[%swap3A_436], %add3A_435 {strides = array<i32>} : memref<784xi32, #tpu.memory_space<vmem>>, vector<16xi32>,
      %add3A_438 = arith.constant 4096 : i32
      %add3A_439 = vector.broadcast %add3A_438 : i32 to vector<16xi32>
      %add3A_440 = arith.addi %add3A_404, %add3A_439 : vector<16xi32>
      %add3A_441 = arith.constant 64 : i32
      %add3A_442 = vector.broadcast %add3A_441 : i32 to vector<16xi32>
      %add3A_443 = arith.addi %add3A_440, %add3A_442 : vector<16xi32>
      %swap3A_444 = arith.index_cast %mul3A_337 : i32 to index
      %swap3A_445 = tpu.vector_load %arg47[%swap3A_444] {strides = array<i32>} : memref<784xi32, #tpu.memory_space<vmem>>, vector<16xi32>,
      tpu.vector_store %arg47[%swap3A_444], %add3A_443 {strides = array<i32>} : memref<784xi32, #tpu.memory_space<vmem>>, vector<16xi32>,
      %add3A_446 = arith.constant 4096 : i32
      %add3A_447 = vector.broadcast %add3A_446 : i32 to vector<16xi32>
      %add3A_448 = arith.addi %add3A_404, %add3A_447 : vector<16xi32>
      %add3A_449 = arith.constant 64 : i32
      %add3A_450 = vector.broadcast %add3A_449 : i32 to vector<16xi32>
      %add3A_451 = arith.addi %add3A_448, %add3A_450 : vector<16xi32>
      %add3A_452 = arith.constant 1 : i32
      %add3A_453 = vector.broadcast %add3A_452 : i32 to vector<16xi32>
      %add3A_454 = arith.addi %add3A_451, %add3A_453 : vector<16xi32>
      %swap3A_455 = arith.index_cast %mul3A_337 : i32 to index
      %swap3A_456 = tpu.vector_load %arg48[%swap3A_455] {strides = array<i32>} : memref<784xi32, #tpu.memory_space<vmem>>, vector<16xi32>,
      tpu.vector_store %arg48[%swap3A_455], %add3A_454 {strides = array<i32>} : memref<784xi32, #tpu.memory_space<vmem>>, vector<16xi32>,
    }
    %scan3A_207 = arith.constant 49 : i32
    %dma_start3A_208 = arith.constant 0 : i32
    %dma_start3A_209 = tpu.memref_slice %arg7[%dma_start3A_208] : memref<262144xf32, #tpu.memory_space<hbm>> -> memref<262144xf32, #tpu.memory_space<hbm>>
    tpu.enqueue_indirect_dma source(%dma_start3A_209 : memref<262144xf32, #tpu.memory_space<hbm>>) target(%arg49 : memref<784xf32, #tpu.memory_space<vmem>>) offsets(%arg41 : memref<784xi32, #tpu.memory_space<vmem>>) semaphore(%arg60 : memref<!tpu.dma_semaphore, #tpu.memory_space<semaphore_mem>>)
    %dma_start3A_210 = arith.constant 0 : i32
    %dma_start3A_211 = tpu.memref_slice %arg7[%dma_start3A_210] : memref<262144xf32, #tpu.memory_space<hbm>> -> memref<262144xf32, #tpu.memory_space<hbm>>
    tpu.enqueue_indirect_dma source(%dma_start3A_211 : memref<262144xf32, #tpu.memory_space<hbm>>) target(%arg50 : memref<784xf32, #tpu.memory_space<vmem>>) offsets(%arg42 : memref<784xi32, #tpu.memory_space<vmem>>) semaphore(%arg60 : memref<!tpu.dma_semaphore, #tpu.memory_space<semaphore_mem>>)
    %dma_start3A_212 = arith.constant 0 : i32
    %dma_start3A_213 = tpu.memref_slice %arg7[%dma_start3A_212] : memref<262144xf32, #tpu.memory_space<hbm>> -> memref<262144xf32, #tpu.memory_space<hbm>>
    tpu.enqueue_indirect_dma source(%dma_start3A_213 : memref<262144xf32, #tpu.memory_space<hbm>>) target(%arg51 : memref<784xf32, #tpu.memory_space<vmem>>) offsets(%arg43 : memref<784xi32, #tpu.memory_space<vmem>>) semaphore(%arg60 : memref<!tpu.dma_semaphore, #tpu.memory_space<semaphore_mem>>)
    %dma_start3A_214 = arith.constant 0 : i32
    %dma_start3A_215 = tpu.memref_slice %arg7[%dma_start3A_214] : memref<262144xf32, #tpu.memory_space<hbm>> -> memref<262144xf32, #tpu.memory_space<hbm>>
    tpu.enqueue_indirect_dma source(%dma_start3A_215 : memref<262144xf32, #tpu.memory_space<hbm>>) target(%arg52 : memref<784xf32, #tpu.memory_space<vmem>>) offsets(%arg44 : memref<784xi32, #tpu.memory_space<vmem>>) semaphore(%arg60 : memref<!tpu.dma_semaphore, #tpu.memory_space<semaphore_mem>>)
    %dma_start3A_216 = arith.constant 0 : i32
    %dma_start3A_217 = tpu.memref_slice %arg7[%dma_start3A_216] : memref<262144xf32, #tpu.memory_space<hbm>> -> memref<262144xf32, #tpu.memory_space<hbm>>
    tpu.enqueue_indirect_dma source(%dma_start3A_217 : memref<262144xf32, #tpu.memory_space<hbm>>) target(%arg53 : memref<784xf32, #tpu.memory_space<vmem>>) offsets(%arg45 : memref<784xi32, #tpu.memory_space<vmem>>) semaphore(%arg60 : memref<!tpu.dma_semaphore, #tpu.memory_space<semaphore_mem>>)
    %dma_start3A_218 = arith.constant 0 : i32
    %dma_start3A_219 = tpu.memref_slice %arg7[%dma_start3A_218] : memref<262144xf32, #tpu.memory_space<hbm>> -> memref<262144xf32, #tpu.memory_space<hbm>>
    tpu.enqueue_indirect_dma source(%dma_start3A_219 : memref<262144xf32, #tpu.memory_space<hbm>>) target(%arg54 : memref<784xf32, #tpu.memory_space<vmem>>) offsets(%arg46 : memref<784xi32, #tpu.memory_space<vmem>>) semaphore(%arg60 : memref<!tpu.dma_semaphore, #tpu.memory_space<semaphore_mem>>)
    %dma_start3A_220 = arith.constant 0 : i32
    %dma_start3A_221 = tpu.memref_slice %arg7[%dma_start3A_220] : memref<262144xf32, #tpu.memory_space<hbm>> -> memref<262144xf32, #tpu.memory_space<hbm>>
    tpu.enqueue_indirect_dma source(%dma_start3A_221 : memref<262144xf32, #tpu.memory_space<hbm>>) target(%arg55 : memref<784xf32, #tpu.memory_space<vmem>>) offsets(%arg47 : memref<784xi32, #tpu.memory_space<vmem>>) semaphore(%arg60 : memref<!tpu.dma_semaphore, #tpu.memory_space<semaphore_mem>>)
    %dma_start3A_222 = arith.constant 0 : i32
    %dma_start3A_223 = tpu.memref_slice %arg7[%dma_start3A_222] : memref<262144xf32, #tpu.memory_space<hbm>> -> memref<262144xf32, #tpu.memory_space<hbm>>
    tpu.enqueue_indirect_dma source(%dma_start3A_223 : memref<262144xf32, #tpu.memory_space<hbm>>) target(%arg56 : memref<784xf32, #tpu.memory_space<vmem>>) offsets(%arg48 : memref<784xi32, #tpu.memory_space<vmem>>) semaphore(%arg60 : memref<!tpu.dma_semaphore, #tpu.memory_space<semaphore_mem>>)
    %dma_wait3A_224 = arith.constant 0 : i32
    %dma_wait3A_225 = tpu.memref_slice %arg7[%dma_wait3A_224] : memref<262144xf32, #tpu.memory_space<hbm>> -> memref<262144xf32, #tpu.memory_space<hbm>>
    tpu.wait_indirect_dma semaphore(%arg60 : memref<!tpu.dma_semaphore, #tpu.memory_space<semaphore_mem>>) src(%dma_wait3A_225 : memref<262144xf32, #tpu.memory_space<hbm>>) dst(%arg49 : memref<784xf32, #tpu.memory_space<vmem>>)
    %dma_wait3A_226 = arith.constant 0 : i32
    %dma_wait3A_227 = tpu.memref_slice %arg7[%dma_wait3A_226] : memref<262144xf32, #tpu.memory_space<hbm>> -> memref<262144xf32, #tpu.memory_space<hbm>>
    tpu.wait_indirect_dma semaphore(%arg60 : memref<!tpu.dma_semaphore, #tpu.memory_space<semaphore_mem>>) src(%dma_wait3A_227 : memref<262144xf32, #tpu.memory_space<hbm>>) dst(%arg50 : memref<784xf32, #tpu.memory_space<vmem>>)
    %dma_wait3A_228 = arith.constant 0 : i32
    %dma_wait3A_229 = tpu.memref_slice %arg7[%dma_wait3A_228] : memref<262144xf32, #tpu.memory_space<hbm>> -> memref<262144xf32, #tpu.memory_space<hbm>>
    tpu.wait_indirect_dma semaphore(%arg60 : memref<!tpu.dma_semaphore, #tpu.memory_space<semaphore_mem>>) src(%dma_wait3A_229 : memref<262144xf32, #tpu.memory_space<hbm>>) dst(%arg51 : memref<784xf32, #tpu.memory_space<vmem>>)
    %dma_wait3A_230 = arith.constant 0 : i32
    %dma_wait3A_231 = tpu.memref_slice %arg7[%dma_wait3A_230] : memref<262144xf32, #tpu.memory_space<hbm>> -> memref<262144xf32, #tpu.memory_space<hbm>>
    tpu.wait_indirect_dma semaphore(%arg60 : memref<!tpu.dma_semaphore, #tpu.memory_space<semaphore_mem>>) src(%dma_wait3A_231 : memref<262144xf32, #tpu.memory_space<hbm>>) dst(%arg52 : memref<784xf32, #tpu.memory_space<vmem>>)
    %dma_wait3A_232 = arith.constant 0 : i32
    %dma_wait3A_233 = tpu.memref_slice %arg7[%dma_wait3A_232] : memref<262144xf32, #tpu.memory_space<hbm>> -> memref<262144xf32, #tpu.memory_space<hbm>>
    tpu.wait_indirect_dma semaphore(%arg60 : memref<!tpu.dma_semaphore, #tpu.memory_space<semaphore_mem>>) src(%dma_wait3A_233 : memref<262144xf32, #tpu.memory_space<hbm>>) dst(%arg53 : memref<784xf32, #tpu.memory_space<vmem>>)
    %dma_wait3A_234 = arith.constant 0 : i32
    %dma_wait3A_235 = tpu.memref_slice %arg7[%dma_wait3A_234] : memref<262144xf32, #tpu.memory_space<hbm>> -> memref<262144xf32, #tpu.memory_space<hbm>>
    tpu.wait_indirect_dma semaphore(%arg60 : memref<!tpu.dma_semaphore, #tpu.memory_space<semaphore_mem>>) src(%dma_wait3A_235 : memref<262144xf32, #tpu.memory_space<hbm>>) dst(%arg54 : memref<784xf32, #tpu.memory_space<vmem>>)
    %dma_wait3A_236 = arith.constant 0 : i32
    %dma_wait3A_237 = tpu.memref_slice %arg7[%dma_wait3A_236] : memref<262144xf32, #tpu.memory_space<hbm>> -> memref<262144xf32, #tpu.memory_space<hbm>>
    tpu.wait_indirect_dma semaphore(%arg60 : memref<!tpu.dma_semaphore, #tpu.memory_space<semaphore_mem>>) src(%dma_wait3A_237 : memref<262144xf32, #tpu.memory_space<hbm>>) dst(%arg55 : memref<784xf32, #tpu.memory_space<vmem>>)
    %dma_wait3A_238 = arith.constant 0 : i32
    %dma_wait3A_239 = tpu.memref_slice %arg7[%dma_wait3A_238] : memref<262144xf32, #tpu.memory_space<hbm>> -> memref<262144xf32, #tpu.memory_space<hbm>>
    tpu.wait_indirect_dma semaphore(%arg60 : memref<!tpu.dma_semaphore, #tpu.memory_space<semaphore_mem>>) src(%dma_wait3A_239 : memref<262144xf32, #tpu.memory_space<hbm>>) dst(%arg56 : memref<784xf32, #tpu.memory_space<vmem>>)
    %scan3A_240 = arith.constant 0 : i32
    %scan3A_241 = arith.constant 49 : i32
    %scan3A_242 = arith.addi %scan3A_240, %scan3A_241 : i32
    %scan3A_243 = arith.constant 1 : i32
    %scan3A_244 = scf.for %scan3A_335 = %scan3A_240 to %scan3A_242 step %scan3A_243 iter_args(%scan3A_336 = %scan3A_200) -> (vector<16xf32>)  : i32 {
      %mul3A_337 = arith.constant 16 : i32
      %mul3A_338 = arith.muli %scan3A_335, %mul3A_337 : i32
      %mul3A_339 = arith.constant 16 : i32
      %mul3A_340 = arith.muli %scan3A_335, %mul3A_339 : i32
      %add3A_341 = arith.constant 784 : i32
      %add3A_342 = arith.addi %add3A_341, %mul3A_340 : i32
      %get3A = arith.index_cast %add3A_342 : i32 to index
      %get3A_343 = tpu.vector_load %arg35[%get3A] {strides = array<i32>} : memref<1568xf32, #tpu.memory_space<vmem>>, vector<16xf32>,
      %add3A_344 = arith.constant 1.000000e+00 : f32
      %add3A_345 = vector.broadcast %add3A_344 : f32 to vector<16xf32>
      %add3A_346 = arith.addf %get3A_343, %add3A_345 : vector<16xf32>
      %mul3A_347 = arith.constant 5.000000e-01 : f32
      %mul3A_348 = vector.broadcast %mul3A_347 : f32 to vector<16xf32>
      %mul3A_349 = arith.mulf %add3A_346, %mul3A_348 : vector<16xf32>
      %mul3A_350 = arith.constant 6.300000e+01 : f32
      %mul3A_351 = vector.broadcast %mul3A_350 : f32 to vector<16xf32>
      %mul3A_352 = arith.mulf %mul3A_349, %mul3A_351 : vector<16xf32>
      %max3A = arith.constant 0.000000e+00 : f32
      %max3A_353 = vector.broadcast %max3A : f32 to vector<16xf32>
      %max3A_354 = arith.maximumf %mul3A_352, %max3A_353 : vector<16xf32>
      %min3A = arith.constant 6.299990e+01 : f32
      %min3A_355 = vector.broadcast %min3A : f32 to vector<16xf32>
      %min3A_356 = arith.minimumf %max3A_354, %min3A_355 : vector<16xf32>
      %convert_element_type3A = arith.fptosi %min3A_356 : vector<16xf32> to vector<16xi32>
      %convert_element_type3A_357 = arith.sitofp %convert_element_type3A : vector<16xi32> to vector<16xf32>
      %sub3A = arith.subf %min3A_356, %convert_element_type3A_357 : vector<16xf32>
      %get3A_358 = arith.index_cast %add3A_342 : i32 to index
      %get3A_359 = tpu.vector_load %arg36[%get3A_358] {strides = array<i32>} : memref<1568xf32, #tpu.memory_space<vmem>>, vector<16xf32>,
      %add3A_360 = arith.constant 1.000000e+00 : f32
      %add3A_361 = vector.broadcast %add3A_360 : f32 to vector<16xf32>
      %add3A_362 = arith.addf %get3A_359, %add3A_361 : vector<16xf32>
      %mul3A_363 = arith.constant 5.000000e-01 : f32
      %mul3A_364 = vector.broadcast %mul3A_363 : f32 to vector<16xf32>
      %mul3A_365 = arith.mulf %add3A_362, %mul3A_364 : vector<16xf32>
      %mul3A_366 = arith.constant 6.300000e+01 : f32
      %mul3A_367 = vector.broadcast %mul3A_366 : f32 to vector<16xf32>
      %mul3A_368 = arith.mulf %mul3A_365, %mul3A_367 : vector<16xf32>
      %max3A_369 = arith.constant 0.000000e+00 : f32
      %max3A_370 = vector.broadcast %max3A_369 : f32 to vector<16xf32>
      %max3A_371 = arith.maximumf %mul3A_368, %max3A_370 : vector<16xf32>
      %min3A_372 = arith.constant 6.299990e+01 : f32
      %min3A_373 = vector.broadcast %min3A_372 : f32 to vector<16xf32>
      %min3A_374 = arith.minimumf %max3A_371, %min3A_373 : vector<16xf32>
      %convert_element_type3A_375 = arith.fptosi %min3A_374 : vector<16xf32> to vector<16xi32>
      %convert_element_type3A_376 = arith.sitofp %convert_element_type3A_375 : vector<16xi32> to vector<16xf32>
      %sub3A_377 = arith.subf %min3A_374, %convert_element_type3A_376 : vector<16xf32>
      %get3A_378 = arith.index_cast %add3A_342 : i32 to index
      %get3A_379 = tpu.vector_load %arg37[%get3A_378] {strides = array<i32>} : memref<1568xf32, #tpu.memory_space<vmem>>, vector<16xf32>,
      %add3A_380 = arith.constant 1.000000e+00 : f32
      %add3A_381 = vector.broadcast %add3A_380 : f32 to vector<16xf32>
      %add3A_382 = arith.addf %get3A_379, %add3A_381 : vector<16xf32>
      %mul3A_383 = arith.constant 5.000000e-01 : f32
      %mul3A_384 = vector.broadcast %mul3A_383 : f32 to vector<16xf32>
      %mul3A_385 = arith.mulf %add3A_382, %mul3A_384 : vector<16xf32>
      %mul3A_386 = arith.constant 6.300000e+01 : f32
      %mul3A_387 = vector.broadcast %mul3A_386 : f32 to vector<16xf32>
      %mul3A_388 = arith.mulf %mul3A_385, %mul3A_387 : vector<16xf32>
      %max3A_389 = arith.constant 0.000000e+00 : f32
      %max3A_390 = vector.broadcast %max3A_389 : f32 to vector<16xf32>
      %max3A_391 = arith.maximumf %mul3A_388, %max3A_390 : vector<16xf32>
      %min3A_392 = arith.constant 6.299990e+01 : f32
      %min3A_393 = vector.broadcast %min3A_392 : f32 to vector<16xf32>
      %min3A_394 = arith.minimumf %max3A_391, %min3A_393 : vector<16xf32>
      %convert_element_type3A_395 = arith.fptosi %min3A_394 : vector<16xf32> to vector<16xi32>
      %convert_element_type3A_396 = arith.sitofp %convert_element_type3A_395 : vector<16xi32> to vector<16xf32>
      %sub3A_397 = arith.subf %min3A_394, %convert_element_type3A_396 : vector<16xf32>
      %get3A_398 = arith.index_cast %mul3A_338 : i32 to index
      %get3A_399 = tpu.vector_load %arg49[%get3A_398] {strides = array<i32>} : memref<784xf32, #tpu.memory_space<vmem>>, vector<16xf32>,
      %sub3A_400 = arith.constant 1.000000e+00 : f32
      %sub3A_401 = vector.broadcast %sub3A_400 : f32 to vector<16xf32>
      %sub3A_402 = arith.subf %sub3A_401, %sub3A : vector<16xf32>
      %mul3A_403 = arith.mulf %get3A_399, %sub3A_402 : vector<16xf32>
      %get3A_404 = arith.index_cast %mul3A_338 : i32 to index
      %get3A_405 = tpu.vector_load %arg53[%get3A_404] {strides = array<i32>} : memref<784xf32, #tpu.memory_space<vmem>>, vector<16xf32>,
      %mul3A_406 = arith.mulf %get3A_405, %sub3A : vector<16xf32>
      %add3A_407 = arith.addf %mul3A_403, %mul3A_406 : vector<16xf32>
      %get3A_408 = arith.index_cast %mul3A_338 : i32 to index
      %get3A_409 = tpu.vector_load %arg51[%get3A_408] {strides = array<i32>} : memref<784xf32, #tpu.memory_space<vmem>>, vector<16xf32>,
      %sub3A_410 = arith.constant 1.000000e+00 : f32
      %sub3A_411 = vector.broadcast %sub3A_410 : f32 to vector<16xf32>
      %sub3A_412 = arith.subf %sub3A_411, %sub3A : vector<16xf32>
      %mul3A_413 = arith.mulf %get3A_409, %sub3A_412 : vector<16xf32>
      %get3A_414 = arith.index_cast %mul3A_338 : i32 to index
      %get3A_415 = tpu.vector_load %arg55[%get3A_414] {strides = array<i32>} : memref<784xf32, #tpu.memory_space<vmem>>, vector<16xf32>,
      %mul3A_416 = arith.mulf %get3A_415, %sub3A : vector<16xf32>
      %add3A_417 = arith.addf %mul3A_413, %mul3A_416 : vector<16xf32>
      %get3A_418 = arith.index_cast %mul3A_338 : i32 to index
      %get3A_419 = tpu.vector_load %arg50[%get3A_418] {strides = array<i32>} : memref<784xf32, #tpu.memory_space<vmem>>, vector<16xf32>,
      %sub3A_420 = arith.constant 1.000000e+00 : f32
      %sub3A_421 = vector.broadcast %sub3A_420 : f32 to vector<16xf32>
      %sub3A_422 = arith.subf %sub3A_421, %sub3A : vector<16xf32>
      %mul3A_423 = arith.mulf %get3A_419, %sub3A_422 : vector<16xf32>
      %get3A_424 = arith.index_cast %mul3A_338 : i32 to index
      %get3A_425 = tpu.vector_load %arg54[%get3A_424] {strides = array<i32>} : memref<784xf32, #tpu.memory_space<vmem>>, vector<16xf32>,
      %mul3A_426 = arith.mulf %get3A_425, %sub3A : vector<16xf32>
      %add3A_427 = arith.addf %mul3A_423, %mul3A_426 : vector<16xf32>
      %get3A_428 = arith.index_cast %mul3A_338 : i32 to index
      %get3A_429 = tpu.vector_load %arg52[%get3A_428] {strides = array<i32>} : memref<784xf32, #tpu.memory_space<vmem>>, vector<16xf32>,
      %sub3A_430 = arith.constant 1.000000e+00 : f32
      %sub3A_431 = vector.broadcast %sub3A_430 : f32 to vector<16xf32>
      %sub3A_432 = arith.subf %sub3A_431, %sub3A : vector<16xf32>
      %mul3A_433 = arith.mulf %get3A_429, %sub3A_432 : vector<16xf32>
      %get3A_434 = arith.index_cast %mul3A_338 : i32 to index
      %get3A_435 = tpu.vector_load %arg56[%get3A_434] {strides = array<i32>} : memref<784xf32, #tpu.memory_space<vmem>>, vector<16xf32>,
      %mul3A_436 = arith.mulf %get3A_435, %sub3A : vector<16xf32>
      %add3A_437 = arith.addf %mul3A_433, %mul3A_436 : vector<16xf32>
      %sub3A_438 = arith.constant 1.000000e+00 : f32
      %sub3A_439 = vector.broadcast %sub3A_438 : f32 to vector<16xf32>
      %sub3A_440 = arith.subf %sub3A_439, %sub3A_377 : vector<16xf32>
      %mul3A_441 = arith.mulf %add3A_407, %sub3A_440 : vector<16xf32>
      %mul3A_442 = arith.mulf %add3A_417, %sub3A_377 : vector<16xf32>
      %add3A_443 = arith.addf %mul3A_441, %mul3A_442 : vector<16xf32>
      %sub3A_444 = arith.constant 1.000000e+00 : f32
      %sub3A_445 = vector.broadcast %sub3A_444 : f32 to vector<16xf32>
      %sub3A_446 = arith.subf %sub3A_445, %sub3A_377 : vector<16xf32>
      %mul3A_447 = arith.mulf %add3A_427, %sub3A_446 : vector<16xf32>
      %mul3A_448 = arith.mulf %add3A_437, %sub3A_377 : vector<16xf32>
      %add3A_449 = arith.addf %mul3A_447, %mul3A_448 : vector<16xf32>
      %sub3A_450 = arith.constant 1.000000e+00 : f32
      %sub3A_451 = vector.broadcast %sub3A_450 : f32 to vector<16xf32>
      %sub3A_452 = arith.subf %sub3A_451, %sub3A_397 : vector<16xf32>
      %mul3A_453 = arith.mulf %add3A_443, %sub3A_452 : vector<16xf32>
      %mul3A_454 = arith.mulf %add3A_449, %sub3A_397 : vector<16xf32>
      %add3A_455 = arith.addf %mul3A_453, %mul3A_454 : vector<16xf32>
      %add3A_456 = arith.constant 0 : i32
      %add3A_457 = arith.addi %mul3A_15, %add3A_456 : i32
      %add3A_458 = arith.constant 784 : i32
      %add3A_459 = arith.addi %add3A_457, %add3A_458 : i32
      %mul3A_460 = arith.constant 16 : i32
      %mul3A_461 = arith.muli %scan3A_335, %mul3A_460 : i32
      %add3A_462 = arith.addi %add3A_459, %mul3A_461 : i32
      %add3A_463 = vector.broadcast %add3A_462 : i32 to vector<16xi32>
      %add3A_464 = arith.addi %add3A_463, %iota3A : vector<16xi32>
      %lt3A = arith.constant 100000 : i32
      %lt3A_465 = vector.broadcast %lt3A : i32 to vector<16xi32>
      %lt3A_466 = arith.cmpi slt, %add3A_464, %lt3A_465 : vector<16xi32>
      %jit3A = arith.constant 0.000000e+00 : f32
      %broadcast_in_dim3A_467 = vector.broadcast %jit3A : f32 to vector<16xf32>
      %select_n3A = arith.select %lt3A_466, %add3A_455, %broadcast_in_dim3A_467 : vector<16xi1>, vector<16xf32>
      %mul3A_468 = arith.mulf %select_n3A, %select_n3A : vector<16xf32>
      %add3A_469 = arith.addf %scan3A_336, %mul3A_468 : vector<16xf32>
      scf.yield %add3A_469 : vector<16xf32>
    }
    %scan3A_245 = arith.constant 49 : i32
    %scan3A_246 = arith.constant 0 : i32
    %scan3A_247 = arith.constant 0 : i32
    %scan3A_248 = arith.constant 49 : i32
    %scan3A_249 = arith.addi %scan3A_247, %scan3A_248 : i32
    %scan3A_250 = arith.constant 1 : i32
    scf.for %scan3A_335 = %scan3A_247 to %scan3A_249 step %scan3A_250  : i32 {
      %mul3A_336 = arith.constant 16 : i32
      %mul3A_337 = arith.muli %scan3A_335, %mul3A_336 : i32
      %mul3A_338 = arith.constant 16 : i32
      %mul3A_339 = arith.muli %scan3A_335, %mul3A_338 : i32
      %add3A_340 = arith.constant 0 : i32
      %add3A_341 = arith.addi %add3A_340, %mul3A_339 : i32
      %get3A = arith.index_cast %add3A_341 : i32 to index
      %get3A_342 = tpu.vector_load %arg38[%get3A] {strides = array<i32>} : memref<1568xf32, #tpu.memory_space<vmem>>, vector<16xf32>,
      %add3A_343 = arith.constant 1.000000e+00 : f32
      %add3A_344 = vector.broadcast %add3A_343 : f32 to vector<16xf32>
      %add3A_345 = arith.addf %get3A_342, %add3A_344 : vector<16xf32>
      %mul3A_346 = arith.constant 5.000000e-01 : f32
      %mul3A_347 = vector.broadcast %mul3A_346 : f32 to vector<16xf32>
      %mul3A_348 = arith.mulf %add3A_345, %mul3A_347 : vector<16xf32>
      %mul3A_349 = arith.constant 6.300000e+01 : f32
      %mul3A_350 = vector.broadcast %mul3A_349 : f32 to vector<16xf32>
      %mul3A_351 = arith.mulf %mul3A_348, %mul3A_350 : vector<16xf32>
      %max3A = arith.constant 0.000000e+00 : f32
      %max3A_352 = vector.broadcast %max3A : f32 to vector<16xf32>
      %max3A_353 = arith.maximumf %mul3A_351, %max3A_352 : vector<16xf32>
      %min3A = arith.constant 6.299990e+01 : f32
      %min3A_354 = vector.broadcast %min3A : f32 to vector<16xf32>
      %min3A_355 = arith.minimumf %max3A_353, %min3A_354 : vector<16xf32>
      %convert_element_type3A = arith.fptosi %min3A_355 : vector<16xf32> to vector<16xi32>
      %convert_element_type3A_356 = arith.sitofp %convert_element_type3A : vector<16xi32> to vector<16xf32>
      %sub3A = arith.subf %min3A_355, %convert_element_type3A_356 : vector<16xf32>
      %get3A_357 = arith.index_cast %add3A_341 : i32 to index
      %get3A_358 = tpu.vector_load %arg39[%get3A_357] {strides = array<i32>} : memref<1568xf32, #tpu.memory_space<vmem>>, vector<16xf32>,
      %add3A_359 = arith.constant 1.000000e+00 : f32
      %add3A_360 = vector.broadcast %add3A_359 : f32 to vector<16xf32>
      %add3A_361 = arith.addf %get3A_358, %add3A_360 : vector<16xf32>
      %mul3A_362 = arith.constant 5.000000e-01 : f32
      %mul3A_363 = vector.broadcast %mul3A_362 : f32 to vector<16xf32>
      %mul3A_364 = arith.mulf %add3A_361, %mul3A_363 : vector<16xf32>
      %mul3A_365 = arith.constant 6.300000e+01 : f32
      %mul3A_366 = vector.broadcast %mul3A_365 : f32 to vector<16xf32>
      %mul3A_367 = arith.mulf %mul3A_364, %mul3A_366 : vector<16xf32>
      %max3A_368 = arith.constant 0.000000e+00 : f32
      %max3A_369 = vector.broadcast %max3A_368 : f32 to vector<16xf32>
      %max3A_370 = arith.maximumf %mul3A_367, %max3A_369 : vector<16xf32>
      %min3A_371 = arith.constant 6.299990e+01 : f32
      %min3A_372 = vector.broadcast %min3A_371 : f32 to vector<16xf32>
      %min3A_373 = arith.minimumf %max3A_370, %min3A_372 : vector<16xf32>
      %convert_element_type3A_374 = arith.fptosi %min3A_373 : vector<16xf32> to vector<16xi32>
      %convert_element_type3A_375 = arith.sitofp %convert_element_type3A_374 : vector<16xi32> to vector<16xf32>
      %sub3A_376 = arith.subf %min3A_373, %convert_element_type3A_375 : vector<16xf32>
      %get3A_377 = arith.index_cast %add3A_341 : i32 to index
      %get3A_378 = tpu.vector_load %arg40[%get3A_377] {strides = array<i32>} : memref<1568xf32, #tpu.memory_space<vmem>>, vector<16xf32>,
      %add3A_379 = arith.constant 1.000000e+00 : f32
      %add3A_380 = vector.broadcast %add3A_379 : f32 to vector<16xf32>
      %add3A_381 = arith.addf %get3A_378, %add3A_380 : vector<16xf32>
      %mul3A_382 = arith.constant 5.000000e-01 : f32
      %mul3A_383 = vector.broadcast %mul3A_382 : f32 to vector<16xf32>
      %mul3A_384 = arith.mulf %add3A_381, %mul3A_383 : vector<16xf32>
      %mul3A_385 = arith.constant 6.300000e+01 : f32
      %mul3A_386 = vector.broadcast %mul3A_385 : f32 to vector<16xf32>
      %mul3A_387 = arith.mulf %mul3A_384, %mul3A_386 : vector<16xf32>
      %max3A_388 = arith.constant 0.000000e+00 : f32
      %max3A_389 = vector.broadcast %max3A_388 : f32 to vector<16xf32>
      %max3A_390 = arith.maximumf %mul3A_387, %max3A_389 : vector<16xf32>
      %min3A_391 = arith.constant 6.299990e+01 : f32
      %min3A_392 = vector.broadcast %min3A_391 : f32 to vector<16xf32>
      %min3A_393 = arith.minimumf %max3A_390, %min3A_392 : vector<16xf32>
      %convert_element_type3A_394 = arith.fptosi %min3A_393 : vector<16xf32> to vector<16xi32>
      %convert_element_type3A_395 = arith.sitofp %convert_element_type3A_394 : vector<16xi32> to vector<16xf32>
      %sub3A_396 = arith.subf %min3A_393, %convert_element_type3A_395 : vector<16xf32>
      %mul3A_397 = arith.constant 4096 : i32
      %mul3A_398 = vector.broadcast %mul3A_397 : i32 to vector<16xi32>
      %mul3A_399 = arith.muli %convert_element_type3A, %mul3A_398 : vector<16xi32>
      %mul3A_400 = arith.constant 64 : i32
      %mul3A_401 = vector.broadcast %mul3A_400 : i32 to vector<16xi32>
      %mul3A_402 = arith.muli %convert_element_type3A_374, %mul3A_401 : vector<16xi32>
      %add3A_403 = arith.addi %mul3A_399, %mul3A_402 : vector<16xi32>
      %add3A_404 = arith.addi %add3A_403, %convert_element_type3A_394 : vector<16xi32>
      %swap3A_405 = arith.index_cast %mul3A_337 : i32 to index
      %swap3A_406 = tpu.vector_load %arg41[%swap3A_405] {strides = array<i32>} : memref<784xi32, #tpu.memory_space<vmem>>, vector<16xi32>,
      tpu.vector_store %arg41[%swap3A_405], %add3A_404 {strides = array<i32>} : memref<784xi32, #tpu.memory_space<vmem>>, vector<16xi32>,
      %add3A_407 = arith.constant 1 : i32
      %add3A_408 = vector.broadcast %add3A_407 : i32 to vector<16xi32>
      %add3A_409 = arith.addi %add3A_404, %add3A_408 : vector<16xi32>
      %swap3A_410 = arith.index_cast %mul3A_337 : i32 to index
      %swap3A_411 = tpu.vector_load %arg42[%swap3A_410] {strides = array<i32>} : memref<784xi32, #tpu.memory_space<vmem>>, vector<16xi32>,
      tpu.vector_store %arg42[%swap3A_410], %add3A_409 {strides = array<i32>} : memref<784xi32, #tpu.memory_space<vmem>>, vector<16xi32>,
      %add3A_412 = arith.constant 64 : i32
      %add3A_413 = vector.broadcast %add3A_412 : i32 to vector<16xi32>
      %add3A_414 = arith.addi %add3A_404, %add3A_413 : vector<16xi32>
      %swap3A_415 = arith.index_cast %mul3A_337 : i32 to index
      %swap3A_416 = tpu.vector_load %arg43[%swap3A_415] {strides = array<i32>} : memref<784xi32, #tpu.memory_space<vmem>>, vector<16xi32>,
      tpu.vector_store %arg43[%swap3A_415], %add3A_414 {strides = array<i32>} : memref<784xi32, #tpu.memory_space<vmem>>, vector<16xi32>,
      %add3A_417 = arith.constant 64 : i32
      %add3A_418 = vector.broadcast %add3A_417 : i32 to vector<16xi32>
      %add3A_419 = arith.addi %add3A_404, %add3A_418 : vector<16xi32>
      %add3A_420 = arith.constant 1 : i32
      %add3A_421 = vector.broadcast %add3A_420 : i32 to vector<16xi32>
      %add3A_422 = arith.addi %add3A_419, %add3A_421 : vector<16xi32>
      %swap3A_423 = arith.index_cast %mul3A_337 : i32 to index
      %swap3A_424 = tpu.vector_load %arg44[%swap3A_423] {strides = array<i32>} : memref<784xi32, #tpu.memory_space<vmem>>, vector<16xi32>,
      tpu.vector_store %arg44[%swap3A_423], %add3A_422 {strides = array<i32>} : memref<784xi32, #tpu.memory_space<vmem>>, vector<16xi32>,
      %add3A_425 = arith.constant 4096 : i32
      %add3A_426 = vector.broadcast %add3A_425 : i32 to vector<16xi32>
      %add3A_427 = arith.addi %add3A_404, %add3A_426 : vector<16xi32>
      %swap3A_428 = arith.index_cast %mul3A_337 : i32 to index
      %swap3A_429 = tpu.vector_load %arg45[%swap3A_428] {strides = array<i32>} : memref<784xi32, #tpu.memory_space<vmem>>, vector<16xi32>,
      tpu.vector_store %arg45[%swap3A_428], %add3A_427 {strides = array<i32>} : memref<784xi32, #tpu.memory_space<vmem>>, vector<16xi32>,
      %add3A_430 = arith.constant 4096 : i32
      %add3A_431 = vector.broadcast %add3A_430 : i32 to vector<16xi32>
      %add3A_432 = arith.addi %add3A_404, %add3A_431 : vector<16xi32>
      %add3A_433 = arith.constant 1 : i32
      %add3A_434 = vector.broadcast %add3A_433 : i32 to vector<16xi32>
      %add3A_435 = arith.addi %add3A_432, %add3A_434 : vector<16xi32>
      %swap3A_436 = arith.index_cast %mul3A_337 : i32 to index
      %swap3A_437 = tpu.vector_load %arg46[%swap3A_436] {strides = array<i32>} : memref<784xi32, #tpu.memory_space<vmem>>, vector<16xi32>,
      tpu.vector_store %arg46[%swap3A_436], %add3A_435 {strides = array<i32>} : memref<784xi32, #tpu.memory_space<vmem>>, vector<16xi32>,
      %add3A_438 = arith.constant 4096 : i32
      %add3A_439 = vector.broadcast %add3A_438 : i32 to vector<16xi32>
      %add3A_440 = arith.addi %add3A_404, %add3A_439 : vector<16xi32>
      %add3A_441 = arith.constant 64 : i32
      %add3A_442 = vector.broadcast %add3A_441 : i32 to vector<16xi32>
      %add3A_443 = arith.addi %add3A_440, %add3A_442 : vector<16xi32>
      %swap3A_444 = arith.index_cast %mul3A_337 : i32 to index
      %swap3A_445 = tpu.vector_load %arg47[%swap3A_444] {strides = array<i32>} : memref<784xi32, #tpu.memory_space<vmem>>, vector<16xi32>,
      tpu.vector_store %arg47[%swap3A_444], %add3A_443 {strides = array<i32>} : memref<784xi32, #tpu.memory_space<vmem>>, vector<16xi32>,
      %add3A_446 = arith.constant 4096 : i32
      %add3A_447 = vector.broadcast %add3A_446 : i32 to vector<16xi32>
      %add3A_448 = arith.addi %add3A_404, %add3A_447 : vector<16xi32>
      %add3A_449 = arith.constant 64 : i32
      %add3A_450 = vector.broadcast %add3A_449 : i32 to vector<16xi32>
      %add3A_451 = arith.addi %add3A_448, %add3A_450 : vector<16xi32>
      %add3A_452 = arith.constant 1 : i32
      %add3A_453 = vector.broadcast %add3A_452 : i32 to vector<16xi32>
      %add3A_454 = arith.addi %add3A_451, %add3A_453 : vector<16xi32>
      %swap3A_455 = arith.index_cast %mul3A_337 : i32 to index
      %swap3A_456 = tpu.vector_load %arg48[%swap3A_455] {strides = array<i32>} : memref<784xi32, #tpu.memory_space<vmem>>, vector<16xi32>,
      tpu.vector_store %arg48[%swap3A_455], %add3A_454 {strides = array<i32>} : memref<784xi32, #tpu.memory_space<vmem>>, vector<16xi32>,
    }
    %scan3A_251 = arith.constant 49 : i32
    %dma_start3A_252 = arith.constant 0 : i32
    %dma_start3A_253 = tpu.memref_slice %arg7[%dma_start3A_252] : memref<262144xf32, #tpu.memory_space<hbm>> -> memref<262144xf32, #tpu.memory_space<hbm>>
    tpu.enqueue_indirect_dma source(%dma_start3A_253 : memref<262144xf32, #tpu.memory_space<hbm>>) target(%arg49 : memref<784xf32, #tpu.memory_space<vmem>>) offsets(%arg41 : memref<784xi32, #tpu.memory_space<vmem>>) semaphore(%arg60 : memref<!tpu.dma_semaphore, #tpu.memory_space<semaphore_mem>>)
    %dma_start3A_254 = arith.constant 0 : i32
    %dma_start3A_255 = tpu.memref_slice %arg7[%dma_start3A_254] : memref<262144xf32, #tpu.memory_space<hbm>> -> memref<262144xf32, #tpu.memory_space<hbm>>
    tpu.enqueue_indirect_dma source(%dma_start3A_255 : memref<262144xf32, #tpu.memory_space<hbm>>) target(%arg50 : memref<784xf32, #tpu.memory_space<vmem>>) offsets(%arg42 : memref<784xi32, #tpu.memory_space<vmem>>) semaphore(%arg60 : memref<!tpu.dma_semaphore, #tpu.memory_space<semaphore_mem>>)
    %dma_start3A_256 = arith.constant 0 : i32
    %dma_start3A_257 = tpu.memref_slice %arg7[%dma_start3A_256] : memref<262144xf32, #tpu.memory_space<hbm>> -> memref<262144xf32, #tpu.memory_space<hbm>>
    tpu.enqueue_indirect_dma source(%dma_start3A_257 : memref<262144xf32, #tpu.memory_space<hbm>>) target(%arg51 : memref<784xf32, #tpu.memory_space<vmem>>) offsets(%arg43 : memref<784xi32, #tpu.memory_space<vmem>>) semaphore(%arg60 : memref<!tpu.dma_semaphore, #tpu.memory_space<semaphore_mem>>)
    %dma_start3A_258 = arith.constant 0 : i32
    %dma_start3A_259 = tpu.memref_slice %arg7[%dma_start3A_258] : memref<262144xf32, #tpu.memory_space<hbm>> -> memref<262144xf32, #tpu.memory_space<hbm>>
    tpu.enqueue_indirect_dma source(%dma_start3A_259 : memref<262144xf32, #tpu.memory_space<hbm>>) target(%arg52 : memref<784xf32, #tpu.memory_space<vmem>>) offsets(%arg44 : memref<784xi32, #tpu.memory_space<vmem>>) semaphore(%arg60 : memref<!tpu.dma_semaphore, #tpu.memory_space<semaphore_mem>>)
    %dma_start3A_260 = arith.constant 0 : i32
    %dma_start3A_261 = tpu.memref_slice %arg7[%dma_start3A_260] : memref<262144xf32, #tpu.memory_space<hbm>> -> memref<262144xf32, #tpu.memory_space<hbm>>
    tpu.enqueue_indirect_dma source(%dma_start3A_261 : memref<262144xf32, #tpu.memory_space<hbm>>) target(%arg53 : memref<784xf32, #tpu.memory_space<vmem>>) offsets(%arg45 : memref<784xi32, #tpu.memory_space<vmem>>) semaphore(%arg60 : memref<!tpu.dma_semaphore, #tpu.memory_space<semaphore_mem>>)
    %dma_start3A_262 = arith.constant 0 : i32
    %dma_start3A_263 = tpu.memref_slice %arg7[%dma_start3A_262] : memref<262144xf32, #tpu.memory_space<hbm>> -> memref<262144xf32, #tpu.memory_space<hbm>>
    tpu.enqueue_indirect_dma source(%dma_start3A_263 : memref<262144xf32, #tpu.memory_space<hbm>>) target(%arg54 : memref<784xf32, #tpu.memory_space<vmem>>) offsets(%arg46 : memref<784xi32, #tpu.memory_space<vmem>>) semaphore(%arg60 : memref<!tpu.dma_semaphore, #tpu.memory_space<semaphore_mem>>)
    %dma_start3A_264 = arith.constant 0 : i32
    %dma_start3A_265 = tpu.memref_slice %arg7[%dma_start3A_264] : memref<262144xf32, #tpu.memory_space<hbm>> -> memref<262144xf32, #tpu.memory_space<hbm>>
    tpu.enqueue_indirect_dma source(%dma_start3A_265 : memref<262144xf32, #tpu.memory_space<hbm>>) target(%arg55 : memref<784xf32, #tpu.memory_space<vmem>>) offsets(%arg47 : memref<784xi32, #tpu.memory_space<vmem>>) semaphore(%arg60 : memref<!tpu.dma_semaphore, #tpu.memory_space<semaphore_mem>>)
    %dma_start3A_266 = arith.constant 0 : i32
    %dma_start3A_267 = tpu.memref_slice %arg7[%dma_start3A_266] : memref<262144xf32, #tpu.memory_space<hbm>> -> memref<262144xf32, #tpu.memory_space<hbm>>
    tpu.enqueue_indirect_dma source(%dma_start3A_267 : memref<262144xf32, #tpu.memory_space<hbm>>) target(%arg56 : memref<784xf32, #tpu.memory_space<vmem>>) offsets(%arg48 : memref<784xi32, #tpu.memory_space<vmem>>) semaphore(%arg60 : memref<!tpu.dma_semaphore, #tpu.memory_space<semaphore_mem>>)
    %dma_wait3A_268 = arith.constant 0 : i32
    %dma_wait3A_269 = tpu.memref_slice %arg7[%dma_wait3A_268] : memref<262144xf32, #tpu.memory_space<hbm>> -> memref<262144xf32, #tpu.memory_space<hbm>>
    tpu.wait_indirect_dma semaphore(%arg60 : memref<!tpu.dma_semaphore, #tpu.memory_space<semaphore_mem>>) src(%dma_wait3A_269 : memref<262144xf32, #tpu.memory_space<hbm>>) dst(%arg49 : memref<784xf32, #tpu.memory_space<vmem>>)
    %dma_wait3A_270 = arith.constant 0 : i32
    %dma_wait3A_271 = tpu.memref_slice %arg7[%dma_wait3A_270] : memref<262144xf32, #tpu.memory_space<hbm>> -> memref<262144xf32, #tpu.memory_space<hbm>>
    tpu.wait_indirect_dma semaphore(%arg60 : memref<!tpu.dma_semaphore, #tpu.memory_space<semaphore_mem>>) src(%dma_wait3A_271 : memref<262144xf32, #tpu.memory_space<hbm>>) dst(%arg50 : memref<784xf32, #tpu.memory_space<vmem>>)
    %dma_wait3A_272 = arith.constant 0 : i32
    %dma_wait3A_273 = tpu.memref_slice %arg7[%dma_wait3A_272] : memref<262144xf32, #tpu.memory_space<hbm>> -> memref<262144xf32, #tpu.memory_space<hbm>>
    tpu.wait_indirect_dma semaphore(%arg60 : memref<!tpu.dma_semaphore, #tpu.memory_space<semaphore_mem>>) src(%dma_wait3A_273 : memref<262144xf32, #tpu.memory_space<hbm>>) dst(%arg51 : memref<784xf32, #tpu.memory_space<vmem>>)
    %dma_wait3A_274 = arith.constant 0 : i32
    %dma_wait3A_275 = tpu.memref_slice %arg7[%dma_wait3A_274] : memref<262144xf32, #tpu.memory_space<hbm>> -> memref<262144xf32, #tpu.memory_space<hbm>>
    tpu.wait_indirect_dma semaphore(%arg60 : memref<!tpu.dma_semaphore, #tpu.memory_space<semaphore_mem>>) src(%dma_wait3A_275 : memref<262144xf32, #tpu.memory_space<hbm>>) dst(%arg52 : memref<784xf32, #tpu.memory_space<vmem>>)
    %dma_wait3A_276 = arith.constant 0 : i32
    %dma_wait3A_277 = tpu.memref_slice %arg7[%dma_wait3A_276] : memref<262144xf32, #tpu.memory_space<hbm>> -> memref<262144xf32, #tpu.memory_space<hbm>>
    tpu.wait_indirect_dma semaphore(%arg60 : memref<!tpu.dma_semaphore, #tpu.memory_space<semaphore_mem>>) src(%dma_wait3A_277 : memref<262144xf32, #tpu.memory_space<hbm>>) dst(%arg53 : memref<784xf32, #tpu.memory_space<vmem>>)
    %dma_wait3A_278 = arith.constant 0 : i32
    %dma_wait3A_279 = tpu.memref_slice %arg7[%dma_wait3A_278] : memref<262144xf32, #tpu.memory_space<hbm>> -> memref<262144xf32, #tpu.memory_space<hbm>>
    tpu.wait_indirect_dma semaphore(%arg60 : memref<!tpu.dma_semaphore, #tpu.memory_space<semaphore_mem>>) src(%dma_wait3A_279 : memref<262144xf32, #tpu.memory_space<hbm>>) dst(%arg54 : memref<784xf32, #tpu.memory_space<vmem>>)
    %dma_wait3A_280 = arith.constant 0 : i32
    %dma_wait3A_281 = tpu.memref_slice %arg7[%dma_wait3A_280] : memref<262144xf32, #tpu.memory_space<hbm>> -> memref<262144xf32, #tpu.memory_space<hbm>>
    tpu.wait_indirect_dma semaphore(%arg60 : memref<!tpu.dma_semaphore, #tpu.memory_space<semaphore_mem>>) src(%dma_wait3A_281 : memref<262144xf32, #tpu.memory_space<hbm>>) dst(%arg55 : memref<784xf32, #tpu.memory_space<vmem>>)
    %dma_wait3A_282 = arith.constant 0 : i32
    %dma_wait3A_283 = tpu.memref_slice %arg7[%dma_wait3A_282] : memref<262144xf32, #tpu.memory_space<hbm>> -> memref<262144xf32, #tpu.memory_space<hbm>>
    tpu.wait_indirect_dma semaphore(%arg60 : memref<!tpu.dma_semaphore, #tpu.memory_space<semaphore_mem>>) src(%dma_wait3A_283 : memref<262144xf32, #tpu.memory_space<hbm>>) dst(%arg56 : memref<784xf32, #tpu.memory_space<vmem>>)
    %scan3A_284 = arith.constant 0 : i32
    %scan3A_285 = arith.constant 49 : i32
    %scan3A_286 = arith.addi %scan3A_284, %scan3A_285 : i32
    %scan3A_287 = arith.constant 1 : i32
    %scan3A_288 = scf.for %scan3A_335 = %scan3A_284 to %scan3A_286 step %scan3A_287 iter_args(%scan3A_336 = %scan3A_244) -> (vector<16xf32>)  : i32 {
      %mul3A_337 = arith.constant 16 : i32
      %mul3A_338 = arith.muli %scan3A_335, %mul3A_337 : i32
      %mul3A_339 = arith.constant 16 : i32
      %mul3A_340 = arith.muli %scan3A_335, %mul3A_339 : i32
      %add3A_341 = arith.constant 0 : i32
      %add3A_342 = arith.addi %add3A_341, %mul3A_340 : i32
      %get3A = arith.index_cast %add3A_342 : i32 to index
      %get3A_343 = tpu.vector_load %arg38[%get3A] {strides = array<i32>} : memref<1568xf32, #tpu.memory_space<vmem>>, vector<16xf32>,
      %add3A_344 = arith.constant 1.000000e+00 : f32
      %add3A_345 = vector.broadcast %add3A_344 : f32 to vector<16xf32>
      %add3A_346 = arith.addf %get3A_343, %add3A_345 : vector<16xf32>
      %mul3A_347 = arith.constant 5.000000e-01 : f32
      %mul3A_348 = vector.broadcast %mul3A_347 : f32 to vector<16xf32>
      %mul3A_349 = arith.mulf %add3A_346, %mul3A_348 : vector<16xf32>
      %mul3A_350 = arith.constant 6.300000e+01 : f32
      %mul3A_351 = vector.broadcast %mul3A_350 : f32 to vector<16xf32>
      %mul3A_352 = arith.mulf %mul3A_349, %mul3A_351 : vector<16xf32>
      %max3A = arith.constant 0.000000e+00 : f32
      %max3A_353 = vector.broadcast %max3A : f32 to vector<16xf32>
      %max3A_354 = arith.maximumf %mul3A_352, %max3A_353 : vector<16xf32>
      %min3A = arith.constant 6.299990e+01 : f32
      %min3A_355 = vector.broadcast %min3A : f32 to vector<16xf32>
      %min3A_356 = arith.minimumf %max3A_354, %min3A_355 : vector<16xf32>
      %convert_element_type3A = arith.fptosi %min3A_356 : vector<16xf32> to vector<16xi32>
      %convert_element_type3A_357 = arith.sitofp %convert_element_type3A : vector<16xi32> to vector<16xf32>
      %sub3A = arith.subf %min3A_356, %convert_element_type3A_357 : vector<16xf32>
      %get3A_358 = arith.index_cast %add3A_342 : i32 to index
      %get3A_359 = tpu.vector_load %arg39[%get3A_358] {strides = array<i32>} : memref<1568xf32, #tpu.memory_space<vmem>>, vector<16xf32>,
      %add3A_360 = arith.constant 1.000000e+00 : f32
      %add3A_361 = vector.broadcast %add3A_360 : f32 to vector<16xf32>
      %add3A_362 = arith.addf %get3A_359, %add3A_361 : vector<16xf32>
      %mul3A_363 = arith.constant 5.000000e-01 : f32
      %mul3A_364 = vector.broadcast %mul3A_363 : f32 to vector<16xf32>
      %mul3A_365 = arith.mulf %add3A_362, %mul3A_364 : vector<16xf32>
      %mul3A_366 = arith.constant 6.300000e+01 : f32
      %mul3A_367 = vector.broadcast %mul3A_366 : f32 to vector<16xf32>
      %mul3A_368 = arith.mulf %mul3A_365, %mul3A_367 : vector<16xf32>
      %max3A_369 = arith.constant 0.000000e+00 : f32
      %max3A_370 = vector.broadcast %max3A_369 : f32 to vector<16xf32>
      %max3A_371 = arith.maximumf %mul3A_368, %max3A_370 : vector<16xf32>
      %min3A_372 = arith.constant 6.299990e+01 : f32
      %min3A_373 = vector.broadcast %min3A_372 : f32 to vector<16xf32>
      %min3A_374 = arith.minimumf %max3A_371, %min3A_373 : vector<16xf32>
      %convert_element_type3A_375 = arith.fptosi %min3A_374 : vector<16xf32> to vector<16xi32>
      %convert_element_type3A_376 = arith.sitofp %convert_element_type3A_375 : vector<16xi32> to vector<16xf32>
      %sub3A_377 = arith.subf %min3A_374, %convert_element_type3A_376 : vector<16xf32>
      %get3A_378 = arith.index_cast %add3A_342 : i32 to index
      %get3A_379 = tpu.vector_load %arg40[%get3A_378] {strides = array<i32>} : memref<1568xf32, #tpu.memory_space<vmem>>, vector<16xf32>,
      %add3A_380 = arith.constant 1.000000e+00 : f32
      %add3A_381 = vector.broadcast %add3A_380 : f32 to vector<16xf32>
      %add3A_382 = arith.addf %get3A_379, %add3A_381 : vector<16xf32>
      %mul3A_383 = arith.constant 5.000000e-01 : f32
      %mul3A_384 = vector.broadcast %mul3A_383 : f32 to vector<16xf32>
      %mul3A_385 = arith.mulf %add3A_382, %mul3A_384 : vector<16xf32>
      %mul3A_386 = arith.constant 6.300000e+01 : f32
      %mul3A_387 = vector.broadcast %mul3A_386 : f32 to vector<16xf32>
      %mul3A_388 = arith.mulf %mul3A_385, %mul3A_387 : vector<16xf32>
      %max3A_389 = arith.constant 0.000000e+00 : f32
      %max3A_390 = vector.broadcast %max3A_389 : f32 to vector<16xf32>
      %max3A_391 = arith.maximumf %mul3A_388, %max3A_390 : vector<16xf32>
      %min3A_392 = arith.constant 6.299990e+01 : f32
      %min3A_393 = vector.broadcast %min3A_392 : f32 to vector<16xf32>
      %min3A_394 = arith.minimumf %max3A_391, %min3A_393 : vector<16xf32>
      %convert_element_type3A_395 = arith.fptosi %min3A_394 : vector<16xf32> to vector<16xi32>
      %convert_element_type3A_396 = arith.sitofp %convert_element_type3A_395 : vector<16xi32> to vector<16xf32>
      %sub3A_397 = arith.subf %min3A_394, %convert_element_type3A_396 : vector<16xf32>
      %get3A_398 = arith.index_cast %mul3A_338 : i32 to index
      %get3A_399 = tpu.vector_load %arg49[%get3A_398] {strides = array<i32>} : memref<784xf32, #tpu.memory_space<vmem>>, vector<16xf32>,
      %sub3A_400 = arith.constant 1.000000e+00 : f32
      %sub3A_401 = vector.broadcast %sub3A_400 : f32 to vector<16xf32>
      %sub3A_402 = arith.subf %sub3A_401, %sub3A : vector<16xf32>
      %mul3A_403 = arith.mulf %get3A_399, %sub3A_402 : vector<16xf32>
      %get3A_404 = arith.index_cast %mul3A_338 : i32 to index
      %get3A_405 = tpu.vector_load %arg53[%get3A_404] {strides = array<i32>} : memref<784xf32, #tpu.memory_space<vmem>>, vector<16xf32>,
      %mul3A_406 = arith.mulf %get3A_405, %sub3A : vector<16xf32>
      %add3A_407 = arith.addf %mul3A_403, %mul3A_406 : vector<16xf32>
      %get3A_408 = arith.index_cast %mul3A_338 : i32 to index
      %get3A_409 = tpu.vector_load %arg51[%get3A_408] {strides = array<i32>} : memref<784xf32, #tpu.memory_space<vmem>>, vector<16xf32>,
      %sub3A_410 = arith.constant 1.000000e+00 : f32
      %sub3A_411 = vector.broadcast %sub3A_410 : f32 to vector<16xf32>
      %sub3A_412 = arith.subf %sub3A_411, %sub3A : vector<16xf32>
      %mul3A_413 = arith.mulf %get3A_409, %sub3A_412 : vector<16xf32>
      %get3A_414 = arith.index_cast %mul3A_338 : i32 to index
      %get3A_415 = tpu.vector_load %arg55[%get3A_414] {strides = array<i32>} : memref<784xf32, #tpu.memory_space<vmem>>, vector<16xf32>,
      %mul3A_416 = arith.mulf %get3A_415, %sub3A : vector<16xf32>
      %add3A_417 = arith.addf %mul3A_413, %mul3A_416 : vector<16xf32>
      %get3A_418 = arith.index_cast %mul3A_338 : i32 to index
      %get3A_419 = tpu.vector_load %arg50[%get3A_418] {strides = array<i32>} : memref<784xf32, #tpu.memory_space<vmem>>, vector<16xf32>,
      %sub3A_420 = arith.constant 1.000000e+00 : f32
      %sub3A_421 = vector.broadcast %sub3A_420 : f32 to vector<16xf32>
      %sub3A_422 = arith.subf %sub3A_421, %sub3A : vector<16xf32>
      %mul3A_423 = arith.mulf %get3A_419, %sub3A_422 : vector<16xf32>
      %get3A_424 = arith.index_cast %mul3A_338 : i32 to index
      %get3A_425 = tpu.vector_load %arg54[%get3A_424] {strides = array<i32>} : memref<784xf32, #tpu.memory_space<vmem>>, vector<16xf32>,
      %mul3A_426 = arith.mulf %get3A_425, %sub3A : vector<16xf32>
      %add3A_427 = arith.addf %mul3A_423, %mul3A_426 : vector<16xf32>
      %get3A_428 = arith.index_cast %mul3A_338 : i32 to index
      %get3A_429 = tpu.vector_load %arg52[%get3A_428] {strides = array<i32>} : memref<784xf32, #tpu.memory_space<vmem>>, vector<16xf32>,
      %sub3A_430 = arith.constant 1.000000e+00 : f32
      %sub3A_431 = vector.broadcast %sub3A_430 : f32 to vector<16xf32>
      %sub3A_432 = arith.subf %sub3A_431, %sub3A : vector<16xf32>
      %mul3A_433 = arith.mulf %get3A_429, %sub3A_432 : vector<16xf32>
      %get3A_434 = arith.index_cast %mul3A_338 : i32 to index
      %get3A_435 = tpu.vector_load %arg56[%get3A_434] {strides = array<i32>} : memref<784xf32, #tpu.memory_space<vmem>>, vector<16xf32>,
      %mul3A_436 = arith.mulf %get3A_435, %sub3A : vector<16xf32>
      %add3A_437 = arith.addf %mul3A_433, %mul3A_436 : vector<16xf32>
      %sub3A_438 = arith.constant 1.000000e+00 : f32
      %sub3A_439 = vector.broadcast %sub3A_438 : f32 to vector<16xf32>
      %sub3A_440 = arith.subf %sub3A_439, %sub3A_377 : vector<16xf32>
      %mul3A_441 = arith.mulf %add3A_407, %sub3A_440 : vector<16xf32>
      %mul3A_442 = arith.mulf %add3A_417, %sub3A_377 : vector<16xf32>
      %add3A_443 = arith.addf %mul3A_441, %mul3A_442 : vector<16xf32>
      %sub3A_444 = arith.constant 1.000000e+00 : f32
      %sub3A_445 = vector.broadcast %sub3A_444 : f32 to vector<16xf32>
      %sub3A_446 = arith.subf %sub3A_445, %sub3A_377 : vector<16xf32>
      %mul3A_447 = arith.mulf %add3A_427, %sub3A_446 : vector<16xf32>
      %mul3A_448 = arith.mulf %add3A_437, %sub3A_377 : vector<16xf32>
      %add3A_449 = arith.addf %mul3A_447, %mul3A_448 : vector<16xf32>
      %sub3A_450 = arith.constant 1.000000e+00 : f32
      %sub3A_451 = vector.broadcast %sub3A_450 : f32 to vector<16xf32>
      %sub3A_452 = arith.subf %sub3A_451, %sub3A_397 : vector<16xf32>
      %mul3A_453 = arith.mulf %add3A_443, %sub3A_452 : vector<16xf32>
      %mul3A_454 = arith.mulf %add3A_449, %sub3A_397 : vector<16xf32>
      %add3A_455 = arith.addf %mul3A_453, %mul3A_454 : vector<16xf32>
      %add3A_456 = arith.constant 1568 : i32
      %add3A_457 = arith.addi %mul3A_15, %add3A_456 : i32
      %add3A_458 = arith.constant 0 : i32
      %add3A_459 = arith.addi %add3A_457, %add3A_458 : i32
      %mul3A_460 = arith.constant 16 : i32
      %mul3A_461 = arith.muli %scan3A_335, %mul3A_460 : i32
      %add3A_462 = arith.addi %add3A_459, %mul3A_461 : i32
      %add3A_463 = vector.broadcast %add3A_462 : i32 to vector<16xi32>
      %add3A_464 = arith.addi %add3A_463, %iota3A : vector<16xi32>
      %lt3A = arith.constant 100000 : i32
      %lt3A_465 = vector.broadcast %lt3A : i32 to vector<16xi32>
      %lt3A_466 = arith.cmpi slt, %add3A_464, %lt3A_465 : vector<16xi32>
      %jit3A = arith.constant 0.000000e+00 : f32
      %broadcast_in_dim3A_467 = vector.broadcast %jit3A : f32 to vector<16xf32>
      %select_n3A = arith.select %lt3A_466, %add3A_455, %broadcast_in_dim3A_467 : vector<16xi1>, vector<16xf32>
      %mul3A_468 = arith.mulf %select_n3A, %select_n3A : vector<16xf32>
      %add3A_469 = arith.addf %scan3A_336, %mul3A_468 : vector<16xf32>
      scf.yield %add3A_469 : vector<16xf32>
    }
    %scan3A_289 = arith.constant 49 : i32
    %scan3A_290 = arith.constant 0 : i32
    %scan3A_291 = arith.constant 0 : i32
    %scan3A_292 = arith.constant 49 : i32
    %scan3A_293 = arith.addi %scan3A_291, %scan3A_292 : i32
    %scan3A_294 = arith.constant 1 : i32
    scf.for %scan3A_335 = %scan3A_291 to %scan3A_293 step %scan3A_294  : i32 {
      %mul3A_336 = arith.constant 16 : i32
      %mul3A_337 = arith.muli %scan3A_335, %mul3A_336 : i32
      %mul3A_338 = arith.constant 16 : i32
      %mul3A_339 = arith.muli %scan3A_335, %mul3A_338 : i32
      %add3A_340 = arith.constant 784 : i32
      %add3A_341 = arith.addi %add3A_340, %mul3A_339 : i32
      %get3A = arith.index_cast %add3A_341 : i32 to index
      %get3A_342 = tpu.vector_load %arg38[%get3A] {strides = array<i32>} : memref<1568xf32, #tpu.memory_space<vmem>>, vector<16xf32>,
      %add3A_343 = arith.constant 1.000000e+00 : f32
      %add3A_344 = vector.broadcast %add3A_343 : f32 to vector<16xf32>
      %add3A_345 = arith.addf %get3A_342, %add3A_344 : vector<16xf32>
      %mul3A_346 = arith.constant 5.000000e-01 : f32
      %mul3A_347 = vector.broadcast %mul3A_346 : f32 to vector<16xf32>
      %mul3A_348 = arith.mulf %add3A_345, %mul3A_347 : vector<16xf32>
      %mul3A_349 = arith.constant 6.300000e+01 : f32
      %mul3A_350 = vector.broadcast %mul3A_349 : f32 to vector<16xf32>
      %mul3A_351 = arith.mulf %mul3A_348, %mul3A_350 : vector<16xf32>
      %max3A = arith.constant 0.000000e+00 : f32
      %max3A_352 = vector.broadcast %max3A : f32 to vector<16xf32>
      %max3A_353 = arith.maximumf %mul3A_351, %max3A_352 : vector<16xf32>
      %min3A = arith.constant 6.299990e+01 : f32
      %min3A_354 = vector.broadcast %min3A : f32 to vector<16xf32>
      %min3A_355 = arith.minimumf %max3A_353, %min3A_354 : vector<16xf32>
      %convert_element_type3A = arith.fptosi %min3A_355 : vector<16xf32> to vector<16xi32>
      %convert_element_type3A_356 = arith.sitofp %convert_element_type3A : vector<16xi32> to vector<16xf32>
      %sub3A = arith.subf %min3A_355, %convert_element_type3A_356 : vector<16xf32>
      %get3A_357 = arith.index_cast %add3A_341 : i32 to index
      %get3A_358 = tpu.vector_load %arg39[%get3A_357] {strides = array<i32>} : memref<1568xf32, #tpu.memory_space<vmem>>, vector<16xf32>,
      %add3A_359 = arith.constant 1.000000e+00 : f32
      %add3A_360 = vector.broadcast %add3A_359 : f32 to vector<16xf32>
      %add3A_361 = arith.addf %get3A_358, %add3A_360 : vector<16xf32>
      %mul3A_362 = arith.constant 5.000000e-01 : f32
      %mul3A_363 = vector.broadcast %mul3A_362 : f32 to vector<16xf32>
      %mul3A_364 = arith.mulf %add3A_361, %mul3A_363 : vector<16xf32>
      %mul3A_365 = arith.constant 6.300000e+01 : f32
      %mul3A_366 = vector.broadcast %mul3A_365 : f32 to vector<16xf32>
      %mul3A_367 = arith.mulf %mul3A_364, %mul3A_366 : vector<16xf32>
      %max3A_368 = arith.constant 0.000000e+00 : f32
      %max3A_369 = vector.broadcast %max3A_368 : f32 to vector<16xf32>
      %max3A_370 = arith.maximumf %mul3A_367, %max3A_369 : vector<16xf32>
      %min3A_371 = arith.constant 6.299990e+01 : f32
      %min3A_372 = vector.broadcast %min3A_371 : f32 to vector<16xf32>
      %min3A_373 = arith.minimumf %max3A_370, %min3A_372 : vector<16xf32>
      %convert_element_type3A_374 = arith.fptosi %min3A_373 : vector<16xf32> to vector<16xi32>
      %convert_element_type3A_375 = arith.sitofp %convert_element_type3A_374 : vector<16xi32> to vector<16xf32>
      %sub3A_376 = arith.subf %min3A_373, %convert_element_type3A_375 : vector<16xf32>
      %get3A_377 = arith.index_cast %add3A_341 : i32 to index
      %get3A_378 = tpu.vector_load %arg40[%get3A_377] {strides = array<i32>} : memref<1568xf32, #tpu.memory_space<vmem>>, vector<16xf32>,
      %add3A_379 = arith.constant 1.000000e+00 : f32
      %add3A_380 = vector.broadcast %add3A_379 : f32 to vector<16xf32>
      %add3A_381 = arith.addf %get3A_378, %add3A_380 : vector<16xf32>
      %mul3A_382 = arith.constant 5.000000e-01 : f32
      %mul3A_383 = vector.broadcast %mul3A_382 : f32 to vector<16xf32>
      %mul3A_384 = arith.mulf %add3A_381, %mul3A_383 : vector<16xf32>
      %mul3A_385 = arith.constant 6.300000e+01 : f32
      %mul3A_386 = vector.broadcast %mul3A_385 : f32 to vector<16xf32>
      %mul3A_387 = arith.mulf %mul3A_384, %mul3A_386 : vector<16xf32>
      %max3A_388 = arith.constant 0.000000e+00 : f32
      %max3A_389 = vector.broadcast %max3A_388 : f32 to vector<16xf32>
      %max3A_390 = arith.maximumf %mul3A_387, %max3A_389 : vector<16xf32>
      %min3A_391 = arith.constant 6.299990e+01 : f32
      %min3A_392 = vector.broadcast %min3A_391 : f32 to vector<16xf32>
      %min3A_393 = arith.minimumf %max3A_390, %min3A_392 : vector<16xf32>
      %convert_element_type3A_394 = arith.fptosi %min3A_393 : vector<16xf32> to vector<16xi32>
      %convert_element_type3A_395 = arith.sitofp %convert_element_type3A_394 : vector<16xi32> to vector<16xf32>
      %sub3A_396 = arith.subf %min3A_393, %convert_element_type3A_395 : vector<16xf32>
      %mul3A_397 = arith.constant 4096 : i32
      %mul3A_398 = vector.broadcast %mul3A_397 : i32 to vector<16xi32>
      %mul3A_399 = arith.muli %convert_element_type3A, %mul3A_398 : vector<16xi32>
      %mul3A_400 = arith.constant 64 : i32
      %mul3A_401 = vector.broadcast %mul3A_400 : i32 to vector<16xi32>
      %mul3A_402 = arith.muli %convert_element_type3A_374, %mul3A_401 : vector<16xi32>
      %add3A_403 = arith.addi %mul3A_399, %mul3A_402 : vector<16xi32>
      %add3A_404 = arith.addi %add3A_403, %convert_element_type3A_394 : vector<16xi32>
      %swap3A_405 = arith.index_cast %mul3A_337 : i32 to index
      %swap3A_406 = tpu.vector_load %arg41[%swap3A_405] {strides = array<i32>} : memref<784xi32, #tpu.memory_space<vmem>>, vector<16xi32>,
      tpu.vector_store %arg41[%swap3A_405], %add3A_404 {strides = array<i32>} : memref<784xi32, #tpu.memory_space<vmem>>, vector<16xi32>,
      %add3A_407 = arith.constant 1 : i32
      %add3A_408 = vector.broadcast %add3A_407 : i32 to vector<16xi32>
      %add3A_409 = arith.addi %add3A_404, %add3A_408 : vector<16xi32>
      %swap3A_410 = arith.index_cast %mul3A_337 : i32 to index
      %swap3A_411 = tpu.vector_load %arg42[%swap3A_410] {strides = array<i32>} : memref<784xi32, #tpu.memory_space<vmem>>, vector<16xi32>,
      tpu.vector_store %arg42[%swap3A_410], %add3A_409 {strides = array<i32>} : memref<784xi32, #tpu.memory_space<vmem>>, vector<16xi32>,
      %add3A_412 = arith.constant 64 : i32
      %add3A_413 = vector.broadcast %add3A_412 : i32 to vector<16xi32>
      %add3A_414 = arith.addi %add3A_404, %add3A_413 : vector<16xi32>
      %swap3A_415 = arith.index_cast %mul3A_337 : i32 to index
      %swap3A_416 = tpu.vector_load %arg43[%swap3A_415] {strides = array<i32>} : memref<784xi32, #tpu.memory_space<vmem>>, vector<16xi32>,
      tpu.vector_store %arg43[%swap3A_415], %add3A_414 {strides = array<i32>} : memref<784xi32, #tpu.memory_space<vmem>>, vector<16xi32>,
      %add3A_417 = arith.constant 64 : i32
      %add3A_418 = vector.broadcast %add3A_417 : i32 to vector<16xi32>
      %add3A_419 = arith.addi %add3A_404, %add3A_418 : vector<16xi32>
      %add3A_420 = arith.constant 1 : i32
      %add3A_421 = vector.broadcast %add3A_420 : i32 to vector<16xi32>
      %add3A_422 = arith.addi %add3A_419, %add3A_421 : vector<16xi32>
      %swap3A_423 = arith.index_cast %mul3A_337 : i32 to index
      %swap3A_424 = tpu.vector_load %arg44[%swap3A_423] {strides = array<i32>} : memref<784xi32, #tpu.memory_space<vmem>>, vector<16xi32>,
      tpu.vector_store %arg44[%swap3A_423], %add3A_422 {strides = array<i32>} : memref<784xi32, #tpu.memory_space<vmem>>, vector<16xi32>,
      %add3A_425 = arith.constant 4096 : i32
      %add3A_426 = vector.broadcast %add3A_425 : i32 to vector<16xi32>
      %add3A_427 = arith.addi %add3A_404, %add3A_426 : vector<16xi32>
      %swap3A_428 = arith.index_cast %mul3A_337 : i32 to index
      %swap3A_429 = tpu.vector_load %arg45[%swap3A_428] {strides = array<i32>} : memref<784xi32, #tpu.memory_space<vmem>>, vector<16xi32>,
      tpu.vector_store %arg45[%swap3A_428], %add3A_427 {strides = array<i32>} : memref<784xi32, #tpu.memory_space<vmem>>, vector<16xi32>,
      %add3A_430 = arith.constant 4096 : i32
      %add3A_431 = vector.broadcast %add3A_430 : i32 to vector<16xi32>
      %add3A_432 = arith.addi %add3A_404, %add3A_431 : vector<16xi32>
      %add3A_433 = arith.constant 1 : i32
      %add3A_434 = vector.broadcast %add3A_433 : i32 to vector<16xi32>
      %add3A_435 = arith.addi %add3A_432, %add3A_434 : vector<16xi32>
      %swap3A_436 = arith.index_cast %mul3A_337 : i32 to index
      %swap3A_437 = tpu.vector_load %arg46[%swap3A_436] {strides = array<i32>} : memref<784xi32, #tpu.memory_space<vmem>>, vector<16xi32>,
      tpu.vector_store %arg46[%swap3A_436], %add3A_435 {strides = array<i32>} : memref<784xi32, #tpu.memory_space<vmem>>, vector<16xi32>,
      %add3A_438 = arith.constant 4096 : i32
      %add3A_439 = vector.broadcast %add3A_438 : i32 to vector<16xi32>
      %add3A_440 = arith.addi %add3A_404, %add3A_439 : vector<16xi32>
      %add3A_441 = arith.constant 64 : i32
      %add3A_442 = vector.broadcast %add3A_441 : i32 to vector<16xi32>
      %add3A_443 = arith.addi %add3A_440, %add3A_442 : vector<16xi32>
      %swap3A_444 = arith.index_cast %mul3A_337 : i32 to index
      %swap3A_445 = tpu.vector_load %arg47[%swap3A_444] {strides = array<i32>} : memref<784xi32, #tpu.memory_space<vmem>>, vector<16xi32>,
      tpu.vector_store %arg47[%swap3A_444], %add3A_443 {strides = array<i32>} : memref<784xi32, #tpu.memory_space<vmem>>, vector<16xi32>,
      %add3A_446 = arith.constant 4096 : i32
      %add3A_447 = vector.broadcast %add3A_446 : i32 to vector<16xi32>
      %add3A_448 = arith.addi %add3A_404, %add3A_447 : vector<16xi32>
      %add3A_449 = arith.constant 64 : i32
      %add3A_450 = vector.broadcast %add3A_449 : i32 to vector<16xi32>
      %add3A_451 = arith.addi %add3A_448, %add3A_450 : vector<16xi32>
      %add3A_452 = arith.constant 1 : i32
      %add3A_453 = vector.broadcast %add3A_452 : i32 to vector<16xi32>
      %add3A_454 = arith.addi %add3A_451, %add3A_453 : vector<16xi32>
      %swap3A_455 = arith.index_cast %mul3A_337 : i32 to index
      %swap3A_456 = tpu.vector_load %arg48[%swap3A_455] {strides = array<i32>} : memref<784xi32, #tpu.memory_space<vmem>>, vector<16xi32>,
      tpu.vector_store %arg48[%swap3A_455], %add3A_454 {strides = array<i32>} : memref<784xi32, #tpu.memory_space<vmem>>, vector<16xi32>,
    }
    %scan3A_295 = arith.constant 49 : i32
    %dma_start3A_296 = arith.constant 0 : i32
    %dma_start3A_297 = tpu.memref_slice %arg7[%dma_start3A_296] : memref<262144xf32, #tpu.memory_space<hbm>> -> memref<262144xf32, #tpu.memory_space<hbm>>
    tpu.enqueue_indirect_dma source(%dma_start3A_297 : memref<262144xf32, #tpu.memory_space<hbm>>) target(%arg49 : memref<784xf32, #tpu.memory_space<vmem>>) offsets(%arg41 : memref<784xi32, #tpu.memory_space<vmem>>) semaphore(%arg60 : memref<!tpu.dma_semaphore, #tpu.memory_space<semaphore_mem>>)
    %dma_start3A_298 = arith.constant 0 : i32
    %dma_start3A_299 = tpu.memref_slice %arg7[%dma_start3A_298] : memref<262144xf32, #tpu.memory_space<hbm>> -> memref<262144xf32, #tpu.memory_space<hbm>>
    tpu.enqueue_indirect_dma source(%dma_start3A_299 : memref<262144xf32, #tpu.memory_space<hbm>>) target(%arg50 : memref<784xf32, #tpu.memory_space<vmem>>) offsets(%arg42 : memref<784xi32, #tpu.memory_space<vmem>>) semaphore(%arg60 : memref<!tpu.dma_semaphore, #tpu.memory_space<semaphore_mem>>)
    %dma_start3A_300 = arith.constant 0 : i32
    %dma_start3A_301 = tpu.memref_slice %arg7[%dma_start3A_300] : memref<262144xf32, #tpu.memory_space<hbm>> -> memref<262144xf32, #tpu.memory_space<hbm>>
    tpu.enqueue_indirect_dma source(%dma_start3A_301 : memref<262144xf32, #tpu.memory_space<hbm>>) target(%arg51 : memref<784xf32, #tpu.memory_space<vmem>>) offsets(%arg43 : memref<784xi32, #tpu.memory_space<vmem>>) semaphore(%arg60 : memref<!tpu.dma_semaphore, #tpu.memory_space<semaphore_mem>>)
    %dma_start3A_302 = arith.constant 0 : i32
    %dma_start3A_303 = tpu.memref_slice %arg7[%dma_start3A_302] : memref<262144xf32, #tpu.memory_space<hbm>> -> memref<262144xf32, #tpu.memory_space<hbm>>
    tpu.enqueue_indirect_dma source(%dma_start3A_303 : memref<262144xf32, #tpu.memory_space<hbm>>) target(%arg52 : memref<784xf32, #tpu.memory_space<vmem>>) offsets(%arg44 : memref<784xi32, #tpu.memory_space<vmem>>) semaphore(%arg60 : memref<!tpu.dma_semaphore, #tpu.memory_space<semaphore_mem>>)
    %dma_start3A_304 = arith.constant 0 : i32
    %dma_start3A_305 = tpu.memref_slice %arg7[%dma_start3A_304] : memref<262144xf32, #tpu.memory_space<hbm>> -> memref<262144xf32, #tpu.memory_space<hbm>>
    tpu.enqueue_indirect_dma source(%dma_start3A_305 : memref<262144xf32, #tpu.memory_space<hbm>>) target(%arg53 : memref<784xf32, #tpu.memory_space<vmem>>) offsets(%arg45 : memref<784xi32, #tpu.memory_space<vmem>>) semaphore(%arg60 : memref<!tpu.dma_semaphore, #tpu.memory_space<semaphore_mem>>)
    %dma_start3A_306 = arith.constant 0 : i32
    %dma_start3A_307 = tpu.memref_slice %arg7[%dma_start3A_306] : memref<262144xf32, #tpu.memory_space<hbm>> -> memref<262144xf32, #tpu.memory_space<hbm>>
    tpu.enqueue_indirect_dma source(%dma_start3A_307 : memref<262144xf32, #tpu.memory_space<hbm>>) target(%arg54 : memref<784xf32, #tpu.memory_space<vmem>>) offsets(%arg46 : memref<784xi32, #tpu.memory_space<vmem>>) semaphore(%arg60 : memref<!tpu.dma_semaphore, #tpu.memory_space<semaphore_mem>>)
    %dma_start3A_308 = arith.constant 0 : i32
    %dma_start3A_309 = tpu.memref_slice %arg7[%dma_start3A_308] : memref<262144xf32, #tpu.memory_space<hbm>> -> memref<262144xf32, #tpu.memory_space<hbm>>
    tpu.enqueue_indirect_dma source(%dma_start3A_309 : memref<262144xf32, #tpu.memory_space<hbm>>) target(%arg55 : memref<784xf32, #tpu.memory_space<vmem>>) offsets(%arg47 : memref<784xi32, #tpu.memory_space<vmem>>) semaphore(%arg60 : memref<!tpu.dma_semaphore, #tpu.memory_space<semaphore_mem>>)
    %dma_start3A_310 = arith.constant 0 : i32
    %dma_start3A_311 = tpu.memref_slice %arg7[%dma_start3A_310] : memref<262144xf32, #tpu.memory_space<hbm>> -> memref<262144xf32, #tpu.memory_space<hbm>>
    tpu.enqueue_indirect_dma source(%dma_start3A_311 : memref<262144xf32, #tpu.memory_space<hbm>>) target(%arg56 : memref<784xf32, #tpu.memory_space<vmem>>) offsets(%arg48 : memref<784xi32, #tpu.memory_space<vmem>>) semaphore(%arg60 : memref<!tpu.dma_semaphore, #tpu.memory_space<semaphore_mem>>)
    %dma_wait3A_312 = arith.constant 0 : i32
    %dma_wait3A_313 = tpu.memref_slice %arg7[%dma_wait3A_312] : memref<262144xf32, #tpu.memory_space<hbm>> -> memref<262144xf32, #tpu.memory_space<hbm>>
    tpu.wait_indirect_dma semaphore(%arg60 : memref<!tpu.dma_semaphore, #tpu.memory_space<semaphore_mem>>) src(%dma_wait3A_313 : memref<262144xf32, #tpu.memory_space<hbm>>) dst(%arg49 : memref<784xf32, #tpu.memory_space<vmem>>)
    %dma_wait3A_314 = arith.constant 0 : i32
    %dma_wait3A_315 = tpu.memref_slice %arg7[%dma_wait3A_314] : memref<262144xf32, #tpu.memory_space<hbm>> -> memref<262144xf32, #tpu.memory_space<hbm>>
    tpu.wait_indirect_dma semaphore(%arg60 : memref<!tpu.dma_semaphore, #tpu.memory_space<semaphore_mem>>) src(%dma_wait3A_315 : memref<262144xf32, #tpu.memory_space<hbm>>) dst(%arg50 : memref<784xf32, #tpu.memory_space<vmem>>)
    %dma_wait3A_316 = arith.constant 0 : i32
    %dma_wait3A_317 = tpu.memref_slice %arg7[%dma_wait3A_316] : memref<262144xf32, #tpu.memory_space<hbm>> -> memref<262144xf32, #tpu.memory_space<hbm>>
    tpu.wait_indirect_dma semaphore(%arg60 : memref<!tpu.dma_semaphore, #tpu.memory_space<semaphore_mem>>) src(%dma_wait3A_317 : memref<262144xf32, #tpu.memory_space<hbm>>) dst(%arg51 : memref<784xf32, #tpu.memory_space<vmem>>)
    %dma_wait3A_318 = arith.constant 0 : i32
    %dma_wait3A_319 = tpu.memref_slice %arg7[%dma_wait3A_318] : memref<262144xf32, #tpu.memory_space<hbm>> -> memref<262144xf32, #tpu.memory_space<hbm>>
    tpu.wait_indirect_dma semaphore(%arg60 : memref<!tpu.dma_semaphore, #tpu.memory_space<semaphore_mem>>) src(%dma_wait3A_319 : memref<262144xf32, #tpu.memory_space<hbm>>) dst(%arg52 : memref<784xf32, #tpu.memory_space<vmem>>)
    %dma_wait3A_320 = arith.constant 0 : i32
    %dma_wait3A_321 = tpu.memref_slice %arg7[%dma_wait3A_320] : memref<262144xf32, #tpu.memory_space<hbm>> -> memref<262144xf32, #tpu.memory_space<hbm>>
    tpu.wait_indirect_dma semaphore(%arg60 : memref<!tpu.dma_semaphore, #tpu.memory_space<semaphore_mem>>) src(%dma_wait3A_321 : memref<262144xf32, #tpu.memory_space<hbm>>) dst(%arg53 : memref<784xf32, #tpu.memory_space<vmem>>)
    %dma_wait3A_322 = arith.constant 0 : i32
    %dma_wait3A_323 = tpu.memref_slice %arg7[%dma_wait3A_322] : memref<262144xf32, #tpu.memory_space<hbm>> -> memref<262144xf32, #tpu.memory_space<hbm>>
    tpu.wait_indirect_dma semaphore(%arg60 : memref<!tpu.dma_semaphore, #tpu.memory_space<semaphore_mem>>) src(%dma_wait3A_323 : memref<262144xf32, #tpu.memory_space<hbm>>) dst(%arg54 : memref<784xf32, #tpu.memory_space<vmem>>)
    %dma_wait3A_324 = arith.constant 0 : i32
    %dma_wait3A_325 = tpu.memref_slice %arg7[%dma_wait3A_324] : memref<262144xf32, #tpu.memory_space<hbm>> -> memref<262144xf32, #tpu.memory_space<hbm>>
    tpu.wait_indirect_dma semaphore(%arg60 : memref<!tpu.dma_semaphore, #tpu.memory_space<semaphore_mem>>) src(%dma_wait3A_325 : memref<262144xf32, #tpu.memory_space<hbm>>) dst(%arg55 : memref<784xf32, #tpu.memory_space<vmem>>)
    %dma_wait3A_326 = arith.constant 0 : i32
    %dma_wait3A_327 = tpu.memref_slice %arg7[%dma_wait3A_326] : memref<262144xf32, #tpu.memory_space<hbm>> -> memref<262144xf32, #tpu.memory_space<hbm>>
    tpu.wait_indirect_dma semaphore(%arg60 : memref<!tpu.dma_semaphore, #tpu.memory_space<semaphore_mem>>) src(%dma_wait3A_327 : memref<262144xf32, #tpu.memory_space<hbm>>) dst(%arg56 : memref<784xf32, #tpu.memory_space<vmem>>)
    %scan3A_328 = arith.constant 0 : i32
    %scan3A_329 = arith.constant 49 : i32
    %scan3A_330 = arith.addi %scan3A_328, %scan3A_329 : i32
    %scan3A_331 = arith.constant 1 : i32
    %scan3A_332 = scf.for %scan3A_335 = %scan3A_328 to %scan3A_330 step %scan3A_331 iter_args(%scan3A_336 = %scan3A_288) -> (vector<16xf32>)  : i32 {
      %mul3A_337 = arith.constant 16 : i32
      %mul3A_338 = arith.muli %scan3A_335, %mul3A_337 : i32
      %mul3A_339 = arith.constant 16 : i32
      %mul3A_340 = arith.muli %scan3A_335, %mul3A_339 : i32
      %add3A_341 = arith.constant 784 : i32
      %add3A_342 = arith.addi %add3A_341, %mul3A_340 : i32
      %get3A = arith.index_cast %add3A_342 : i32 to index
      %get3A_343 = tpu.vector_load %arg38[%get3A] {strides = array<i32>} : memref<1568xf32, #tpu.memory_space<vmem>>, vector<16xf32>,
      %add3A_344 = arith.constant 1.000000e+00 : f32
      %add3A_345 = vector.broadcast %add3A_344 : f32 to vector<16xf32>
      %add3A_346 = arith.addf %get3A_343, %add3A_345 : vector<16xf32>
      %mul3A_347 = arith.constant 5.000000e-01 : f32
      %mul3A_348 = vector.broadcast %mul3A_347 : f32 to vector<16xf32>
      %mul3A_349 = arith.mulf %add3A_346, %mul3A_348 : vector<16xf32>
      %mul3A_350 = arith.constant 6.300000e+01 : f32
      %mul3A_351 = vector.broadcast %mul3A_350 : f32 to vector<16xf32>
      %mul3A_352 = arith.mulf %mul3A_349, %mul3A_351 : vector<16xf32>
      %max3A = arith.constant 0.000000e+00 : f32
      %max3A_353 = vector.broadcast %max3A : f32 to vector<16xf32>
      %max3A_354 = arith.maximumf %mul3A_352, %max3A_353 : vector<16xf32>
      %min3A = arith.constant 6.299990e+01 : f32
      %min3A_355 = vector.broadcast %min3A : f32 to vector<16xf32>
      %min3A_356 = arith.minimumf %max3A_354, %min3A_355 : vector<16xf32>
      %convert_element_type3A = arith.fptosi %min3A_356 : vector<16xf32> to vector<16xi32>
      %convert_element_type3A_357 = arith.sitofp %convert_element_type3A : vector<16xi32> to vector<16xf32>
      %sub3A = arith.subf %min3A_356, %convert_element_type3A_357 : vector<16xf32>
      %get3A_358 = arith.index_cast %add3A_342 : i32 to index
      %get3A_359 = tpu.vector_load %arg39[%get3A_358] {strides = array<i32>} : memref<1568xf32, #tpu.memory_space<vmem>>, vector<16xf32>,
      %add3A_360 = arith.constant 1.000000e+00 : f32
      %add3A_361 = vector.broadcast %add3A_360 : f32 to vector<16xf32>
      %add3A_362 = arith.addf %get3A_359, %add3A_361 : vector<16xf32>
      %mul3A_363 = arith.constant 5.000000e-01 : f32
      %mul3A_364 = vector.broadcast %mul3A_363 : f32 to vector<16xf32>
      %mul3A_365 = arith.mulf %add3A_362, %mul3A_364 : vector<16xf32>
      %mul3A_366 = arith.constant 6.300000e+01 : f32
      %mul3A_367 = vector.broadcast %mul3A_366 : f32 to vector<16xf32>
      %mul3A_368 = arith.mulf %mul3A_365, %mul3A_367 : vector<16xf32>
      %max3A_369 = arith.constant 0.000000e+00 : f32
      %max3A_370 = vector.broadcast %max3A_369 : f32 to vector<16xf32>
      %max3A_371 = arith.maximumf %mul3A_368, %max3A_370 : vector<16xf32>
      %min3A_372 = arith.constant 6.299990e+01 : f32
      %min3A_373 = vector.broadcast %min3A_372 : f32 to vector<16xf32>
      %min3A_374 = arith.minimumf %max3A_371, %min3A_373 : vector<16xf32>
      %convert_element_type3A_375 = arith.fptosi %min3A_374 : vector<16xf32> to vector<16xi32>
      %convert_element_type3A_376 = arith.sitofp %convert_element_type3A_375 : vector<16xi32> to vector<16xf32>
      %sub3A_377 = arith.subf %min3A_374, %convert_element_type3A_376 : vector<16xf32>
      %get3A_378 = arith.index_cast %add3A_342 : i32 to index
      %get3A_379 = tpu.vector_load %arg40[%get3A_378] {strides = array<i32>} : memref<1568xf32, #tpu.memory_space<vmem>>, vector<16xf32>,
      %add3A_380 = arith.constant 1.000000e+00 : f32
      %add3A_381 = vector.broadcast %add3A_380 : f32 to vector<16xf32>
      %add3A_382 = arith.addf %get3A_379, %add3A_381 : vector<16xf32>
      %mul3A_383 = arith.constant 5.000000e-01 : f32
      %mul3A_384 = vector.broadcast %mul3A_383 : f32 to vector<16xf32>
      %mul3A_385 = arith.mulf %add3A_382, %mul3A_384 : vector<16xf32>
      %mul3A_386 = arith.constant 6.300000e+01 : f32
      %mul3A_387 = vector.broadcast %mul3A_386 : f32 to vector<16xf32>
      %mul3A_388 = arith.mulf %mul3A_385, %mul3A_387 : vector<16xf32>
      %max3A_389 = arith.constant 0.000000e+00 : f32
      %max3A_390 = vector.broadcast %max3A_389 : f32 to vector<16xf32>
      %max3A_391 = arith.maximumf %mul3A_388, %max3A_390 : vector<16xf32>
      %min3A_392 = arith.constant 6.299990e+01 : f32
      %min3A_393 = vector.broadcast %min3A_392 : f32 to vector<16xf32>
      %min3A_394 = arith.minimumf %max3A_391, %min3A_393 : vector<16xf32>
      %convert_element_type3A_395 = arith.fptosi %min3A_394 : vector<16xf32> to vector<16xi32>
      %convert_element_type3A_396 = arith.sitofp %convert_element_type3A_395 : vector<16xi32> to vector<16xf32>
      %sub3A_397 = arith.subf %min3A_394, %convert_element_type3A_396 : vector<16xf32>
      %get3A_398 = arith.index_cast %mul3A_338 : i32 to index
      %get3A_399 = tpu.vector_load %arg49[%get3A_398] {strides = array<i32>} : memref<784xf32, #tpu.memory_space<vmem>>, vector<16xf32>,
      %sub3A_400 = arith.constant 1.000000e+00 : f32
      %sub3A_401 = vector.broadcast %sub3A_400 : f32 to vector<16xf32>
      %sub3A_402 = arith.subf %sub3A_401, %sub3A : vector<16xf32>
      %mul3A_403 = arith.mulf %get3A_399, %sub3A_402 : vector<16xf32>
      %get3A_404 = arith.index_cast %mul3A_338 : i32 to index
      %get3A_405 = tpu.vector_load %arg53[%get3A_404] {strides = array<i32>} : memref<784xf32, #tpu.memory_space<vmem>>, vector<16xf32>,
      %mul3A_406 = arith.mulf %get3A_405, %sub3A : vector<16xf32>
      %add3A_407 = arith.addf %mul3A_403, %mul3A_406 : vector<16xf32>
      %get3A_408 = arith.index_cast %mul3A_338 : i32 to index
      %get3A_409 = tpu.vector_load %arg51[%get3A_408] {strides = array<i32>} : memref<784xf32, #tpu.memory_space<vmem>>, vector<16xf32>,
      %sub3A_410 = arith.constant 1.000000e+00 : f32
      %sub3A_411 = vector.broadcast %sub3A_410 : f32 to vector<16xf32>
      %sub3A_412 = arith.subf %sub3A_411, %sub3A : vector<16xf32>
      %mul3A_413 = arith.mulf %get3A_409, %sub3A_412 : vector<16xf32>
      %get3A_414 = arith.index_cast %mul3A_338 : i32 to index
      %get3A_415 = tpu.vector_load %arg55[%get3A_414] {strides = array<i32>} : memref<784xf32, #tpu.memory_space<vmem>>, vector<16xf32>,
      %mul3A_416 = arith.mulf %get3A_415, %sub3A : vector<16xf32>
      %add3A_417 = arith.addf %mul3A_413, %mul3A_416 : vector<16xf32>
      %get3A_418 = arith.index_cast %mul3A_338 : i32 to index
      %get3A_419 = tpu.vector_load %arg50[%get3A_418] {strides = array<i32>} : memref<784xf32, #tpu.memory_space<vmem>>, vector<16xf32>,
      %sub3A_420 = arith.constant 1.000000e+00 : f32
      %sub3A_421 = vector.broadcast %sub3A_420 : f32 to vector<16xf32>
      %sub3A_422 = arith.subf %sub3A_421, %sub3A : vector<16xf32>
      %mul3A_423 = arith.mulf %get3A_419, %sub3A_422 : vector<16xf32>
      %get3A_424 = arith.index_cast %mul3A_338 : i32 to index
      %get3A_425 = tpu.vector_load %arg54[%get3A_424] {strides = array<i32>} : memref<784xf32, #tpu.memory_space<vmem>>, vector<16xf32>,
      %mul3A_426 = arith.mulf %get3A_425, %sub3A : vector<16xf32>
      %add3A_427 = arith.addf %mul3A_423, %mul3A_426 : vector<16xf32>
      %get3A_428 = arith.index_cast %mul3A_338 : i32 to index
      %get3A_429 = tpu.vector_load %arg52[%get3A_428] {strides = array<i32>} : memref<784xf32, #tpu.memory_space<vmem>>, vector<16xf32>,
      %sub3A_430 = arith.constant 1.000000e+00 : f32
      %sub3A_431 = vector.broadcast %sub3A_430 : f32 to vector<16xf32>
      %sub3A_432 = arith.subf %sub3A_431, %sub3A : vector<16xf32>
      %mul3A_433 = arith.mulf %get3A_429, %sub3A_432 : vector<16xf32>
      %get3A_434 = arith.index_cast %mul3A_338 : i32 to index
      %get3A_435 = tpu.vector_load %arg56[%get3A_434] {strides = array<i32>} : memref<784xf32, #tpu.memory_space<vmem>>, vector<16xf32>,
      %mul3A_436 = arith.mulf %get3A_435, %sub3A : vector<16xf32>
      %add3A_437 = arith.addf %mul3A_433, %mul3A_436 : vector<16xf32>
      %sub3A_438 = arith.constant 1.000000e+00 : f32
      %sub3A_439 = vector.broadcast %sub3A_438 : f32 to vector<16xf32>
      %sub3A_440 = arith.subf %sub3A_439, %sub3A_377 : vector<16xf32>
      %mul3A_441 = arith.mulf %add3A_407, %sub3A_440 : vector<16xf32>
      %mul3A_442 = arith.mulf %add3A_417, %sub3A_377 : vector<16xf32>
      %add3A_443 = arith.addf %mul3A_441, %mul3A_442 : vector<16xf32>
      %sub3A_444 = arith.constant 1.000000e+00 : f32
      %sub3A_445 = vector.broadcast %sub3A_444 : f32 to vector<16xf32>
      %sub3A_446 = arith.subf %sub3A_445, %sub3A_377 : vector<16xf32>
      %mul3A_447 = arith.mulf %add3A_427, %sub3A_446 : vector<16xf32>
      %mul3A_448 = arith.mulf %add3A_437, %sub3A_377 : vector<16xf32>
      %add3A_449 = arith.addf %mul3A_447, %mul3A_448 : vector<16xf32>
      %sub3A_450 = arith.constant 1.000000e+00 : f32
      %sub3A_451 = vector.broadcast %sub3A_450 : f32 to vector<16xf32>
      %sub3A_452 = arith.subf %sub3A_451, %sub3A_397 : vector<16xf32>
      %mul3A_453 = arith.mulf %add3A_443, %sub3A_452 : vector<16xf32>
      %mul3A_454 = arith.mulf %add3A_449, %sub3A_397 : vector<16xf32>
      %add3A_455 = arith.addf %mul3A_453, %mul3A_454 : vector<16xf32>
      %add3A_456 = arith.constant 1568 : i32
      %add3A_457 = arith.addi %mul3A_15, %add3A_456 : i32
      %add3A_458 = arith.constant 784 : i32
      %add3A_459 = arith.addi %add3A_457, %add3A_458 : i32
      %mul3A_460 = arith.constant 16 : i32
      %mul3A_461 = arith.muli %scan3A_335, %mul3A_460 : i32
      %add3A_462 = arith.addi %add3A_459, %mul3A_461 : i32
      %add3A_463 = vector.broadcast %add3A_462 : i32 to vector<16xi32>
      %add3A_464 = arith.addi %add3A_463, %iota3A : vector<16xi32>
      %lt3A = arith.constant 100000 : i32
      %lt3A_465 = vector.broadcast %lt3A : i32 to vector<16xi32>
      %lt3A_466 = arith.cmpi slt, %add3A_464, %lt3A_465 : vector<16xi32>
      %jit3A = arith.constant 0.000000e+00 : f32
      %broadcast_in_dim3A_467 = vector.broadcast %jit3A : f32 to vector<16xf32>
      %select_n3A = arith.select %lt3A_466, %add3A_455, %broadcast_in_dim3A_467 : vector<16xi1>, vector<16xf32>
      %mul3A_468 = arith.mulf %select_n3A, %select_n3A : vector<16xf32>
      %add3A_469 = arith.addf %scan3A_336, %mul3A_468 : vector<16xf32>
      scf.yield %add3A_469 : vector<16xf32>
    }
    %scan3A_333 = arith.constant 49 : i32
    %swap3A = arith.constant 0 : index
    %swap3A_334 = tpu.vector_load %arg57[%swap3A] {strides = array<i32>} : memref<16xf32, #tpu.memory_space<vmem>>, vector<16xf32>,
    tpu.vector_store %arg57[%swap3A], %scan3A_332 {strides = array<i32>} : memref<16xf32, #tpu.memory_space<vmem>>, vector<16xf32>,
    "tpu.region"() ({
      %run_scoped3A = tpu.sem_alloc : memref<!tpu.dma_semaphore, #tpu.memory_space<semaphore_mem>>
      %dma_start3A_335 = arith.constant 0 : i32
      %dma_start3A_336 = tpu.memref_slice %arg11[%add3A, %dma_start3A_335] : memref<32x16xf32, #tpu.memory_space<hbm>> -> memref<1x16xf32, #tpu.memory_space<hbm>>
      %dma_start3A_337 = tpu.memref_squeeze %dma_start3A_336 : memref<1x16xf32, #tpu.memory_space<hbm>> -> memref<16xf32, #tpu.memory_space<hbm>>
      %dma_start3A_338 = arith.constant 0 : i32
      %dma_start3A_339 = tpu.memref_slice %arg11[%add3A, %dma_start3A_338] : memref<32x16xf32, #tpu.memory_space<hbm>> -> memref<1x16xf32, #tpu.memory_space<hbm>>
      %dma_start3A_340 = tpu.memref_squeeze %dma_start3A_339 : memref<1x16xf32, #tpu.memory_space<hbm>> -> memref<16xf32, #tpu.memory_space<hbm>>
      tpu.enqueue_dma source(%arg57 : memref<16xf32, #tpu.memory_space<vmem>>) target(%dma_start3A_340 : memref<16xf32, #tpu.memory_space<hbm>>) target_semaphore(%run_scoped3A : memref<!tpu.dma_semaphore, #tpu.memory_space<semaphore_mem>>)
      %dma_wait3A_341 = arith.constant 0 : i32
      %dma_wait3A_342 = tpu.memref_slice %arg11[%add3A, %dma_wait3A_341] : memref<32x16xf32, #tpu.memory_space<hbm>> -> memref<1x16xf32, #tpu.memory_space<hbm>>
      %dma_wait3A_343 = tpu.memref_squeeze %dma_wait3A_342 : memref<1x16xf32, #tpu.memory_space<hbm>> -> memref<16xf32, #tpu.memory_space<hbm>>
      %dma_wait3A_344 = arith.constant 0 : i32
      %dma_wait3A_345 = tpu.memref_slice %arg11[%add3A, %dma_wait3A_344] : memref<32x16xf32, #tpu.memory_space<hbm>> -> memref<1x16xf32, #tpu.memory_space<hbm>>
      %dma_wait3A_346 = tpu.memref_squeeze %dma_wait3A_345 : memref<1x16xf32, #tpu.memory_space<hbm>> -> memref<16xf32, #tpu.memory_space<hbm>>
      tpu.wait_dma2 semaphore(%run_scoped3A : memref<!tpu.dma_semaphore, #tpu.memory_space<semaphore_mem>>) src(%arg57 : memref<16xf32, #tpu.memory_space<vmem>>) dst(%dma_wait3A_346 : memref<16xf32, #tpu.memory_space<hbm>>)
      tpu.yield
    }) : () -> ()
    return
  }
}

</mosaic_0001>

<sc_bundles>
// kernel: _sc_loss.3.cloned.1.call-start
scs
__scs_entry_jumppad:
0x0: {  	(pc) =	sbr.rel $0x88, $3  }
0x1: {  	(tag) =	ssettag $0x0;
	lr =	simm.s32 $0x1  }
0x2: {  	[smem:$0x3F98] =	sst lr;
	_ =	strace $0xD0000000  }
0x3: {  	_ = 	snop  }
0x4: {  	_ = 	snop  }
0x5: {  	_ = 	snop  }
0x6: {  	_ = 	snop  }
0x7: {  	_ = 	snop  }
__scs_overlays_trampoline_lowered:
0x8: {  	[smem:$0x3FA7] =	sst s0  }
0x9: {  	[smem:$0x3FA8] =	sst s1  }
0xa: {  	[smem:$0x3FA9] =	sst s2  }
0xb: {  	[smem:$0x3FAA] =	sst s3  }
0xc: {  	[smem:$0x3FAB] =	sst s4  }
0xd: {  	[smem:$0x3FAC] =	sst s5  }
0xe: {  	[smem:$0x3FAD] =	sst s6  }
0xf: {  	[smem:$0x3FAE] =	sst s7  }
0x10: {  	[smem:$0x3FAF] =	sst s8  }
0x11: {  	[smem:$0x3FB0] =	sst s9;
	s0 =	simm.s32 @!p0 $0x0  }
0x12: {  	s1 =	sld [smem:$0x3F96];
	s0 =	simm.s32 @p0 $0x1  }
0x13: {  	[smem:$0x3FB1] =	sst s0;
	s0 =	simm.s32 @!p1 $0x0  }
0x14: {  	s2 =	sld [smem:$0x3F95];
	s0 =	simm.s32 @p1 $0x1  }
0x15: {  	[smem:$0x3FB2] =	sst s0;
	s0 =	simm.s32 @!p2 $0x0  }
0x16: {  	s3 =	sld [smem:$0x3FDB];
	s0 =	simm.s32 @p2 $0x1  }
0x17: {  	s4 =	simm.s32 $0x1BF5;
	[smem:$0x3FB4] =	sst s0  }
0x18: {  	s0 =	sld [smem:$0x3F97];
	_ =	swait.ge [sflag:s4], $0x0  }
0x19: {  	s7 =	sld [smem:$0x3F98]  }
0x1a: {  	s8 =	sadd.s32 $0xFFFFE003, lr  }
0x1b: {  	s9 =	sadd.s32 $0xFFFFFEF7, lr;
	s5 =	simm.s32 $0xFFFFFFFF;
	p2 =	slt.u32 s8, $0xFFFFF086  }
0x1c: {  	p1 =	slt.u32 s9, $0xF7A;
	s5 =	simm.s32 @!p2 $0x0  }
0x1d: {  	s5 =	simm.s32 @p1 $0x1;
	p0 =	seq.s32 s7, s2  }
0x1e: {  	s7 =	smul.u32 @!p0 $0xF7A, s2;
	p2 =	seq.s32 @!p0 s5, $0x0  }
0x1f: {  	s9 =	smul.u32 $0xF7A, s1;
	s8 =	simm.s32 @!p0 $0x1BF5;
	p2 =	por !p2, p0  }
0x20: {  	[sflag:s8] =	ssyncset.s32 @!p0 $0xFFFFF086;
	s6 =	sadd.s32 @!p0 s3, s7;
	s7 =	simm.s32 @!p0 $0x108  }
0x21: {  	s3 =	sadd.s32 s3, s9;
	s6 =	sadd.s32 @!p0 $0x88, s6;
	s7 =	simm.s32 @p2 $0x1082  }
0x22: {  	[simem:s7], [sflag:s8] =	dma.local @!p0 [hbm:s6], $0xF7A  }
0x23: {  	s9 =	sor.u32 $0xD0000000, s2;
	s6 =	simm.s32 $0x108;
	_ =	swait.ge @!p0 [sflag:s8], $0x0  }
0x24: {  	s3 =	sadd.s32 $0x88, s3;
	s6 =	simm.s32 @!p1 $0x1082;
	[sflag:s4] =	ssyncset.s32 $0xFFFFF086  }
0x25: {  	[simem:s6], [sflag:s4] =	dma.local [hbm:s3], $0xF7A  }
0x26: {  	[smem:$0x3F98] =	sst s1;
	(tag) =	ssettag s2;
	_ =	strace s9  }
0x27: {  	s1 =	sld [smem:$0x3FA8]  }
0x28: {  	s2 =	sld [smem:$0x3FA9]  }
0x29: {  	s4 =	sld [smem:$0x3FAB]  }
0x2a: {  	p0 =	seq.s32 s5, $0x0;
	s5 =	sld [smem:$0x3FAC]  }
0x2b: {  	s6 =	sld [smem:$0x3FAD]  }
0x2c: {  	s7 =	sld [smem:$0x3FAE]  }
0x2d: {  	s3 =	simm.s32 $0x108;
	s8 =	sld [smem:$0x3FAF]  }
0x2e: {  	s3 =	simm.s32 @!p0 $0x1082;
	s9 =	sld [smem:$0x3FB0]  }
0x2f: {  	lr =	sadd.s32 s0, s3;
	s0 =	sld [smem:$0x3FA7]  }
0x30: {  	s3 =	sld [smem:$0x3FAA]  }
0x31: {  	[smem:$0x3FB3] =	sst s10  }
0x32: {  	s10 =	sld [smem:$0x3FB1];
	_ =	sdelay $0x3  }
0x33: {  	p0 =	seq.s32 s10, $0x1;
	s10 =	sld [smem:$0x3FB3];
	_ =	sdelay $0x3  }
0x34: {  	[smem:$0x3FB3] =	sst s10  }
0x35: {  	s10 =	sld [smem:$0x3FB2];
	_ =	sdelay $0x3  }
0x36: {  	p1 =	seq.s32 s10, $0x1;
	s10 =	sld [smem:$0x3FB3];
	_ =	sdelay $0x3  }
0x37: {  	[smem:$0x3FB3] =	sst s10  }
0x38: {  	s10 =	sld [smem:$0x3FB4]  }
0x39: {  	_ = 	snop;
	(pc) =	sbr.ind lr, $3  }
0x3a: {  	_ = 	snop  }
0x3b: {  	_ = 	snop  }
0x3c: {  	p2 =	seq.s32 s10, $0x1;
	s10 =	sld [smem:$0x3FB3]  }
0x3d: {  	_ =	shalt  }
0x3e: {  	_ =	shalt  }
0x3f: {  	_ =	shalt  }
0x40: {  	_ =	shalt  }
0x41: {  	_ =	shalt  }
0x42: {  	_ =	shalt  }
0x43: {  	_ =	shalt  }
0x44: {  	_ =	shalt  }
0x45: {  	_ =	shalt  }
0x46: {  	_ =	shalt  }
0x47: {  	_ =	shalt  }
0x48: {  	_ =	shalt  }
0x49: {  	_ =	shalt  }
0x4a: {  	_ =	shalt  }
0x4b: {  	_ =	shalt  }
0x4c: {  	_ =	shalt  }
0x4d: {  	_ =	shalt  }
0x4e: {  	_ =	shalt  }
0x4f: {  	_ =	shalt  }
0x50: {  	_ =	shalt  }
0x51: {  	_ =	shalt  }
0x52: {  	_ =	shalt  }
0x53: {  	_ =	shalt  }
0x54: {  	_ =	shalt  }
0x55: {  	_ =	shalt  }
0x56: {  	_ =	shalt  }
0x57: {  	_ =	shalt  }
0x58: {  	_ =	shalt  }
0x59: {  	_ =	shalt  }
0x5a: {  	_ =	shalt  }
0x5b: {  	_ =	shalt  }
0x5c: {  	_ =	shalt  }
0x5d: {  	_ =	shalt  }
0x5e: {  	_ =	shalt  }
0x5f: {  	_ =	shalt  }
0x60: {  	_ =	shalt  }
0x61: {  	_ =	shalt  }
0x62: {  	_ =	shalt  }
0x63: {  	_ =	shalt  }
0x64: {  	_ =	shalt  }
0x65: {  	_ =	shalt  }
0x66: {  	_ =	shalt  }
0x67: {  	_ =	shalt  }
0x68: {  	_ =	shalt  }
0x69: {  	_ =	shalt  }
0x6a: {  	_ =	shalt  }
0x6b: {  	_ =	shalt  }
0x6c: {  	_ =	shalt  }
0x6d: {  	_ =	shalt  }
0x6e: {  	_ =	shalt  }
0x6f: {  	_ =	shalt  }
0x70: {  	_ =	shalt  }
0x71: {  	_ =	shalt  }
0x72: {  	_ =	shalt  }
0x73: {  	_ =	shalt  }
0x74: {  	_ =	shalt  }
0x75: {  	_ =	shalt  }
0x76: {  	_ =	shalt  }
0x77: {  	_ =	shalt  }
0x78: {  	_ =	shalt  }
0x79: {  	_ =	shalt  }
0x7a: {  	_ =	shalt  }
0x7b: {  	_ =	shalt  }
0x7c: {  	_ =	shalt  }
0x7d: {  	_ =	shalt  }
0x7e: {  	_ =	shalt  }
0x7f: {  	_ =	shalt  }
0x80: {  	_ =	shalt  }
0x81: {  	_ =	shalt  }
0x82: {  	_ =	shalt  }
0x83: {  	_ =	shalt  }
0x84: {  	_ =	shalt  }
0x85: {  	_ =	shalt  }
0x86: {  	_ =	shalt  }
0x87: {  	_ =	shalt  }
.Lfunc_end0:
.L_simem_size_0:
called_computation_lowered:
.L_overlay_start_0:
0x88: {  	s2 =	sld [smem:$0x3FD9]  }
0x89: {  	s3 =	sld [smem:$0x3FFE];
	_ =	sdelay $0x1  }
0x8a: {  	s1 =	srdreg.scid  }
0x8b: {  	s0 =	sand.u32 $0x1, s1  }
0x8c: {  	s17 =	sshll.u32 s0, $0xA;
	s2 =	sadd.s32 s3, s2  }
0x8d: {  	s2 =	sadd.s32 s2, s17  }
0x8e: {  	[smem:$0x3FBF] =	sst s2  }
0x8f: {  	_ = 	snop  }
0x90: {  	s2 =	sld [smem:$0x3FC9]  }
0x91: {  	s18 =	sld [smem:$0x3FC8]  }
0x92: {  	s4 =	sld [smem:$0x3FC7]  }
0x93: {  	s5 =	sld [smem:$0x3FC6]  }
0x94: {  	s6 =	sld [smem:$0x3FC5]  }
0x95: {  	s7 =	sld [smem:$0x3FC4]  }
0x96: {  	s8 =	sld [smem:$0x3FC3]  }
0x97: {  	s9 =	sld [smem:$0x3FC2]  }
0x98: {  	s10 =	sld [smem:$0x3FC1]  }
0x99: {  	s11 =	sld [smem:$0x3FD0];
	(tm) =	ssettm $0x1  }
0x9a: {  	s12 =	sld [smem:$0x3FFB];
	_ =	sdelay $0x3  }
0x9b: {  	_ =	strace s12  }
0x9c: {  	s12 =	sld [smem:$0x3FFC];
	_ =	sdelay $0x3  }
0x9d: {  	_ =	strace s12  }
0x9e: {  	s12 =	sld [smem:$0x3FFD];
	_ =	sdelay $0x3  }
0x9f: {  	_ =	strace s12  }
0xa0: {  	_ =	strace $0x8FFFFFFF  }
0xa1: {  	s19 =	sld [smem:$0x3FDB];
	_ =	sdelay $0x1  }
0xa2: {  	s13 =	simm.s32 $_scs_section_size  }
0xa3: {  	s14 =	simm.s32 $_size__tile_overlayer_lowered;
	s15 =	simm.s32 $_tile_overlayer_lowered  }
0xa4: {  	s22 =	simm.s32 $0x1BFF;
	s21 =	sshll.u32 s15, $0x1;
	s12 =	sadd.s32 s13, s19  }
0xa5: {  	s16 =	simm.s32 $0x0;
	s20 =	sshll.u32 s14, $0x1;
	s14 =	sadd.s32 s21, s12  }
0xa6: {  	[timem:s16], [sflag:s22] =	dma.local [hbm:s14], s20  }
0xa7: {  	_ =	swait.ge [sflag:s22], s20  }
0xa8: {  	s13 =	ssub.s32 $0x0, s20;
	[sflag:s22] =	ssyncset.done $0x0  }
0xa9: {  	[sflag:s22] =	ssyncadd.s32 s13;
	_ =	sdelay $0x1  }
0xaa: {  	s23 =	simm.s32 $0x1B8B  }
0xab: {  	_ =	swait.ge [sflag:s23], $0x1  }
0xac: {  	[sflag:s23] =	ssyncset.done $0x0  }
0xad: {  	s25 =	simm.s32 $0x1B8E;
	s24 =	sld [smem:$0x3FFE];
	[sflag:s23] =	ssyncadd.s32 $0xFFFFFFFF  }
0xae: {  	s26 =	simm.s32 $execute0_lowered;
	[smem:$0x3FD2] =	sst s25  }
0xaf: {  	s14 =	sshll.u32 s26, $0x1;
	_ =	strace $0x80000046;
	[dreg:$0x1] =	wrdreg $0xFFFFFFFF  }
0xb0: {  	s28 =	simm.s32 $_size_execute0_lowered;
	s12 =	sadd.s32 s12, s14;
	[dreg:$0x0] =	wrdreg $0x0  }
0xb1: {  	s14 =	sshll.u32 s28, $0x1;
	[dreg:$0x2] =	wrdreg s12  }
0xb2: {  	[dreg:$0x3] =	wrdreg s14  }
0xb3: {  	[dreg:$0x4] =	wrdreg $0xC0  }
0xb4: {  	_ =	task [dreg:s16], $0x5FFFF  }
0xb5: {  	[dreg:$0x1] =	wrdreg $0xFFFFFFFF  }
0xb6: {  	[dreg:$0x0] =	wrdreg $0x60  }
0xb7: {  	[dreg:$0x2] =	wrdreg s2  }
0xb8: {  	[dreg:$0x3] =	wrdreg s18  }
0xb9: {  	[dreg:$0x4] =	wrdreg s4  }
0xba: {  	[dreg:$0x5] =	wrdreg s5  }
0xbb: {  	[dreg:$0x6] =	wrdreg s6  }
0xbc: {  	[dreg:$0x7] =	wrdreg s7  }
0xbd: {  	[dreg:$0x8] =	wrdreg s8  }
0xbe: {  	[dreg:$0x9] =	wrdreg s9  }
0xbf: {  	[dreg:$0xa] =	wrdreg s10  }
0xc0: {  	[dreg:$0xb] =	wrdreg s11  }
0xc1: {  	[dreg:$0xc] =	wrdreg s24  }
0xc2: {  	[dreg:$0xd] =	wrdreg $0x9  }
0xc3: {  	_ =	task.clear_ibuf [dreg:s16], $0xEFFFF;
	_ =	strace $0x90000046  }
0xc4: {  	s29 =	simm.s32 $0x9;
	_ =	strace $0x80000048  }
0xc5: {  	_ =	swait.ge [sflag:s29], $0x1  }
0xc6: {  	[sflag:s29] =	ssyncadd.s32 $0xFFFFFFFF  }
0xc7: {  	_ =	strace $0x90000048  }
0xc8: {  	_ =	sfence  }
0xc9: {  	s30 =	sld [smem:$0x0];
	_ =	sdelay $0x2  }
0xca: {  	s31 =	sshll.u32 s1, $0xD;
	s1 =	sshrl.u32 s1, $0x2  }
0xcb: {  	s3 =	sand.u32 $0x4000, s31;
	s1 =	sadd.s32 s1, s30  }
0xcc: {  	s0 =	sor.u32 s3, s0;
	s1 =	sshll.u32 s1, $0x11  }
0xcd: {  	s0 =	sor.u32 s1, s0  }
0xce: {  	s0 =	sadd.s32 $0x8F2B, s0  }
0xcf: {  	[sflag:s0] =	ssyncadd.remote.s32 $0x1  }
0xd0: {  	_ =	sfence.sel $0xFFFF  }
0xd1: {  	[dreg:$0x0] =	wrdreg $0xFFFFFFFF;
	(pc) =	sbr.abs _section_cstart, $3  }
0xd2: {  	[dreg:$0x1] =	wrdreg $0xFFFFFFFF  }
0xd3: {  	_ =	task.clear_ibuf [dreg:s16], $0x2FFFF;
	_ =	strace $0x9FFFFFFF  }
0xd4: {  	(tm) =	ssettm $0x7FFFFFFF  }
0xd5: {  	_ =	shalt  }
tec
execute0_lowered:
.L_overlay_start_1:
0x0: {  	(tag) =	ssettag $0x1  }
0x1: {  	s14 =	rddreg [dreg:$0x0]  }
0x2: {  	s15 =	rddreg [dreg:$0x1]  }
0x3: {  	s16 =	rddreg [dreg:$0x2]  }
0x4: {  	s17 =	rddreg [dreg:$0x3]  }
0x5: {  	s18 =	rddreg [dreg:$0x4]  }
0x6: {  	s31 =	rddreg [dreg:$0x6]  }
0x7: {  	s2 =	rddreg [dreg:$0x7]  }
0x8: {  	s3 =	rddreg [dreg:$0x8]  }
0x9: {  	s0 =	rddreg [dreg:$0x9];
	s5 =	srdreg.scid  }
0xa: {  	s1 =	stileid.u32;
	s6 =	rddreg [dreg:$0xa];
	s11 =	simm.s32 $0x0  }
0xb: {  	s5 =	sand.u32 $0x1, s5;
	s7 =	sshll.u32 s1, $0x1;
	[smem:$0x7FF] =	sst s11  }
0xc: {  	s12 =	sadd.s32 $0x800, s6;
	s13 =	smul.u32 $0x1880, s1;
	s9 =	ssub.s32 $0x2, s5  }
0xd: {  	s7 =	sor.u32 s5, s7;
	_ =	strace $0x80000047;
	s20 =	sshrl.u32 s9, $0x1  }
0xe: {  	s8 =	smul.u32 $0xC40, s7;
	s26 =	sshrl.u32 s13, $0x3;
	s6 =	ssub.s32 s9, s20  }
0xf: {  	s9 =	smul.u32 $0xC350, s7;
	s7 =	sshll.u32 s7, $0x1;
	s19 =	sadd.s32 s2, s26  }
0x10: {  	s8 =	sshrl.u32 s8, $0x3;
	s0 =	sadd.s32 s0, s7;
	[dreg:$0x14] =	wrdreg s19  }
0x11: {  	s4 =	sadd.s32 s31, s8;
	[dreg:$0x12] =	wrdreg s0  }
0x12: {  	s21 =	sadd.s32 s2, s8;
	[dreg:$0xc] =	wrdreg s4  }
0x13: {  	s10 =	sadd.s32 $0xC4, s8;
	s22 =	sadd.s32 s3, s8;
	[dreg:$0xd] =	wrdreg s21  }
0x14: {  	[dreg:$0xe] =	wrdreg s22;
	s23 =	sadd.s32 s31, s10  }
0x15: {  	s24 =	sadd.s32 s2, s10;
	[dreg:$0xf] =	wrdreg s23  }
0x16: {  	s25 =	sadd.s32 s3, s10;
	[dreg:$0x10] =	wrdreg s24  }
0x17: {  	s5 =	smul.u32 $0xC40, s5;
	s10 =	sadd.s32 s31, s26;
	[dreg:$0x11] =	wrdreg s25  }
0x18: {  	s4 =	sadd.s32 $0xE0, s13;
	s21 =	sadd.s32 s3, s26;
	[dreg:$0x13] =	wrdreg s10  }
0x19: {  	[dreg:$0x15] =	wrdreg s21;
	s0 =	sadd.s32 s12, s4  }
0x1a: {  	s20 =	sshrl.u32 s4, $0x3;
	s25 =	sadd.s32 s5, s13;
	[dreg:$0x19] =	wrdreg s0  }
0x1b: {  	s22 =	sadd.s32 s31, s20;
	[dreg:$0x1a] =	wrdreg s25  }
0x1c: {  	s23 =	sadd.s32 s2, s20;
	[dreg:$0x16] =	wrdreg s22  }
0x1d: {  	s24 =	sadd.s32 s3, s20;
	[dreg:$0x17] =	wrdreg s23  }
0x1e: {  	s2 =	sshrl.u32 s9, $0x3;
	s3 =	sadd.s32 $0x2A0, s13;
	[dreg:$0x18] =	wrdreg s24  }
0x1f: {  	[dreg:$0x1b] =	wrdreg s3;
	s4 =	sadd.s32 s14, s2  }
0x20: {  	s29 =	sadd.s32 s12, s13;
	s5 =	sadd.s32 s15, s2;
	[dreg:$0x1c] =	wrdreg s4  }
0x21: {  	s30 =	sadd.s32 $0x1C0, s13;
	s8 =	sadd.s32 s16, s2;
	[dreg:$0x1d] =	wrdreg s5  }
0x22: {  	s10 =	sadd.s32 $0x7D0, s9;
	s13 =	sadd.s32 s17, s2;
	[dreg:$0x1e] =	wrdreg s8  }
0x23: {  	s9 =	sshrl.u32 s10, $0x3;
	s0 =	sadd.s32 s18, s2;
	[dreg:$0x1f] =	wrdreg s13  }
0x24: {  	s1 =	smov.u32 s14;
	s14 =	sadd.s32 s14, s9;
	[smem:$0x7F4] =	sst s0  }
0x25: {  	s2 =	smov.u32 s15;
	s15 =	sadd.s32 s15, s9;
	[smem:$0x7F5] =	sst s14  }
0x26: {  	s19 =	sadd.s32 s16, s9;
	[smem:$0x7F6] =	sst s15  }
0x27: {  	s28 =	simm.s32 $0xA410;
	s20 =	sadd.s32 s17, s9;
	[smem:$0x7F7] =	sst s19  }
0x28: {  	s7 =	simm.s32 $0x7D0;
	s21 =	sadd.s32 s18, s9;
	[smem:$0x7F8] =	sst s20  }
0x29: {  	s26 =	smov.u32 s18;
	s22 =	smax.u32 s6, $0x1;
	[smem:$0x7F9] =	sst s21  }
0x2a: {  	s3 =	smov.u32 s16;
	s23 =	sadd.s32 $0x310, s25;
	[smem:$0x7FA] =	sst s22  }
0x2b: {  	s24 =	sadd.s32 $0x620, s25;
	s25 =	sadd.s32 $0x930, s25;
	[smem:$0x7FB] =	sst s23  }
0x2c: {  	s16 =	simm.s32 $0x4;
	s18 =	simm.s32 $0x15460;
	[smem:$0x7FC] =	sst s24  }
0x2d: {  	s4 =	smov.u32 s17;
	[smem:$0x7FD] =	sst s25;
	s17 =	simm.s32 $0x14D60  }
0x2e: {  	s20 =	simm.s32 $0x3;
	s22 =	simm.s32 $0x2;
	s23 =	simm.s32 $0xFA0  }
0x2f: {  	v0 =	vlaneseq.u32;
	s24 =	simm.s32 $0x4E20;
	s25 =	simm.s32 $0x1;
	s19 =	simm.s32 $0xABE0  }
0x30: {  	v0 =	vmul.u32 $0x8, v0;
	s5 =	simm.s32 $0xB3B0;
	s13 =	simm.s32 $0xF230;
	s8 =	simm.s32 $0x0  }
.LBB2_1:
0x31: {  	[smem:$0x7F3] =	sst s8  }
0x32: {  	s0 =	rddreg [dreg:$0x1c]  }
0x33: {  	[tilespmem:s11], [sflag:$0x2] =	stream.linear.gather [hbm4b:s0+s11], $0x7D0, $0x38;
	[tilespmem:$0x1B130] =	vst v63  }
0x34: {  	s6 =	rddreg [dreg:$0x1d]  }
0x35: {  	[tilespmem:s7], [sflag:$0x2] =	stream.linear.gather [hbm4b:s6+s11], $0x7D0, $0x38;
	[tilespmem:$0x1B130] =	vst v63  }
0x36: {  	s8 =	rddreg [dreg:$0xc];
	s6 =	simm.s32 $0x15B60  }
0x37: {  	[tilespmem:s6], [sflag:$0x3] =	stream.linear.gather [hbm4b:s8+s11], $0x620, $0x38;
	[tilespmem:$0x1B130] =	vst v63  }
0x38: {  	s9 =	rddreg [dreg:$0xd];
	s14 =	simm.s32 $0x16180  }
0x39: {  	[tilespmem:s14], [sflag:$0x3] =	stream.linear.gather [hbm4b:s9+s11], $0x620, $0x38;
	[tilespmem:$0x1B130] =	vst v63  }
0x3a: {  	s15 =	rddreg [dreg:$0xe];
	s21 =	simm.s32 $0x167A0  }
0x3b: {  	[tilespmem:s21], [sflag:$0x3] =	stream.linear.gather [hbm4b:s15+s11], $0x620, $0x38;
	[tilespmem:$0x1B130] =	vst v63  }
0x3c: {  	s6 =	rddreg [dreg:$0xf];
	s8 =	simm.s32 $0x16DC0  }
0x3d: {  	[tilespmem:s8], [sflag:$0x3] =	stream.linear.gather [hbm4b:s6+s11], $0x620, $0x38;
	[tilespmem:$0x1B130] =	vst v63  }
0x3e: {  	s9 =	rddreg [dreg:$0x10];
	s14 =	simm.s32 $0x173E0  }
0x3f: {  	[tilespmem:s14], [sflag:$0x3] =	stream.linear.gather [hbm4b:s9+s11], $0x620, $0x38;
	[tilespmem:$0x1B130] =	vst v63  }
0x40: {  	s15 =	rddreg [dreg:$0x11];
	s21 =	simm.s32 $0x17A00  }
0x41: {  	[tilespmem:s21], [sflag:$0x3] =	stream.linear.gather [hbm4b:s15+s11], $0x620, $0x38;
	[tilespmem:$0x1B130] =	vst v63  }
0x42: {  	s6 =	rddreg [dreg:$0x13];
	s8 =	simm.s32 $0x14820  }
0x43: {  	[tilespmem:s8], [sflag:$0x4] =	stream.linear.gather [hbm4b:s6+s11], $0xE0, $0x38;
	[tilespmem:$0x1B130] =	vst v63  }
0x44: {  	s9 =	rddreg [dreg:$0x14];
	s14 =	simm.s32 $0x14900  }
0x45: {  	[tilespmem:s14], [sflag:$0x4] =	stream.linear.gather [hbm4b:s9+s11], $0xE0, $0x38;
	[tilespmem:$0x1B130] =	vst v63  }
0x46: {  	s15 =	rddreg [dreg:$0x15];
	s21 =	simm.s32 $0x149E0  }
0x47: {  	[tilespmem:s21], [sflag:$0x4] =	stream.linear.gather [hbm4b:s15+s11], $0xE0, $0x38;
	[tilespmem:$0x1B130] =	vst v63  }
0x48: {  	s6 =	rddreg [dreg:$0x16];
	s8 =	simm.s32 $0x14AC0  }
0x49: {  	[tilespmem:s8], [sflag:$0x4] =	stream.linear.gather [hbm4b:s6+s11], $0xE0, $0x38;
	[tilespmem:$0x1B130] =	vst v63  }
0x4a: {  	s9 =	rddreg [dreg:$0x17];
	s14 =	simm.s32 $0x14BA0  }
0x4b: {  	[tilespmem:s14], [sflag:$0x4] =	stream.linear.gather [hbm4b:s9+s11], $0xE0, $0x38;
	[tilespmem:$0x1B130] =	vst v63  }
0x4c: {  	s15 =	rddreg [dreg:$0x18];
	s21 =	simm.s32 $0x14C80;
	s14 =	simm.s32 $0x0  }
0x4d: {  	[tilespmem:s21], [sflag:$0x4] =	stream.linear.gather [hbm4b:s15+s11], $0xE0, $0x38;
	[tilespmem:$0x1B130] =	vst v63  }
.LBB2_2:
0x4e: {  	_ =	swait.ge [sflag:s16], $0xE0  }
0x4f: {  	[sflag:s16] =	ssyncset.done $0x0  }
0x50: {  	[sflag:s16] =	ssyncadd.s32 $0xFFFFFF20  }
0x51: {  	_ =	swait.ge [sflag:s16], $0xE0  }
0x52: {  	[sflag:s16] =	ssyncset.done $0x0  }
0x53: {  	[sflag:s16] =	ssyncadd.s32 $0xFFFFFF20  }
0x54: {  	_ =	swait.ge [sflag:s16], $0xE0  }
0x55: {  	p0 =	seq.s32 s14, $0x0;
	[sflag:s16] =	ssyncset.done $0x0  }
0x56: {  	s0 =	simm.s32 @!p0 $0x5;
	[sflag:s16] =	ssyncadd.s32 $0xFFFFFF20  }
0x57: {  	s6 =	simm.s32 $0x0;
	_ =	swait.ge @!p0 [sflag:s0], $0x700  }
0x58: {  	v1 =	vmov s6;
	[sflag:s0] =	ssyncset.done @!p0 $0x0  }
0x59: {  	s6 =	simm.s32 $0x14820;
	v1 =	vshll.u32 v1, $0x3;
	[sflag:s0] =	ssyncadd.s32 @!p0 $0xFFFFF900  }
0x5a: {  	v3 =	vor.u32 v0, v1;
	v2 =	vld [tilespmem:s6+$0x0];
	_ =	sdelay $0x4  }
0x5b: {  	s8 =	simm.s32 $0x14900;
	[tilespmem:v3+s17+$0x0] =	vst.idx.msk $0xffff, v2  }
0x5c: {  	v2 =	vor.u32 $0x1, v3;
	v1 =	vld [tilespmem:s8+$0x0];
	_ =	sdelay $0x4  }
0x5d: {  	s9 =	simm.s32 $0x149E0;
	[tilespmem:v2+s17+$0x0] =	vst.idx.msk $0xffff, v1  }
0x5e: {  	v2 =	vor.u32 $0x2, v3;
	v1 =	vld [tilespmem:s9+$0x0];
	_ =	sdelay $0x2  }
0x5f: {  	s21 =	simm.s32 $0x10  }
0x60: {  	s15 =	simm.s32 $0x20;
	v3 =	vmov s21  }
.LBB2_3:
0x61: {  	p1 =	sne.s32 s15, $0xD0;
	v3 =	vshll.u32 v3, $0x3;
	[tilespmem:v2+s17+$0x0] =	vst.idx.msk $0xffff, v1;
	s6 =	sadd.s32 $0x10, s6  }
0x62: {  	v1 =	vld [tilespmem:s6+$0x0];
	v2 =	vor.u32 v0, v3;
	_ =	sdelay $0x4  }
0x63: {  	s8 =	sadd.s32 $0x10, s8;
	[tilespmem:v2+s17+$0x0] =	vst.idx.msk $0xffff, v1  }
0x64: {  	v3 =	vor.u32 $0x1, v2;
	v1 =	vld [tilespmem:s8+$0x0];
	_ =	sdelay $0x4  }
0x65: {  	s9 =	sadd.s32 $0x10, s9;
	[tilespmem:v3+s17+$0x0] =	vst.idx.msk $0xffff, v1  }
.Ltmp0:
0x66: {  	v2 =	vor.u32 $0x2, v2;
	v1 =	vld [tilespmem:s9+$0x0];
	(pc) =	sbr.rel @p1 .LBB2_3-.Ltmp0, $2  }
0x67: {  	_ =	sdelay $0x2  }
0x68: {  	v3 =	vmov s15;
	s15 =	sadd.s32 $0x10, s15  }
0x69: {  	_ =	sdelay $0x3  }
0x6a: {  	v3 =	vshll.u32 v3, $0x3;
	[tilespmem:v2+s17+$0x0] =	vst.idx.msk $0xffff, v1;
	s0 =	sadd.s32 $0x10, s6  }
0x6b: {  	v1 =	vld [tilespmem:s0+$0x0];
	v2 =	vor.u32 v0, v3;
	_ =	sdelay $0x4  }
0x6c: {  	s6 =	sadd.s32 $0x10, s8;
	[tilespmem:v2+s17+$0x0] =	vst.idx.msk $0xffff, v1  }
0x6d: {  	v3 =	vor.u32 $0x1, v2;
	v1 =	vld [tilespmem:s6+$0x0];
	_ =	sdelay $0x4  }
0x6e: {  	s8 =	sadd.s32 $0x10, s9;
	[tilespmem:v3+s17+$0x0] =	vst.idx.msk $0xffff, v1  }
0x6f: {  	v2 =	vor.u32 $0x2, v2;
	v1 =	vld [tilespmem:s8+$0x0];
	_ =	sdelay $0x1  }
0x70: {  	s6 =	smul.u32 $0x1C0, s14  }
0x71: {  	p1 =	seq.s32 s14, $0xD  }
0x72: {  	s0 =	sadd.s32 @!p1 s6, s30  }
0x73: {  	s9 =	sadd.s32 s6, s29;
	s0 =	sshrl.u32 @!p1 s0, $0x3;
	[tilespmem:v2+s17+$0x0] =	vst.idx.msk $0xffff, v1  }
0x74: {  	[hbm4b:s9+s11] =	stream.linear.scatter [tilespmem:s17], [sflag:$0x5], $0x700, $0x38;
	[tilespmem:$0x1B130] =	vst v63  }
0x75: {  	s15 =	simm.s32 @!p1 $0x14820;
	s8 =	sadd.s32 @!p1 s31, s0;
	s9 =	simm.s32 @!p1 $0x0  }
0x76: {  	[tilespmem:s15], [sflag:$0x4] =	stream.linear.gather @!p1 [hbm4b:s8+s9], $0xE0, $0x38;
	[tilespmem:$0x1B130] =	vst v63  }
0x77: {  	s8 =	rddreg [dreg:$0x7]  }
0x78: {  	s15 =	simm.s32 @!p1 $0x14900;
	s8 =	sadd.s32 @!p1 s8, s0  }
0x79: {  	[tilespmem:s15], [sflag:$0x4] =	stream.linear.gather @!p1 [hbm4b:s8+s9], $0xE0, $0x38;
	[tilespmem:$0x1B130] =	vst v63  }
0x7a: {  	s8 =	rddreg [dreg:$0x8]  }
0x7b: {  	s0 =	sadd.s32 @!p1 s8, s0;
	s8 =	simm.s32 @!p1 $0x149E0  }
0x7c: {  	[tilespmem:s8], [sflag:$0x4] =	stream.linear.gather @!p1 [hbm4b:s0+s9], $0xE0, $0x38;
	[tilespmem:$0x1B130] =	vst v63  }
0x7d: {  	_ =	swait.ge [sflag:s16], $0xE0  }
0x7e: {  	[sflag:s16] =	ssyncset.done $0x0  }
0x7f: {  	[sflag:s16] =	ssyncadd.s32 $0xFFFFFF20  }
0x80: {  	_ =	swait.ge [sflag:s16], $0xE0  }
0x81: {  	[sflag:s16] =	ssyncset.done $0x0  }
0x82: {  	[sflag:s16] =	ssyncadd.s32 $0xFFFFFF20  }
0x83: {  	_ =	swait.ge [sflag:s16], $0xE0  }
0x84: {  	[sflag:s16] =	ssyncset.done $0x0  }
0x85: {  	s0 =	simm.s32 @!p0 $0x5;
	[sflag:s16] =	ssyncadd.s32 $0xFFFFFF20  }
0x86: {  	s15 =	simm.s32 $0x0;
	_ =	swait.ge @!p0 [sflag:s0], $0x700  }
0x87: {  	v1 =	vmov s15;
	[sflag:s0] =	ssyncset.done @!p0 $0x0  }
0x88: {  	s8 =	simm.s32 $0x14AC0;
	v1 =	vshll.u32 v1, $0x3;
	[sflag:s0] =	ssyncadd.s32 @!p0 $0xFFFFF900  }
0x89: {  	v3 =	vor.u32 v0, v1;
	v2 =	vld [tilespmem:s8+$0x0];
	_ =	sdelay $0x4  }
0x8a: {  	s9 =	simm.s32 $0x14BA0;
	[tilespmem:v3+s18+$0x0] =	vst.idx.msk $0xffff, v2  }
0x8b: {  	v2 =	vor.u32 $0x1, v3;
	v1 =	vld [tilespmem:s9+$0x0];
	_ =	sdelay $0x4  }
0x8c: {  	s15 =	simm.s32 $0x14C80;
	[tilespmem:v2+s18+$0x0] =	vst.idx.msk $0xffff, v1  }
0x8d: {  	v2 =	vor.u32 $0x2, v3;
	v1 =	vld [tilespmem:s15+$0x0];
	_ =	sdelay $0x2  }
0x8e: {  	s21 =	simm.s32 $0x10  }
0x8f: {  	v3 =	vmov s21;
	s21 =	simm.s32 $0x20  }
.LBB2_5:
0x90: {  	p0 =	sne.s32 s21, $0xD0;
	v3 =	vshll.u32 v3, $0x3;
	[tilespmem:v2+s18+$0x0] =	vst.idx.msk $0xffff, v1;
	s8 =	sadd.s32 $0x10, s8  }
0x91: {  	v1 =	vld [tilespmem:s8+$0x0];
	v2 =	vor.u32 v0, v3;
	_ =	sdelay $0x4  }
0x92: {  	s9 =	sadd.s32 $0x10, s9;
	[tilespmem:v2+s18+$0x0] =	vst.idx.msk $0xffff, v1  }
0x93: {  	v3 =	vor.u32 $0x1, v2;
	v1 =	vld [tilespmem:s9+$0x0];
	_ =	sdelay $0x4  }
0x94: {  	s15 =	sadd.s32 $0x10, s15;
	[tilespmem:v3+s18+$0x0] =	vst.idx.msk $0xffff, v1  }
.Ltmp1:
0x95: {  	v2 =	vor.u32 $0x2, v2;
	v1 =	vld [tilespmem:s15+$0x0];
	(pc) =	sbr.rel @p0 .LBB2_5-.Ltmp1, $2  }
0x96: {  	_ =	sdelay $0x2  }
0x97: {  	v3 =	vmov s21;
	s21 =	sadd.s32 $0x10, s21  }
0x98: {  	_ =	sdelay $0x3  }
0x99: {  	v3 =	vshll.u32 v3, $0x3;
	[tilespmem:v2+s18+$0x0] =	vst.idx.msk $0xffff, v1;
	s0 =	sadd.s32 $0x10, s8  }
0x9a: {  	v1 =	vld [tilespmem:s0+$0x0];
	v2 =	vor.u32 v0, v3;
	_ =	sdelay $0x4  }
0x9b: {  	s9 =	sadd.s32 $0x10, s9;
	[tilespmem:v2+s18+$0x0] =	vst.idx.msk $0xffff, v1  }
0x9c: {  	v3 =	vor.u32 $0x1, v2;
	v1 =	vld [tilespmem:s9+$0x0];
	_ =	sdelay $0x4  }
0x9d: {  	s15 =	sadd.s32 $0x10, s15;
	[tilespmem:v3+s18+$0x0] =	vst.idx.msk $0xffff, v1  }
0x9e: {  	v2 =	vor.u32 $0x2, v2;
	v1 =	vld [tilespmem:s15+$0x0];
	_ =	sdelay $0x1  }
.Ltmp2:
0x9f: {  	_ = 	snop;
	(pc) =	sbr.rel @p1 .LBB2_8-.Ltmp2, $4  }
0xa0: {  	_ = 	snop  }
0xa1: {  	s21 =	rddreg [dreg:$0x19]  }
0xa2: {  	s0 =	sadd.s32 s6, s21;
	[tilespmem:v2+s18+$0x0] =	vst.idx.msk $0xffff, v1  }
0xa3: {  	[hbm4b:s0+s11] =	stream.linear.scatter [tilespmem:s18], [sflag:$0x5], $0x700, $0x38;
	[tilespmem:$0x1B130] =	vst v63  }
0xa4: {  	s0 =	rddreg [dreg:$0x1b]  }
0xa5: {  	s0 =	sadd.s32 s6, s0  }
0xa6: {  	s0 =	sshrl.u32 s0, $0x3  }
0xa7: {  	s8 =	simm.s32 $0x14AC0;
	s21 =	sadd.s32 s31, s0  }
0xa8: {  	[tilespmem:s8], [sflag:$0x4] =	stream.linear.gather [hbm4b:s21+s11], $0xE0, $0x38;
	[tilespmem:$0x1B130] =	vst v63  }
.Ltmp3:
0xa9: {  	s8 =	rddreg [dreg:$0x7];
	(pc) =	sbr.rel .LBB2_2-.Ltmp3, $4  }
0xaa: {  	s9 =	simm.s32 $0x14BA0;
	s15 =	rddreg [dreg:$0x8];
	s6 =	sadd.s32 s8, s0  }
0xab: {  	[tilespmem:s9], [sflag:$0x4] =	stream.linear.gather [hbm4b:s6+s11], $0xE0, $0x38;
	[tilespmem:$0x1B130] =	vst v63  }
0xac: {  	s14 =	sadd.s32 $0x1, s14;
	s21 =	simm.s32 $0x14C80;
	s0 =	sadd.s32 s15, s0  }
0xad: {  	[tilespmem:s21], [sflag:$0x4] =	stream.linear.gather [hbm4b:s0+s11], $0xE0, $0x38;
	[tilespmem:$0x1B130] =	vst v63  }
.LBB2_8:
0xae: {  	s0 =	simm.s32 $0x5  }
0xaf: {  	_ =	swait.ge [sflag:s0], $0x700  }
0xb0: {  	[sflag:s0] =	ssyncset.done $0x0  }
0xb1: {  	[sflag:s0] =	ssyncadd.s32 $0xFFFFF900  }
0xb2: {  	_ =	swait.ge [sflag:s0], $0x700  }
0xb3: {  	[sflag:s0] =	ssyncset.done $0x0  }
0xb4: {  	[sflag:s0] =	ssyncadd.s32 $0xFFFFF900  }
0xb5: {  	[bflag:$0x0] =	sbarrier.arrive $0xFFFF  }
0xb6: {  	_ =	swait.ge [sflag:s20], $0x620  }
0xb7: {  	[sflag:s20] =	ssyncset.done $0x0  }
0xb8: {  	[sflag:s20] =	ssyncadd.s32 $0xFFFFF9E0  }
0xb9: {  	_ =	swait.ge [sflag:s20], $0x620  }
0xba: {  	[sflag:s20] =	ssyncset.done $0x0  }
0xbb: {  	[sflag:s20] =	ssyncadd.s32 $0xFFFFF9E0  }
0xbc: {  	_ =	swait.ge [sflag:s20], $0x620  }
0xbd: {  	[sflag:s20] =	ssyncset.done $0x0  }
0xbe: {  	[sflag:s20] =	ssyncadd.s32 $0xFFFFF9E0  }
0xbf: {  	_ =	swait.ge [sflag:s20], $0x620  }
0xc0: {  	[sflag:s20] =	ssyncset.done $0x0  }
0xc1: {  	[sflag:s20] =	ssyncadd.s32 $0xFFFFF9E0  }
0xc2: {  	_ =	swait.ge [sflag:s20], $0x620  }
0xc3: {  	[sflag:s20] =	ssyncset.done $0x0  }
0xc4: {  	[sflag:s20] =	ssyncadd.s32 $0xFFFFF9E0  }
0xc5: {  	_ =	swait.ge [sflag:s20], $0x620  }
0xc6: {  	[sflag:s20] =	ssyncset.done $0x0  }
0xc7: {  	s15 =	simm.s32 $0x0;
	[sflag:s20] =	ssyncadd.s32 $0xFFFFF9E0  }
0xc8: {  	v1 =	vld [tilespmem:s15+$0x15B60]  }
0xc9: {  	v2 =	vld [tilespmem:s15+$0x16180]  }
0xca: {  	v3 =	vld [tilespmem:s15+$0x167A0];
	_ =	sdelay $0x3  }
0xcb: {  	v1 =	vadd.f32 $1.000000000e+00, v1;
	v2 =	vadd.f32 $1.000000000e+00, v2  }
0xcc: {  	v3 =	vadd.f32 $1.000000000e+00, v3  }
0xcd: {  	v1 =	vmul.f32 $5.000000000e-01, v1;
	v2 =	vmul.f32 $5.000000000e-01, v2  }
0xce: {  	v3 =	vmul.f32 $5.000000000e-01, v3  }
0xcf: {  	v1 =	vmul.f32 $6.300000000e+01, v1;
	v2 =	vmul.f32 $6.300000000e+01, v2  }
0xd0: {  	s14 =	simm.s32 $0x10  }
0xd1: {  	v4 =	vld [tilespmem:s14+$0x15B60];
	v3 =	vmul.f32 $6.300000000e+01, v3;
	v1 =	vmax.f32 v1, $0.0e+00;
	v2 =	vmax.f32 v2, $0.0e+00  }
0xd2: {  	v5 =	vld [tilespmem:s14+$0x16180];
	v1 =	vmin.f32 v1, $6.299990080e+01;
	v2 =	vmin.f32 v2, $6.299990080e+01  }
0xd3: {  	v6 =	vld [tilespmem:s14+$0x167A0];
	v3 =	vmax.f32 v3, $0.0e+00;
	v1 =	vtrunc.f32 v1;
	v2 =	vtrunc.f32 v2  }
0xd4: {  	v3 =	vmin.f32 v3, $6.299990080e+01;
	v1 =	vcvt.f32.s32 v1;
	v2 =	vcvt.f32.s32 v2  }
0xd5: {  	v3 =	vtrunc.f32 v3  }
0xd6: {  	v3 =	vcvt.f32.s32 v3;
	v1 =	vshll.u32 v1, $0xC;
	v2 =	vshll.u32 v2, $0x6  }
0xd7: {  	v1 =	vadd.s32 v1, v2;
	v2 =	vadd.f32 $1.000000000e+00, v4;
	v4 =	vadd.f32 $1.000000000e+00, v5  }
0xd8: {  	v1 =	vadd.s32 v3, v1;
	v3 =	vadd.f32 $1.000000000e+00, v6  }
0xd9: {  	v5 =	vmul.f32 $5.000000000e-01, v2;
	v4 =	vmul.f32 $5.000000000e-01, v4  }
0xda: {  	s21 =	simm.s32 $0x20;
	[tilespmem:s15+$0x18020] =	vst v1;
	v7 =	vadd.s32 $0x1041, v1;
	v10 =	vadd.s32 $0x40, v1;
	v6 =	vmul.f32 $5.000000000e-01, v3  }
0xdb: {  	v2 =	vld [tilespmem:s21+$0x15B60];
	v3 =	vadd.s32 $0x1, v1;
	[tilespmem:s15+$0x19590] =	vst v7;
	v8 =	vmul.f32 $6.300000000e+01, v5;
	v9 =	vmul.f32 $6.300000000e+01, v4  }
0xdc: {  	s6 =	simm.s32 $0xC0;
	v7 =	vadd.s32 $0x41, v1;
	v4 =	vld [tilespmem:s21+$0x16180];
	[tilespmem:s15+$0x18330] =	vst v3;
	v5 =	vadd.s32 $0x1000, v1;
	v3 =	vadd.s32 $0x1001, v1  }
.LBB2_9:
0xdd: {  	p0 =	sne.s32 s6, $0xC00;
	v8 =	vmax.f32 v8, $0.0e+00;
	v9 =	vmax.f32 v9, $0.0e+00;
	v6 =	vmul.f32 $6.300000000e+01, v6;
	[tilespmem:s15+$0x18640] =	vst v10  }
0xde: {  	v1 =	vadd.s32 $0x1040, v1;
	v10 =	vld [tilespmem:s21+$0x167A0];
	v8 =	vmin.f32 v8, $6.299990080e+01;
	v9 =	vmin.f32 v9, $6.299990080e+01;
	[tilespmem:s15+$0x18950] =	vst v7  }
0xdf: {  	v7 =	vtrunc.f32 v8;
	v8 =	vtrunc.f32 v9;
	v6 =	vmax.f32 v6, $0.0e+00;
	[tilespmem:s15+$0x18C60] =	vst v5  }
0xe0: {  	v5 =	vcvt.f32.s32 v7;
	v7 =	vcvt.f32.s32 v8;
	v6 =	vmin.f32 v6, $6.299990080e+01;
	[tilespmem:s15+$0x18F70] =	vst v3  }
0xe1: {  	v2 =	vadd.f32 $1.000000000e+00, v2;
	v3 =	vadd.f32 $1.000000000e+00, v4;
	v4 =	vtrunc.f32 v6;
	[tilespmem:s15+$0x19280] =	vst v1;
	s15 =	smov.u32 s14;
	s14 =	smov.u32 s21  }
0xe2: {  	v1 =	vcvt.f32.s32 v4;
	v4 =	vshll.u32 v5, $0xC;
	v5 =	vshll.u32 v7, $0x6  }
.Ltmp4:
0xe3: {  	v6 =	vadd.f32 $1.000000000e+00, v10;
	v4 =	vadd.s32 v4, v5;
	(pc) =	sbr.rel @p0 .LBB2_9-.Ltmp4, $4  }
0xe4: {  	v5 =	vmul.f32 $5.000000000e-01, v2;
	v3 =	vmul.f32 $5.000000000e-01, v3;
	v1 =	vadd.s32 v1, v4  }
0xe5: {  	s21 =	sshra.s32 s6, $0x2;
	v6 =	vmul.f32 $5.000000000e-01, v6;
	[tilespmem:s15+$0x18020] =	vst v1;
	v7 =	vadd.s32 $0x1, v1;
	v4 =	vadd.s32 $0x1041, v1  }
0xe6: {  	v8 =	vmul.f32 $6.300000000e+01, v5;
	v9 =	vmul.f32 $6.300000000e+01, v3;
	v10 =	vadd.s32 $0x40, v1;
	v2 =	vld [tilespmem:s21+$0x15B60];
	[tilespmem:s15+$0x19590] =	vst v4  }
0xe7: {  	s6 =	sadd.s32 $0x40, s6;
	v5 =	vadd.s32 $0x1000, v1;
	v3 =	vadd.s32 $0x1001, v1;
	v4 =	vld [tilespmem:s21+$0x16180];
	[tilespmem:s15+$0x18330] =	vst v7;
	v7 =	vadd.s32 $0x41, v1  }
0xe8: {  	[tilespmem:s15+$0x18640] =	vst v10;
	v8 =	vmax.f32 v8, $0.0e+00;
	v9 =	vmax.f32 v9, $0.0e+00;
	v6 =	vmul.f32 $6.300000000e+01, v6  }
0xe9: {  	v10 =	vld [tilespmem:s21+$0x167A0];
	v8 =	vmin.f32 v8, $6.299990080e+01;
	v9 =	vmin.f32 v9, $6.299990080e+01  }
0xea: {  	v8 =	vtrunc.f32 v8;
	v9 =	vtrunc.f32 v9;
	v6 =	vmax.f32 v6, $0.0e+00  }
0xeb: {  	v8 =	vcvt.f32.s32 v8;
	v6 =	vmin.f32 v6, $6.299990080e+01;
	v2 =	vadd.f32 $1.000000000e+00, v2  }
0xec: {  	v9 =	vcvt.f32.s32 v9;
	v4 =	vadd.f32 $1.000000000e+00, v4;
	v6 =	vtrunc.f32 v6  }
0xed: {  	v6 =	vcvt.f32.s32 v6;
	v8 =	vshll.u32 v8, $0xC;
	v2 =	vmul.f32 $5.000000000e-01, v2  }
0xee: {  	[tilespmem:s15+$0x18950] =	vst v7;
	v7 =	vshll.u32 v9, $0x6;
	v10 =	vadd.f32 $1.000000000e+00, v10;
	v4 =	vmul.f32 $5.000000000e-01, v4  }
0xef: {  	v1 =	vadd.s32 $0x1040, v1;
	[tilespmem:s15+$0x18C60] =	vst v5;
	v5 =	vadd.s32 v8, v7;
	v2 =	vmul.f32 $6.300000000e+01, v2  }
0xf0: {  	[tilespmem:s15+$0x18F70] =	vst v3;
	v3 =	vadd.s32 v6, v5;
	v7 =	vmul.f32 $5.000000000e-01, v10;
	v4 =	vmul.f32 $6.300000000e+01, v4  }
0xf1: {  	[tilespmem:s15+$0x19280] =	vst v1;
	v1 =	vadd.s32 $0x1, v3;
	v5 =	vadd.s32 $0x1041, v3;
	v6 =	vadd.s32 $0x40, v3  }
0xf2: {  	[tilespmem:s14+$0x18020] =	vst v3;
	v2 =	vmax.f32 v2, $0.0e+00;
	v4 =	vmax.f32 v4, $0.0e+00;
	v7 =	vmul.f32 $6.300000000e+01, v7  }
0xf3: {  	[tilespmem:s14+$0x19590] =	vst v5;
	v5 =	vadd.s32 $0x41, v3;
	v2 =	vmin.f32 v2, $6.299990080e+01;
	v4 =	vmin.f32 v4, $6.299990080e+01  }
0xf4: {  	[tilespmem:s14+$0x18330] =	vst v1;
	v1 =	vtrunc.f32 v2;
	v2 =	vtrunc.f32 v4;
	v4 =	vmax.f32 v7, $0.0e+00  }
0xf5: {  	[tilespmem:s14+$0x18640] =	vst v6;
	v1 =	vcvt.f32.s32 v1;
	v2 =	vcvt.f32.s32 v2;
	v4 =	vmin.f32 v4, $6.299990080e+01  }
0xf6: {  	v6 =	vadd.s32 $0x1000, v3;
	[tilespmem:s14+$0x18950] =	vst v5;
	v7 =	vadd.s32 $0x1001, v3;
	v4 =	vtrunc.f32 v4  }
0xf7: {  	[tilespmem:s14+$0x18C60] =	vst v6;
	v1 =	vshll.u32 v1, $0xC;
	v4 =	vcvt.f32.s32 v4;
	v2 =	vshll.u32 v2, $0x6  }
0xf8: {  	v3 =	vadd.s32 $0x1040, v3;
	[tilespmem:s14+$0x18F70] =	vst v7;
	v1 =	vadd.s32 v1, v2  }
0xf9: {  	[tilespmem:s14+$0x19280] =	vst v3;
	v1 =	vadd.s32 v4, v1  }
0xfa: {  	[tilespmem:s21+$0x18020] =	vst v1;
	v2 =	vadd.s32 $0x1041, v1  }
0xfb: {  	v3 =	vadd.s32 $0x1, v1;
	[tilespmem:s21+$0x19590] =	vst v2  }
0xfc: {  	v2 =	vadd.s32 $0x40, v1;
	[tilespmem:s21+$0x18330] =	vst v3  }
0xfd: {  	v3 =	vadd.s32 $0x41, v1;
	[tilespmem:s21+$0x18640] =	vst v2  }
0xfe: {  	v2 =	vadd.s32 $0x1000, v1;
	[tilespmem:s21+$0x18950] =	vst v3  }
0xff: {  	v3 =	vadd.s32 $0x1001, v1;
	[tilespmem:s21+$0x18C60] =	vst v2  }
0x100: {  	s0 =	rddreg [dreg:$0x5];
	v1 =	vadd.s32 $0x1040, v1;
	[tilespmem:s21+$0x18F70] =	vst v3  }
0x101: {  	s6 =	simm.s32 $0x310;
	s8 =	simm.s32 $0x18020;
	s9 =	simm.s32 $0x198A0;
	[tilespmem:s21+$0x19280] =	vst v1  }
0x102: {  	[tilespmem:s9], [sflag:$0x3] =	stream.indirect.gather [hbm4b:s0+s6], $0x1, s8, s6, $0xb8;
	[tilespmem:$0x1B130] =	vst v63  }
0x103: {  	s15 =	simm.s32 $0x19BB0;
	s14 =	simm.s32 $0x18330  }
0x104: {  	[tilespmem:s15], [sflag:$0x3] =	stream.indirect.gather [hbm4b:s0+s6], $0x1, s14, s6, $0xb8;
	[tilespmem:$0x1B130] =	vst v63  }
0x105: {  	s31 =	simm.s32 $0x19EC0;
	s21 =	simm.s32 $0x18640  }
0x106: {  	[tilespmem:s31], [sflag:$0x3] =	stream.indirect.gather [hbm4b:s0+s6], $0x1, s21, s6, $0xb8;
	[tilespmem:$0x1B130] =	vst v63  }
0x107: {  	s14 =	simm.s32 $0x18950;
	s15 =	simm.s32 $0x1A1D0  }
0x108: {  	[tilespmem:s15], [sflag:$0x3] =	stream.indirect.gather [hbm4b:s0+s6], $0x1, s14, s6, $0xb8;
	[tilespmem:$0x1B130] =	vst v63  }
0x109: {  	s21 =	simm.s32 $0x18C60;
	s31 =	simm.s32 $0x1A4E0  }
0x10a: {  	[tilespmem:s31], [sflag:$0x3] =	stream.indirect.gather [hbm4b:s0+s6], $0x1, s21, s6, $0xb8;
	[tilespmem:$0x1B130] =	vst v63  }
0x10b: {  	s14 =	simm.s32 $0x18F70;
	s15 =	simm.s32 $0x1A7F0  }
0x10c: {  	[tilespmem:s15], [sflag:$0x3] =	stream.indirect.gather [hbm4b:s0+s6], $0x1, s14, s6, $0xb8;
	[tilespmem:$0x1B130] =	vst v63  }
0x10d: {  	s21 =	simm.s32 $0x19280;
	s31 =	simm.s32 $0x1AB00  }
0x10e: {  	[tilespmem:s31], [sflag:$0x3] =	stream.indirect.gather [hbm4b:s0+s6], $0x1, s21, s6, $0xb8;
	[tilespmem:$0x1B130] =	vst v63  }
0x10f: {  	s14 =	simm.s32 $0x19590;
	s15 =	simm.s32 $0x1AE10  }
0x110: {  	[tilespmem:s15], [sflag:$0x3] =	stream.indirect.gather [hbm4b:s0+s6], $0x1, s14, s6, $0xb8;
	[tilespmem:$0x1B130] =	vst v63  }
0x111: {  	_ =	swait.ge [sflag:s22], $0x7D0  }
0x112: {  	[sflag:s22] =	ssyncset.done $0x0  }
0x113: {  	[sflag:s22] =	ssyncadd.s32 $0xFFFFF830  }
0x114: {  	_ =	swait.ge [sflag:s22], $0x7D0  }
0x115: {  	[sflag:s22] =	ssyncset.done $0x0  }
0x116: {  	s21 =	simm.s32 $0x0;
	[sflag:s22] =	ssyncadd.s32 $0xFFFFF830  }
0x117: {  	[tilespmem:s23], [sflag:$0x1] =	stream.indirect.gather [hbm4b:s12+s7], $0x8, s21, s7, $0xb8;
	[tilespmem:$0x1B130] =	vst v63  }
0x118: {  	s8 =	rddreg [dreg:$0x1e]  }
0x119: {  	[tilespmem:s24], [sflag:$0x1] =	stream.indirect.gather [hbm4b:s12+s7], $0x8, s7, s7, $0xb8;
	[tilespmem:$0x1B130] =	vst v63  }
0x11a: {  	s31 =	simm.s32 $0x8CA0;
	s14 =	rddreg [dreg:$0x1f]  }
0x11b: {  	[tilespmem:s31], [sflag:$0x1] =	stream.linear.gather [hbm4b:s8+s21], $0x7D0, $0x38;
	[tilespmem:$0x1B130] =	vst v63  }
0x11c: {  	s15 =	sld [smem:$0x7F4];
	s8 =	simm.s32 $0x9470  }
0x11d: {  	[tilespmem:s8], [sflag:$0x1] =	stream.linear.gather [hbm4b:s14+s21], $0x7D0, $0x38;
	[tilespmem:$0x1B130] =	vst v63  }
0x11e: {  	s6 =	simm.s32 $0x9C40  }
0x11f: {  	[tilespmem:s6], [sflag:$0x1] =	stream.linear.gather [hbm4b:s15+s21], $0x7D0, $0x38;
	[tilespmem:$0x1B130] =	vst v63  }
0x120: {  	_ =	swait.ge [sflag:s25], $0x3E80  }
0x121: {  	[sflag:s25] =	ssyncset.done $0x0  }
0x122: {  	[sflag:s25] =	ssyncadd.s32 $0xFFFFC180  }
0x123: {  	_ =	swait.ge [sflag:s25], $0x3E80  }
0x124: {  	[sflag:s25] =	ssyncset.done $0x0  }
0x125: {  	[sflag:s25] =	ssyncadd.s32 $0xFFFFC180  }
0x126: {  	_ =	swait.ge [sflag:s25], $0x7D0  }
0x127: {  	[sflag:s25] =	ssyncset.done $0x0  }
0x128: {  	v1 =	vmov s21;
	[sflag:s25] =	ssyncadd.s32 $0xFFFFF830  }
0x129: {  	v1 =	vshll.u32 v1, $0x3;
	_ =	swait.ge [sflag:s25], $0x7D0  }
0x12a: {  	v1 =	vor.u32 v0, v1;
	[sflag:s25] =	ssyncset.done $0x0  }
0x12b: {  	[sflag:s25] =	ssyncadd.s32 $0xFFFFF830  }
0x12c: {  	v2 =	vor.u32 $0x2, v1;
	_ =	swait.ge [sflag:s25], $0x7D0  }
0x12d: {  	v3 =	vor.u32 $0x1, v1;
	[sflag:s25] =	ssyncset.done $0x0  }
0x12e: {  	[sflag:s25] =	ssyncadd.s32 $0xFFFFF830  }
0x12f: {  	v5 =	vld.idx.msk [tilespmem:v1+s23+$0x0], $0xffff  }
0x130: {  	s21 =	simm.s32 $0x10;
	v1 =	vld.idx.msk [tilespmem:v1+s24+$0x0], $0xffff  }
0x131: {  	v4 =	vmov s21;
	v6 =	vld.idx.msk [tilespmem:v2+s23+$0x0], $0xffff  }
0x132: {  	v4 =	vshll.u32 v4, $0x3;
	v7 =	vld.idx.msk [tilespmem:v3+s23+$0x0], $0xffff  }
0x133: {  	v8 =	vor.u32 v0, v4;
	v3 =	vld.idx.msk [tilespmem:v3+s24+$0x0], $0xffff  }
0x134: {  	v9 =	vld.idx.msk [tilespmem:v2+s24+$0x0], $0xffff  }
0x135: {  	v10 =	vor.u32 $0x2, v8;
	v11 =	vld [tilespmem:s31+$0x0]  }
0x136: {  	v12 =	vor.u32 $0x1, v8;
	v13 =	vld [tilespmem:s8+$0x0]  }
0x137: {  	v14 =	vld [tilespmem:s6+$0x0]  }
0x138: {  	v4 =	vld.idx.msk [tilespmem:v8+s23+$0x0], $0xffff  }
0x139: {  	s31 =	simm.s32 $0x20;
	v2 =	vld.idx.msk [tilespmem:v8+s24+$0x0], $0xffff;
	v1 =	vsub.f32 v5, v1;
	v7 =	vsub.f32 v7, v3  }
0x13a: {  	v5 =	vmov s31;
	v3 =	vld.idx.msk [tilespmem:v10+s23+$0x0], $0xffff;
	v8 =	vsub.f32 v6, v9  }
0x13b: {  	v6 =	vshll.u32 v5, $0x3;
	v5 =	vld.idx.msk [tilespmem:v12+s23+$0x0], $0xffff;
	v11 =	vsub.f32 v1, v11;
	v13 =	vsub.f32 v7, v13  }
0x13c: {  	v1 =	vimm.f32 $0.0e+00;
	v9 =	vor.u32 v0, v6;
	v6 =	vld.idx.msk [tilespmem:v12+s24+$0x0], $0xffff  }
0x13d: {  	s9 =	simm.s32 $0x8CB0;
	s14 =	simm.s32 $0x30;
	v7 =	vld.idx.msk [tilespmem:v10+s24+$0x0], $0xffff;
	v8 =	vsub.f32 v8, v14;
	v10 =	vmul.f32 v11, v11;
	v11 =	vmul.f32 v13, v13  }
.LBB2_11:
0x13e: {  	p0 =	sne.s32 s14, $0x7C0;
	v12 =	vor.u32 $0x2, v9;
	v13 =	vld [tilespmem:s9+$0x0];
	s8 =	sadd.s32 $0x10, s8;
	v14 =	vmov v4  }
0x13f: {  	v15 =	vor.u32 $0x1, v9;
	s6 =	sadd.s32 $0x10, s6;
	v16 =	vld [tilespmem:s8+$0x0];
	v10 =	vadd.f32 v11, v10;
	v8 =	vmul.f32 v8, v8  }
0x140: {  	v11 =	vld [tilespmem:s6+$0x0]  }
0x141: {  	v4 =	vld.idx.msk [tilespmem:v9+s23+$0x0], $0xffff;
	v8 =	vadd.f32 v8, v10  }
.Ltmp5:
0x142: {  	v10 =	vsub.f32 v14, v2;
	v6 =	vsub.f32 v5, v6;
	v2 =	vld.idx.msk [tilespmem:v9+s24+$0x0], $0xffff;
	(pc) =	sbr.rel @p0 .LBB2_11-.Ltmp5, $4  }
0x143: {  	v5 =	vmov s14;
	v14 =	vsub.f32 v3, v7;
	v3 =	vld.idx.msk [tilespmem:v12+s23+$0x0], $0xffff;
	v1 =	vadd.f32 v8, v1  }
0x144: {  	v7 =	vshll.u32 v5, $0x3;
	v10 =	vsub.f32 v10, v13;
	v5 =	vld.idx.msk [tilespmem:v15+s23+$0x0], $0xffff;
	v13 =	vsub.f32 v6, v16  }
0x145: {  	v9 =	vor.u32 v0, v7;
	v6 =	vld.idx.msk [tilespmem:v15+s24+$0x0], $0xffff  }
0x146: {  	s9 =	sadd.s32 $0x10, s9;
	s14 =	sadd.s32 $0x10, s14;
	v8 =	vsub.f32 v14, v11;
	v10 =	vmul.f32 v10, v10;
	v7 =	vld.idx.msk [tilespmem:v12+s24+$0x0], $0xffff;
	v11 =	vmul.f32 v13, v13  }
0x147: {  	_ =	sdelay $0x2  }
0x148: {  	v13 =	vld [tilespmem:s9+$0x0]  }
0x149: {  	v17 =	vld.idx.msk [tilespmem:v9+s23+$0x0], $0xffff  }
0x14a: {  	s0 =	sadd.s32 $0x10, s8;
	v54 =	vld.idx.msk [tilespmem:v9+s24+$0x0], $0xffff  }
0x14b: {  	v12 =	vor.u32 $0x2, v9;
	s6 =	sadd.s32 $0x10, s6;
	v15 =	vld [tilespmem:s0+$0x0]  }
0x14c: {  	v14 =	vor.u32 $0x1, v9;
	s14 =	sadd.s32 $0x10, s9;
	v16 =	vld [tilespmem:s6+$0x0]  }
0x14d: {  	v20 =	vld [tilespmem:s14+$0x0];
	s0 =	sadd.s32 $0x10, s0  }
0x14e: {  	s15 =	sadd.s32 $0x10, s6;
	v21 =	vld [tilespmem:s0+$0x0]  }
0x14f: {  	v22 =	vld [tilespmem:s15+$0x0]  }
0x150: {  	s21 =	sld [smem:$0x7F5];
	v18 =	vld.idx.msk [tilespmem:v12+s23+$0x0], $0xffff  }
0x151: {  	v19 =	vld.idx.msk [tilespmem:v14+s23+$0x0], $0xffff  }
0x152: {  	s31 =	sld [smem:$0x7F6];
	s14 =	simm.s32 $0x0;
	v14 =	vld.idx.msk [tilespmem:v14+s24+$0x0], $0xffff  }
0x153: {  	v12 =	vld.idx.msk [tilespmem:v12+s24+$0x0], $0xffff;
	[tilespmem:s14], [sflag:$0x2] =	stream.linear.gather [hbm4b:s21+s14], $0x7D0, $0x38  }
0x154: {  	_ = 	snop  }
0x155: {  	[tilespmem:s7], [sflag:$0x2] =	stream.linear.gather [hbm4b:s31+s14], $0x7D0, $0x38;
	[tilespmem:$0x1B130] =	vst v63  }
0x156: {  	_ =	swait.ge [sflag:s22], $0x7D0  }
0x157: {  	v2 =	vsub.f32 v4, v2;
	v56 =	vadd.f32 v11, v10;
	[sflag:s22] =	ssyncset.done $0x0  }
0x158: {  	v55 =	vsub.f32 v5, v6;
	v3 =	vsub.f32 v3, v7;
	[sflag:s22] =	ssyncadd.s32 $0xFFFFF830  }
0x159: {  	v2 =	vsub.f32 v2, v13;
	v58 =	vsub.f32 v17, v54;
	_ =	swait.ge [sflag:s22], $0x7D0  }
0x15a: {  	v57 =	vmul.f32 v8, v8;
	v4 =	vsub.f32 v55, v15;
	v59 =	vsub.f32 v19, v14;
	[sflag:s22] =	ssyncset.done $0x0  }
0x15b: {  	v3 =	vsub.f32 v3, v16;
	v2 =	vmul.f32 v2, v2;
	v7 =	vsub.f32 v58, v20;
	[sflag:s22] =	ssyncadd.s32 $0xFFFFF830  }
0x15c: {  	v4 =	vmul.f32 v4, v4;
	v60 =	vsub.f32 v18, v12;
	v8 =	vsub.f32 v59, v21;
	[tilespmem:s23], [sflag:$0x1] =	stream.indirect.gather [hbm4b:s12+s7], $0x8, s14, s7, $0xb8;
	[tilespmem:$0x1B130] =	vst v63  }
0x15d: {  	v5 =	vadd.f32 v57, v56;
	v3 =	vmul.f32 v3, v3;
	v62 =	vmul.f32 v7, v7;
	s6 =	sld [smem:$0x7F7]  }
0x15e: {  	v2 =	vadd.f32 v4, v2;
	v61 =	vsub.f32 v60, v22;
	v63 =	vmul.f32 v8, v8;
	[tilespmem:s24], [sflag:$0x1] =	stream.indirect.gather [hbm4b:s12+s7], $0x8, s7, s7, $0xb8;
	[tilespmem:$0x1B130] =	vst v63  }
0x15f: {  	s8 =	simm.s32 $0x8CA0;
	v1 =	vadd.f32 v5, v1;
	s9 =	sld [smem:$0x7F8]  }
0x160: {  	v2 =	vadd.f32 v3, v2;
	v4 =	vmul.f32 v61, v61;
	v3 =	vadd.f32 v63, v62;
	[tilespmem:s8], [sflag:$0x1] =	stream.linear.gather [hbm4b:s6+s14], $0x7D0, $0x38;
	[tilespmem:$0x1B130] =	vst v63  }
0x161: {  	s15 =	simm.s32 $0x9470;
	s21 =	sld [smem:$0x7F9]  }
0x162: {  	v1 =	vadd.f32 v2, v1;
	v2 =	vadd.f32 v4, v3;
	[tilespmem:s15], [sflag:$0x1] =	stream.linear.gather [hbm4b:s9+s14], $0x7D0, $0x38;
	[tilespmem:$0x1B130] =	vst v63  }
0x163: {  	s31 =	simm.s32 $0x9C40;
	s15 =	simm.s32 $0x0  }
0x164: {  	v1 =	vadd.f32 v2, v1;
	[tilespmem:s31], [sflag:$0x1] =	stream.linear.gather [hbm4b:s21+s14], $0x7D0, $0x38;
	[tilespmem:$0x1B130] =	vst v63  }
.LBB2_14:
0x165: {  	s0 =	smul.u32 $0xFA0, s15;
	_ =	sdelay $0x1  }
0x166: {  	s21 =	sadd.s32 s0, s10  }
0x167: {  	s0 =	sshrl.u32 s21, $0x3  }
0x168: {  	s0 =	sadd.s32 $0xFA, s0  }
0x169: {  	s6 =	sadd.s32 s1, s0  }
0x16a: {  	[tilespmem:s28], [sflag:$0x2] =	stream.linear.gather [hbm4b:s6+s14], $0x7D0, $0x38;
	[tilespmem:$0x1B130] =	vst v63  }
0x16b: {  	s8 =	sadd.s32 s2, s0  }
0x16c: {  	[tilespmem:s19], [sflag:$0x2] =	stream.linear.gather [hbm4b:s8+s14], $0x7D0, $0x38;
	[tilespmem:$0x1B130] =	vst v63  }
0x16d: {  	_ =	swait.ge [sflag:s22], $0x7D0  }
0x16e: {  	[sflag:s22] =	ssyncset.done $0x0  }
0x16f: {  	[sflag:s22] =	ssyncadd.s32 $0xFFFFF830  }
0x170: {  	_ =	swait.ge [sflag:s22], $0x7D0  }
0x171: {  	[sflag:s22] =	ssyncset.done $0x0  }
0x172: {  	[sflag:s22] =	ssyncadd.s32 $0xFFFFF830  }
0x173: {  	[tilespmem:s5], [sflag:$0x1] =	stream.indirect.gather [hbm4b:s12+s7], $0x8, s28, s7, $0xb8;
	[tilespmem:$0x1B130] =	vst v63  }
0x174: {  	_ = 	snop  }
0x175: {  	[tilespmem:s13], [sflag:$0x1] =	stream.indirect.gather [hbm4b:s12+s7], $0x8, s19, s7, $0xb8;
	[tilespmem:$0x1B130] =	vst v63  }
0x176: {  	s9 =	sadd.s32 s3, s0;
	s8 =	simm.s32 $0x130B0  }
0x177: {  	[tilespmem:s8], [sflag:$0x1] =	stream.linear.gather [hbm4b:s9+s14], $0x7D0, $0x38;
	[tilespmem:$0x1B130] =	vst v63  }
0x178: {  	s8 =	sadd.s32 s4, s0;
	s9 =	simm.s32 $0x13880  }
0x179: {  	[tilespmem:s9], [sflag:$0x1] =	stream.linear.gather [hbm4b:s8+s14], $0x7D0, $0x38;
	[tilespmem:$0x1B130] =	vst v63  }
0x17a: {  	s0 =	sadd.s32 s26, s0;
	s9 =	simm.s32 $0x14050  }
0x17b: {  	[tilespmem:s9], [sflag:$0x1] =	stream.linear.gather [hbm4b:s0+s14], $0x7D0, $0x38;
	[tilespmem:$0x1B130] =	vst v63  }
0x17c: {  	_ =	swait.ge [sflag:s25], $0x3E80  }
0x17d: {  	[sflag:s25] =	ssyncset.done $0x0  }
0x17e: {  	[sflag:s25] =	ssyncadd.s32 $0xFFFFC180  }
0x17f: {  	_ =	swait.ge [sflag:s25], $0x3E80  }
0x180: {  	[sflag:s25] =	ssyncset.done $0x0  }
0x181: {  	[sflag:s25] =	ssyncadd.s32 $0xFFFFC180  }
0x182: {  	_ =	swait.ge [sflag:s25], $0x7D0  }
0x183: {  	[sflag:s25] =	ssyncset.done $0x0  }
0x184: {  	v2 =	vmov s14;
	[sflag:s25] =	ssyncadd.s32 $0xFFFFF830  }
0x185: {  	v2 =	vshll.u32 v2, $0x3;
	_ =	swait.ge [sflag:s25], $0x7D0  }
0x186: {  	v2 =	vor.u32 v0, v2;
	[sflag:s25] =	ssyncset.done $0x0  }
0x187: {  	[sflag:s25] =	ssyncadd.s32 $0xFFFFF830  }
0x188: {  	v3 =	vor.u32 $0x2, v2;
	_ =	swait.ge [sflag:s25], $0x7D0  }
0x189: {  	v4 =	vor.u32 $0x1, v2;
	[sflag:s25] =	ssyncset.done $0x0  }
0x18a: {  	[sflag:s25] =	ssyncadd.s32 $0xFFFFF830  }
0x18b: {  	s6 =	simm.s32 $0x10;
	v5 =	vld.idx.msk [tilespmem:v2+s23+$0x0], $0xffff  }
0x18c: {  	v6 =	vmov s6;
	v2 =	vld.idx.msk [tilespmem:v2+s24+$0x0], $0xffff  }
0x18d: {  	v6 =	vshll.u32 v6, $0x3;
	v7 =	vld.idx.msk [tilespmem:v3+s23+$0x0], $0xffff  }
0x18e: {  	v6 =	vor.u32 v0, v6;
	v8 =	vld.idx.msk [tilespmem:v4+s23+$0x0], $0xffff  }
0x18f: {  	v9 =	vld.idx.msk [tilespmem:v4+s24+$0x0], $0xffff  }
0x190: {  	s8 =	simm.s32 $0x8CA0;
	v10 =	vld.idx.msk [tilespmem:v3+s24+$0x0], $0xffff  }
0x191: {  	s6 =	simm.s32 $0x9470;
	v12 =	vor.u32 $0x2, v6;
	v11 =	vld [tilespmem:s8+$0x0]  }
0x192: {  	v13 =	vor.u32 $0x1, v6;
	v14 =	vld [tilespmem:s6+$0x0]  }
0x193: {  	s8 =	simm.s32 $0x9C40;
	v4 =	vld.idx.msk [tilespmem:v6+s23+$0x0], $0xffff  }
0x194: {  	v15 =	vld [tilespmem:s8+$0x0]  }
0x195: {  	s9 =	simm.s32 $0x20;
	v3 =	vld.idx.msk [tilespmem:v6+s24+$0x0], $0xffff;
	v5 =	vsub.f32 v5, v2;
	v8 =	vsub.f32 v8, v9  }
0x196: {  	v6 =	vmov s9;
	v2 =	vld.idx.msk [tilespmem:v12+s23+$0x0], $0xffff;
	v9 =	vsub.f32 v7, v10  }
0x197: {  	v7 =	vshll.u32 v6, $0x3;
	v6 =	vld.idx.msk [tilespmem:v13+s23+$0x0], $0xffff;
	v10 =	vsub.f32 v5, v11;
	v14 =	vsub.f32 v8, v14  }
0x198: {  	v11 =	vor.u32 v0, v7;
	v7 =	vld.idx.msk [tilespmem:v13+s24+$0x0], $0xffff  }
0x199: {  	s31 =	simm.s32 $0x30;
	s9 =	simm.s32 $0x8CB0;
	v5 =	vld.idx.msk [tilespmem:v12+s24+$0x0], $0xffff;
	v8 =	vsub.f32 v9, v15;
	v9 =	vmul.f32 v10, v10;
	v10 =	vmul.f32 v14, v14  }
.LBB2_15:
0x19a: {  	p0 =	sne.s32 s31, $0x7C0;
	v12 =	vor.u32 $0x2, v11;
	v13 =	vld [tilespmem:s9+$0x0];
	s6 =	sadd.s32 $0x10, s6;
	v14 =	vmov v4  }
0x19b: {  	v15 =	vor.u32 $0x1, v11;
	s8 =	sadd.s32 $0x10, s8;
	v16 =	vld [tilespmem:s6+$0x0];
	v9 =	vadd.f32 v10, v9;
	v8 =	vmul.f32 v8, v8  }
0x19c: {  	v10 =	vld [tilespmem:s8+$0x0]  }
0x19d: {  	v4 =	vld.idx.msk [tilespmem:v11+s23+$0x0], $0xffff;
	v8 =	vadd.f32 v8, v9  }
.Ltmp6:
0x19e: {  	v9 =	vsub.f32 v14, v3;
	v7 =	vsub.f32 v6, v7;
	v3 =	vld.idx.msk [tilespmem:v11+s24+$0x0], $0xffff;
	(pc) =	sbr.rel @p0 .LBB2_15-.Ltmp6, $4  }
0x19f: {  	v6 =	vmov s31;
	v14 =	vsub.f32 v2, v5;
	v2 =	vld.idx.msk [tilespmem:v12+s23+$0x0], $0xffff;
	v1 =	vadd.f32 v8, v1  }
0x1a0: {  	v5 =	vshll.u32 v6, $0x3;
	v9 =	vsub.f32 v9, v13;
	v6 =	vld.idx.msk [tilespmem:v15+s23+$0x0], $0xffff;
	v13 =	vsub.f32 v7, v16  }
0x1a1: {  	v11 =	vor.u32 v0, v5;
	v7 =	vld.idx.msk [tilespmem:v15+s24+$0x0], $0xffff  }
0x1a2: {  	s9 =	sadd.s32 $0x10, s9;
	s31 =	sadd.s32 $0x10, s31;
	v8 =	vsub.f32 v14, v10;
	v9 =	vmul.f32 v9, v9;
	v5 =	vld.idx.msk [tilespmem:v12+s24+$0x0], $0xffff;
	v10 =	vmul.f32 v13, v13  }
0x1a3: {  	_ =	sdelay $0x2  }
0x1a4: {  	v13 =	vld [tilespmem:s9+$0x0]  }
0x1a5: {  	v17 =	vld.idx.msk [tilespmem:v11+s23+$0x0], $0xffff  }
0x1a6: {  	v12 =	vor.u32 $0x2, v11;
	s0 =	sadd.s32 $0x10, s6;
	v14 =	vor.u32 $0x1, v11;
	v11 =	vld.idx.msk [tilespmem:v11+s24+$0x0], $0xffff  }
0x1a7: {  	s31 =	sadd.s32 $0x10, s8;
	v15 =	vld [tilespmem:s0+$0x0]  }
0x1a8: {  	s9 =	sadd.s32 $0x10, s9;
	v16 =	vld [tilespmem:s31+$0x0]  }
0x1a9: {  	v20 =	vld [tilespmem:s9+$0x0];
	s0 =	sadd.s32 $0x10, s0  }
0x1aa: {  	s31 =	sadd.s32 $0x10, s31;
	v21 =	vld [tilespmem:s0+$0x0]  }
0x1ab: {  	p0 =	seq.s32 s15, $0xB;
	v22 =	vld [tilespmem:s31+$0x0]  }
0x1ac: {  	s8 =	sshrl.u32 @!p0 s21, $0x3;
	v18 =	vld.idx.msk [tilespmem:v12+s23+$0x0], $0xffff  }
0x1ad: {  	s6 =	sadd.s32 @!p0 $0x1F4, s8;
	v19 =	vld.idx.msk [tilespmem:v14+s23+$0x0], $0xffff  }
0x1ae: {  	s8 =	simm.s32 @!p0 $0x0;
	s0 =	sadd.s32 @!p0 s1, s6;
	v14 =	vld.idx.msk [tilespmem:v14+s24+$0x0], $0xffff  }
0x1af: {  	v12 =	vld.idx.msk [tilespmem:v12+s24+$0x0], $0xffff;
	[tilespmem:s8], [sflag:$0x2] =	stream.linear.gather @!p0 [hbm4b:s0+s8], $0x7D0, $0x38  }
0x1b0: {  	s9 =	simm.s32 @!p0 $0x7D0;
	s0 =	sadd.s32 @!p0 s2, s6  }
0x1b1: {  	[tilespmem:s9], [sflag:$0x2] =	stream.linear.gather @!p0 [hbm4b:s0+s8], $0x7D0, $0x38;
	[tilespmem:$0x1B130] =	vst v63  }
0x1b2: {  	s0 =	simm.s32 @!p0 $0x2  }
0x1b3: {  	_ =	swait.ge @!p0 [sflag:s0], $0x7D0  }
0x1b4: {  	[sflag:s0] =	ssyncset.done @!p0 $0x0  }
0x1b5: {  	[sflag:s0] =	ssyncadd.s32 @!p0 $0xFFFFF830  }
0x1b6: {  	_ =	swait.ge @!p0 [sflag:s0], $0x7D0  }
0x1b7: {  	[sflag:s0] =	ssyncset.done @!p0 $0x0  }
0x1b8: {  	[sflag:s0] =	ssyncadd.s32 @!p0 $0xFFFFF830;
	s0 =	simm.s32 @!p0 $0xFA0  }
0x1b9: {  	[tilespmem:s0], [sflag:$0x1] =	stream.indirect.gather @!p0 [hbm4b:s12+s9], $0x8, s8, s9, $0xb8;
	[tilespmem:$0x1B130] =	vst v63  }
0x1ba: {  	s0 =	simm.s32 @!p0 $0x4E20  }
0x1bb: {  	[tilespmem:s0], [sflag:$0x1] =	stream.indirect.gather @!p0 [hbm4b:s12+s9], $0x8, s9, s9, $0xb8;
	[tilespmem:$0x1B130] =	vst v63  }
0x1bc: {  	s0 =	sadd.s32 @!p0 s3, s6;
	s9 =	simm.s32 @!p0 $0x8CA0  }
0x1bd: {  	[tilespmem:s9], [sflag:$0x1] =	stream.linear.gather @!p0 [hbm4b:s0+s8], $0x7D0, $0x38;
	[tilespmem:$0x1B130] =	vst v63  }
0x1be: {  	s0 =	sadd.s32 @!p0 s4, s6;
	s9 =	simm.s32 @!p0 $0x9470  }
0x1bf: {  	[tilespmem:s9], [sflag:$0x1] =	stream.linear.gather @!p0 [hbm4b:s0+s8], $0x7D0, $0x38;
	[tilespmem:$0x1B130] =	vst v63  }
0x1c0: {  	s0 =	sadd.s32 @!p0 s26, s6;
	s6 =	simm.s32 @!p0 $0x9C40  }
0x1c1: {  	[tilespmem:s6], [sflag:$0x1] =	stream.linear.gather @!p0 [hbm4b:s0+s8], $0x7D0, $0x38;
	[tilespmem:$0x1B130] =	vst v63  }
0x1c2: {  	_ =	swait.ge [sflag:s25], $0x3E80  }
0x1c3: {  	[sflag:s25] =	ssyncset.done $0x0  }
0x1c4: {  	[sflag:s25] =	ssyncadd.s32 $0xFFFFC180  }
0x1c5: {  	_ =	swait.ge [sflag:s25], $0x3E80  }
0x1c6: {  	[sflag:s25] =	ssyncset.done $0x0  }
0x1c7: {  	[sflag:s25] =	ssyncadd.s32 $0xFFFFC180  }
0x1c8: {  	_ =	swait.ge [sflag:s25], $0x7D0  }
0x1c9: {  	s8 =	simm.s32 $0x0;
	[sflag:s25] =	ssyncset.done $0x0  }
0x1ca: {  	v23 =	vmov s8;
	[sflag:s25] =	ssyncadd.s32 $0xFFFFF830  }
0x1cb: {  	v23 =	vshll.u32 v23, $0x3;
	_ =	swait.ge [sflag:s25], $0x7D0  }
0x1cc: {  	v23 =	vor.u32 v0, v23;
	[sflag:s25] =	ssyncset.done $0x0  }
0x1cd: {  	v3 =	vsub.f32 v4, v3;
	v4 =	vsub.f32 v6, v7;
	[sflag:s25] =	ssyncadd.s32 $0xFFFFF830  }
0x1ce: {  	v6 =	vadd.f32 v10, v9;
	v7 =	vmul.f32 v8, v8;
	v8 =	vor.u32 $0x2, v23;
	_ =	swait.ge [sflag:s25], $0x7D0  }
0x1cf: {  	v3 =	vsub.f32 v3, v13;
	v4 =	vsub.f32 v4, v15;
	v9 =	vor.u32 $0x1, v23;
	[sflag:s25] =	ssyncset.done $0x0  }
0x1d0: {  	v6 =	vadd.f32 v7, v6;
	[sflag:s25] =	ssyncadd.s32 $0xFFFFF830  }
0x1d1: {  	v2 =	vsub.f32 v2, v5;
	v3 =	vmul.f32 v3, v3;
	v4 =	vmul.f32 v4, v4;
	v5 =	vld.idx.msk [tilespmem:v23+s5+$0x0], $0xffff  }
0x1d2: {  	v1 =	vadd.f32 v6, v1;
	s9 =	simm.s32 $0x10;
	v6 =	vld.idx.msk [tilespmem:v23+s13+$0x0], $0xffff  }
0x1d3: {  	v2 =	vsub.f32 v2, v16;
	v3 =	vadd.f32 v4, v3;
	v4 =	vmov s9;
	v7 =	vld.idx.msk [tilespmem:v8+s5+$0x0], $0xffff  }
0x1d4: {  	v10 =	vsub.f32 v17, v11;
	v11 =	vsub.f32 v19, v14;
	v4 =	vshll.u32 v4, $0x3;
	v56 =	vld.idx.msk [tilespmem:v9+s5+$0x0], $0xffff  }
0x1d5: {  	v2 =	vmul.f32 v2, v2;
	v12 =	vsub.f32 v18, v12;
	v57 =	vor.u32 v0, v4;
	v9 =	vld.idx.msk [tilespmem:v9+s13+$0x0], $0xffff  }
0x1d6: {  	s21 =	simm.s32 $0x130B0;
	v4 =	vsub.f32 v10, v20;
	v10 =	vsub.f32 v11, v21;
	v8 =	vld.idx.msk [tilespmem:v8+s13+$0x0], $0xffff  }
0x1d7: {  	v2 =	vadd.f32 v2, v3;
	v3 =	vsub.f32 v12, v22;
	s6 =	simm.s32 $0x13880;
	v11 =	vor.u32 $0x2, v57;
	v58 =	vld [tilespmem:s21+$0x0]  }
0x1d8: {  	s8 =	simm.s32 $0x14050;
	v59 =	vor.u32 $0x1, v57;
	v4 =	vmul.f32 v4, v4;
	v10 =	vmul.f32 v10, v10;
	v60 =	vld [tilespmem:s6+$0x0]  }
0x1d9: {  	v61 =	vld [tilespmem:s8+$0x0]  }
0x1da: {  	v1 =	vadd.f32 v2, v1;
	v3 =	vmul.f32 v3, v3;
	v10 =	vadd.f32 v10, v4;
	v4 =	vld.idx.msk [tilespmem:v57+s5+$0x0], $0xffff  }
0x1db: {  	s31 =	simm.s32 $0x20;
	v2 =	vld.idx.msk [tilespmem:v57+s13+$0x0], $0xffff;
	v6 =	vsub.f32 v5, v6;
	v9 =	vsub.f32 v56, v9  }
0x1dc: {  	v10 =	vadd.f32 v3, v10;
	v3 =	vld.idx.msk [tilespmem:v11+s5+$0x0], $0xffff;
	v5 =	vmov s31;
	v62 =	vsub.f32 v7, v8  }
0x1dd: {  	v7 =	vshll.u32 v5, $0x3;
	v5 =	vld.idx.msk [tilespmem:v59+s5+$0x0], $0xffff;
	v12 =	vsub.f32 v6, v58;
	v63 =	vsub.f32 v9, v60  }
0x1de: {  	v1 =	vadd.f32 v10, v1;
	v8 =	vor.u32 v0, v7;
	v6 =	vld.idx.msk [tilespmem:v59+s13+$0x0], $0xffff  }
0x1df: {  	s15 =	sadd.s32 $0x1, s15;
	s9 =	simm.s32 $0x130C0;
	s21 =	simm.s32 $0x30;
	v7 =	vld.idx.msk [tilespmem:v11+s13+$0x0], $0xffff;
	v9 =	vsub.f32 v62, v61;
	v10 =	vmul.f32 v12, v12;
	v11 =	vmul.f32 v63, v63  }
.LBB2_17:
0x1e0: {  	p0 =	seq.s32 s21, $0x7C0;
	v12 =	vor.u32 $0x2, v8;
	v13 =	vld [tilespmem:s9+$0x0];
	s6 =	sadd.s32 $0x10, s6;
	v14 =	vmov v4  }
0x1e1: {  	v15 =	vor.u32 $0x1, v8;
	s8 =	sadd.s32 $0x10, s8;
	v16 =	vld [tilespmem:s6+$0x0];
	v10 =	vadd.f32 v11, v10;
	v9 =	vmul.f32 v9, v9  }
0x1e2: {  	v11 =	vld [tilespmem:s8+$0x0]  }
0x1e3: {  	v4 =	vld.idx.msk [tilespmem:v8+s5+$0x0], $0xffff;
	v9 =	vadd.f32 v9, v10  }
.Ltmp7:
0x1e4: {  	v10 =	vsub.f32 v14, v2;
	v6 =	vsub.f32 v5, v6;
	v2 =	vld.idx.msk [tilespmem:v8+s13+$0x0], $0xffff;
	(pc) =	sbr.rel @!p0 .LBB2_17-.Ltmp7, $4  }
0x1e5: {  	v5 =	vmov s21;
	v14 =	vsub.f32 v3, v7;
	v3 =	vld.idx.msk [tilespmem:v12+s5+$0x0], $0xffff;
	v1 =	vadd.f32 v9, v1  }
0x1e6: {  	v7 =	vshll.u32 v5, $0x3;
	v10 =	vsub.f32 v10, v13;
	v5 =	vld.idx.msk [tilespmem:v15+s5+$0x0], $0xffff;
	v13 =	vsub.f32 v6, v16  }
0x1e7: {  	v8 =	vor.u32 v0, v7;
	v6 =	vld.idx.msk [tilespmem:v15+s13+$0x0], $0xffff  }
0x1e8: {  	s9 =	sadd.s32 $0x10, s9;
	s21 =	sadd.s32 $0x10, s21;
	v9 =	vsub.f32 v14, v11;
	v10 =	vmul.f32 v10, v10;
	v7 =	vld.idx.msk [tilespmem:v12+s13+$0x0], $0xffff;
	v11 =	vmul.f32 v13, v13  }
0x1e9: {  	_ =	sdelay $0x2  }
0x1ea: {  	v13 =	vld [tilespmem:s9+$0x0]  }
0x1eb: {  	v17 =	vld.idx.msk [tilespmem:v8+s5+$0x0], $0xffff  }
0x1ec: {  	s0 =	sadd.s32 $0x10, s6;
	v14 =	vor.u32 $0x1, v8;
	v56 =	vld.idx.msk [tilespmem:v8+s13+$0x0], $0xffff  }
0x1ed: {  	s31 =	sadd.s32 $0x10, s8;
	v15 =	vld [tilespmem:s0+$0x0]  }
0x1ee: {  	v12 =	vor.u32 $0x2, v8;
	s21 =	sadd.s32 $0x10, s9;
	v16 =	vld [tilespmem:s31+$0x0]  }
0x1ef: {  	v57 =	vld [tilespmem:s21+$0x0];
	s0 =	sadd.s32 $0x10, s0  }
0x1f0: {  	v58 =	vld [tilespmem:s0+$0x0]  }
0x1f1: {  	v19 =	vld.idx.msk [tilespmem:v14+s5+$0x0], $0xffff  }
0x1f2: {  	v14 =	vld.idx.msk [tilespmem:v14+s13+$0x0], $0xffff  }
0x1f3: {  	v18 =	vld.idx.msk [tilespmem:v12+s5+$0x0], $0xffff  }
0x1f4: {  	v2 =	vsub.f32 v4, v2;
	v59 =	vadd.f32 v11, v10;
	v12 =	vld.idx.msk [tilespmem:v12+s13+$0x0], $0xffff  }
0x1f5: {  	s31 =	sadd.s32 $0x10, s31;
	v5 =	vsub.f32 v5, v6;
	v3 =	vsub.f32 v3, v7  }
0x1f6: {  	v60 =	vld [tilespmem:s31+$0x0];
	v2 =	vsub.f32 v2, v13;
	v8 =	vsub.f32 v17, v56  }
0x1f7: {  	v9 =	vmul.f32 v9, v9;
	v5 =	vsub.f32 v5, v15;
	v61 =	vsub.f32 v19, v14  }
0x1f8: {  	v3 =	vsub.f32 v3, v16;
	v2 =	vmul.f32 v2, v2;
	v4 =	vsub.f32 v8, v57  }
0x1f9: {  	v5 =	vmul.f32 v5, v5;
	v12 =	vsub.f32 v18, v12;
	v6 =	vsub.f32 v61, v58  }
0x1fa: {  	v7 =	vadd.f32 v9, v59;
	v3 =	vmul.f32 v3, v3;
	v4 =	vmul.f32 v4, v4  }
0x1fb: {  	v2 =	vadd.f32 v5, v2;
	v62 =	vsub.f32 v12, v60;
	v6 =	vmul.f32 v6, v6  }
0x1fc: {  	v1 =	vadd.f32 v7, v1  }
0x1fd: {  	v2 =	vadd.f32 v3, v2;
	v63 =	vmul.f32 v62, v62;
	v3 =	vadd.f32 v6, v4;
	_ =	sdelay $0x1  }
0x1fe: {  	v1 =	vadd.f32 v2, v1;
	v2 =	vadd.f32 v63, v3;
	_ =	sdelay $0x1  }
0x1ff: {  	v1 =	vadd.f32 v2, v1  }
0x200: {  	p0 =	seq.s32 s15, $0xC  }
.Ltmp8:
0x201: {  	_ = 	snop;
	(pc) =	sbr.rel @!p0 .LBB2_14-.Ltmp8, $1  }
0x202: {  	_ =	sdelay $0x3  }
0x203: {  	_ =	swait.ge [sflag:s20], $0x310  }
0x204: {  	[sflag:s20] =	ssyncset.done $0x0  }
0x205: {  	[sflag:s20] =	ssyncadd.s32 $0xFFFFFCF0  }
0x206: {  	_ =	swait.ge [sflag:s20], $0x310  }
0x207: {  	[sflag:s20] =	ssyncset.done $0x0  }
0x208: {  	[sflag:s20] =	ssyncadd.s32 $0xFFFFFCF0  }
0x209: {  	_ =	swait.ge [sflag:s20], $0x310  }
0x20a: {  	[sflag:s20] =	ssyncset.done $0x0  }
0x20b: {  	[sflag:s20] =	ssyncadd.s32 $0xFFFFFCF0  }
0x20c: {  	_ =	swait.ge [sflag:s20], $0x310  }
0x20d: {  	[sflag:s20] =	ssyncset.done $0x0  }
0x20e: {  	[sflag:s20] =	ssyncadd.s32 $0xFFFFFCF0  }
0x20f: {  	_ =	swait.ge [sflag:s20], $0x310  }
0x210: {  	[sflag:s20] =	ssyncset.done $0x0  }
0x211: {  	[sflag:s20] =	ssyncadd.s32 $0xFFFFFCF0  }
0x212: {  	_ =	swait.ge [sflag:s20], $0x310  }
0x213: {  	[sflag:s20] =	ssyncset.done $0x0  }
0x214: {  	[sflag:s20] =	ssyncadd.s32 $0xFFFFFCF0  }
0x215: {  	_ =	swait.ge [sflag:s20], $0x310  }
0x216: {  	[sflag:s20] =	ssyncset.done $0x0  }
0x217: {  	[sflag:s20] =	ssyncadd.s32 $0xFFFFFCF0  }
0x218: {  	_ =	swait.ge [sflag:s20], $0x310  }
0x219: {  	[sflag:s20] =	ssyncset.done $0x0  }
0x21a: {  	s15 =	simm.s32 $0x0;
	[sflag:s20] =	ssyncadd.s32 $0xFFFFFCF0  }
0x21b: {  	v2 =	vld [tilespmem:s15+$0x16180]  }
0x21c: {  	v3 =	vld [tilespmem:s15+$0x15B60]  }
0x21d: {  	s14 =	simm.s32 $0x10;
	v4 =	vld [tilespmem:s15+$0x167A0]  }
0x21e: {  	v5 =	vld [tilespmem:s14+$0x16180]  }
0x21f: {  	v6 =	vld [tilespmem:s14+$0x15B60];
	_ =	sdelay $0x2  }
0x220: {  	v2 =	vadd.f32 $1.000000000e+00, v2;
	v3 =	vadd.f32 $1.000000000e+00, v3  }
0x221: {  	v4 =	vadd.f32 $1.000000000e+00, v4;
	v5 =	vadd.f32 $1.000000000e+00, v5  }
0x222: {  	v6 =	vadd.f32 $1.000000000e+00, v6;
	v2 =	vmul.f32 $5.000000000e-01, v2;
	v3 =	vmul.f32 $5.000000000e-01, v3  }
0x223: {  	v4 =	vmul.f32 $5.000000000e-01, v4;
	v5 =	vmul.f32 $5.000000000e-01, v5  }
0x224: {  	v6 =	vmul.f32 $5.000000000e-01, v6;
	v2 =	vmul.f32 $6.300000000e+01, v2  }
0x225: {  	v3 =	vmul.f32 $6.300000000e+01, v3;
	v4 =	vmul.f32 $6.300000000e+01, v4  }
0x226: {  	v9 =	vld [tilespmem:s15+$0x1AB00];
	v5 =	vmul.f32 $6.300000000e+01, v5;
	v6 =	vmul.f32 $6.300000000e+01, v6;
	v2 =	vmax.f32 v2, $0.0e+00  }
0x227: {  	v12 =	vld [tilespmem:s15+$0x1A7F0];
	v3 =	vmax.f32 v3, $0.0e+00;
	v4 =	vmax.f32 v4, $0.0e+00;
	v7 =	vmin.f32 v2, $6.299990080e+01  }
0x228: {  	v2 =	vld [tilespmem:s14+$0x167A0];
	v10 =	vmin.f32 v3, $6.299990080e+01;
	v4 =	vmin.f32 v4, $6.299990080e+01;
	v8 =	vtrunc.f32 v7  }
0x229: {  	v13 =	vld [tilespmem:s15+$0x1AE10];
	v11 =	vtrunc.f32 v10;
	v18 =	vtrunc.f32 v4  }
0x22a: {  	s21 =	simm.s32 $0x20;
	v14 =	vld [tilespmem:s15+$0x1A4E0];
	v6 =	vmax.f32 v6, $0.0e+00;
	v3 =	vcvt.f32.s32 v8;
	v11 =	vcvt.f32.s32 v11  }
0x22b: {  	v19 =	vld [tilespmem:s21+$0x167A0];
	v17 =	vmin.f32 v6, $6.299990080e+01;
	v18 =	vcvt.f32.s32 v18  }
0x22c: {  	v23 =	vld [tilespmem:s21+$0x16180];
	v11 =	vcvt.s32.f32 v11;
	v15 =	vcvt.s32.f32 v3;
	v3 =	vmax.f32 v5, $0.0e+00  }
0x22d: {  	v21 =	vtrunc.f32 v17;
	v5 =	vld [tilespmem:s15+$0x198A0];
	v2 =	vadd.f32 $1.000000000e+00, v2;
	v3 =	vmin.f32 v3, $6.299990080e+01  }
0x22e: {  	v8 =	vld [tilespmem:s15+$0x1A1D0];
	v18 =	vcvt.s32.f32 v18;
	v10 =	vsub.f32 v10, v11;
	v6 =	vtrunc.f32 v3  }
0x22f: {  	v11 =	vld [tilespmem:s15+$0x19EC0];
	v2 =	vmul.f32 $5.000000000e-01, v2;
	v6 =	vcvt.f32.s32 v6  }
0x230: {  	v16 =	vld [tilespmem:s15+$0x19BB0];
	v20 =	vsub.f32 $1.000000000e+00, v10;
	v14 =	vmul.f32 v10, v14;
	v13 =	vmul.f32 v13, v10  }
0x231: {  	v22 =	vld [tilespmem:s21+$0x15B60];
	v12 =	vmul.f32 v10, v12;
	v2 =	vmul.f32 $6.300000000e+01, v2  }
0x232: {  	v15 =	vsub.f32 v7, v15;
	v9 =	vmul.f32 v10, v9;
	v5 =	vmul.f32 v20, v5  }
0x233: {  	v10 =	vmul.f32 v20, v8;
	v8 =	vcvt.s32.f32 v6;
	v2 =	vmax.f32 v2, $0.0e+00  }
0x234: {  	v7 =	vmul.f32 v20, v11;
	v11 =	vadd.f32 $1.000000000e+00, v19;
	v19 =	vadd.f32 $1.000000000e+00, v23  }
0x235: {  	v2 =	vmin.f32 v2, $6.299990080e+01;
	v5 =	vadd.f32 v5, v14;
	v14 =	vmul.f32 v20, v16  }
0x236: {  	v16 =	vadd.f32 $1.000000000e+00, v22;
	v20 =	vcvt.f32.s32 v21;
	v10 =	vadd.f32 v13, v10  }
0x237: {  	v6 =	vld [tilespmem:s14+$0x1AB00];
	v13 =	vsub.f32 $1.000000000e+00, v15;
	v9 =	vadd.f32 v7, v9;
	v21 =	vmul.f32 $5.000000000e-01, v11  }
0x238: {  	v22 =	vsub.f32 v4, v18;
	v4 =	vld [tilespmem:s21+$0x1AB00];
	v11 =	vmul.f32 $5.000000000e-01, v19;
	v16 =	vmul.f32 $5.000000000e-01, v16  }
0x239: {  	v7 =	vld [tilespmem:s14+$0x1A1D0];
	v12 =	vadd.f32 v14, v12;
	v14 =	vmul.f32 v5, v13;
	v9 =	vmul.f32 v9, v15  }
0x23a: {  	v5 =	vld [tilespmem:s21+$0x1A1D0];
	v19 =	vmul.f32 v10, v15;
	v23 =	vsub.f32 $1.000000000e+00, v22;
	v18 =	vmul.f32 $6.300000000e+01, v11  }
0x23b: {  	v11 =	vld [tilespmem:s14+$0x1A7F0];
	v10 =	vmul.f32 $6.300000000e+01, v16;
	v14 =	vadd.f32 v9, v14;
	v9 =	vmul.f32 v12, v13  }
0x23c: {  	v20 =	vcvt.s32.f32 v20;
	v15 =	vld [tilespmem:s14+$0x1A4E0];
	v12 =	vmax.f32 v18, $0.0e+00;
	v18 =	vmul.f32 $6.300000000e+01, v21  }
0x23d: {  	v13 =	vld [tilespmem:s14+$0x1AE10];
	v16 =	vmax.f32 v10, $0.0e+00;
	v10 =	vmin.f32 v12, $6.299990080e+01;
	v21 =	vadd.f32 v19, v9  }
0x23e: {  	s8 =	rddreg [dreg:$0x1a];
	v9 =	vmin.f32 v16, $6.299990080e+01;
	v12 =	vtrunc.f32 v10;
	v16 =	vld [tilespmem:s14+$0x198A0];
	v19 =	vmul.f32 v14, v23  }
0x23f: {  	s9 =	simm.s32 $0xC0;
	s6 =	simm.s32 $0x10;
	s31 =	smov.u32 s8;
	v14 =	vsub.f32 v17, v20;
	v17 =	vld [tilespmem:s14+$0x19EC0];
	v12 =	vcvt.f32.s32 v12;
	v20 =	vmul.f32 v21, v22  }
.LBB2_20:
0x240: {  	s31 =	sadd.s32 $0x10, s31;
	s0 =	smov.u32 s9  }
0x241: {  	v21 =	vtrunc.f32 v9;
	v18 =	vmax.f32 v18, $0.0e+00;
	v22 =	vtrunc.f32 v2;
	v23 =	vld [tilespmem:s6+$0x19BB0];
	s6 =	smov.u32 s21;
	s21 =	sshra.s32 s9, $0x2;
	s0 =	sadd.s32 $0x40, s9  }
0x242: {  	p0 =	sne.s32 s9, $0xC00;
	p1 =	slt.u32 s8, $0x186A0;
	v22 =	vcvt.f32.s32 v22;
	v25 =	vsub.f32 $1.000000000e+00, v14;
	v19 =	vadd.f32 v20, v19;
	s8 =	smov.u32 s31;
	v24 =	vld [tilespmem:s21+$0x167A0]  }
0x243: {  	v18 =	vmin.f32 v18, $6.299990080e+01;
	v13 =	vmul.f32 v13, v14;
	v15 =	vmul.f32 v14, v15;
	v20 =	vld [tilespmem:s21+$0x15B60]  }
0x244: {  	v11 =	vmul.f32 v14, v11;
	v16 =	vmul.f32 v25, v16;
	v19 =	vpsel !p1, $0x0, v19;
	v26 =	vld [tilespmem:s21+$0x16180]  }
0x245: {  	v28 =	vsub.f32 v3, v8;
	v3 =	vmovc v10;
	v17 =	vmul.f32 v25, v17;
	v19 =	vmul.f32 v19, v19;
	v27 =	vld [tilespmem:s21+$0x1AB00]  }
0x246: {  	v14 =	vmul.f32 v14, v6;
	v6 =	vmovc v4;
	v15 =	vadd.f32 v16, v15;
	v16 =	vmul.f32 v25, v7;
	v10 =	vld [tilespmem:s21+$0x1A1D0]  }
0x247: {  	v8 =	vcvt.s32.f32 v12;
	v12 =	vmul.f32 v25, v23;
	v7 =	vmovc v5;
	v24 =	vadd.f32 $1.000000000e+00, v24  }
0x248: {  	v23 =	vcvt.s32.f32 v22;
	v1 =	vadd.f32 v19, v1;
	v20 =	vadd.f32 $1.000000000e+00, v20  }
0x249: {  	v21 =	vcvt.f32.s32 v21;
	v14 =	vadd.f32 v17, v14;
	v19 =	vadd.f32 $1.000000000e+00, v26  }
0x24a: {  	v13 =	vadd.f32 v13, v16;
	v16 =	vsub.f32 $1.000000000e+00, v28;
	v17 =	vmul.f32 $5.000000000e-01, v24;
	v4 =	vmovc v27  }
0x24b: {  	v22 =	vsub.f32 v2, v23;
	v2 =	vmovc v18;
	v14 =	vmul.f32 v14, v28;
	v19 =	vmul.f32 $5.000000000e-01, v19;
	v5 =	vmovc v10  }
0x24c: {  	v12 =	vadd.f32 v12, v11;
	v15 =	vmul.f32 v15, v16;
	v10 =	vmul.f32 $5.000000000e-01, v20  }
0x24d: {  	v20 =	vsub.f32 $1.000000000e+00, v22;
	v18 =	vmul.f32 $6.300000000e+01, v19;
	v19 =	vmul.f32 v13, v28  }
.Ltmp9:
0x24e: {  	v12 =	vmul.f32 v12, v16;
	v14 =	vadd.f32 v14, v15;
	v10 =	vmul.f32 $6.300000000e+01, v10;
	v11 =	vld [tilespmem:s6+$0x1A7F0];
	(pc) =	sbr.rel @p0 .LBB2_20-.Ltmp9, $4  }
0x24f: {  	v15 =	vmax.f32 v18, $0.0e+00;
	v18 =	vmul.f32 $6.300000000e+01, v17;
	v17 =	vcvt.s32.f32 v21;
	v13 =	vld [tilespmem:s6+$0x1AE10]  }
0x250: {  	v16 =	vmax.f32 v10, $0.0e+00;
	v21 =	vadd.f32 v19, v12;
	v10 =	vmin.f32 v15, $6.299990080e+01;
	v15 =	vld [tilespmem:s6+$0x1A4E0]  }
0x251: {  	v19 =	vmul.f32 v14, v20;
	v23 =	vmin.f32 v16, $6.299990080e+01;
	v12 =	vtrunc.f32 v10;
	v16 =	vld [tilespmem:s6+$0x198A0]  }
0x252: {  	s9 =	smov.u32 s0;
	v14 =	vsub.f32 v9, v17;
	v20 =	vmul.f32 v21, v22;
	v9 =	vmovc v23;
	v12 =	vcvt.f32.s32 v12;
	v17 =	vld [tilespmem:s6+$0x19EC0]  }
0x253: {  	v21 =	vtrunc.f32 v9;
	v18 =	vmax.f32 v18, $0.0e+00;
	v22 =	vtrunc.f32 v2  }
0x254: {  	v3 =	vsub.f32 v3, v8;
	v22 =	vcvt.f32.s32 v22;
	v23 =	vsub.f32 $1.000000000e+00, v14  }
0x255: {  	v47 =	vld [tilespmem:s6+$0x19BB0];
	v19 =	vadd.f32 v20, v19;
	v13 =	vmul.f32 v13, v14;
	v11 =	vmul.f32 v14, v11  }
0x256: {  	v18 =	vmin.f32 v18, $6.299990080e+01;
	v6 =	vmul.f32 v14, v6;
	v49 =	vcvt.f32.s32 v21  }
0x257: {  	p0 =	slt.u32 s8, $0x186A0;
	v12 =	vcvt.s32.f32 v12;
	v15 =	vmul.f32 v14, v15;
	v52 =	vsub.f32 $1.000000000e+00, v3  }
0x258: {  	v16 =	vmul.f32 v23, v16;
	v19 =	vpsel !p0, $0x0, v19;
	v7 =	vmul.f32 v23, v7  }
0x259: {  	v50 =	vld [tilespmem:s21+$0x1A7F0];
	v22 =	vcvt.s32.f32 v22;
	v10 =	vsub.f32 v10, v12;
	v8 =	vmul.f32 v23, v17  }
0x25a: {  	v53 =	vld [tilespmem:s21+$0x1A4E0];
	v48 =	vmul.f32 v19, v19;
	v15 =	vadd.f32 v16, v15;
	v51 =	vmul.f32 v23, v47  }
0x25b: {  	v55 =	vld [tilespmem:s21+$0x19EC0];
	v16 =	vcvt.s32.f32 v49;
	v7 =	vadd.f32 v13, v7;
	v6 =	vadd.f32 v8, v6  }
0x25c: {  	v2 =	vsub.f32 v2, v22;
	v8 =	vld [tilespmem:s21+$0x1AE10];
	v11 =	vadd.f32 v51, v11;
	v15 =	vmul.f32 v15, v52  }
0x25d: {  	v54 =	vld [tilespmem:s21+$0x198A0];
	v9 =	vsub.f32 v9, v16;
	v6 =	vmul.f32 v6, v3;
	v3 =	vmul.f32 v7, v3  }
0x25e: {  	v56 =	vld [tilespmem:s21+$0x19BB0];
	v1 =	vadd.f32 v48, v1;
	v7 =	vtrunc.f32 v18;
	v11 =	vmul.f32 v11, v52  }
0x25f: {  	v7 =	vcvt.f32.s32 v7;
	v57 =	vsub.f32 $1.000000000e+00, v9;
	v21 =	vmul.f32 v9, v53  }
0x260: {  	v22 =	vsub.f32 $1.000000000e+00, v2;
	v58 =	vmul.f32 v9, v50;
	v4 =	vmul.f32 v9, v4  }
0x261: {  	v59 =	vld [tilespmem:s15+$0x15E70];
	v8 =	vmul.f32 v8, v9;
	v3 =	vadd.f32 v3, v11;
	v11 =	vmul.f32 v57, v55  }
0x262: {  	v6 =	vadd.f32 v6, v15;
	v13 =	vmul.f32 v57, v54;
	v9 =	vld [tilespmem:s15+$0x16490];
	v5 =	vmul.f32 v57, v5  }
0x263: {  	v61 =	vld [tilespmem:s15+$0x16AB0];
	v62 =	vmul.f32 v57, v56;
	v7 =	vcvt.s32.f32 v7;
	v4 =	vadd.f32 v11, v4  }
0x264: {  	v6 =	vmul.f32 v6, v22;
	v5 =	vadd.f32 v8, v5;
	v8 =	vsub.f32 $1.000000000e+00, v10  }
0x265: {  	v2 =	vmul.f32 v3, v2;
	v3 =	vsub.f32 v18, v7;
	v7 =	vadd.f32 v62, v58  }
0x266: {  	v60 =	vadd.f32 v13, v21;
	v11 =	vadd.f32 $1.000000000e+00, v59;
	v4 =	vmul.f32 v4, v10  }
0x267: {  	v5 =	vmul.f32 v5, v10;
	v7 =	vmul.f32 v7, v8;
	v9 =	vadd.f32 $1.000000000e+00, v9  }
0x268: {  	v12 =	vmul.f32 v60, v8;
	v10 =	vadd.f32 $1.000000000e+00, v61;
	v11 =	vmul.f32 $5.000000000e-01, v11  }
0x269: {  	v63 =	vsub.f32 $1.000000000e+00, v3;
	v5 =	vadd.f32 v5, v7;
	v9 =	vmul.f32 $5.000000000e-01, v9  }
0x26a: {  	s0 =	sadd.s32 $0x10, s31;
	v2 =	vadd.f32 v2, v6;
	v8 =	vmul.f32 $5.000000000e-01, v10;
	v10 =	vmul.f32 $6.300000000e+01, v11  }
0x26b: {  	p5 =	slt.u32 s0, $0x186A0;
	v4 =	vadd.f32 v4, v12;
	v3 =	vmul.f32 v5, v3;
	v5 =	vld [tilespmem:s14+$0x15E70];
	v9 =	vmul.f32 $6.300000000e+01, v9  }
0x26c: {  	v2 =	vpsel !p5, $0x0, v2;
	v6 =	vmax.f32 v10, $0.0e+00;
	v8 =	vmul.f32 $6.300000000e+01, v8  }
0x26d: {  	v4 =	vmul.f32 v4, v63;
	v6 =	vmin.f32 v6, $6.299990080e+01;
	v7 =	vmax.f32 v9, $0.0e+00  }
0x26e: {  	v6 =	vtrunc.f32 v6;
	v8 =	vmax.f32 v8, $0.0e+00;
	v9 =	vld [tilespmem:s14+$0x16490];
	v7 =	vmin.f32 v7, $6.299990080e+01  }
0x26f: {  	s0 =	sadd.s32 $0x10, s0;
	v10 =	vld [tilespmem:s14+$0x16AB0];
	v3 =	vadd.f32 v3, v4;
	v6 =	vcvt.f32.s32 v6;
	v7 =	vtrunc.f32 v7  }
0x270: {  	p6 =	slt.u32 s0, $0x186A0;
	v8 =	vmin.f32 v8, $6.299990080e+01;
	v5 =	vadd.f32 $1.000000000e+00, v5;
	v7 =	vcvt.f32.s32 v7  }
0x271: {  	v4 =	vtrunc.f32 v8;
	v8 =	vmul.f32 v2, v2;
	v3 =	vpsel !p6, $0x0, v3  }
0x272: {  	v6 =	vshll.u32 v6, $0xC;
	v5 =	vmul.f32 $5.000000000e-01, v5;
	v7 =	vshll.u32 v7, $0x6  }
0x273: {  	v4 =	vcvt.f32.s32 v4;
	v2 =	vadd.s32 v6, v7;
	v6 =	vadd.f32 $1.000000000e+00, v9  }
0x274: {  	v1 =	vadd.f32 v8, v1;
	v7 =	vadd.f32 $1.000000000e+00, v10;
	v9 =	vmul.f32 $6.300000000e+01, v5  }
0x275: {  	v2 =	vadd.s32 v4, v2;
	v4 =	vmul.f32 v3, v3;
	v6 =	vmul.f32 $5.000000000e-01, v6  }
0x276: {  	s21 =	simm.s32 $0x20;
	[tilespmem:s15+$0x18020] =	vst v2;
	v8 =	vadd.s32 $0x1041, v2;
	v7 =	vmul.f32 $5.000000000e-01, v7;
	v11 =	vadd.s32 $0x40, v2  }
0x277: {  	v3 =	vld [tilespmem:s21+$0x15E70];
	v1 =	vadd.f32 v4, v1;
	v4 =	vadd.s32 $0x1, v2;
	[tilespmem:s15+$0x19590] =	vst v8;
	v10 =	vmul.f32 $6.300000000e+01, v6  }
0x278: {  	s6 =	simm.s32 $0xC0;
	v8 =	vadd.s32 $0x41, v2;
	v5 =	vld [tilespmem:s21+$0x16490];
	[tilespmem:s15+$0x18330] =	vst v4;
	v6 =	vadd.s32 $0x1000, v2;
	v4 =	vadd.s32 $0x1001, v2  }
.LBB2_22:
0x279: {  	p0 =	sne.s32 s6, $0xC00;
	v9 =	vmax.f32 v9, $0.0e+00;
	v10 =	vmax.f32 v10, $0.0e+00;
	v7 =	vmul.f32 $6.300000000e+01, v7;
	[tilespmem:s15+$0x18640] =	vst v11  }
0x27a: {  	v2 =	vadd.s32 $0x1040, v2;
	v11 =	vld [tilespmem:s21+$0x16AB0];
	v9 =	vmin.f32 v9, $6.299990080e+01;
	v10 =	vmin.f32 v10, $6.299990080e+01;
	[tilespmem:s15+$0x18950] =	vst v8  }
0x27b: {  	v8 =	vtrunc.f32 v9;
	v9 =	vtrunc.f32 v10;
	v7 =	vmax.f32 v7, $0.0e+00;
	[tilespmem:s15+$0x18C60] =	vst v6  }
0x27c: {  	v6 =	vcvt.f32.s32 v8;
	v8 =	vcvt.f32.s32 v9;
	v7 =	vmin.f32 v7, $6.299990080e+01;
	[tilespmem:s15+$0x18F70] =	vst v4  }
0x27d: {  	v3 =	vadd.f32 $1.000000000e+00, v3;
	v4 =	vadd.f32 $1.000000000e+00, v5;
	v5 =	vtrunc.f32 v7;
	[tilespmem:s15+$0x19280] =	vst v2;
	s15 =	smov.u32 s14;
	s14 =	smov.u32 s21  }
0x27e: {  	v2 =	vcvt.f32.s32 v5;
	v5 =	vshll.u32 v6, $0xC;
	v6 =	vshll.u32 v8, $0x6  }
.Ltmp10:
0x27f: {  	v7 =	vadd.f32 $1.000000000e+00, v11;
	v5 =	vadd.s32 v5, v6;
	(pc) =	sbr.rel @p0 .LBB2_22-.Ltmp10, $4  }
0x280: {  	v6 =	vmul.f32 $5.000000000e-01, v3;
	v4 =	vmul.f32 $5.000000000e-01, v4;
	v2 =	vadd.s32 v2, v5  }
0x281: {  	s21 =	sshra.s32 s6, $0x2;
	v7 =	vmul.f32 $5.000000000e-01, v7;
	[tilespmem:s15+$0x18020] =	vst v2;
	v8 =	vadd.s32 $0x1, v2;
	v5 =	vadd.s32 $0x1041, v2  }
0x282: {  	v9 =	vmul.f32 $6.300000000e+01, v6;
	v10 =	vmul.f32 $6.300000000e+01, v4;
	v11 =	vadd.s32 $0x40, v2;
	v3 =	vld [tilespmem:s21+$0x15E70];
	[tilespmem:s15+$0x19590] =	vst v5  }
0x283: {  	s6 =	sadd.s32 $0x40, s6;
	v6 =	vadd.s32 $0x1000, v2;
	v4 =	vadd.s32 $0x1001, v2;
	v5 =	vld [tilespmem:s21+$0x16490];
	[tilespmem:s15+$0x18330] =	vst v8;
	v8 =	vadd.s32 $0x41, v2  }
0x284: {  	[tilespmem:s15+$0x18640] =	vst v11;
	v9 =	vmax.f32 v9, $0.0e+00;
	v10 =	vmax.f32 v10, $0.0e+00;
	v7 =	vmul.f32 $6.300000000e+01, v7  }
0x285: {  	v11 =	vld [tilespmem:s21+$0x16AB0];
	v9 =	vmin.f32 v9, $6.299990080e+01;
	v10 =	vmin.f32 v10, $6.299990080e+01  }
0x286: {  	v9 =	vtrunc.f32 v9;
	v10 =	vtrunc.f32 v10;
	v7 =	vmax.f32 v7, $0.0e+00  }
0x287: {  	v9 =	vcvt.f32.s32 v9;
	v7 =	vmin.f32 v7, $6.299990080e+01;
	v3 =	vadd.f32 $1.000000000e+00, v3  }
0x288: {  	v10 =	vcvt.f32.s32 v10;
	v5 =	vadd.f32 $1.000000000e+00, v5;
	v7 =	vtrunc.f32 v7  }
0x289: {  	v7 =	vcvt.f32.s32 v7;
	v9 =	vshll.u32 v9, $0xC;
	v3 =	vmul.f32 $5.000000000e-01, v3  }
0x28a: {  	[tilespmem:s15+$0x18950] =	vst v8;
	v8 =	vshll.u32 v10, $0x6;
	v11 =	vadd.f32 $1.000000000e+00, v11;
	v5 =	vmul.f32 $5.000000000e-01, v5  }
0x28b: {  	v2 =	vadd.s32 $0x1040, v2;
	[tilespmem:s15+$0x18C60] =	vst v6;
	v6 =	vadd.s32 v9, v8;
	v3 =	vmul.f32 $6.300000000e+01, v3  }
0x28c: {  	[tilespmem:s15+$0x18F70] =	vst v4;
	v4 =	vadd.s32 v7, v6;
	v8 =	vmul.f32 $5.000000000e-01, v11;
	v5 =	vmul.f32 $6.300000000e+01, v5  }
0x28d: {  	[tilespmem:s15+$0x19280] =	vst v2;
	v2 =	vadd.s32 $0x1, v4;
	v6 =	vadd.s32 $0x1041, v4;
	v7 =	vadd.s32 $0x40, v4  }
0x28e: {  	[tilespmem:s14+$0x18020] =	vst v4;
	v3 =	vmax.f32 v3, $0.0e+00;
	v5 =	vmax.f32 v5, $0.0e+00;
	v8 =	vmul.f32 $6.300000000e+01, v8  }
0x28f: {  	[tilespmem:s14+$0x19590] =	vst v6;
	v6 =	vadd.s32 $0x41, v4;
	v3 =	vmin.f32 v3, $6.299990080e+01;
	v5 =	vmin.f32 v5, $6.299990080e+01  }
0x290: {  	[tilespmem:s14+$0x18330] =	vst v2;
	v2 =	vtrunc.f32 v3;
	v3 =	vtrunc.f32 v5;
	v5 =	vmax.f32 v8, $0.0e+00  }
0x291: {  	[tilespmem:s14+$0x18640] =	vst v7;
	v2 =	vcvt.f32.s32 v2;
	v3 =	vcvt.f32.s32 v3;
	v5 =	vmin.f32 v5, $6.299990080e+01  }
0x292: {  	v7 =	vadd.s32 $0x1000, v4;
	[tilespmem:s14+$0x18950] =	vst v6;
	v8 =	vadd.s32 $0x1001, v4;
	v5 =	vtrunc.f32 v5  }
0x293: {  	[tilespmem:s14+$0x18C60] =	vst v7;
	v2 =	vshll.u32 v2, $0xC;
	v5 =	vcvt.f32.s32 v5;
	v3 =	vshll.u32 v3, $0x6  }
0x294: {  	v4 =	vadd.s32 $0x1040, v4;
	[tilespmem:s14+$0x18F70] =	vst v8;
	v2 =	vadd.s32 v2, v3  }
0x295: {  	[tilespmem:s14+$0x19280] =	vst v4;
	v2 =	vadd.s32 v5, v2  }
0x296: {  	[tilespmem:s21+$0x18020] =	vst v2;
	v3 =	vadd.s32 $0x1041, v2  }
0x297: {  	v4 =	vadd.s32 $0x1, v2;
	[tilespmem:s21+$0x19590] =	vst v3  }
0x298: {  	v3 =	vadd.s32 $0x40, v2;
	[tilespmem:s21+$0x18330] =	vst v4  }
0x299: {  	v4 =	vadd.s32 $0x41, v2;
	[tilespmem:s21+$0x18640] =	vst v3  }
0x29a: {  	v3 =	vadd.s32 $0x1000, v2;
	[tilespmem:s21+$0x18950] =	vst v4  }
0x29b: {  	v4 =	vadd.s32 $0x1001, v2;
	[tilespmem:s21+$0x18C60] =	vst v3  }
0x29c: {  	s0 =	rddreg [dreg:$0x5];
	v2 =	vadd.s32 $0x1040, v2;
	[tilespmem:s21+$0x18F70] =	vst v4  }
0x29d: {  	s6 =	simm.s32 $0x310;
	s8 =	simm.s32 $0x18020;
	s9 =	simm.s32 $0x198A0;
	[tilespmem:s21+$0x19280] =	vst v2  }
0x29e: {  	[tilespmem:s9], [sflag:$0x3] =	stream.indirect.gather [hbm4b:s0+s6], $0x1, s8, s6, $0xb8;
	[tilespmem:$0x1B130] =	vst v63  }
0x29f: {  	s15 =	simm.s32 $0x18330;
	s21 =	simm.s32 $0x19BB0  }
0x2a0: {  	[tilespmem:s21], [sflag:$0x3] =	stream.indirect.gather [hbm4b:s0+s6], $0x1, s15, s6, $0xb8;
	[tilespmem:$0x1B130] =	vst v63  }
0x2a1: {  	s14 =	simm.s32 $0x19EC0;
	s9 =	simm.s32 $0x18640  }
0x2a2: {  	[tilespmem:s14], [sflag:$0x3] =	stream.indirect.gather [hbm4b:s0+s6], $0x1, s9, s6, $0xb8;
	[tilespmem:$0x1B130] =	vst v63  }
0x2a3: {  	s15 =	simm.s32 $0x18950;
	s21 =	simm.s32 $0x1A1D0  }
0x2a4: {  	[tilespmem:s21], [sflag:$0x3] =	stream.indirect.gather [hbm4b:s0+s6], $0x1, s15, s6, $0xb8;
	[tilespmem:$0x1B130] =	vst v63  }
0x2a5: {  	s9 =	simm.s32 $0x18C60;
	s14 =	simm.s32 $0x1A4E0  }
0x2a6: {  	[tilespmem:s14], [sflag:$0x3] =	stream.indirect.gather [hbm4b:s0+s6], $0x1, s9, s6, $0xb8;
	[tilespmem:$0x1B130] =	vst v63  }
0x2a7: {  	s15 =	simm.s32 $0x18F70;
	s21 =	simm.s32 $0x1A7F0  }
0x2a8: {  	[tilespmem:s21], [sflag:$0x3] =	stream.indirect.gather [hbm4b:s0+s6], $0x1, s15, s6, $0xb8;
	[tilespmem:$0x1B130] =	vst v63  }
0x2a9: {  	s9 =	simm.s32 $0x19280;
	s14 =	simm.s32 $0x1AB00  }
0x2aa: {  	[tilespmem:s14], [sflag:$0x3] =	stream.indirect.gather [hbm4b:s0+s6], $0x1, s9, s6, $0xb8;
	[tilespmem:$0x1B130] =	vst v63  }
0x2ab: {  	s15 =	simm.s32 $0x19590;
	s21 =	simm.s32 $0x1AE10  }
0x2ac: {  	[tilespmem:s21], [sflag:$0x3] =	stream.indirect.gather [hbm4b:s0+s6], $0x1, s15, s6, $0xb8;
	[tilespmem:$0x1B130] =	vst v63  }
0x2ad: {  	_ =	swait.ge [sflag:s20], $0x310  }
0x2ae: {  	[sflag:s20] =	ssyncset.done $0x0  }
0x2af: {  	[sflag:s20] =	ssyncadd.s32 $0xFFFFFCF0  }
0x2b0: {  	_ =	swait.ge [sflag:s20], $0x310  }
0x2b1: {  	[sflag:s20] =	ssyncset.done $0x0  }
0x2b2: {  	[sflag:s20] =	ssyncadd.s32 $0xFFFFFCF0  }
0x2b3: {  	_ =	swait.ge [sflag:s20], $0x310  }
0x2b4: {  	[sflag:s20] =	ssyncset.done $0x0  }
0x2b5: {  	[sflag:s20] =	ssyncadd.s32 $0xFFFFFCF0  }
0x2b6: {  	_ =	swait.ge [sflag:s20], $0x310  }
0x2b7: {  	[sflag:s20] =	ssyncset.done $0x0  }
0x2b8: {  	[sflag:s20] =	ssyncadd.s32 $0xFFFFFCF0  }
0x2b9: {  	_ =	swait.ge [sflag:s20], $0x310  }
0x2ba: {  	[sflag:s20] =	ssyncset.done $0x0  }
0x2bb: {  	[sflag:s20] =	ssyncadd.s32 $0xFFFFFCF0  }
0x2bc: {  	_ =	swait.ge [sflag:s20], $0x310  }
0x2bd: {  	[sflag:s20] =	ssyncset.done $0x0  }
0x2be: {  	[sflag:s20] =	ssyncadd.s32 $0xFFFFFCF0  }
0x2bf: {  	_ =	swait.ge [sflag:s20], $0x310  }
0x2c0: {  	[sflag:s20] =	ssyncset.done $0x0  }
0x2c1: {  	[sflag:s20] =	ssyncadd.s32 $0xFFFFFCF0  }
0x2c2: {  	_ =	swait.ge [sflag:s20], $0x310  }
0x2c3: {  	[sflag:s20] =	ssyncset.done $0x0  }
0x2c4: {  	s15 =	simm.s32 $0x0;
	[sflag:s20] =	ssyncadd.s32 $0xFFFFFCF0  }
0x2c5: {  	v2 =	vld [tilespmem:s15+$0x16490]  }
0x2c6: {  	v3 =	vld [tilespmem:s15+$0x15E70]  }
0x2c7: {  	s14 =	simm.s32 $0x10;
	v4 =	vld [tilespmem:s15+$0x16AB0]  }
0x2c8: {  	v5 =	vld [tilespmem:s14+$0x16490]  }
0x2c9: {  	v6 =	vld [tilespmem:s14+$0x15E70];
	_ =	sdelay $0x2  }
0x2ca: {  	v2 =	vadd.f32 $1.000000000e+00, v2;
	v3 =	vadd.f32 $1.000000000e+00, v3  }
0x2cb: {  	v4 =	vadd.f32 $1.000000000e+00, v4;
	v5 =	vadd.f32 $1.000000000e+00, v5  }
0x2cc: {  	v6 =	vadd.f32 $1.000000000e+00, v6;
	v2 =	vmul.f32 $5.000000000e-01, v2;
	v3 =	vmul.f32 $5.000000000e-01, v3  }
0x2cd: {  	v4 =	vmul.f32 $5.000000000e-01, v4;
	v5 =	vmul.f32 $5.000000000e-01, v5  }
0x2ce: {  	v6 =	vmul.f32 $5.000000000e-01, v6;
	v2 =	vmul.f32 $6.300000000e+01, v2  }
0x2cf: {  	v3 =	vmul.f32 $6.300000000e+01, v3;
	v4 =	vmul.f32 $6.300000000e+01, v4  }
0x2d0: {  	v9 =	vld [tilespmem:s15+$0x1AB00];
	v5 =	vmul.f32 $6.300000000e+01, v5;
	v6 =	vmul.f32 $6.300000000e+01, v6;
	v2 =	vmax.f32 v2, $0.0e+00  }
0x2d1: {  	v12 =	vld [tilespmem:s15+$0x1A7F0];
	v3 =	vmax.f32 v3, $0.0e+00;
	v4 =	vmax.f32 v4, $0.0e+00;
	v7 =	vmin.f32 v2, $6.299990080e+01  }
0x2d2: {  	v2 =	vld [tilespmem:s14+$0x16AB0];
	v10 =	vmin.f32 v3, $6.299990080e+01;
	v4 =	vmin.f32 v4, $6.299990080e+01;
	v8 =	vtrunc.f32 v7  }
0x2d3: {  	v13 =	vld [tilespmem:s15+$0x1AE10];
	v11 =	vtrunc.f32 v10;
	v18 =	vtrunc.f32 v4  }
0x2d4: {  	s21 =	simm.s32 $0x20;
	v14 =	vld [tilespmem:s15+$0x1A4E0];
	v6 =	vmax.f32 v6, $0.0e+00;
	v3 =	vcvt.f32.s32 v8;
	v11 =	vcvt.f32.s32 v11  }
0x2d5: {  	v19 =	vld [tilespmem:s21+$0x16AB0];
	v17 =	vmin.f32 v6, $6.299990080e+01;
	v18 =	vcvt.f32.s32 v18  }
0x2d6: {  	v23 =	vld [tilespmem:s21+$0x16490];
	v11 =	vcvt.s32.f32 v11;
	v15 =	vcvt.s32.f32 v3;
	v3 =	vmax.f32 v5, $0.0e+00  }
0x2d7: {  	v21 =	vtrunc.f32 v17;
	v5 =	vld [tilespmem:s15+$0x198A0];
	v2 =	vadd.f32 $1.000000000e+00, v2;
	v3 =	vmin.f32 v3, $6.299990080e+01  }
0x2d8: {  	v8 =	vld [tilespmem:s15+$0x1A1D0];
	v18 =	vcvt.s32.f32 v18;
	v10 =	vsub.f32 v10, v11;
	v6 =	vtrunc.f32 v3  }
0x2d9: {  	v11 =	vld [tilespmem:s15+$0x19EC0];
	v2 =	vmul.f32 $5.000000000e-01, v2;
	v6 =	vcvt.f32.s32 v6  }
0x2da: {  	v16 =	vld [tilespmem:s15+$0x19BB0];
	v20 =	vsub.f32 $1.000000000e+00, v10;
	v14 =	vmul.f32 v10, v14;
	v13 =	vmul.f32 v13, v10  }
0x2db: {  	v22 =	vld [tilespmem:s21+$0x15E70];
	v12 =	vmul.f32 v10, v12;
	v2 =	vmul.f32 $6.300000000e+01, v2  }
0x2dc: {  	v15 =	vsub.f32 v7, v15;
	v9 =	vmul.f32 v10, v9;
	v5 =	vmul.f32 v20, v5  }
0x2dd: {  	v10 =	vmul.f32 v20, v8;
	v8 =	vcvt.s32.f32 v6;
	v2 =	vmax.f32 v2, $0.0e+00  }
0x2de: {  	v7 =	vmul.f32 v20, v11;
	v11 =	vadd.f32 $1.000000000e+00, v19;
	v19 =	vadd.f32 $1.000000000e+00, v23  }
0x2df: {  	v2 =	vmin.f32 v2, $6.299990080e+01;
	v5 =	vadd.f32 v5, v14;
	v14 =	vmul.f32 v20, v16  }
0x2e0: {  	v16 =	vadd.f32 $1.000000000e+00, v22;
	v20 =	vcvt.f32.s32 v21;
	v10 =	vadd.f32 v13, v10  }
0x2e1: {  	v6 =	vld [tilespmem:s14+$0x1AB00];
	v13 =	vsub.f32 $1.000000000e+00, v15;
	v9 =	vadd.f32 v7, v9;
	v21 =	vmul.f32 $5.000000000e-01, v11  }
0x2e2: {  	v22 =	vsub.f32 v4, v18;
	v4 =	vld [tilespmem:s21+$0x1AB00];
	v11 =	vmul.f32 $5.000000000e-01, v19;
	v16 =	vmul.f32 $5.000000000e-01, v16  }
0x2e3: {  	v7 =	vld [tilespmem:s14+$0x1A1D0];
	v12 =	vadd.f32 v14, v12;
	v14 =	vmul.f32 v5, v13;
	v9 =	vmul.f32 v9, v15  }
0x2e4: {  	v5 =	vld [tilespmem:s21+$0x1A1D0];
	v19 =	vmul.f32 v10, v15;
	v23 =	vsub.f32 $1.000000000e+00, v22;
	v18 =	vmul.f32 $6.300000000e+01, v11  }
0x2e5: {  	v11 =	vld [tilespmem:s14+$0x1A7F0];
	v10 =	vmul.f32 $6.300000000e+01, v16;
	v14 =	vadd.f32 v9, v14;
	v9 =	vmul.f32 v12, v13  }
0x2e6: {  	s8 =	sld [smem:$0x7FB];
	v20 =	vcvt.s32.f32 v20;
	v15 =	vld [tilespmem:s14+$0x1A4E0];
	v12 =	vmax.f32 v18, $0.0e+00;
	v18 =	vmul.f32 $6.300000000e+01, v21  }
0x2e7: {  	v13 =	vld [tilespmem:s14+$0x1AE10];
	v16 =	vmax.f32 v10, $0.0e+00;
	v10 =	vmin.f32 v12, $6.299990080e+01;
	v21 =	vadd.f32 v19, v9  }
0x2e8: {  	v9 =	vmin.f32 v16, $6.299990080e+01;
	v12 =	vtrunc.f32 v10;
	v16 =	vld [tilespmem:s14+$0x198A0];
	v19 =	vmul.f32 v14, v23  }
0x2e9: {  	s0 =	simm.s32 $0xC0;
	s6 =	simm.s32 $0x10;
	s31 =	smov.u32 s8;
	v14 =	vsub.f32 v17, v20;
	v17 =	vld [tilespmem:s14+$0x19EC0];
	v12 =	vcvt.f32.s32 v12;
	v20 =	vmul.f32 v21, v22  }
.LBB2_24:
0x2ea: {  	s31 =	sadd.s32 $0x10, s31;
	s9 =	smov.u32 s0  }
0x2eb: {  	v21 =	vtrunc.f32 v9;
	v18 =	vmax.f32 v18, $0.0e+00;
	v22 =	vtrunc.f32 v2;
	v23 =	vld [tilespmem:s6+$0x19BB0];
	s6 =	smov.u32 s21;
	s21 =	sshra.s32 s0, $0x2;
	s9 =	sadd.s32 $0x40, s0  }
0x2ec: {  	p0 =	sne.s32 s0, $0xC00;
	p1 =	slt.u32 s8, $0x186A0;
	v22 =	vcvt.f32.s32 v22;
	v25 =	vsub.f32 $1.000000000e+00, v14;
	v19 =	vadd.f32 v20, v19;
	s8 =	smov.u32 s31;
	v24 =	vld [tilespmem:s21+$0x16AB0]  }
0x2ed: {  	v18 =	vmin.f32 v18, $6.299990080e+01;
	v13 =	vmul.f32 v13, v14;
	v15 =	vmul.f32 v14, v15;
	v20 =	vld [tilespmem:s21+$0x15E70]  }
0x2ee: {  	v11 =	vmul.f32 v14, v11;
	v16 =	vmul.f32 v25, v16;
	v19 =	vpsel !p1, $0x0, v19;
	v26 =	vld [tilespmem:s21+$0x16490]  }
0x2ef: {  	v28 =	vsub.f32 v3, v8;
	v3 =	vmovc v10;
	v17 =	vmul.f32 v25, v17;
	v19 =	vmul.f32 v19, v19;
	v27 =	vld [tilespmem:s21+$0x1AB00]  }
0x2f0: {  	v14 =	vmul.f32 v14, v6;
	v6 =	vmovc v4;
	v15 =	vadd.f32 v16, v15;
	v16 =	vmul.f32 v25, v7;
	v10 =	vld [tilespmem:s21+$0x1A1D0]  }
0x2f1: {  	v8 =	vcvt.s32.f32 v12;
	v12 =	vmul.f32 v25, v23;
	v7 =	vmovc v5;
	v24 =	vadd.f32 $1.000000000e+00, v24  }
0x2f2: {  	v23 =	vcvt.s32.f32 v22;
	v1 =	vadd.f32 v19, v1;
	v20 =	vadd.f32 $1.000000000e+00, v20  }
0x2f3: {  	v21 =	vcvt.f32.s32 v21;
	v14 =	vadd.f32 v17, v14;
	v19 =	vadd.f32 $1.000000000e+00, v26  }
0x2f4: {  	v13 =	vadd.f32 v13, v16;
	v16 =	vsub.f32 $1.000000000e+00, v28;
	v17 =	vmul.f32 $5.000000000e-01, v24;
	v4 =	vmovc v27  }
0x2f5: {  	v22 =	vsub.f32 v2, v23;
	v2 =	vmovc v18;
	v14 =	vmul.f32 v14, v28;
	v19 =	vmul.f32 $5.000000000e-01, v19;
	v5 =	vmovc v10  }
0x2f6: {  	v12 =	vadd.f32 v12, v11;
	v15 =	vmul.f32 v15, v16;
	v10 =	vmul.f32 $5.000000000e-01, v20  }
0x2f7: {  	v20 =	vsub.f32 $1.000000000e+00, v22;
	v18 =	vmul.f32 $6.300000000e+01, v19;
	v19 =	vmul.f32 v13, v28  }
.Ltmp11:
0x2f8: {  	v12 =	vmul.f32 v12, v16;
	v14 =	vadd.f32 v14, v15;
	v10 =	vmul.f32 $6.300000000e+01, v10;
	v11 =	vld [tilespmem:s6+$0x1A7F0];
	(pc) =	sbr.rel @p0 .LBB2_24-.Ltmp11, $4  }
0x2f9: {  	v15 =	vmax.f32 v18, $0.0e+00;
	v18 =	vmul.f32 $6.300000000e+01, v17;
	v17 =	vcvt.s32.f32 v21;
	v13 =	vld [tilespmem:s6+$0x1AE10]  }
0x2fa: {  	v16 =	vmax.f32 v10, $0.0e+00;
	v21 =	vadd.f32 v19, v12;
	v10 =	vmin.f32 v15, $6.299990080e+01;
	v15 =	vld [tilespmem:s6+$0x1A4E0]  }
0x2fb: {  	v19 =	vmul.f32 v14, v20;
	v23 =	vmin.f32 v16, $6.299990080e+01;
	v12 =	vtrunc.f32 v10;
	v16 =	vld [tilespmem:s6+$0x198A0]  }
0x2fc: {  	s0 =	smov.u32 s9;
	v14 =	vsub.f32 v9, v17;
	v20 =	vmul.f32 v21, v22;
	v9 =	vmovc v23;
	v12 =	vcvt.f32.s32 v12;
	v17 =	vld [tilespmem:s6+$0x19EC0]  }
0x2fd: {  	v21 =	vtrunc.f32 v9;
	v18 =	vmax.f32 v18, $0.0e+00;
	v22 =	vtrunc.f32 v2  }
0x2fe: {  	v3 =	vsub.f32 v3, v8;
	v22 =	vcvt.f32.s32 v22;
	v23 =	vsub.f32 $1.000000000e+00, v14  }
0x2ff: {  	v47 =	vld [tilespmem:s6+$0x19BB0];
	v19 =	vadd.f32 v20, v19;
	v13 =	vmul.f32 v13, v14;
	v11 =	vmul.f32 v14, v11  }
0x300: {  	v18 =	vmin.f32 v18, $6.299990080e+01;
	v6 =	vmul.f32 v14, v6;
	v49 =	vcvt.f32.s32 v21  }
0x301: {  	p0 =	slt.u32 s8, $0x186A0;
	v12 =	vcvt.s32.f32 v12;
	v15 =	vmul.f32 v14, v15;
	v52 =	vsub.f32 $1.000000000e+00, v3  }
0x302: {  	v16 =	vmul.f32 v23, v16;
	v19 =	vpsel !p0, $0x0, v19;
	v7 =	vmul.f32 v23, v7  }
0x303: {  	v50 =	vld [tilespmem:s21+$0x1A7F0];
	v22 =	vcvt.s32.f32 v22;
	v10 =	vsub.f32 v10, v12;
	v8 =	vmul.f32 v23, v17  }
0x304: {  	v53 =	vld [tilespmem:s21+$0x1A4E0];
	v48 =	vmul.f32 v19, v19;
	v15 =	vadd.f32 v16, v15;
	v51 =	vmul.f32 v23, v47  }
0x305: {  	v55 =	vld [tilespmem:s21+$0x19EC0];
	v16 =	vcvt.s32.f32 v49;
	v7 =	vadd.f32 v13, v7;
	v6 =	vadd.f32 v8, v6  }
0x306: {  	v2 =	vsub.f32 v2, v22;
	v8 =	vld [tilespmem:s21+$0x1AE10];
	v11 =	vadd.f32 v51, v11;
	v15 =	vmul.f32 v15, v52  }
0x307: {  	v54 =	vld [tilespmem:s21+$0x198A0];
	v9 =	vsub.f32 v9, v16;
	v6 =	vmul.f32 v6, v3;
	v3 =	vmul.f32 v7, v3  }
0x308: {  	v56 =	vld [tilespmem:s21+$0x19BB0];
	v1 =	vadd.f32 v48, v1;
	v7 =	vtrunc.f32 v18;
	v11 =	vmul.f32 v11, v52  }
0x309: {  	v7 =	vcvt.f32.s32 v7;
	v57 =	vsub.f32 $1.000000000e+00, v9;
	v21 =	vmul.f32 v9, v53  }
0x30a: {  	v22 =	vsub.f32 $1.000000000e+00, v2;
	v58 =	vmul.f32 v9, v50;
	v4 =	vmul.f32 v9, v4  }
0x30b: {  	v59 =	vld [tilespmem:s15+$0x16DC0];
	v8 =	vmul.f32 v8, v9;
	v3 =	vadd.f32 v3, v11;
	v11 =	vmul.f32 v57, v55  }
0x30c: {  	v6 =	vadd.f32 v6, v15;
	v13 =	vmul.f32 v57, v54;
	v9 =	vld [tilespmem:s15+$0x173E0];
	v5 =	vmul.f32 v57, v5  }
0x30d: {  	v61 =	vld [tilespmem:s15+$0x17A00];
	v62 =	vmul.f32 v57, v56;
	v7 =	vcvt.s32.f32 v7;
	v4 =	vadd.f32 v11, v4  }
0x30e: {  	v6 =	vmul.f32 v6, v22;
	v5 =	vadd.f32 v8, v5;
	v8 =	vsub.f32 $1.000000000e+00, v10  }
0x30f: {  	v2 =	vmul.f32 v3, v2;
	v3 =	vsub.f32 v18, v7;
	v7 =	vadd.f32 v62, v58  }
0x310: {  	v60 =	vadd.f32 v13, v21;
	v11 =	vadd.f32 $1.000000000e+00, v59;
	v4 =	vmul.f32 v4, v10  }
0x311: {  	v5 =	vmul.f32 v5, v10;
	v7 =	vmul.f32 v7, v8;
	v9 =	vadd.f32 $1.000000000e+00, v9  }
0x312: {  	v12 =	vmul.f32 v60, v8;
	v10 =	vadd.f32 $1.000000000e+00, v61;
	v11 =	vmul.f32 $5.000000000e-01, v11  }
0x313: {  	v63 =	vsub.f32 $1.000000000e+00, v3;
	v5 =	vadd.f32 v5, v7;
	v9 =	vmul.f32 $5.000000000e-01, v9  }
0x314: {  	s0 =	sadd.s32 $0x10, s31;
	v2 =	vadd.f32 v2, v6;
	v8 =	vmul.f32 $5.000000000e-01, v10;
	v10 =	vmul.f32 $6.300000000e+01, v11  }
0x315: {  	p5 =	slt.u32 s0, $0x186A0;
	v4 =	vadd.f32 v4, v12;
	v3 =	vmul.f32 v5, v3;
	v5 =	vld [tilespmem:s14+$0x16DC0];
	v9 =	vmul.f32 $6.300000000e+01, v9  }
0x316: {  	v2 =	vpsel !p5, $0x0, v2;
	v6 =	vmax.f32 v10, $0.0e+00;
	v8 =	vmul.f32 $6.300000000e+01, v8  }
0x317: {  	v4 =	vmul.f32 v4, v63;
	v6 =	vmin.f32 v6, $6.299990080e+01;
	v7 =	vmax.f32 v9, $0.0e+00  }
0x318: {  	v6 =	vtrunc.f32 v6;
	v8 =	vmax.f32 v8, $0.0e+00;
	v9 =	vld [tilespmem:s14+$0x173E0];
	v7 =	vmin.f32 v7, $6.299990080e+01  }
0x319: {  	s0 =	sadd.s32 $0x10, s0;
	v10 =	vld [tilespmem:s14+$0x17A00];
	v3 =	vadd.f32 v3, v4;
	v6 =	vcvt.f32.s32 v6;
	v7 =	vtrunc.f32 v7  }
0x31a: {  	p6 =	slt.u32 s0, $0x186A0;
	v8 =	vmin.f32 v8, $6.299990080e+01;
	v5 =	vadd.f32 $1.000000000e+00, v5;
	v7 =	vcvt.f32.s32 v7  }
0x31b: {  	v4 =	vtrunc.f32 v8;
	v8 =	vmul.f32 v2, v2;
	v3 =	vpsel !p6, $0x0, v3  }
0x31c: {  	v6 =	vshll.u32 v6, $0xC;
	v5 =	vmul.f32 $5.000000000e-01, v5;
	v7 =	vshll.u32 v7, $0x6  }
0x31d: {  	v4 =	vcvt.f32.s32 v4;
	v2 =	vadd.s32 v6, v7;
	v6 =	vadd.f32 $1.000000000e+00, v9  }
0x31e: {  	v1 =	vadd.f32 v8, v1;
	v7 =	vadd.f32 $1.000000000e+00, v10;
	v9 =	vmul.f32 $6.300000000e+01, v5  }
0x31f: {  	v2 =	vadd.s32 v4, v2;
	v4 =	vmul.f32 v3, v3;
	v6 =	vmul.f32 $5.000000000e-01, v6  }
0x320: {  	s21 =	simm.s32 $0x20;
	[tilespmem:s15+$0x18020] =	vst v2;
	v8 =	vadd.s32 $0x1041, v2;
	v7 =	vmul.f32 $5.000000000e-01, v7;
	v11 =	vadd.s32 $0x40, v2  }
0x321: {  	v3 =	vld [tilespmem:s21+$0x16DC0];
	v1 =	vadd.f32 v4, v1;
	v4 =	vadd.s32 $0x1, v2;
	[tilespmem:s15+$0x19590] =	vst v8;
	v10 =	vmul.f32 $6.300000000e+01, v6  }
0x322: {  	s6 =	simm.s32 $0xC0;
	v8 =	vadd.s32 $0x41, v2;
	v5 =	vld [tilespmem:s21+$0x173E0];
	[tilespmem:s15+$0x18330] =	vst v4;
	v6 =	vadd.s32 $0x1000, v2;
	v4 =	vadd.s32 $0x1001, v2  }
.LBB2_26:
0x323: {  	p0 =	sne.s32 s6, $0xC00;
	v9 =	vmax.f32 v9, $0.0e+00;
	v10 =	vmax.f32 v10, $0.0e+00;
	v7 =	vmul.f32 $6.300000000e+01, v7;
	[tilespmem:s15+$0x18640] =	vst v11  }
0x324: {  	v2 =	vadd.s32 $0x1040, v2;
	v11 =	vld [tilespmem:s21+$0x17A00];
	v9 =	vmin.f32 v9, $6.299990080e+01;
	v10 =	vmin.f32 v10, $6.299990080e+01;
	[tilespmem:s15+$0x18950] =	vst v8  }
0x325: {  	v8 =	vtrunc.f32 v9;
	v9 =	vtrunc.f32 v10;
	v7 =	vmax.f32 v7, $0.0e+00;
	[tilespmem:s15+$0x18C60] =	vst v6  }
0x326: {  	v6 =	vcvt.f32.s32 v8;
	v8 =	vcvt.f32.s32 v9;
	v7 =	vmin.f32 v7, $6.299990080e+01;
	[tilespmem:s15+$0x18F70] =	vst v4  }
0x327: {  	v3 =	vadd.f32 $1.000000000e+00, v3;
	v4 =	vadd.f32 $1.000000000e+00, v5;
	v5 =	vtrunc.f32 v7;
	[tilespmem:s15+$0x19280] =	vst v2;
	s15 =	smov.u32 s14;
	s14 =	smov.u32 s21  }
0x328: {  	v2 =	vcvt.f32.s32 v5;
	v5 =	vshll.u32 v6, $0xC;
	v6 =	vshll.u32 v8, $0x6  }
.Ltmp12:
0x329: {  	v7 =	vadd.f32 $1.000000000e+00, v11;
	v5 =	vadd.s32 v5, v6;
	(pc) =	sbr.rel @p0 .LBB2_26-.Ltmp12, $4  }
0x32a: {  	v6 =	vmul.f32 $5.000000000e-01, v3;
	v4 =	vmul.f32 $5.000000000e-01, v4;
	v2 =	vadd.s32 v2, v5  }
0x32b: {  	s21 =	sshra.s32 s6, $0x2;
	v7 =	vmul.f32 $5.000000000e-01, v7;
	[tilespmem:s15+$0x18020] =	vst v2;
	v8 =	vadd.s32 $0x1, v2;
	v5 =	vadd.s32 $0x1041, v2  }
0x32c: {  	v9 =	vmul.f32 $6.300000000e+01, v6;
	v10 =	vmul.f32 $6.300000000e+01, v4;
	v11 =	vadd.s32 $0x40, v2;
	v3 =	vld [tilespmem:s21+$0x16DC0];
	[tilespmem:s15+$0x19590] =	vst v5  }
0x32d: {  	s6 =	sadd.s32 $0x40, s6;
	v6 =	vadd.s32 $0x1000, v2;
	v4 =	vadd.s32 $0x1001, v2;
	v5 =	vld [tilespmem:s21+$0x173E0];
	[tilespmem:s15+$0x18330] =	vst v8;
	v8 =	vadd.s32 $0x41, v2  }
0x32e: {  	[tilespmem:s15+$0x18640] =	vst v11;
	v9 =	vmax.f32 v9, $0.0e+00;
	v10 =	vmax.f32 v10, $0.0e+00;
	v7 =	vmul.f32 $6.300000000e+01, v7  }
0x32f: {  	v11 =	vld [tilespmem:s21+$0x17A00];
	v9 =	vmin.f32 v9, $6.299990080e+01;
	v10 =	vmin.f32 v10, $6.299990080e+01  }
0x330: {  	v9 =	vtrunc.f32 v9;
	v10 =	vtrunc.f32 v10;
	v7 =	vmax.f32 v7, $0.0e+00  }
0x331: {  	v9 =	vcvt.f32.s32 v9;
	v7 =	vmin.f32 v7, $6.299990080e+01;
	v3 =	vadd.f32 $1.000000000e+00, v3  }
0x332: {  	v10 =	vcvt.f32.s32 v10;
	v5 =	vadd.f32 $1.000000000e+00, v5;
	v7 =	vtrunc.f32 v7  }
0x333: {  	v7 =	vcvt.f32.s32 v7;
	v9 =	vshll.u32 v9, $0xC;
	v3 =	vmul.f32 $5.000000000e-01, v3  }
0x334: {  	[tilespmem:s15+$0x18950] =	vst v8;
	v8 =	vshll.u32 v10, $0x6;
	v11 =	vadd.f32 $1.000000000e+00, v11;
	v5 =	vmul.f32 $5.000000000e-01, v5  }
0x335: {  	v2 =	vadd.s32 $0x1040, v2;
	[tilespmem:s15+$0x18C60] =	vst v6;
	v6 =	vadd.s32 v9, v8;
	v3 =	vmul.f32 $6.300000000e+01, v3  }
0x336: {  	[tilespmem:s15+$0x18F70] =	vst v4;
	v4 =	vadd.s32 v7, v6;
	v8 =	vmul.f32 $5.000000000e-01, v11;
	v5 =	vmul.f32 $6.300000000e+01, v5  }
0x337: {  	[tilespmem:s15+$0x19280] =	vst v2;
	v2 =	vadd.s32 $0x1, v4;
	v6 =	vadd.s32 $0x1041, v4;
	v7 =	vadd.s32 $0x40, v4  }
0x338: {  	[tilespmem:s14+$0x18020] =	vst v4;
	v3 =	vmax.f32 v3, $0.0e+00;
	v5 =	vmax.f32 v5, $0.0e+00;
	v8 =	vmul.f32 $6.300000000e+01, v8  }
0x339: {  	[tilespmem:s14+$0x19590] =	vst v6;
	v6 =	vadd.s32 $0x41, v4;
	v3 =	vmin.f32 v3, $6.299990080e+01;
	v5 =	vmin.f32 v5, $6.299990080e+01  }
0x33a: {  	[tilespmem:s14+$0x18330] =	vst v2;
	v2 =	vtrunc.f32 v3;
	v3 =	vtrunc.f32 v5;
	v5 =	vmax.f32 v8, $0.0e+00  }
0x33b: {  	[tilespmem:s14+$0x18640] =	vst v7;
	v2 =	vcvt.f32.s32 v2;
	v3 =	vcvt.f32.s32 v3;
	v5 =	vmin.f32 v5, $6.299990080e+01  }
0x33c: {  	v7 =	vadd.s32 $0x1000, v4;
	[tilespmem:s14+$0x18950] =	vst v6;
	v8 =	vadd.s32 $0x1001, v4;
	v5 =	vtrunc.f32 v5  }
0x33d: {  	[tilespmem:s14+$0x18C60] =	vst v7;
	v2 =	vshll.u32 v2, $0xC;
	v5 =	vcvt.f32.s32 v5;
	v3 =	vshll.u32 v3, $0x6  }
0x33e: {  	v4 =	vadd.s32 $0x1040, v4;
	[tilespmem:s14+$0x18F70] =	vst v8;
	v2 =	vadd.s32 v2, v3  }
0x33f: {  	[tilespmem:s14+$0x19280] =	vst v4;
	v2 =	vadd.s32 v5, v2  }
0x340: {  	[tilespmem:s21+$0x18020] =	vst v2;
	v3 =	vadd.s32 $0x1041, v2  }
0x341: {  	v4 =	vadd.s32 $0x1, v2;
	[tilespmem:s21+$0x19590] =	vst v3  }
0x342: {  	v3 =	vadd.s32 $0x40, v2;
	[tilespmem:s21+$0x18330] =	vst v4  }
0x343: {  	v4 =	vadd.s32 $0x41, v2;
	[tilespmem:s21+$0x18640] =	vst v3  }
0x344: {  	v3 =	vadd.s32 $0x1000, v2;
	[tilespmem:s21+$0x18950] =	vst v4  }
0x345: {  	v4 =	vadd.s32 $0x1001, v2;
	[tilespmem:s21+$0x18C60] =	vst v3  }
0x346: {  	s0 =	rddreg [dreg:$0x5];
	v2 =	vadd.s32 $0x1040, v2;
	[tilespmem:s21+$0x18F70] =	vst v4  }
0x347: {  	s6 =	simm.s32 $0x310;
	s8 =	simm.s32 $0x18020;
	s9 =	simm.s32 $0x198A0;
	[tilespmem:s21+$0x19280] =	vst v2  }
0x348: {  	[tilespmem:s9], [sflag:$0x3] =	stream.indirect.gather [hbm4b:s0+s6], $0x1, s8, s6, $0xb8;
	[tilespmem:$0x1B130] =	vst v63  }
0x349: {  	s15 =	simm.s32 $0x18330;
	s21 =	simm.s32 $0x19BB0  }
0x34a: {  	[tilespmem:s21], [sflag:$0x3] =	stream.indirect.gather [hbm4b:s0+s6], $0x1, s15, s6, $0xb8;
	[tilespmem:$0x1B130] =	vst v63  }
0x34b: {  	s14 =	simm.s32 $0x19EC0;
	s9 =	simm.s32 $0x18640  }
0x34c: {  	[tilespmem:s14], [sflag:$0x3] =	stream.indirect.gather [hbm4b:s0+s6], $0x1, s9, s6, $0xb8;
	[tilespmem:$0x1B130] =	vst v63  }
0x34d: {  	s15 =	simm.s32 $0x18950;
	s21 =	simm.s32 $0x1A1D0  }
0x34e: {  	[tilespmem:s21], [sflag:$0x3] =	stream.indirect.gather [hbm4b:s0+s6], $0x1, s15, s6, $0xb8;
	[tilespmem:$0x1B130] =	vst v63  }
0x34f: {  	s9 =	simm.s32 $0x18C60;
	s14 =	simm.s32 $0x1A4E0  }
0x350: {  	[tilespmem:s14], [sflag:$0x3] =	stream.indirect.gather [hbm4b:s0+s6], $0x1, s9, s6, $0xb8;
	[tilespmem:$0x1B130] =	vst v63  }
0x351: {  	s15 =	simm.s32 $0x18F70;
	s21 =	simm.s32 $0x1A7F0  }
0x352: {  	[tilespmem:s21], [sflag:$0x3] =	stream.indirect.gather [hbm4b:s0+s6], $0x1, s15, s6, $0xb8;
	[tilespmem:$0x1B130] =	vst v63  }
0x353: {  	s9 =	simm.s32 $0x19280;
	s14 =	simm.s32 $0x1AB00  }
0x354: {  	[tilespmem:s14], [sflag:$0x3] =	stream.indirect.gather [hbm4b:s0+s6], $0x1, s9, s6, $0xb8;
	[tilespmem:$0x1B130] =	vst v63  }
0x355: {  	s15 =	simm.s32 $0x19590;
	s21 =	simm.s32 $0x1AE10  }
0x356: {  	[tilespmem:s21], [sflag:$0x3] =	stream.indirect.gather [hbm4b:s0+s6], $0x1, s15, s6, $0xb8;
	[tilespmem:$0x1B130] =	vst v63  }
0x357: {  	_ =	swait.ge [sflag:s20], $0x310  }
0x358: {  	[sflag:s20] =	ssyncset.done $0x0  }
0x359: {  	[sflag:s20] =	ssyncadd.s32 $0xFFFFFCF0  }
0x35a: {  	_ =	swait.ge [sflag:s20], $0x310  }
0x35b: {  	[sflag:s20] =	ssyncset.done $0x0  }
0x35c: {  	[sflag:s20] =	ssyncadd.s32 $0xFFFFFCF0  }
0x35d: {  	_ =	swait.ge [sflag:s20], $0x310  }
0x35e: {  	[sflag:s20] =	ssyncset.done $0x0  }
0x35f: {  	[sflag:s20] =	ssyncadd.s32 $0xFFFFFCF0  }
0x360: {  	_ =	swait.ge [sflag:s20], $0x310  }
0x361: {  	[sflag:s20] =	ssyncset.done $0x0  }
0x362: {  	[sflag:s20] =	ssyncadd.s32 $0xFFFFFCF0  }
0x363: {  	_ =	swait.ge [sflag:s20], $0x310  }
0x364: {  	[sflag:s20] =	ssyncset.done $0x0  }
0x365: {  	[sflag:s20] =	ssyncadd.s32 $0xFFFFFCF0  }
0x366: {  	_ =	swait.ge [sflag:s20], $0x310  }
0x367: {  	[sflag:s20] =	ssyncset.done $0x0  }
0x368: {  	[sflag:s20] =	ssyncadd.s32 $0xFFFFFCF0  }
0x369: {  	_ =	swait.ge [sflag:s20], $0x310  }
0x36a: {  	[sflag:s20] =	ssyncset.done $0x0  }
0x36b: {  	[sflag:s20] =	ssyncadd.s32 $0xFFFFFCF0  }
0x36c: {  	_ =	swait.ge [sflag:s20], $0x310  }
0x36d: {  	[sflag:s20] =	ssyncset.done $0x0  }
0x36e: {  	s15 =	simm.s32 $0x0;
	[sflag:s20] =	ssyncadd.s32 $0xFFFFFCF0  }
0x36f: {  	v2 =	vld [tilespmem:s15+$0x173E0]  }
0x370: {  	v3 =	vld [tilespmem:s15+$0x16DC0]  }
0x371: {  	s14 =	simm.s32 $0x10;
	v4 =	vld [tilespmem:s15+$0x17A00]  }
0x372: {  	v5 =	vld [tilespmem:s14+$0x173E0]  }
0x373: {  	v6 =	vld [tilespmem:s14+$0x16DC0];
	_ =	sdelay $0x2  }
0x374: {  	v2 =	vadd.f32 $1.000000000e+00, v2;
	v3 =	vadd.f32 $1.000000000e+00, v3  }
0x375: {  	v4 =	vadd.f32 $1.000000000e+00, v4;
	v5 =	vadd.f32 $1.000000000e+00, v5  }
0x376: {  	v6 =	vadd.f32 $1.000000000e+00, v6;
	v2 =	vmul.f32 $5.000000000e-01, v2;
	v3 =	vmul.f32 $5.000000000e-01, v3  }
0x377: {  	v4 =	vmul.f32 $5.000000000e-01, v4;
	v5 =	vmul.f32 $5.000000000e-01, v5  }
0x378: {  	v6 =	vmul.f32 $5.000000000e-01, v6;
	v2 =	vmul.f32 $6.300000000e+01, v2  }
0x379: {  	v3 =	vmul.f32 $6.300000000e+01, v3;
	v4 =	vmul.f32 $6.300000000e+01, v4  }
0x37a: {  	v9 =	vld [tilespmem:s15+$0x1AB00];
	v5 =	vmul.f32 $6.300000000e+01, v5;
	v6 =	vmul.f32 $6.300000000e+01, v6;
	v2 =	vmax.f32 v2, $0.0e+00  }
0x37b: {  	v12 =	vld [tilespmem:s15+$0x1A7F0];
	v3 =	vmax.f32 v3, $0.0e+00;
	v4 =	vmax.f32 v4, $0.0e+00;
	v7 =	vmin.f32 v2, $6.299990080e+01  }
0x37c: {  	v2 =	vld [tilespmem:s14+$0x17A00];
	v10 =	vmin.f32 v3, $6.299990080e+01;
	v4 =	vmin.f32 v4, $6.299990080e+01;
	v8 =	vtrunc.f32 v7  }
0x37d: {  	v13 =	vld [tilespmem:s15+$0x1AE10];
	v11 =	vtrunc.f32 v10;
	v18 =	vtrunc.f32 v4  }
0x37e: {  	s21 =	simm.s32 $0x20;
	v14 =	vld [tilespmem:s15+$0x1A4E0];
	v6 =	vmax.f32 v6, $0.0e+00;
	v3 =	vcvt.f32.s32 v8;
	v11 =	vcvt.f32.s32 v11  }
0x37f: {  	v19 =	vld [tilespmem:s21+$0x17A00];
	v17 =	vmin.f32 v6, $6.299990080e+01;
	v18 =	vcvt.f32.s32 v18  }
0x380: {  	v23 =	vld [tilespmem:s21+$0x173E0];
	v11 =	vcvt.s32.f32 v11;
	v15 =	vcvt.s32.f32 v3;
	v3 =	vmax.f32 v5, $0.0e+00  }
0x381: {  	v21 =	vtrunc.f32 v17;
	v5 =	vld [tilespmem:s15+$0x198A0];
	v2 =	vadd.f32 $1.000000000e+00, v2;
	v3 =	vmin.f32 v3, $6.299990080e+01  }
0x382: {  	v8 =	vld [tilespmem:s15+$0x1A1D0];
	v18 =	vcvt.s32.f32 v18;
	v10 =	vsub.f32 v10, v11;
	v6 =	vtrunc.f32 v3  }
0x383: {  	v11 =	vld [tilespmem:s15+$0x19EC0];
	v2 =	vmul.f32 $5.000000000e-01, v2;
	v6 =	vcvt.f32.s32 v6  }
0x384: {  	v16 =	vld [tilespmem:s15+$0x19BB0];
	v20 =	vsub.f32 $1.000000000e+00, v10;
	v14 =	vmul.f32 v10, v14;
	v13 =	vmul.f32 v13, v10  }
0x385: {  	v22 =	vld [tilespmem:s21+$0x16DC0];
	v12 =	vmul.f32 v10, v12;
	v2 =	vmul.f32 $6.300000000e+01, v2  }
0x386: {  	v15 =	vsub.f32 v7, v15;
	v9 =	vmul.f32 v10, v9;
	v5 =	vmul.f32 v20, v5  }
0x387: {  	v10 =	vmul.f32 v20, v8;
	v8 =	vcvt.s32.f32 v6;
	v2 =	vmax.f32 v2, $0.0e+00  }
0x388: {  	v7 =	vmul.f32 v20, v11;
	v11 =	vadd.f32 $1.000000000e+00, v19;
	v19 =	vadd.f32 $1.000000000e+00, v23  }
0x389: {  	v2 =	vmin.f32 v2, $6.299990080e+01;
	v5 =	vadd.f32 v5, v14;
	v14 =	vmul.f32 v20, v16  }
0x38a: {  	v16 =	vadd.f32 $1.000000000e+00, v22;
	v20 =	vcvt.f32.s32 v21;
	v10 =	vadd.f32 v13, v10  }
0x38b: {  	v6 =	vld [tilespmem:s14+$0x1AB00];
	v13 =	vsub.f32 $1.000000000e+00, v15;
	v9 =	vadd.f32 v7, v9;
	v21 =	vmul.f32 $5.000000000e-01, v11  }
0x38c: {  	v22 =	vsub.f32 v4, v18;
	v4 =	vld [tilespmem:s21+$0x1AB00];
	v11 =	vmul.f32 $5.000000000e-01, v19;
	v16 =	vmul.f32 $5.000000000e-01, v16  }
0x38d: {  	v7 =	vld [tilespmem:s14+$0x1A1D0];
	v12 =	vadd.f32 v14, v12;
	v14 =	vmul.f32 v5, v13;
	v9 =	vmul.f32 v9, v15  }
0x38e: {  	v5 =	vld [tilespmem:s21+$0x1A1D0];
	v19 =	vmul.f32 v10, v15;
	v23 =	vsub.f32 $1.000000000e+00, v22;
	v18 =	vmul.f32 $6.300000000e+01, v11  }
0x38f: {  	v11 =	vld [tilespmem:s14+$0x1A7F0];
	v10 =	vmul.f32 $6.300000000e+01, v16;
	v14 =	vadd.f32 v9, v14;
	v9 =	vmul.f32 v12, v13  }
0x390: {  	s8 =	sld [smem:$0x7FC];
	v20 =	vcvt.s32.f32 v20;
	v15 =	vld [tilespmem:s14+$0x1A4E0];
	v12 =	vmax.f32 v18, $0.0e+00;
	v18 =	vmul.f32 $6.300000000e+01, v21  }
0x391: {  	v13 =	vld [tilespmem:s14+$0x1AE10];
	v16 =	vmax.f32 v10, $0.0e+00;
	v10 =	vmin.f32 v12, $6.299990080e+01;
	v21 =	vadd.f32 v19, v9  }
0x392: {  	v9 =	vmin.f32 v16, $6.299990080e+01;
	v12 =	vtrunc.f32 v10;
	v16 =	vld [tilespmem:s14+$0x198A0];
	v19 =	vmul.f32 v14, v23  }
0x393: {  	s0 =	simm.s32 $0xC0;
	s6 =	simm.s32 $0x10;
	s31 =	smov.u32 s8;
	v14 =	vsub.f32 v17, v20;
	v17 =	vld [tilespmem:s14+$0x19EC0];
	v12 =	vcvt.f32.s32 v12;
	v20 =	vmul.f32 v21, v22  }
.LBB2_28:
0x394: {  	s31 =	sadd.s32 $0x10, s31;
	s9 =	smov.u32 s0  }
0x395: {  	v21 =	vtrunc.f32 v9;
	v18 =	vmax.f32 v18, $0.0e+00;
	v22 =	vtrunc.f32 v2;
	v23 =	vld [tilespmem:s6+$0x19BB0];
	s6 =	smov.u32 s21;
	s21 =	sshra.s32 s0, $0x2;
	s9 =	sadd.s32 $0x40, s0  }
0x396: {  	p0 =	sne.s32 s0, $0xC00;
	p1 =	slt.u32 s8, $0x186A0;
	v22 =	vcvt.f32.s32 v22;
	v25 =	vsub.f32 $1.000000000e+00, v14;
	v19 =	vadd.f32 v20, v19;
	s8 =	smov.u32 s31;
	v24 =	vld [tilespmem:s21+$0x17A00]  }
0x397: {  	v18 =	vmin.f32 v18, $6.299990080e+01;
	v13 =	vmul.f32 v13, v14;
	v15 =	vmul.f32 v14, v15;
	v20 =	vld [tilespmem:s21+$0x16DC0]  }
0x398: {  	v11 =	vmul.f32 v14, v11;
	v16 =	vmul.f32 v25, v16;
	v19 =	vpsel !p1, $0x0, v19;
	v26 =	vld [tilespmem:s21+$0x173E0]  }
0x399: {  	v28 =	vsub.f32 v3, v8;
	v3 =	vmovc v10;
	v17 =	vmul.f32 v25, v17;
	v19 =	vmul.f32 v19, v19;
	v27 =	vld [tilespmem:s21+$0x1AB00]  }
0x39a: {  	v14 =	vmul.f32 v14, v6;
	v6 =	vmovc v4;
	v15 =	vadd.f32 v16, v15;
	v16 =	vmul.f32 v25, v7;
	v10 =	vld [tilespmem:s21+$0x1A1D0]  }
0x39b: {  	v8 =	vcvt.s32.f32 v12;
	v12 =	vmul.f32 v25, v23;
	v7 =	vmovc v5;
	v24 =	vadd.f32 $1.000000000e+00, v24  }
0x39c: {  	v23 =	vcvt.s32.f32 v22;
	v1 =	vadd.f32 v19, v1;
	v20 =	vadd.f32 $1.000000000e+00, v20  }
0x39d: {  	v21 =	vcvt.f32.s32 v21;
	v14 =	vadd.f32 v17, v14;
	v19 =	vadd.f32 $1.000000000e+00, v26  }
0x39e: {  	v13 =	vadd.f32 v13, v16;
	v16 =	vsub.f32 $1.000000000e+00, v28;
	v17 =	vmul.f32 $5.000000000e-01, v24;
	v4 =	vmovc v27  }
0x39f: {  	v22 =	vsub.f32 v2, v23;
	v2 =	vmovc v18;
	v14 =	vmul.f32 v14, v28;
	v19 =	vmul.f32 $5.000000000e-01, v19;
	v5 =	vmovc v10  }
0x3a0: {  	v12 =	vadd.f32 v12, v11;
	v15 =	vmul.f32 v15, v16;
	v10 =	vmul.f32 $5.000000000e-01, v20  }
0x3a1: {  	v20 =	vsub.f32 $1.000000000e+00, v22;
	v18 =	vmul.f32 $6.300000000e+01, v19;
	v19 =	vmul.f32 v13, v28  }
.Ltmp13:
0x3a2: {  	v12 =	vmul.f32 v12, v16;
	v14 =	vadd.f32 v14, v15;
	v10 =	vmul.f32 $6.300000000e+01, v10;
	v11 =	vld [tilespmem:s6+$0x1A7F0];
	(pc) =	sbr.rel @p0 .LBB2_28-.Ltmp13, $4  }
0x3a3: {  	v15 =	vmax.f32 v18, $0.0e+00;
	v18 =	vmul.f32 $6.300000000e+01, v17;
	v17 =	vcvt.s32.f32 v21;
	v13 =	vld [tilespmem:s6+$0x1AE10]  }
0x3a4: {  	v16 =	vmax.f32 v10, $0.0e+00;
	v21 =	vadd.f32 v19, v12;
	v10 =	vmin.f32 v15, $6.299990080e+01;
	v15 =	vld [tilespmem:s6+$0x1A4E0]  }
0x3a5: {  	v19 =	vmul.f32 v14, v20;
	v23 =	vmin.f32 v16, $6.299990080e+01;
	v12 =	vtrunc.f32 v10;
	v16 =	vld [tilespmem:s6+$0x198A0]  }
0x3a6: {  	s0 =	smov.u32 s9;
	v14 =	vsub.f32 v9, v17;
	v20 =	vmul.f32 v21, v22;
	v9 =	vmovc v23;
	v12 =	vcvt.f32.s32 v12;
	v17 =	vld [tilespmem:s6+$0x19EC0]  }
0x3a7: {  	v21 =	vtrunc.f32 v9;
	v18 =	vmax.f32 v18, $0.0e+00;
	v22 =	vtrunc.f32 v2  }
0x3a8: {  	v3 =	vsub.f32 v3, v8;
	v22 =	vcvt.f32.s32 v22;
	v23 =	vsub.f32 $1.000000000e+00, v14  }
0x3a9: {  	v47 =	vld [tilespmem:s6+$0x19BB0];
	v19 =	vadd.f32 v20, v19;
	v13 =	vmul.f32 v13, v14;
	v11 =	vmul.f32 v14, v11  }
0x3aa: {  	v18 =	vmin.f32 v18, $6.299990080e+01;
	v6 =	vmul.f32 v14, v6;
	v49 =	vcvt.f32.s32 v21  }
0x3ab: {  	p0 =	slt.u32 s8, $0x186A0;
	v12 =	vcvt.s32.f32 v12;
	v15 =	vmul.f32 v14, v15;
	v52 =	vsub.f32 $1.000000000e+00, v3  }
0x3ac: {  	v16 =	vmul.f32 v23, v16;
	v19 =	vpsel !p0, $0x0, v19;
	v7 =	vmul.f32 v23, v7  }
0x3ad: {  	v50 =	vld [tilespmem:s21+$0x1A7F0];
	v22 =	vcvt.s32.f32 v22;
	v10 =	vsub.f32 v10, v12;
	v8 =	vmul.f32 v23, v17  }
0x3ae: {  	v53 =	vld [tilespmem:s21+$0x1A4E0];
	v48 =	vmul.f32 v19, v19;
	v15 =	vadd.f32 v16, v15;
	v51 =	vmul.f32 v23, v47  }
0x3af: {  	v55 =	vld [tilespmem:s21+$0x19EC0];
	v16 =	vcvt.s32.f32 v49;
	v7 =	vadd.f32 v13, v7;
	v6 =	vadd.f32 v8, v6  }
0x3b0: {  	v2 =	vsub.f32 v2, v22;
	v8 =	vld [tilespmem:s21+$0x1AE10];
	v11 =	vadd.f32 v51, v11;
	v15 =	vmul.f32 v15, v52  }
0x3b1: {  	v54 =	vld [tilespmem:s21+$0x198A0];
	v9 =	vsub.f32 v9, v16;
	v6 =	vmul.f32 v6, v3;
	v3 =	vmul.f32 v7, v3  }
0x3b2: {  	v56 =	vld [tilespmem:s21+$0x19BB0];
	v1 =	vadd.f32 v48, v1;
	v7 =	vtrunc.f32 v18;
	v11 =	vmul.f32 v11, v52  }
0x3b3: {  	v7 =	vcvt.f32.s32 v7;
	v57 =	vsub.f32 $1.000000000e+00, v9;
	v21 =	vmul.f32 v9, v53  }
0x3b4: {  	v22 =	vsub.f32 $1.000000000e+00, v2;
	v58 =	vmul.f32 v9, v50;
	v4 =	vmul.f32 v9, v4  }
0x3b5: {  	v59 =	vld [tilespmem:s15+$0x170D0];
	v8 =	vmul.f32 v8, v9;
	v3 =	vadd.f32 v3, v11;
	v11 =	vmul.f32 v57, v55  }
0x3b6: {  	v6 =	vadd.f32 v6, v15;
	v13 =	vmul.f32 v57, v54;
	v9 =	vld [tilespmem:s15+$0x176F0];
	v5 =	vmul.f32 v57, v5  }
0x3b7: {  	v61 =	vld [tilespmem:s15+$0x17D10];
	v62 =	vmul.f32 v57, v56;
	v7 =	vcvt.s32.f32 v7;
	v4 =	vadd.f32 v11, v4  }
0x3b8: {  	v6 =	vmul.f32 v6, v22;
	v5 =	vadd.f32 v8, v5;
	v8 =	vsub.f32 $1.000000000e+00, v10  }
0x3b9: {  	v2 =	vmul.f32 v3, v2;
	v3 =	vsub.f32 v18, v7;
	v7 =	vadd.f32 v62, v58  }
0x3ba: {  	v60 =	vadd.f32 v13, v21;
	v11 =	vadd.f32 $1.000000000e+00, v59;
	v4 =	vmul.f32 v4, v10  }
0x3bb: {  	v5 =	vmul.f32 v5, v10;
	v7 =	vmul.f32 v7, v8;
	v9 =	vadd.f32 $1.000000000e+00, v9  }
0x3bc: {  	v12 =	vmul.f32 v60, v8;
	v10 =	vadd.f32 $1.000000000e+00, v61;
	v11 =	vmul.f32 $5.000000000e-01, v11  }
0x3bd: {  	v63 =	vsub.f32 $1.000000000e+00, v3;
	v5 =	vadd.f32 v5, v7;
	v9 =	vmul.f32 $5.000000000e-01, v9  }
0x3be: {  	s0 =	sadd.s32 $0x10, s31;
	v2 =	vadd.f32 v2, v6;
	v8 =	vmul.f32 $5.000000000e-01, v10;
	v10 =	vmul.f32 $6.300000000e+01, v11  }
0x3bf: {  	p5 =	slt.u32 s0, $0x186A0;
	v4 =	vadd.f32 v4, v12;
	v3 =	vmul.f32 v5, v3;
	v5 =	vld [tilespmem:s14+$0x170D0];
	v9 =	vmul.f32 $6.300000000e+01, v9  }
0x3c0: {  	v2 =	vpsel !p5, $0x0, v2;
	v6 =	vmax.f32 v10, $0.0e+00;
	v8 =	vmul.f32 $6.300000000e+01, v8  }
0x3c1: {  	v4 =	vmul.f32 v4, v63;
	v6 =	vmin.f32 v6, $6.299990080e+01;
	v7 =	vmax.f32 v9, $0.0e+00  }
0x3c2: {  	v6 =	vtrunc.f32 v6;
	v8 =	vmax.f32 v8, $0.0e+00;
	v9 =	vld [tilespmem:s14+$0x176F0];
	v7 =	vmin.f32 v7, $6.299990080e+01  }
0x3c3: {  	s0 =	sadd.s32 $0x10, s0;
	v10 =	vld [tilespmem:s14+$0x17D10];
	v3 =	vadd.f32 v3, v4;
	v6 =	vcvt.f32.s32 v6;
	v7 =	vtrunc.f32 v7  }
0x3c4: {  	p6 =	slt.u32 s0, $0x186A0;
	v8 =	vmin.f32 v8, $6.299990080e+01;
	v5 =	vadd.f32 $1.000000000e+00, v5;
	v7 =	vcvt.f32.s32 v7  }
0x3c5: {  	v4 =	vtrunc.f32 v8;
	v8 =	vmul.f32 v2, v2;
	v3 =	vpsel !p6, $0x0, v3  }
0x3c6: {  	v6 =	vshll.u32 v6, $0xC;
	v5 =	vmul.f32 $5.000000000e-01, v5;
	v7 =	vshll.u32 v7, $0x6  }
0x3c7: {  	v4 =	vcvt.f32.s32 v4;
	v2 =	vadd.s32 v6, v7;
	v6 =	vadd.f32 $1.000000000e+00, v9  }
0x3c8: {  	v1 =	vadd.f32 v8, v1;
	v7 =	vadd.f32 $1.000000000e+00, v10;
	v9 =	vmul.f32 $6.300000000e+01, v5  }
0x3c9: {  	v2 =	vadd.s32 v4, v2;
	v4 =	vmul.f32 v3, v3;
	v6 =	vmul.f32 $5.000000000e-01, v6  }
0x3ca: {  	s21 =	simm.s32 $0x20;
	[tilespmem:s15+$0x18020] =	vst v2;
	v8 =	vadd.s32 $0x1041, v2;
	v7 =	vmul.f32 $5.000000000e-01, v7;
	v11 =	vadd.s32 $0x40, v2  }
0x3cb: {  	v3 =	vld [tilespmem:s21+$0x170D0];
	v1 =	vadd.f32 v4, v1;
	v4 =	vadd.s32 $0x1, v2;
	[tilespmem:s15+$0x19590] =	vst v8;
	v10 =	vmul.f32 $6.300000000e+01, v6  }
0x3cc: {  	s6 =	simm.s32 $0xC0;
	v8 =	vadd.s32 $0x41, v2;
	v5 =	vld [tilespmem:s21+$0x176F0];
	[tilespmem:s15+$0x18330] =	vst v4;
	v6 =	vadd.s32 $0x1000, v2;
	v4 =	vadd.s32 $0x1001, v2  }
.LBB2_30:
0x3cd: {  	p0 =	sne.s32 s6, $0xC00;
	v9 =	vmax.f32 v9, $0.0e+00;
	v10 =	vmax.f32 v10, $0.0e+00;
	v7 =	vmul.f32 $6.300000000e+01, v7;
	[tilespmem:s15+$0x18640] =	vst v11  }
0x3ce: {  	v2 =	vadd.s32 $0x1040, v2;
	v11 =	vld [tilespmem:s21+$0x17D10];
	v9 =	vmin.f32 v9, $6.299990080e+01;
	v10 =	vmin.f32 v10, $6.299990080e+01;
	[tilespmem:s15+$0x18950] =	vst v8  }
0x3cf: {  	v8 =	vtrunc.f32 v9;
	v9 =	vtrunc.f32 v10;
	v7 =	vmax.f32 v7, $0.0e+00;
	[tilespmem:s15+$0x18C60] =	vst v6  }
0x3d0: {  	v6 =	vcvt.f32.s32 v8;
	v8 =	vcvt.f32.s32 v9;
	v7 =	vmin.f32 v7, $6.299990080e+01;
	[tilespmem:s15+$0x18F70] =	vst v4  }
0x3d1: {  	v3 =	vadd.f32 $1.000000000e+00, v3;
	v4 =	vadd.f32 $1.000000000e+00, v5;
	v5 =	vtrunc.f32 v7;
	[tilespmem:s15+$0x19280] =	vst v2;
	s15 =	smov.u32 s14;
	s14 =	smov.u32 s21  }
0x3d2: {  	v2 =	vcvt.f32.s32 v5;
	v5 =	vshll.u32 v6, $0xC;
	v6 =	vshll.u32 v8, $0x6  }
.Ltmp14:
0x3d3: {  	v7 =	vadd.f32 $1.000000000e+00, v11;
	v5 =	vadd.s32 v5, v6;
	(pc) =	sbr.rel @p0 .LBB2_30-.Ltmp14, $4  }
0x3d4: {  	v6 =	vmul.f32 $5.000000000e-01, v3;
	v4 =	vmul.f32 $5.000000000e-01, v4;
	v2 =	vadd.s32 v2, v5  }
0x3d5: {  	s21 =	sshra.s32 s6, $0x2;
	v7 =	vmul.f32 $5.000000000e-01, v7;
	[tilespmem:s15+$0x18020] =	vst v2;
	v8 =	vadd.s32 $0x1, v2;
	v5 =	vadd.s32 $0x1041, v2  }
0x3d6: {  	v9 =	vmul.f32 $6.300000000e+01, v6;
	v10 =	vmul.f32 $6.300000000e+01, v4;
	v11 =	vadd.s32 $0x40, v2;
	v3 =	vld [tilespmem:s21+$0x170D0];
	[tilespmem:s15+$0x19590] =	vst v5  }
0x3d7: {  	s6 =	sadd.s32 $0x40, s6;
	v6 =	vadd.s32 $0x1000, v2;
	v4 =	vadd.s32 $0x1001, v2;
	v5 =	vld [tilespmem:s21+$0x176F0];
	[tilespmem:s15+$0x18330] =	vst v8;
	v8 =	vadd.s32 $0x41, v2  }
0x3d8: {  	[tilespmem:s15+$0x18640] =	vst v11;
	v9 =	vmax.f32 v9, $0.0e+00;
	v10 =	vmax.f32 v10, $0.0e+00;
	v7 =	vmul.f32 $6.300000000e+01, v7  }
0x3d9: {  	v11 =	vld [tilespmem:s21+$0x17D10];
	v9 =	vmin.f32 v9, $6.299990080e+01;
	v10 =	vmin.f32 v10, $6.299990080e+01  }
0x3da: {  	v9 =	vtrunc.f32 v9;
	v10 =	vtrunc.f32 v10;
	v7 =	vmax.f32 v7, $0.0e+00  }
0x3db: {  	v9 =	vcvt.f32.s32 v9;
	v7 =	vmin.f32 v7, $6.299990080e+01;
	v3 =	vadd.f32 $1.000000000e+00, v3  }
0x3dc: {  	v10 =	vcvt.f32.s32 v10;
	v5 =	vadd.f32 $1.000000000e+00, v5;
	v7 =	vtrunc.f32 v7  }
0x3dd: {  	v7 =	vcvt.f32.s32 v7;
	v9 =	vshll.u32 v9, $0xC;
	v3 =	vmul.f32 $5.000000000e-01, v3  }
0x3de: {  	[tilespmem:s15+$0x18950] =	vst v8;
	v8 =	vshll.u32 v10, $0x6;
	v11 =	vadd.f32 $1.000000000e+00, v11;
	v5 =	vmul.f32 $5.000000000e-01, v5  }
0x3df: {  	v2 =	vadd.s32 $0x1040, v2;
	[tilespmem:s15+$0x18C60] =	vst v6;
	v6 =	vadd.s32 v9, v8;
	v3 =	vmul.f32 $6.300000000e+01, v3  }
0x3e0: {  	[tilespmem:s15+$0x18F70] =	vst v4;
	v4 =	vadd.s32 v7, v6;
	v8 =	vmul.f32 $5.000000000e-01, v11;
	v5 =	vmul.f32 $6.300000000e+01, v5  }
0x3e1: {  	[tilespmem:s15+$0x19280] =	vst v2;
	v2 =	vadd.s32 $0x1, v4;
	v6 =	vadd.s32 $0x1041, v4;
	v7 =	vadd.s32 $0x40, v4  }
0x3e2: {  	[tilespmem:s14+$0x18020] =	vst v4;
	v3 =	vmax.f32 v3, $0.0e+00;
	v5 =	vmax.f32 v5, $0.0e+00;
	v8 =	vmul.f32 $6.300000000e+01, v8  }
0x3e3: {  	[tilespmem:s14+$0x19590] =	vst v6;
	v6 =	vadd.s32 $0x41, v4;
	v3 =	vmin.f32 v3, $6.299990080e+01;
	v5 =	vmin.f32 v5, $6.299990080e+01  }
0x3e4: {  	[tilespmem:s14+$0x18330] =	vst v2;
	v2 =	vtrunc.f32 v3;
	v3 =	vtrunc.f32 v5;
	v5 =	vmax.f32 v8, $0.0e+00  }
0x3e5: {  	[tilespmem:s14+$0x18640] =	vst v7;
	v2 =	vcvt.f32.s32 v2;
	v3 =	vcvt.f32.s32 v3;
	v5 =	vmin.f32 v5, $6.299990080e+01  }
0x3e6: {  	v7 =	vadd.s32 $0x1000, v4;
	[tilespmem:s14+$0x18950] =	vst v6;
	v8 =	vadd.s32 $0x1001, v4;
	v5 =	vtrunc.f32 v5  }
0x3e7: {  	[tilespmem:s14+$0x18C60] =	vst v7;
	v2 =	vshll.u32 v2, $0xC;
	v5 =	vcvt.f32.s32 v5;
	v3 =	vshll.u32 v3, $0x6  }
0x3e8: {  	v4 =	vadd.s32 $0x1040, v4;
	[tilespmem:s14+$0x18F70] =	vst v8;
	v2 =	vadd.s32 v2, v3  }
0x3e9: {  	[tilespmem:s14+$0x19280] =	vst v4;
	v2 =	vadd.s32 v5, v2  }
0x3ea: {  	[tilespmem:s21+$0x18020] =	vst v2;
	v3 =	vadd.s32 $0x1041, v2  }
0x3eb: {  	v4 =	vadd.s32 $0x1, v2;
	[tilespmem:s21+$0x19590] =	vst v3  }
0x3ec: {  	v3 =	vadd.s32 $0x40, v2;
	[tilespmem:s21+$0x18330] =	vst v4  }
0x3ed: {  	v4 =	vadd.s32 $0x41, v2;
	[tilespmem:s21+$0x18640] =	vst v3  }
0x3ee: {  	v3 =	vadd.s32 $0x1000, v2;
	[tilespmem:s21+$0x18950] =	vst v4  }
0x3ef: {  	v4 =	vadd.s32 $0x1001, v2;
	[tilespmem:s21+$0x18C60] =	vst v3  }
0x3f0: {  	s0 =	rddreg [dreg:$0x5];
	v2 =	vadd.s32 $0x1040, v2;
	[tilespmem:s21+$0x18F70] =	vst v4  }
0x3f1: {  	s6 =	simm.s32 $0x310;
	s8 =	simm.s32 $0x18020;
	s9 =	simm.s32 $0x198A0;
	[tilespmem:s21+$0x19280] =	vst v2  }
0x3f2: {  	[tilespmem:s9], [sflag:$0x3] =	stream.indirect.gather [hbm4b:s0+s6], $0x1, s8, s6, $0xb8;
	[tilespmem:$0x1B130] =	vst v63  }
0x3f3: {  	s14 =	simm.s32 $0x19BB0;
	s9 =	simm.s32 $0x18330  }
0x3f4: {  	[tilespmem:s14], [sflag:$0x3] =	stream.indirect.gather [hbm4b:s0+s6], $0x1, s9, s6, $0xb8;
	[tilespmem:$0x1B130] =	vst v63  }
0x3f5: {  	s15 =	simm.s32 $0x18640;
	s21 =	simm.s32 $0x19EC0  }
0x3f6: {  	[tilespmem:s21], [sflag:$0x3] =	stream.indirect.gather [hbm4b:s0+s6], $0x1, s15, s6, $0xb8;
	[tilespmem:$0x1B130] =	vst v63  }
0x3f7: {  	s9 =	simm.s32 $0x18950;
	s14 =	simm.s32 $0x1A1D0  }
0x3f8: {  	[tilespmem:s14], [sflag:$0x3] =	stream.indirect.gather [hbm4b:s0+s6], $0x1, s9, s6, $0xb8;
	[tilespmem:$0x1B130] =	vst v63  }
0x3f9: {  	s15 =	simm.s32 $0x18C60;
	s21 =	simm.s32 $0x1A4E0  }
0x3fa: {  	[tilespmem:s21], [sflag:$0x3] =	stream.indirect.gather [hbm4b:s0+s6], $0x1, s15, s6, $0xb8;
	[tilespmem:$0x1B130] =	vst v63  }
0x3fb: {  	s9 =	simm.s32 $0x18F70;
	s14 =	simm.s32 $0x1A7F0  }
0x3fc: {  	[tilespmem:s14], [sflag:$0x3] =	stream.indirect.gather [hbm4b:s0+s6], $0x1, s9, s6, $0xb8;
	[tilespmem:$0x1B130] =	vst v63  }
0x3fd: {  	s15 =	simm.s32 $0x19280;
	s21 =	simm.s32 $0x1AB00  }
0x3fe: {  	[tilespmem:s21], [sflag:$0x3] =	stream.indirect.gather [hbm4b:s0+s6], $0x1, s15, s6, $0xb8;
	[tilespmem:$0x1B130] =	vst v63  }
0x3ff: {  	s14 =	simm.s32 $0x19590;
	s15 =	simm.s32 $0x1AE10  }
0x400: {  	[tilespmem:s15], [sflag:$0x3] =	stream.indirect.gather [hbm4b:s0+s6], $0x1, s14, s6, $0xb8;
	[tilespmem:$0x1B130] =	vst v63  }
0x401: {  	_ =	swait.ge [sflag:s20], $0x310  }
0x402: {  	[sflag:s20] =	ssyncset.done $0x0  }
0x403: {  	[sflag:s20] =	ssyncadd.s32 $0xFFFFFCF0  }
0x404: {  	_ =	swait.ge [sflag:s20], $0x310  }
0x405: {  	[sflag:s20] =	ssyncset.done $0x0  }
0x406: {  	[sflag:s20] =	ssyncadd.s32 $0xFFFFFCF0  }
0x407: {  	_ =	swait.ge [sflag:s20], $0x310  }
0x408: {  	[sflag:s20] =	ssyncset.done $0x0  }
0x409: {  	[sflag:s20] =	ssyncadd.s32 $0xFFFFFCF0  }
0x40a: {  	_ =	swait.ge [sflag:s20], $0x310  }
0x40b: {  	[sflag:s20] =	ssyncset.done $0x0  }
0x40c: {  	[sflag:s20] =	ssyncadd.s32 $0xFFFFFCF0  }
0x40d: {  	_ =	swait.ge [sflag:s20], $0x310  }
0x40e: {  	[sflag:s20] =	ssyncset.done $0x0  }
0x40f: {  	[sflag:s20] =	ssyncadd.s32 $0xFFFFFCF0  }
0x410: {  	_ =	swait.ge [sflag:s20], $0x310  }
0x411: {  	[sflag:s20] =	ssyncset.done $0x0  }
0x412: {  	[sflag:s20] =	ssyncadd.s32 $0xFFFFFCF0  }
0x413: {  	_ =	swait.ge [sflag:s20], $0x310  }
0x414: {  	[sflag:s20] =	ssyncset.done $0x0  }
0x415: {  	[sflag:s20] =	ssyncadd.s32 $0xFFFFFCF0  }
0x416: {  	_ =	swait.ge [sflag:s20], $0x310  }
0x417: {  	[sflag:s20] =	ssyncset.done $0x0  }
0x418: {  	s21 =	simm.s32 $0x0;
	[sflag:s20] =	ssyncadd.s32 $0xFFFFFCF0  }
0x419: {  	v2 =	vld [tilespmem:s21+$0x176F0]  }
0x41a: {  	v3 =	vld [tilespmem:s21+$0x170D0]  }
0x41b: {  	s14 =	simm.s32 $0x10;
	v4 =	vld [tilespmem:s21+$0x17D10]  }
0x41c: {  	v5 =	vld [tilespmem:s14+$0x176F0]  }
0x41d: {  	v6 =	vld [tilespmem:s14+$0x170D0];
	_ =	sdelay $0x2  }
0x41e: {  	v2 =	vadd.f32 $1.000000000e+00, v2  }
0x41f: {  	v3 =	vadd.f32 $1.000000000e+00, v3;
	v4 =	vadd.f32 $1.000000000e+00, v4  }
0x420: {  	v5 =	vadd.f32 $1.000000000e+00, v5;
	v6 =	vadd.f32 $1.000000000e+00, v6;
	v2 =	vmul.f32 $5.000000000e-01, v2  }
0x421: {  	v3 =	vmul.f32 $5.000000000e-01, v3;
	v4 =	vmul.f32 $5.000000000e-01, v4  }
0x422: {  	v5 =	vmul.f32 $5.000000000e-01, v5;
	v6 =	vmul.f32 $5.000000000e-01, v6  }
0x423: {  	v2 =	vmul.f32 $6.300000000e+01, v2;
	v3 =	vmul.f32 $6.300000000e+01, v3  }
0x424: {  	v4 =	vmul.f32 $6.300000000e+01, v4;
	v6 =	vmul.f32 $6.300000000e+01, v6  }
0x425: {  	v9 =	vld [tilespmem:s21+$0x1AB00];
	v5 =	vmul.f32 $6.300000000e+01, v5;
	v2 =	vmax.f32 v2, $0.0e+00  }
0x426: {  	v12 =	vld [tilespmem:s21+$0x1A7F0];
	v3 =	vmax.f32 v3, $0.0e+00;
	v4 =	vmax.f32 v4, $0.0e+00;
	v6 =	vmax.f32 v6, $0.0e+00  }
0x427: {  	v13 =	vld [tilespmem:s21+$0x1AE10];
	v7 =	vmin.f32 v2, $6.299990080e+01;
	v10 =	vmin.f32 v3, $6.299990080e+01;
	v4 =	vmin.f32 v4, $6.299990080e+01  }
0x428: {  	v2 =	vld [tilespmem:s14+$0x17D10];
	v16 =	vmin.f32 v6, $6.299990080e+01;
	v8 =	vtrunc.f32 v7;
	v11 =	vtrunc.f32 v10  }
0x429: {  	v14 =	vld [tilespmem:s21+$0x1A4E0];
	v18 =	vtrunc.f32 v4;
	v21 =	vtrunc.f32 v16  }
0x42a: {  	s15 =	simm.s32 $0x20;
	v17 =	vld [tilespmem:s21+$0x19BB0];
	v3 =	vcvt.f32.s32 v8;
	v11 =	vcvt.f32.s32 v11  }
0x42b: {  	v19 =	vld [tilespmem:s15+$0x17D10];
	v18 =	vcvt.f32.s32 v18;
	v21 =	vcvt.f32.s32 v21  }
0x42c: {  	v8 =	vld [tilespmem:s21+$0x1A1D0];
	v11 =	vcvt.s32.f32 v11;
	v15 =	vcvt.s32.f32 v3;
	v3 =	vmax.f32 v5, $0.0e+00  }
0x42d: {  	v5 =	vld [tilespmem:s21+$0x198A0];
	v18 =	vcvt.s32.f32 v18;
	v2 =	vadd.f32 $1.000000000e+00, v2;
	v3 =	vmin.f32 v3, $6.299990080e+01  }
0x42e: {  	v21 =	vcvt.s32.f32 v21;
	v10 =	vsub.f32 v10, v11;
	v11 =	vld [tilespmem:s21+$0x19EC0];
	v6 =	vtrunc.f32 v3  }
0x42f: {  	v23 =	vld [tilespmem:s15+$0x176F0];
	v2 =	vmul.f32 $5.000000000e-01, v2;
	v6 =	vcvt.f32.s32 v6  }
0x430: {  	v22 =	vld [tilespmem:s15+$0x170D0];
	v20 =	vsub.f32 $1.000000000e+00, v10;
	v14 =	vmul.f32 v10, v14;
	v13 =	vmul.f32 v13, v10  }
0x431: {  	v15 =	vsub.f32 v7, v15;
	v12 =	vmul.f32 v10, v12;
	v9 =	vmul.f32 v10, v9  }
0x432: {  	v16 =	vsub.f32 v16, v21;
	v2 =	vmul.f32 $6.300000000e+01, v2;
	v5 =	vmul.f32 v20, v5  }
0x433: {  	v10 =	vmul.f32 v20, v8;
	v7 =	vmul.f32 v20, v11;
	v11 =	vadd.f32 $1.000000000e+00, v19  }
0x434: {  	v8 =	vcvt.s32.f32 v6;
	v19 =	vadd.f32 $1.000000000e+00, v23;
	v5 =	vadd.f32 v5, v14  }
0x435: {  	v14 =	vmul.f32 v20, v17;
	v17 =	vadd.f32 $1.000000000e+00, v22;
	v10 =	vadd.f32 v13, v10  }
0x436: {  	v6 =	vld [tilespmem:s14+$0x1AB00];
	v20 =	vsub.f32 $1.000000000e+00, v15;
	v9 =	vadd.f32 v7, v9;
	v11 =	vmul.f32 $5.000000000e-01, v11  }
0x437: {  	v22 =	vsub.f32 v4, v18;
	v4 =	vld [tilespmem:s15+$0x1AB00];
	v13 =	vmul.f32 $5.000000000e-01, v19;
	v17 =	vmul.f32 $5.000000000e-01, v17  }
0x438: {  	v7 =	vld [tilespmem:s14+$0x1A1D0];
	v12 =	vadd.f32 v14, v12;
	v14 =	vmul.f32 v5, v20;
	v9 =	vmul.f32 v9, v15  }
0x439: {  	v2 =	vmax.f32 v2, $0.0e+00;
	v5 =	vld [tilespmem:s15+$0x1A1D0];
	v19 =	vmul.f32 v10, v15;
	v18 =	vmul.f32 $6.300000000e+01, v13  }
0x43a: {  	v13 =	vld [tilespmem:s14+$0x1A7F0];
	v10 =	vmul.f32 $6.300000000e+01, v17;
	v14 =	vadd.f32 v9, v14;
	v9 =	vmul.f32 v12, v20  }
0x43b: {  	s31 =	sld [smem:$0x7FD];
	v23 =	vsub.f32 $1.000000000e+00, v22;
	v15 =	vld [tilespmem:s14+$0x1AE10];
	v12 =	vmax.f32 v18, $0.0e+00;
	v20 =	vmul.f32 $6.300000000e+01, v11  }
0x43c: {  	v17 =	vld [tilespmem:s14+$0x1A4E0];
	v11 =	vmax.f32 v10, $0.0e+00;
	v10 =	vmin.f32 v12, $6.299990080e+01;
	v12 =	vadd.f32 v19, v9  }
0x43d: {  	v18 =	vld [tilespmem:s14+$0x198A0];
	v9 =	vmin.f32 v11, $6.299990080e+01;
	v19 =	vtrunc.f32 v10;
	v11 =	vmul.f32 v14, v23  }
0x43e: {  	s0 =	simm.s32 $0xC0;
	s21 =	smov.u32 s31;
	v2 =	vmin.f32 v2, $6.299990080e+01;
	v14 =	vcvt.f32.s32 v19;
	v19 =	vld [tilespmem:s14+$0x19EC0];
	v12 =	vmul.f32 v12, v22  }
.LBB2_32:
0x43f: {  	s21 =	sadd.s32 $0x10, s21;
	s6 =	smov.u32 s0  }
0x440: {  	v21 =	vtrunc.f32 v9;
	v20 =	vmax.f32 v20, $0.0e+00;
	v22 =	vtrunc.f32 v2;
	v23 =	vld [tilespmem:s14+$0x19BB0];
	s14 =	smov.u32 s15;
	s15 =	sshra.s32 s0, $0x2;
	s6 =	sadd.s32 $0x40, s0  }
0x441: {  	p0 =	sne.s32 s0, $0xC00;
	p1 =	slt.u32 s31, $0x186A0;
	v22 =	vcvt.f32.s32 v22;
	v25 =	vsub.f32 $1.000000000e+00, v16;
	v11 =	vadd.f32 v12, v11;
	s31 =	smov.u32 s21;
	v24 =	vld [tilespmem:s15+$0x17D10]  }
0x442: {  	v20 =	vmin.f32 v20, $6.299990080e+01;
	v15 =	vmul.f32 v15, v16;
	v17 =	vmul.f32 v16, v17;
	v12 =	vld [tilespmem:s15+$0x170D0]  }
0x443: {  	v13 =	vmul.f32 v16, v13;
	v18 =	vmul.f32 v25, v18;
	v11 =	vpsel !p1, $0x0, v11;
	v26 =	vld [tilespmem:s15+$0x176F0]  }
0x444: {  	v28 =	vsub.f32 v3, v8;
	v3 =	vmovc v10;
	v19 =	vmul.f32 v25, v19;
	v11 =	vmul.f32 v11, v11;
	v27 =	vld [tilespmem:s15+$0x1AB00]  }
0x445: {  	v16 =	vmul.f32 v16, v6;
	v6 =	vmovc v4;
	v17 =	vadd.f32 v18, v17;
	v18 =	vmul.f32 v25, v7;
	v10 =	vld [tilespmem:s15+$0x1A1D0]  }
0x446: {  	v8 =	vcvt.s32.f32 v14;
	v14 =	vmul.f32 v25, v23;
	v7 =	vmovc v5;
	v24 =	vadd.f32 $1.000000000e+00, v24  }
0x447: {  	v23 =	vcvt.s32.f32 v22;
	v1 =	vadd.f32 v11, v1;
	v12 =	vadd.f32 $1.000000000e+00, v12  }
0x448: {  	v21 =	vcvt.f32.s32 v21;
	v16 =	vadd.f32 v19, v16;
	v11 =	vadd.f32 $1.000000000e+00, v26  }
0x449: {  	v15 =	vadd.f32 v15, v18;
	v18 =	vsub.f32 $1.000000000e+00, v28;
	v19 =	vmul.f32 $5.000000000e-01, v24;
	v4 =	vmovc v27  }
0x44a: {  	v22 =	vsub.f32 v2, v23;
	v2 =	vmovc v20;
	v16 =	vmul.f32 v16, v28;
	v11 =	vmul.f32 $5.000000000e-01, v11;
	v5 =	vmovc v10  }
0x44b: {  	v10 =	vmul.f32 $5.000000000e-01, v12;
	v12 =	vadd.f32 v14, v13;
	v14 =	vmul.f32 v17, v18  }
0x44c: {  	v23 =	vmul.f32 v15, v28;
	v24 =	vsub.f32 $1.000000000e+00, v22;
	v11 =	vmul.f32 $6.300000000e+01, v11  }
.Ltmp15:
0x44d: {  	v10 =	vmul.f32 $6.300000000e+01, v10;
	v14 =	vadd.f32 v16, v14;
	v12 =	vmul.f32 v12, v18;
	v13 =	vld [tilespmem:s14+$0x1A7F0];
	(pc) =	sbr.rel @p0 .LBB2_32-.Ltmp15, $4  }
0x44e: {  	v20 =	vmul.f32 $6.300000000e+01, v19;
	v16 =	vcvt.s32.f32 v21;
	v11 =	vmax.f32 v11, $0.0e+00;
	v15 =	vld [tilespmem:s14+$0x1AE10]  }
0x44f: {  	v18 =	vmax.f32 v10, $0.0e+00;
	v12 =	vadd.f32 v23, v12;
	v10 =	vmin.f32 v11, $6.299990080e+01;
	v17 =	vld [tilespmem:s14+$0x1A4E0]  }
0x450: {  	v21 =	vmin.f32 v18, $6.299990080e+01;
	v11 =	vmul.f32 v14, v24;
	v19 =	vtrunc.f32 v10;
	v18 =	vld [tilespmem:s14+$0x198A0]  }
0x451: {  	s0 =	smov.u32 s6;
	v16 =	vsub.f32 v9, v16;
	v12 =	vmul.f32 v12, v22;
	v9 =	vmovc v21;
	v14 =	vcvt.f32.s32 v19;
	v19 =	vld [tilespmem:s14+$0x19EC0]  }
0x452: {  	v22 =	vtrunc.f32 v2  }
0x453: {  	v21 =	vtrunc.f32 v9;
	v22 =	vcvt.f32.s32 v22  }
0x454: {  	v20 =	vmax.f32 v20, $0.0e+00;
	v15 =	vmul.f32 v15, v16;
	v13 =	vmul.f32 v16, v13  }
0x455: {  	v23 =	vsub.f32 $1.000000000e+00, v16;
	v6 =	vmul.f32 v16, v6;
	v42 =	vcvt.f32.s32 v21  }
0x456: {  	v24 =	vld [tilespmem:s14+$0x19BB0];
	v20 =	vmin.f32 v20, $6.299990080e+01;
	v14 =	vcvt.s32.f32 v14;
	v17 =	vmul.f32 v16, v17  }
0x457: {  	v3 =	vsub.f32 v3, v8;
	v44 =	vld [tilespmem:s15+$0x1AE10];
	v51 =	vtrunc.f32 v20;
	v18 =	vmul.f32 v23, v18  }
0x458: {  	v46 =	vld [tilespmem:s15+$0x1A4E0];
	v7 =	vmul.f32 v23, v7;
	v45 =	vcvt.s32.f32 v22  }
0x459: {  	v43 =	vld [tilespmem:s15+$0x1A7F0];
	v48 =	vsub.f32 $1.000000000e+00, v3;
	v8 =	vcvt.s32.f32 v42;
	v53 =	vcvt.f32.s32 v51  }
0x45a: {  	v49 =	vld [tilespmem:s15+$0x198A0];
	v10 =	vsub.f32 v10, v14;
	v19 =	vmul.f32 v23, v19;
	v17 =	vadd.f32 v18, v17  }
0x45b: {  	v50 =	vld [tilespmem:s15+$0x19EC0];
	v47 =	vmul.f32 v23, v24;
	v7 =	vadd.f32 v15, v7;
	v8 =	vsub.f32 v9, v8  }
0x45c: {  	v52 =	vld [tilespmem:s15+$0x19BB0];
	v2 =	vsub.f32 v2, v45;
	v59 =	vsub.f32 $1.000000000e+00, v10;
	v17 =	vmul.f32 v17, v48  }
0x45d: {  	v6 =	vadd.f32 v19, v6;
	v19 =	vmul.f32 v8, v46;
	v18 =	vmul.f32 v44, v8  }
0x45e: {  	v54 =	vsub.f32 $1.000000000e+00, v8;
	v16 =	vmul.f32 v8, v43;
	v4 =	vmul.f32 v8, v4  }
0x45f: {  	v13 =	vadd.f32 v47, v13;
	v6 =	vmul.f32 v6, v3;
	v3 =	vmul.f32 v7, v3  }
0x460: {  	v55 =	vsub.f32 $1.000000000e+00, v2;
	v56 =	vmul.f32 v54, v49;
	v9 =	vmul.f32 v54, v50  }
0x461: {  	v5 =	vmul.f32 v54, v5;
	v58 =	vmul.f32 v54, v52;
	v6 =	vadd.f32 v6, v17  }
0x462: {  	v7 =	vcvt.s32.f32 v53;
	v57 =	vadd.f32 v56, v19;
	v4 =	vadd.f32 v9, v4  }
0x463: {  	v13 =	vmul.f32 v13, v48;
	v5 =	vadd.f32 v18, v5;
	v14 =	vadd.f32 v58, v16  }
0x464: {  	v7 =	vsub.f32 v20, v7;
	v4 =	vmul.f32 v4, v10;
	v8 =	vmul.f32 v57, v59  }
0x465: {  	v3 =	vadd.f32 v3, v13;
	v5 =	vmul.f32 v5, v10;
	v9 =	vmul.f32 v14, v59  }
0x466: {  	v60 =	vadd.f32 v12, v11;
	v6 =	vmul.f32 v6, v55;
	v61 =	vsub.f32 $1.000000000e+00, v7  }
0x467: {  	p0 =	slt.u32 s31, $0x186A0;
	v2 =	vmul.f32 v3, v2;
	v3 =	vadd.f32 v4, v8;
	v62 =	vadd.f32 v5, v9  }
0x468: {  	v63 =	vpsel !p0, $0x0, v60  }
0x469: {  	s0 =	sadd.s32 $0x10, s21;
	v2 =	vadd.f32 v2, v6;
	v3 =	vmul.f32 v3, v61;
	v4 =	vmul.f32 v62, v7  }
0x46a: {  	p5 =	slt.u32 s0, $0x186A0;
	v5 =	vmul.f32 v63, v63  }
0x46b: {  	s0 =	sadd.s32 $0x10, s0;
	v2 =	vpsel !p5, $0x0, v2;
	v3 =	vadd.f32 v4, v3  }
0x46c: {  	p6 =	slt.u32 s0, $0x186A0;
	v1 =	vadd.f32 v5, v1;
	v2 =	vmul.f32 v2, v2  }
0x46d: {  	v3 =	vpsel !p6, $0x0, v3  }
0x46e: {  	v1 =	vadd.f32 v2, v1;
	v2 =	vmul.f32 v3, v3;
	_ =	sdelay $0x1  }
0x46f: {  	v1 =	vadd.f32 v2, v1;
	_ =	sdelay $0x1  }
0x470: {  	s14 =	rddreg [dreg:$0x12];
	s6 =	simm.s32 $0x1B120;
	s15 =	simm.s32 $0x6;
	[tilespmem:$0x1B120] =	vst v1  }
0x471: {  	[hbm4b:s14+s11] =	stream.linear.scatter [tilespmem:s6], [sflag:$0x6], $0x10, $0x38;
	[tilespmem:$0x1B130] =	vst v63  }
0x472: {  	_ =	swait.ge [sflag:s15], $0x10  }
0x473: {  	s8 =	sld [smem:$0x7F3]  }
0x474: {  	s21 =	sld [smem:$0x7FA];
	_ =	sdelay $0x1  }
0x475: {  	s8 =	sadd.s32 $0x1, s8  }
0x476: {  	p0 =	sne.s32 s8, s21  }
.Ltmp16:
0x477: {  	_ = 	snop;
	(pc) =	sbr.rel @p0 .LBB2_1-.Ltmp16, $4  }
0x478: {  	_ = 	snop  }
0x479: {  	[sflag:s15] =	ssyncset.done $0x0  }
0x47a: {  	[sflag:s15] =	ssyncadd.s32 $0xFFFFFFF0  }
0x47b: {  	s31 =	rddreg [dreg:$0x6]  }
0x47c: {  	_ =	sfence.sel $0x180000  }
0x47d: {  	[bflag:$0x0] =	sbarrier.arrive $0xFFFF  }
0x47e: {  	_ =	strace $0x90000047  }
0x47f: {  	s0 =	stileid.u32;
	[bflag:$0x2] =	sbarrier.arrive $0xFFFF  }
0x480: {  	p0 =	sne.s32 s0, $0x0;
	s0 =	rddreg [dreg:$0xb]  }
0x481: {  	s0 =	sadd.s32 @!p0 $0x100000, s0  }
0x482: {  	[sflag:s0] =	ssyncadd.tile.s32 @!p0 $0x1;
	_ =	shalt  }
.Lfunc_end2:
_tile_overlayer_lowered:
.L_overlay_start_2:
0x483: {  	(tag) =	ssettag $0x2  }
0x484: {  	s0 =	rddreg [dreg:$0x0];
	s2 =	stileid.u32  }
0x485: {  	s1 =	rddreg [dreg:$0x1];
	p0 =	sne.s32 s2, $0x0  }
0x486: {  	s3 =	rddreg [dreg:$0x2];
	[bflag:$0x3] =	sbarrier.arrive $0xFFFF;
	s2 =	simm.s32 @!p0 $0x1C06  }
0x487: {  	[timem:s3], [sflag:s2] =	dma.local @!p0 [hbm:s0], s1  }
0x488: {  	s0 =	simm.s32 @!p0 $0x6  }
0x489: {  	_ =	swait.ge @!p0 [sflag:s0], s1  }
0x48a: {  	s1 =	ssub.s32 @!p0 $0x0, s1;
	[sflag:s0] =	ssyncset.done @!p0 $0x0  }
0x48b: {  	[sflag:s0] =	ssyncadd.s32 @!p0 s1  }
0x48c: {  	[bflag:$0x3] =	sbarrier.arrive $0xFFFF  }
0x48d: {  	_ =	shalt  }

</sc_bundles>
